<compile_context>
chip_gen: v7x
topology: tpu7x:2x2x1
jax: 0.10.2.dev20260603
libtpu: 0.0.44.dev20260713+nightly
codegen_flags: <defaults>
</compile_context>

<pallas_src>
import dataclasses

import jax
import jax.numpy as jnp
from jax import lax
from jax.experimental import pallas as pl
from jax.experimental.pallas import tpu as pltpu
from jax.experimental.pallas import tpu_sc as plsc

N = 10000
E = 320000
D = 128
H = 128
A = 64
HP = 144
NC, NS, L = 2, 16, 16
NW = NC * NS
EPW = E // NW
CH = 80
NCHUNK = EPW // CH
RPT = 624
RREM = N - NS * RPT


def _pre_body(x_ref, w_ref, asrc_ref, adst_ref, ht_ref, ssrc_ref, sdst_ref):
    h = jnp.dot(x_ref[...], w_ref[...], preferred_element_type=jnp.float32)
    blk = h.shape[0]
    ones = jnp.ones((blk, 1), jnp.float32)
    zeros = jnp.zeros((blk, HP - D - 1), jnp.float32)
    ht_ref[...] = jnp.concatenate([h, ones, zeros], axis=1)
    ssrc_ref[...] = jnp.sum(h * asrc_ref[...], axis=1, keepdims=True)
    sdst_ref[...] = jnp.sum(h * adst_ref[...], axis=1, keepdims=True)


def _pre(x, W_gat, a_src, a_dst):
    blk = 2000
    grid = (N // blk,)
    return pl.pallas_call(
        _pre_body,
        grid=grid,
        in_specs=[
            pl.BlockSpec((blk, D), lambda i: (i, 0)),
            pl.BlockSpec((D, H), lambda i: (0, 0)),
            pl.BlockSpec((1, H), lambda i: (0, 0)),
            pl.BlockSpec((1, H), lambda i: (0, 0)),
        ],
        out_specs=[
            pl.BlockSpec((blk, HP), lambda i: (i, 0)),
            pl.BlockSpec((blk, 1), lambda i: (i, 0)),
            pl.BlockSpec((blk, 1), lambda i: (i, 0)),
        ],
        out_shape=[
            jax.ShapeDtypeStruct((N, HP), jnp.float32),
            jax.ShapeDtypeStruct((N, 1), jnp.float32),
            jax.ShapeDtypeStruct((N, 1), jnp.float32),
        ],
    )(x, W_gat, a_src.reshape(1, H), a_dst.reshape(1, H))


def _sc_params():
    cp = pltpu.CompilerParams()
    fields = pltpu.CompilerParams.__dataclass_fields__
    if "needs_layout_passes" in fields:
        cp = dataclasses.replace(cp, needs_layout_passes=False)
    if "use_tc_tiling_on_sc" in fields:
        cp = dataclasses.replace(cp, use_tc_tiling_on_sc=False)
    return cp


def _mod_nchunk(i):
    return jnp.where(i >= NCHUNK, i - NCHUNK, i)


def _scw_body(ssrc_hbm, sdst_hbm, src_hbm, dst_hbm, w_hbm,
              ssrc_t, sdst_t, sidx, didx, wall, isem):
    cid = lax.axis_index("c")
    sid = lax.axis_index("s")
    wid = sid * NC + cid

    c1 = pltpu.async_copy(ssrc_hbm, ssrc_t, isem)
    c2 = pltpu.async_copy(sdst_hbm, sdst_t, isem)
    c3 = pltpu.async_copy(src_hbm.at[wid], sidx, isem)
    c4 = pltpu.async_copy(dst_hbm.at[wid], didx, isem)
    c1.wait()
    c2.wait()
    c3.wait()
    c4.wait()

    @plsc.parallel_loop(0, EPW // L, unroll=4)
    def _(g):
        sl = pl.ds(g * L, L)
        si = plsc.load_gather(ssrc_t, [sidx[sl]])
        di = plsc.load_gather(sdst_t, [didx[sl]])
        e = si + di
        e = jnp.maximum(e, 0.2 * e)
        wall[sl] = jnp.exp(e)

    pltpu.sync_copy(wall, w_hbm.at[wid])


def _sc_weights(ssrc, sdst, src2, dst2):
    kern = pl.kernel(
        _scw_body,
        out_type=[jax.ShapeDtypeStruct((NW, EPW), jnp.float32)],
        mesh=plsc.VectorSubcoreMesh(core_axis_name="c", subcore_axis_name="s"),
        scratch_types=[
            pltpu.VMEM((N,), jnp.float32),
            pltpu.VMEM((N,), jnp.float32),
            pltpu.VMEM((EPW,), jnp.int32),
            pltpu.VMEM((EPW,), jnp.int32),
            pltpu.VMEM((EPW,), jnp.float32),
            pltpu.SemaphoreType.DMA,
        ],
        compiler_params=_sc_params(),
    )
    return kern(ssrc, sdst, src2, dst2)[0]


def _scagg_body(ht_hbm, src_hbm, dst_hbm, w_hbm, zeros_hbm,
                out0_hbm, out1_hbm,
                rows, sidx, didx, wch, acc_sh, gsem0, gsem1,
                ssem0, ssem1, isem):
    cid = lax.axis_index("c")
    sid = lax.axis_index("s")
    wid = sid * NC + cid

    zoff = pl.multiple_of(sid * RPT, 8)
    pltpu.sync_copy(zeros_hbm.at[pl.ds(zoff, RPT)],
                    acc_sh.at[pl.ds(zoff, RPT)])

    @pl.when(sid == NS - 1)
    def _():
        pltpu.sync_copy(zeros_hbm.at[pl.ds(NS * RPT, RREM)],
                        acc_sh.at[pl.ds(NS * RPT, RREM)])

    plsc.subcore_barrier()

    pltpu.sync_copy(src_hbm.at[wid, 0], sidx.at[0])
    pltpu.sync_copy(dst_hbm.at[wid, 0], didx.at[0])
    pltpu.sync_copy(w_hbm.at[wid, 0], wch.at[0])
    pltpu.async_copy(ht_hbm.at[sidx.at[0]], rows.at[0], gsem0)
    pltpu.async_copy(src_hbm.at[wid, 1], sidx.at[1], isem)
    pltpu.async_copy(dst_hbm.at[wid, 1], didx.at[1], isem)
    pltpu.async_copy(w_hbm.at[wid, 1], wch.at[1], isem)

    def scale(b, q):
        @plsc.parallel_loop(0, CH, unroll=4)
        def _(r):
            wb = plsc.load_gather(wch.at[q], [jnp.full((L,), r, jnp.int32)])
            for k in range(HP // L):
                sl = pl.ds(k * L, L)
                rows[b, r, sl] = rows[b, r, sl] * wb

    def wait_idx(q):
        pltpu.make_async_copy(src_hbm.at[wid, 0], sidx.at[q], isem).wait()
        pltpu.make_async_copy(dst_hbm.at[wid, 0], didx.at[q], isem).wait()
        pltpu.make_async_copy(w_hbm.at[wid, 0], wch.at[q], isem).wait()

    gsems = (gsem0, gsem1)
    ssems = (ssem0, ssem1)

    def substep(j, s, first, last):
        b, nb = s % 2, (s + 1) % 2
        q1, q2 = (s + 1) % 4, (s + 2) % 4
        if not last:
            wait_idx(q1)

            def _wait_prev_scatter():
                pltpu.make_async_copy(rows.at[nb], acc_sh.at[didx.at[q1]],
                                      ssems[nb]).wait()

            if first:
                pl.when(j >= 1)(_wait_prev_scatter)
            else:
                _wait_prev_scatter()
            pltpu.async_copy(ht_hbm.at[sidx.at[q1]], rows.at[nb], gsems[nb])
        pltpu.make_async_copy(ht_hbm.at[sidx.at[s % 4]], rows.at[b],
                              gsems[b]).wait()
        scale(b, s % 4)
        if last:
            pltpu.sync_copy(rows.at[b], acc_sh.at[didx.at[s % 4]], add=True)
        else:
            pltpu.async_copy(rows.at[b], acc_sh.at[didx.at[s % 4]],
                             ssems[b], add=True)
            j2 = _mod_nchunk(j + 2)
            pltpu.async_copy(src_hbm.at[wid, j2], sidx.at[q2], isem)
            pltpu.async_copy(dst_hbm.at[wid, j2], didx.at[q2], isem)
            pltpu.async_copy(w_hbm.at[wid, j2], wch.at[q2], isem)

    @pl.loop(0, NCHUNK - 1, step=4)
    def _(i):
        substep(i, 0, True, False)
        substep(i + 1, 1, False, False)
        substep(i + 2, 2, False, False)
        substep(i + 3, 3, False, False)

    substep(NCHUNK - 1, 0, False, True)
    pltpu.make_async_copy(rows.at[1], acc_sh.at[didx.at[1]], ssem1).wait()
    wait_idx(1)

    plsc.subcore_barrier()

    row_sl = pl.ds(pl.multiple_of(sid * RPT, 8), RPT)
    rem_sl = pl.ds(NS * RPT, RREM)

    @pl.when(cid == 0)
    def _():
        pltpu.sync_copy(acc_sh.at[row_sl], out0_hbm.at[row_sl])

        @pl.when(sid == NS - 1)
        def _():
            pltpu.sync_copy(acc_sh.at[rem_sl], out0_hbm.at[rem_sl])

    @pl.when(cid == 1)
    def _():
        pltpu.sync_copy(acc_sh.at[row_sl], out1_hbm.at[row_sl])

        @pl.when(sid == NS - 1)
        def _():
            pltpu.sync_copy(acc_sh.at[rem_sl], out1_hbm.at[rem_sl])


def _sc_aggregate(ht, ssrc, sdst, src3, dst3, zeros):
    w3 = _sc_weights(ssrc, sdst, src3.reshape(NW, EPW),
                     dst3.reshape(NW, EPW)).reshape(NW, NCHUNK, CH)
    kern = pl.kernel(
        _scagg_body,
        out_type=[
            jax.ShapeDtypeStruct((N, HP), jnp.float32),
            jax.ShapeDtypeStruct((N, HP), jnp.float32),
        ],
        mesh=plsc.VectorSubcoreMesh(core_axis_name="c", subcore_axis_name="s"),
        scratch_types=[
            pltpu.VMEM((2, CH, HP), jnp.float32),
            pltpu.VMEM((4, CH), jnp.int32),
            pltpu.VMEM((4, CH), jnp.int32),
            pltpu.VMEM((4, CH), jnp.float32),
            pltpu.VMEM_SHARED((N, HP), jnp.float32),
            pltpu.SemaphoreType.DMA,
            pltpu.SemaphoreType.DMA,
            pltpu.SemaphoreType.DMA,
            pltpu.SemaphoreType.DMA,
            pltpu.SemaphoreType.DMA,
        ],
        compiler_params=_sc_params(),
    )
    return kern(ht, src3, dst3, w3, zeros)


def _post_body(acc0_ref, acc1_ref, bn0g_ref, bn0b_ref, fc1w_ref, fc1b_ref,
               fc2w_ref, fc2b_ref, bn2g_ref, bn2b_ref, fc3w_ref, fc3b_ref,
               out_ref):
    unnorm = acc0_ref[:, :D] + acc1_ref[:, :D]
    den = acc0_ref[:, D:D + 1] + acc1_ref[:, D:D + 1]
    h0 = jnp.maximum(unnorm / (den + 1e-16), 0.0)

    m0 = jnp.mean(h0, axis=0, keepdims=True)
    v0 = jnp.mean((h0 - m0) ** 2, axis=0, keepdims=True)
    h0n = (h0 - m0) / jnp.sqrt(v0 + 1e-5) * bn0g_ref[...] + bn0b_ref[...]

    h1 = lax.dot_general(h0n, fc1w_ref[...], (((1,), (1,)), ((), ())),
                         preferred_element_type=jnp.float32) + fc1b_ref[...]
    h1 = jnp.maximum(h1, 0.0)
    h2 = lax.dot_general(h1, fc2w_ref[...], (((1,), (1,)), ((), ())),
                         preferred_element_type=jnp.float32) + fc2b_ref[...]
    h2 = jnp.maximum(h2, 0.0)

    m2 = jnp.mean(h2, axis=0, keepdims=True)
    v2 = jnp.mean((h2 - m2) ** 2, axis=0, keepdims=True)
    h2n = (h2 - m2) / jnp.sqrt(v2 + 1e-5) * bn2g_ref[...] + bn2b_ref[...]

    act = lax.dot_general(h2n, fc3w_ref[...], (((1,), (1,)), ((), ())),
                          preferred_element_type=jnp.float32) + fc3b_ref[...]
    amax = jnp.max(act, axis=1, keepdims=True)
    ex = jnp.exp(act - amax)
    out_ref[...] = ex / jnp.sum(ex, axis=1, keepdims=True)


def _post(acc0, acc1, bn0_gamma, bn0_beta, fc1_w, fc1_b, fc2_w, fc2_b,
          bn2_gamma, bn2_beta, fc3_w, fc3_b):
    return pl.pallas_call(
        _post_body,
        out_shape=jax.ShapeDtypeStruct((N, A), jnp.float32),
    )(acc0, acc1,
      bn0_gamma.reshape(1, H), bn0_beta.reshape(1, H),
      fc1_w, fc1_b.reshape(1, H),
      fc2_w, fc2_b.reshape(1, H),
      bn2_gamma.reshape(1, H), bn2_beta.reshape(1, H),
      fc3_w, fc3_b.reshape(1, A))


def kernel(x, W_gat, a_src, a_dst, bn0_gamma, bn0_beta, fc1_w, fc1_b,
           fc2_w, fc2_b, bn2_gamma, bn2_beta, fc3_w, fc3_b, edge_index):
    ht, ssrc, sdst = _pre(x, W_gat, a_src, a_dst)
    src3 = edge_index[0].reshape(NW, NCHUNK, CH)
    dst3 = edge_index[1].reshape(NW, NCHUNK, CH)
    zeros = jnp.zeros((N, HP), jnp.float32)
    acc0, acc1 = _sc_aggregate(ht, ssrc.reshape(N), sdst.reshape(N),
                               src3, dst3, zeros)
    return _post(acc0, acc1, bn0_gamma, bn0_beta, fc1_w, fc1_b,
                 fc2_w, fc2_b, bn2_gamma, bn2_beta, fc3_w, fc3_b)

# --- scband reference (transcript-rebuilt; emitter-appended) ---
"""Pipeline reference for scband-actor-50276887167256 (READ-ONLY COPY).

The authoritative reference and input builder live on the scoring server;
editing this copy changes nothing except your own understanding.
"""

import jax, jax.numpy as jnp
import numpy as np

N = 10000
E = 320000
D = 128
H = 128
A = 64

def setup_inputs(seed: int = 0) -> dict:
    key = jax.random.key(seed)
    ks = jax.random.split(key, 16)
    x = jax.random.normal(ks[0], (N, D), dtype=jnp.float32)
    edge_index = jax.random.randint(ks[1], (2, E), 0, N, dtype=jnp.int32)
    W_gat = jax.random.normal(ks[2], (D, H), dtype=jnp.float32) * 0.1
    a_src = jax.random.normal(ks[3], (H,), dtype=jnp.float32) * 0.1
    a_dst = jax.random.normal(ks[4], (H,), dtype=jnp.float32) * 0.1
    bn0_gamma = jnp.ones((H,), dtype=jnp.float32)
    bn0_beta = jnp.zeros((H,), dtype=jnp.float32)
    fc1_w = jax.random.normal(ks[5], (H, H), dtype=jnp.float32) * 0.1
    fc1_b = jnp.zeros((H,), dtype=jnp.float32)
    fc2_w = jax.random.normal(ks[6], (H, H), dtype=jnp.float32) * 0.1
    fc2_b = jnp.zeros((H,), dtype=jnp.float32)
    bn2_gamma = jnp.ones((H,), dtype=jnp.float32)
    bn2_beta = jnp.zeros((H,), dtype=jnp.float32)
    fc3_w = jax.random.normal(ks[7], (A, H), dtype=jnp.float32) * 0.1
    fc3_b = jnp.zeros((A,), dtype=jnp.float32)
    return {"x": x, "W_gat": W_gat, "a_src": a_src, "a_dst": a_dst,
            "bn0_gamma": bn0_gamma, "bn0_beta": bn0_beta,
            "fc1_w": fc1_w, "fc1_b": fc1_b, "fc2_w": fc2_w, "fc2_b": fc2_b,
            "bn2_gamma": bn2_gamma, "bn2_beta": bn2_beta,
            "fc3_w": fc3_w, "fc3_b": fc3_b, "edge_index": edge_index}

def _gat_cell(x, W_gat, a_src, a_dst, edge_index):
    h = x @ W_gat
    src = edge_index[0]
    dst = edge_index[1]
    e = jnp.sum(h[src] * a_src, axis=-1) + jnp.sum(h[dst] * a_dst, axis=-1)
    e = jax.nn.leaky_relu(e, negative_slope=0.2)
    e_max = jax.ops.segment_max(e, dst, num_segments=N)
    e_max = jnp.where(jnp.isfinite(e_max), e_max, 0.0)
    ex = jnp.exp(e - e_max[dst])
    denom = jax.ops.segment_sum(ex, dst, num_segments=N)
    alpha = ex / (denom[dst] + 1e-16)
    out = jax.ops.segment_sum(alpha[:, None] * h[src], dst, num_segments=N)
    return out

def _batchnorm(x, gamma, beta, eps=1e-5):
    m = jnp.mean(x, axis=0)
    v = jnp.var(x, axis=0)
    return (x - m) / jnp.sqrt(v + eps) * gamma + beta

def reference(x, W_gat, a_src, a_dst, bn0_gamma, bn0_beta, fc1_w, fc1_b, fc2_w, fc2_b, bn2_gamma, bn2_beta, fc3_w, fc3_b, edge_index):
    h0 = jax.nn.relu(_gat_cell(x, W_gat, a_src, a_dst, edge_index))
    h0n = _batchnorm(h0, bn0_gamma, bn0_beta)
    h1 = jax.nn.relu(h0n @ fc1_w.T + fc1_b)
    h2 = jax.nn.relu(h1 @ fc2_w.T + fc2_b)
    h2n = _batchnorm(h2, bn2_gamma, bn2_beta)
    action = h2n @ fc3_w.T + fc3_b
    return jax.nn.softmax(action, axis=1)

if __name__ == "__main__":
    import jax
    _d = setup_inputs()
    print(jax.jit(kernel)(*tuple(_d.values())))

</pallas_src>

<mosaic_0001>
#map = affine_map<(d0, d1) -> (0, 0)>
#map1 = affine_map<(d0, d1) -> (0, 0, 0)>
module attributes {stable_mosaic.version = 14 : i64} {
  func.func @_scagg_body(%arg0: i32, %arg1: i32, %arg2: memref<10000x144xf32, #tpu.memory_space<hbm>>, %arg3: memref<32x125x80xi32, #tpu.memory_space<hbm>>, %arg4: memref<32x125x80xi32, #tpu.memory_space<hbm>>, %arg5: memref<32x125x80xf32, #tpu.memory_space<hbm>>, %arg6: memref<10000x144xf32, #tpu.memory_space<hbm>>, %arg7: memref<10000x144xf32, #tpu.memory_space<hbm>>, %arg8: memref<10000x144xf32, #tpu.memory_space<hbm>>, %arg9: memref<2x80x144xf32, #tpu.memory_space<vmem>>, %arg10: memref<4x80xi32, #tpu.memory_space<vmem>>, %arg11: memref<4x80xi32, #tpu.memory_space<vmem>>, %arg12: memref<4x80xf32, #tpu.memory_space<vmem>>, %arg13: memref<10000x144xf32, #tpu.memory_space<vmem_shared>>, %arg14: memref<!tpu.dma_semaphore, #tpu.memory_space<semaphore_mem>>, %arg15: memref<!tpu.dma_semaphore, #tpu.memory_space<semaphore_mem>>, %arg16: memref<!tpu.dma_semaphore, #tpu.memory_space<semaphore_mem>>, %arg17: memref<!tpu.dma_semaphore, #tpu.memory_space<semaphore_mem>>, %arg18: memref<!tpu.dma_semaphore, #tpu.memory_space<semaphore_mem>>) attributes {dimension_semantics = [#tpu.dimension_semantics<core_parallel>, #tpu.dimension_semantics<subcore_parallel>], iteration_bounds = array<i64: 2, 16>, scalar_prefetch = 0 : i64, scratch_operands = 10 : i64, tpu.core_type = #tpu.core_type<sc_vector_subcore>, window_params = [{transform_indices = #map}, {transform_indices = #map1}, {transform_indices = #map1}, {transform_indices = #map1}, {transform_indices = #map}, {transform_indices = #map}, {transform_indices = #map}]} {
    %mul3A = arith.constant 2 : i32
    %mul3A_0 = arith.muli %arg1, %mul3A : i32
    %add3A = arith.addi %mul3A_0, %arg0 : i32
    %mul3A_1 = arith.constant 624 : i32
    %mul3A_2 = arith.muli %arg1, %mul3A_1 : i32
    %multiple_of3A = tpu.assume_multiple %mul3A_2, 8 : i32
    "tpu.region"() ({
      %run_scoped3A_150 = tpu.sem_alloc : memref<!tpu.dma_semaphore, #tpu.memory_space<semaphore_mem>>
      %dma_start3A_151 = arith.constant 0 : i32
      %dma_start3A_152 = tpu.memref_slice %arg13[%multiple_of3A, %dma_start3A_151] : memref<10000x144xf32, #tpu.memory_space<vmem_shared>> -> memref<624x144xf32, #tpu.memory_space<vmem_shared>>
      %dma_start3A_153 = arith.constant 0 : i32
      %dma_start3A_154 = tpu.memref_slice %arg6[%multiple_of3A, %dma_start3A_153] : memref<10000x144xf32, #tpu.memory_space<hbm>> -> memref<624x144xf32, #tpu.memory_space<hbm>>
      tpu.enqueue_dma source(%dma_start3A_154 : memref<624x144xf32, #tpu.memory_space<hbm>>) target(%dma_start3A_152 : memref<624x144xf32, #tpu.memory_space<vmem_shared>>) target_semaphore(%run_scoped3A_150 : memref<!tpu.dma_semaphore, #tpu.memory_space<semaphore_mem>>)
      %dma_wait3A_155 = arith.constant 0 : i32
      %dma_wait3A_156 = tpu.memref_slice %arg13[%multiple_of3A, %dma_wait3A_155] : memref<10000x144xf32, #tpu.memory_space<vmem_shared>> -> memref<624x144xf32, #tpu.memory_space<vmem_shared>>
      %dma_wait3A_157 = arith.constant 0 : i32
      %dma_wait3A_158 = tpu.memref_slice %arg6[%multiple_of3A, %dma_wait3A_157] : memref<10000x144xf32, #tpu.memory_space<hbm>> -> memref<624x144xf32, #tpu.memory_space<hbm>>
      tpu.wait_dma2 semaphore(%run_scoped3A_150 : memref<!tpu.dma_semaphore, #tpu.memory_space<semaphore_mem>>) src(%dma_wait3A_158 : memref<624x144xf32, #tpu.memory_space<hbm>>) dst(%dma_wait3A_156 : memref<624x144xf32, #tpu.memory_space<vmem_shared>>)
      tpu.yield
    }) : () -> ()
    %eq3A = arith.constant 15 : i32
    %eq3A_3 = arith.cmpi eq, %arg1, %eq3A : i32
    %convert_element_type3A = arith.extui %eq3A_3 : i1 to i32
    %cond3A = arith.constant 0 : i32
    %cond3A_4 = arith.cmpi ne, %convert_element_type3A, %cond3A : i32
    scf.if %cond3A_4 {
      "tpu.region"() ({
        %run_scoped3A_150 = tpu.sem_alloc : memref<!tpu.dma_semaphore, #tpu.memory_space<semaphore_mem>>
        %dma_start3A_151 = arith.constant 9984 : i32
        %dma_start3A_152 = arith.constant 0 : i32
        %dma_start3A_153 = tpu.memref_slice %arg13[%dma_start3A_151, %dma_start3A_152] : memref<10000x144xf32, #tpu.memory_space<vmem_shared>> -> memref<16x144xf32, #tpu.memory_space<vmem_shared>>
        %dma_start3A_154 = arith.constant 9984 : i32
        %dma_start3A_155 = arith.constant 0 : i32
        %dma_start3A_156 = tpu.memref_slice %arg6[%dma_start3A_154, %dma_start3A_155] : memref<10000x144xf32, #tpu.memory_space<hbm>> -> memref<16x144xf32, #tpu.memory_space<hbm>>
        tpu.enqueue_dma source(%dma_start3A_156 : memref<16x144xf32, #tpu.memory_space<hbm>>) target(%dma_start3A_153 : memref<16x144xf32, #tpu.memory_space<vmem_shared>>) target_semaphore(%run_scoped3A_150 : memref<!tpu.dma_semaphore, #tpu.memory_space<semaphore_mem>>)
        %dma_wait3A_157 = arith.constant 9984 : i32
        %dma_wait3A_158 = arith.constant 0 : i32
        %dma_wait3A_159 = tpu.memref_slice %arg13[%dma_wait3A_157, %dma_wait3A_158] : memref<10000x144xf32, #tpu.memory_space<vmem_shared>> -> memref<16x144xf32, #tpu.memory_space<vmem_shared>>
        %dma_wait3A_160 = arith.constant 9984 : i32
        %dma_wait3A_161 = arith.constant 0 : i32
        %dma_wait3A_162 = tpu.memref_slice %arg6[%dma_wait3A_160, %dma_wait3A_161] : memref<10000x144xf32, #tpu.memory_space<hbm>> -> memref<16x144xf32, #tpu.memory_space<hbm>>
        tpu.wait_dma2 semaphore(%run_scoped3A_150 : memref<!tpu.dma_semaphore, #tpu.memory_space<semaphore_mem>>) src(%dma_wait3A_162 : memref<16x144xf32, #tpu.memory_space<hbm>>) dst(%dma_wait3A_159 : memref<16x144xf32, #tpu.memory_space<vmem_shared>>)
        tpu.yield
      }) : () -> ()
    } else {
    }
    %barrier3A = arith.constant 0 : index
    tpu.barrier barrier_id(%barrier3A)
    %run_scoped3A = arith.constant 0 : i32
    %run_scoped3A_5 = arith.constant 0 : i32
    "tpu.region"() ({
      %run_scoped3A_150 = tpu.sem_alloc : memref<!tpu.dma_semaphore, #tpu.memory_space<semaphore_mem>>
      %dma_start3A_151 = arith.constant 0 : i32
      %dma_start3A_152 = tpu.memref_slice %arg10[%run_scoped3A_5, %dma_start3A_151] : memref<4x80xi32, #tpu.memory_space<vmem>> -> memref<1x80xi32, #tpu.memory_space<vmem>>
      %dma_start3A_153 = tpu.memref_squeeze %dma_start3A_152 : memref<1x80xi32, #tpu.memory_space<vmem>> -> memref<80xi32, #tpu.memory_space<vmem>>
      %dma_start3A_154 = arith.constant 0 : i32
      %dma_start3A_155 = tpu.memref_slice %arg3[%add3A, %run_scoped3A, %dma_start3A_154] : memref<32x125x80xi32, #tpu.memory_space<hbm>> -> memref<1x1x80xi32, #tpu.memory_space<hbm>>
      %dma_start3A_156 = tpu.memref_squeeze %dma_start3A_155 : memref<1x1x80xi32, #tpu.memory_space<hbm>> -> memref<80xi32, #tpu.memory_space<hbm>>
      %dma_start3A_157 = arith.constant 0 : i32
      %dma_start3A_158 = tpu.memref_slice %arg10[%run_scoped3A_5, %dma_start3A_157] : memref<4x80xi32, #tpu.memory_space<vmem>> -> memref<1x80xi32, #tpu.memory_space<vmem>>
      %dma_start3A_159 = tpu.memref_squeeze %dma_start3A_158 : memref<1x80xi32, #tpu.memory_space<vmem>> -> memref<80xi32, #tpu.memory_space<vmem>>
      %dma_start3A_160 = arith.constant 0 : i32
      %dma_start3A_161 = tpu.memref_slice %arg3[%add3A, %run_scoped3A, %dma_start3A_160] : memref<32x125x80xi32, #tpu.memory_space<hbm>> -> memref<1x1x80xi32, #tpu.memory_space<hbm>>
      %dma_start3A_162 = tpu.memref_squeeze %dma_start3A_161 : memref<1x1x80xi32, #tpu.memory_space<hbm>> -> memref<80xi32, #tpu.memory_space<hbm>>
      tpu.enqueue_dma source(%dma_start3A_162 : memref<80xi32, #tpu.memory_space<hbm>>) target(%dma_start3A_159 : memref<80xi32, #tpu.memory_space<vmem>>) target_semaphore(%run_scoped3A_150 : memref<!tpu.dma_semaphore, #tpu.memory_space<semaphore_mem>>)
      %dma_wait3A_163 = arith.constant 0 : i32
      %dma_wait3A_164 = tpu.memref_slice %arg10[%run_scoped3A_5, %dma_wait3A_163] : memref<4x80xi32, #tpu.memory_space<vmem>> -> memref<1x80xi32, #tpu.memory_space<vmem>>
      %dma_wait3A_165 = tpu.memref_squeeze %dma_wait3A_164 : memref<1x80xi32, #tpu.memory_space<vmem>> -> memref<80xi32, #tpu.memory_space<vmem>>
      %dma_wait3A_166 = arith.constant 0 : i32
      %dma_wait3A_167 = tpu.memref_slice %arg3[%add3A, %run_scoped3A, %dma_wait3A_166] : memref<32x125x80xi32, #tpu.memory_space<hbm>> -> memref<1x1x80xi32, #tpu.memory_space<hbm>>
      %dma_wait3A_168 = tpu.memref_squeeze %dma_wait3A_167 : memref<1x1x80xi32, #tpu.memory_space<hbm>> -> memref<80xi32, #tpu.memory_space<hbm>>
      %dma_wait3A_169 = arith.constant 0 : i32
      %dma_wait3A_170 = tpu.memref_slice %arg10[%run_scoped3A_5, %dma_wait3A_169] : memref<4x80xi32, #tpu.memory_space<vmem>> -> memref<1x80xi32, #tpu.memory_space<vmem>>
      %dma_wait3A_171 = tpu.memref_squeeze %dma_wait3A_170 : memref<1x80xi32, #tpu.memory_space<vmem>> -> memref<80xi32, #tpu.memory_space<vmem>>
      %dma_wait3A_172 = arith.constant 0 : i32
      %dma_wait3A_173 = tpu.memref_slice %arg3[%add3A, %run_scoped3A, %dma_wait3A_172] : memref<32x125x80xi32, #tpu.memory_space<hbm>> -> memref<1x1x80xi32, #tpu.memory_space<hbm>>
      %dma_wait3A_174 = tpu.memref_squeeze %dma_wait3A_173 : memref<1x1x80xi32, #tpu.memory_space<hbm>> -> memref<80xi32, #tpu.memory_space<hbm>>
      tpu.wait_dma2 semaphore(%run_scoped3A_150 : memref<!tpu.dma_semaphore, #tpu.memory_space<semaphore_mem>>) src(%dma_wait3A_174 : memref<80xi32, #tpu.memory_space<hbm>>) dst(%dma_wait3A_171 : memref<80xi32, #tpu.memory_space<vmem>>)
      tpu.yield
    }) : () -> ()
    %run_scoped3A_6 = arith.constant 0 : i32
    %run_scoped3A_7 = arith.constant 0 : i32
    "tpu.region"() ({
      %run_scoped3A_150 = tpu.sem_alloc : memref<!tpu.dma_semaphore, #tpu.memory_space<semaphore_mem>>
      %dma_start3A_151 = arith.constant 0 : i32
      %dma_start3A_152 = tpu.memref_slice %arg11[%run_scoped3A_7, %dma_start3A_151] : memref<4x80xi32, #tpu.memory_space<vmem>> -> memref<1x80xi32, #tpu.memory_space<vmem>>
      %dma_start3A_153 = tpu.memref_squeeze %dma_start3A_152 : memref<1x80xi32, #tpu.memory_space<vmem>> -> memref<80xi32, #tpu.memory_space<vmem>>
      %dma_start3A_154 = arith.constant 0 : i32
      %dma_start3A_155 = tpu.memref_slice %arg4[%add3A, %run_scoped3A_6, %dma_start3A_154] : memref<32x125x80xi32, #tpu.memory_space<hbm>> -> memref<1x1x80xi32, #tpu.memory_space<hbm>>
      %dma_start3A_156 = tpu.memref_squeeze %dma_start3A_155 : memref<1x1x80xi32, #tpu.memory_space<hbm>> -> memref<80xi32, #tpu.memory_space<hbm>>
      %dma_start3A_157 = arith.constant 0 : i32
      %dma_start3A_158 = tpu.memref_slice %arg11[%run_scoped3A_7, %dma_start3A_157] : memref<4x80xi32, #tpu.memory_space<vmem>> -> memref<1x80xi32, #tpu.memory_space<vmem>>
      %dma_start3A_159 = tpu.memref_squeeze %dma_start3A_158 : memref<1x80xi32, #tpu.memory_space<vmem>> -> memref<80xi32, #tpu.memory_space<vmem>>
      %dma_start3A_160 = arith.constant 0 : i32
      %dma_start3A_161 = tpu.memref_slice %arg4[%add3A, %run_scoped3A_6, %dma_start3A_160] : memref<32x125x80xi32, #tpu.memory_space<hbm>> -> memref<1x1x80xi32, #tpu.memory_space<hbm>>
      %dma_start3A_162 = tpu.memref_squeeze %dma_start3A_161 : memref<1x1x80xi32, #tpu.memory_space<hbm>> -> memref<80xi32, #tpu.memory_space<hbm>>
      tpu.enqueue_dma source(%dma_start3A_162 : memref<80xi32, #tpu.memory_space<hbm>>) target(%dma_start3A_159 : memref<80xi32, #tpu.memory_space<vmem>>) target_semaphore(%run_scoped3A_150 : memref<!tpu.dma_semaphore, #tpu.memory_space<semaphore_mem>>)
      %dma_wait3A_163 = arith.constant 0 : i32
      %dma_wait3A_164 = tpu.memref_slice %arg11[%run_scoped3A_7, %dma_wait3A_163] : memref<4x80xi32, #tpu.memory_space<vmem>> -> memref<1x80xi32, #tpu.memory_space<vmem>>
      %dma_wait3A_165 = tpu.memref_squeeze %dma_wait3A_164 : memref<1x80xi32, #tpu.memory_space<vmem>> -> memref<80xi32, #tpu.memory_space<vmem>>
      %dma_wait3A_166 = arith.constant 0 : i32
      %dma_wait3A_167 = tpu.memref_slice %arg4[%add3A, %run_scoped3A_6, %dma_wait3A_166] : memref<32x125x80xi32, #tpu.memory_space<hbm>> -> memref<1x1x80xi32, #tpu.memory_space<hbm>>
      %dma_wait3A_168 = tpu.memref_squeeze %dma_wait3A_167 : memref<1x1x80xi32, #tpu.memory_space<hbm>> -> memref<80xi32, #tpu.memory_space<hbm>>
      %dma_wait3A_169 = arith.constant 0 : i32
      %dma_wait3A_170 = tpu.memref_slice %arg11[%run_scoped3A_7, %dma_wait3A_169] : memref<4x80xi32, #tpu.memory_space<vmem>> -> memref<1x80xi32, #tpu.memory_space<vmem>>
      %dma_wait3A_171 = tpu.memref_squeeze %dma_wait3A_170 : memref<1x80xi32, #tpu.memory_space<vmem>> -> memref<80xi32, #tpu.memory_space<vmem>>
      %dma_wait3A_172 = arith.constant 0 : i32
      %dma_wait3A_173 = tpu.memref_slice %arg4[%add3A, %run_scoped3A_6, %dma_wait3A_172] : memref<32x125x80xi32, #tpu.memory_space<hbm>> -> memref<1x1x80xi32, #tpu.memory_space<hbm>>
      %dma_wait3A_174 = tpu.memref_squeeze %dma_wait3A_173 : memref<1x1x80xi32, #tpu.memory_space<hbm>> -> memref<80xi32, #tpu.memory_space<hbm>>
      tpu.wait_dma2 semaphore(%run_scoped3A_150 : memref<!tpu.dma_semaphore, #tpu.memory_space<semaphore_mem>>) src(%dma_wait3A_174 : memref<80xi32, #tpu.memory_space<hbm>>) dst(%dma_wait3A_171 : memref<80xi32, #tpu.memory_space<vmem>>)
      tpu.yield
    }) : () -> ()
    %run_scoped3A_8 = arith.constant 0 : i32
    %run_scoped3A_9 = arith.constant 0 : i32
    "tpu.region"() ({
      %run_scoped3A_150 = tpu.sem_alloc : memref<!tpu.dma_semaphore, #tpu.memory_space<semaphore_mem>>
      %dma_start3A_151 = arith.constant 0 : i32
      %dma_start3A_152 = tpu.memref_slice %arg12[%run_scoped3A_9, %dma_start3A_151] : memref<4x80xf32, #tpu.memory_space<vmem>> -> memref<1x80xf32, #tpu.memory_space<vmem>>
      %dma_start3A_153 = tpu.memref_squeeze %dma_start3A_152 : memref<1x80xf32, #tpu.memory_space<vmem>> -> memref<80xf32, #tpu.memory_space<vmem>>
      %dma_start3A_154 = arith.constant 0 : i32
      %dma_start3A_155 = tpu.memref_slice %arg5[%add3A, %run_scoped3A_8, %dma_start3A_154] : memref<32x125x80xf32, #tpu.memory_space<hbm>> -> memref<1x1x80xf32, #tpu.memory_space<hbm>>
      %dma_start3A_156 = tpu.memref_squeeze %dma_start3A_155 : memref<1x1x80xf32, #tpu.memory_space<hbm>> -> memref<80xf32, #tpu.memory_space<hbm>>
      %dma_start3A_157 = arith.constant 0 : i32
      %dma_start3A_158 = tpu.memref_slice %arg12[%run_scoped3A_9, %dma_start3A_157] : memref<4x80xf32, #tpu.memory_space<vmem>> -> memref<1x80xf32, #tpu.memory_space<vmem>>
      %dma_start3A_159 = tpu.memref_squeeze %dma_start3A_158 : memref<1x80xf32, #tpu.memory_space<vmem>> -> memref<80xf32, #tpu.memory_space<vmem>>
      %dma_start3A_160 = arith.constant 0 : i32
      %dma_start3A_161 = tpu.memref_slice %arg5[%add3A, %run_scoped3A_8, %dma_start3A_160] : memref<32x125x80xf32, #tpu.memory_space<hbm>> -> memref<1x1x80xf32, #tpu.memory_space<hbm>>
      %dma_start3A_162 = tpu.memref_squeeze %dma_start3A_161 : memref<1x1x80xf32, #tpu.memory_space<hbm>> -> memref<80xf32, #tpu.memory_space<hbm>>
      tpu.enqueue_dma source(%dma_start3A_162 : memref<80xf32, #tpu.memory_space<hbm>>) target(%dma_start3A_159 : memref<80xf32, #tpu.memory_space<vmem>>) target_semaphore(%run_scoped3A_150 : memref<!tpu.dma_semaphore, #tpu.memory_space<semaphore_mem>>)
      %dma_wait3A_163 = arith.constant 0 : i32
      %dma_wait3A_164 = tpu.memref_slice %arg12[%run_scoped3A_9, %dma_wait3A_163] : memref<4x80xf32, #tpu.memory_space<vmem>> -> memref<1x80xf32, #tpu.memory_space<vmem>>
      %dma_wait3A_165 = tpu.memref_squeeze %dma_wait3A_164 : memref<1x80xf32, #tpu.memory_space<vmem>> -> memref<80xf32, #tpu.memory_space<vmem>>
      %dma_wait3A_166 = arith.constant 0 : i32
      %dma_wait3A_167 = tpu.memref_slice %arg5[%add3A, %run_scoped3A_8, %dma_wait3A_166] : memref<32x125x80xf32, #tpu.memory_space<hbm>> -> memref<1x1x80xf32, #tpu.memory_space<hbm>>
      %dma_wait3A_168 = tpu.memref_squeeze %dma_wait3A_167 : memref<1x1x80xf32, #tpu.memory_space<hbm>> -> memref<80xf32, #tpu.memory_space<hbm>>
      %dma_wait3A_169 = arith.constant 0 : i32
      %dma_wait3A_170 = tpu.memref_slice %arg12[%run_scoped3A_9, %dma_wait3A_169] : memref<4x80xf32, #tpu.memory_space<vmem>> -> memref<1x80xf32, #tpu.memory_space<vmem>>
      %dma_wait3A_171 = tpu.memref_squeeze %dma_wait3A_170 : memref<1x80xf32, #tpu.memory_space<vmem>> -> memref<80xf32, #tpu.memory_space<vmem>>
      %dma_wait3A_172 = arith.constant 0 : i32
      %dma_wait3A_173 = tpu.memref_slice %arg5[%add3A, %run_scoped3A_8, %dma_wait3A_172] : memref<32x125x80xf32, #tpu.memory_space<hbm>> -> memref<1x1x80xf32, #tpu.memory_space<hbm>>
      %dma_wait3A_174 = tpu.memref_squeeze %dma_wait3A_173 : memref<1x1x80xf32, #tpu.memory_space<hbm>> -> memref<80xf32, #tpu.memory_space<hbm>>
      tpu.wait_dma2 semaphore(%run_scoped3A_150 : memref<!tpu.dma_semaphore, #tpu.memory_space<semaphore_mem>>) src(%dma_wait3A_174 : memref<80xf32, #tpu.memory_space<hbm>>) dst(%dma_wait3A_171 : memref<80xf32, #tpu.memory_space<vmem>>)
      tpu.yield
    }) : () -> ()
    %dma_start3A = arith.constant 0 : i32
    %dma_start3A_10 = arith.constant 0 : i32
    %dma_start3A_11 = arith.constant 0 : i32
    %dma_start3A_12 = arith.constant 0 : i32
    %dma_start3A_13 = tpu.memref_slice %arg9[%dma_start3A_10, %dma_start3A_11, %dma_start3A_12] : memref<2x80x144xf32, #tpu.memory_space<vmem>> -> memref<1x80x144xf32, #tpu.memory_space<vmem>>
    %dma_start3A_14 = tpu.memref_squeeze %dma_start3A_13 : memref<1x80x144xf32, #tpu.memory_space<vmem>> -> memref<80x144xf32, #tpu.memory_space<vmem>>
    %dma_start3A_15 = arith.constant 0 : i32
    %dma_start3A_16 = tpu.memref_slice %arg10[%dma_start3A, %dma_start3A_15] : memref<4x80xi32, #tpu.memory_space<vmem>> -> memref<1x80xi32, #tpu.memory_space<vmem>>
    %dma_start3A_17 = tpu.memref_squeeze %dma_start3A_16 : memref<1x80xi32, #tpu.memory_space<vmem>> -> memref<80xi32, #tpu.memory_space<vmem>>
    %dma_start3A_18 = arith.constant 0 : i32
    %dma_start3A_19 = arith.constant 0 : i32
    %dma_start3A_20 = tpu.memref_slice %arg2[%dma_start3A_18, %dma_start3A_19] : memref<10000x144xf32, #tpu.memory_space<hbm>> -> memref<10000x144xf32, #tpu.memory_space<hbm>>
    tpu.enqueue_indirect_dma source(%dma_start3A_20 : memref<10000x144xf32, #tpu.memory_space<hbm>>) target(%dma_start3A_14 : memref<80x144xf32, #tpu.memory_space<vmem>>) offsets(%dma_start3A_17 : memref<80xi32, #tpu.memory_space<vmem>>) semaphore(%arg14 : memref<!tpu.dma_semaphore, #tpu.memory_space<semaphore_mem>>)
    %dma_start3A_21 = arith.constant 1 : i32
    %dma_start3A_22 = arith.constant 1 : i32
    %dma_start3A_23 = arith.constant 0 : i32
    %dma_start3A_24 = tpu.memref_slice %arg10[%dma_start3A_22, %dma_start3A_23] : memref<4x80xi32, #tpu.memory_space<vmem>> -> memref<1x80xi32, #tpu.memory_space<vmem>>
    %dma_start3A_25 = tpu.memref_squeeze %dma_start3A_24 : memref<1x80xi32, #tpu.memory_space<vmem>> -> memref<80xi32, #tpu.memory_space<vmem>>
    %dma_start3A_26 = arith.constant 0 : i32
    %dma_start3A_27 = tpu.memref_slice %arg3[%add3A, %dma_start3A_21, %dma_start3A_26] : memref<32x125x80xi32, #tpu.memory_space<hbm>> -> memref<1x1x80xi32, #tpu.memory_space<hbm>>
    %dma_start3A_28 = tpu.memref_squeeze %dma_start3A_27 : memref<1x1x80xi32, #tpu.memory_space<hbm>> -> memref<80xi32, #tpu.memory_space<hbm>>
    %dma_start3A_29 = arith.constant 0 : i32
    %dma_start3A_30 = tpu.memref_slice %arg10[%dma_start3A_22, %dma_start3A_29] : memref<4x80xi32, #tpu.memory_space<vmem>> -> memref<1x80xi32, #tpu.memory_space<vmem>>
    %dma_start3A_31 = tpu.memref_squeeze %dma_start3A_30 : memref<1x80xi32, #tpu.memory_space<vmem>> -> memref<80xi32, #tpu.memory_space<vmem>>
    %dma_start3A_32 = arith.constant 0 : i32
    %dma_start3A_33 = tpu.memref_slice %arg3[%add3A, %dma_start3A_21, %dma_start3A_32] : memref<32x125x80xi32, #tpu.memory_space<hbm>> -> memref<1x1x80xi32, #tpu.memory_space<hbm>>
    %dma_start3A_34 = tpu.memref_squeeze %dma_start3A_33 : memref<1x1x80xi32, #tpu.memory_space<hbm>> -> memref<80xi32, #tpu.memory_space<hbm>>
    tpu.enqueue_dma source(%dma_start3A_34 : memref<80xi32, #tpu.memory_space<hbm>>) target(%dma_start3A_31 : memref<80xi32, #tpu.memory_space<vmem>>) target_semaphore(%arg18 : memref<!tpu.dma_semaphore, #tpu.memory_space<semaphore_mem>>)
    %dma_start3A_35 = arith.constant 1 : i32
    %dma_start3A_36 = arith.constant 1 : i32
    %dma_start3A_37 = arith.constant 0 : i32
    %dma_start3A_38 = tpu.memref_slice %arg11[%dma_start3A_36, %dma_start3A_37] : memref<4x80xi32, #tpu.memory_space<vmem>> -> memref<1x80xi32, #tpu.memory_space<vmem>>
    %dma_start3A_39 = tpu.memref_squeeze %dma_start3A_38 : memref<1x80xi32, #tpu.memory_space<vmem>> -> memref<80xi32, #tpu.memory_space<vmem>>
    %dma_start3A_40 = arith.constant 0 : i32
    %dma_start3A_41 = tpu.memref_slice %arg4[%add3A, %dma_start3A_35, %dma_start3A_40] : memref<32x125x80xi32, #tpu.memory_space<hbm>> -> memref<1x1x80xi32, #tpu.memory_space<hbm>>
    %dma_start3A_42 = tpu.memref_squeeze %dma_start3A_41 : memref<1x1x80xi32, #tpu.memory_space<hbm>> -> memref<80xi32, #tpu.memory_space<hbm>>
    %dma_start3A_43 = arith.constant 0 : i32
    %dma_start3A_44 = tpu.memref_slice %arg11[%dma_start3A_36, %dma_start3A_43] : memref<4x80xi32, #tpu.memory_space<vmem>> -> memref<1x80xi32, #tpu.memory_space<vmem>>
    %dma_start3A_45 = tpu.memref_squeeze %dma_start3A_44 : memref<1x80xi32, #tpu.memory_space<vmem>> -> memref<80xi32, #tpu.memory_space<vmem>>
    %dma_start3A_46 = arith.constant 0 : i32
    %dma_start3A_47 = tpu.memref_slice %arg4[%add3A, %dma_start3A_35, %dma_start3A_46] : memref<32x125x80xi32, #tpu.memory_space<hbm>> -> memref<1x1x80xi32, #tpu.memory_space<hbm>>
    %dma_start3A_48 = tpu.memref_squeeze %dma_start3A_47 : memref<1x1x80xi32, #tpu.memory_space<hbm>> -> memref<80xi32, #tpu.memory_space<hbm>>
    tpu.enqueue_dma source(%dma_start3A_48 : memref<80xi32, #tpu.memory_space<hbm>>) target(%dma_start3A_45 : memref<80xi32, #tpu.memory_space<vmem>>) target_semaphore(%arg18 : memref<!tpu.dma_semaphore, #tpu.memory_space<semaphore_mem>>)
    %dma_start3A_49 = arith.constant 1 : i32
    %dma_start3A_50 = arith.constant 1 : i32
    %dma_start3A_51 = arith.constant 0 : i32
    %dma_start3A_52 = tpu.memref_slice %arg12[%dma_start3A_50, %dma_start3A_51] : memref<4x80xf32, #tpu.memory_space<vmem>> -> memref<1x80xf32, #tpu.memory_space<vmem>>
    %dma_start3A_53 = tpu.memref_squeeze %dma_start3A_52 : memref<1x80xf32, #tpu.memory_space<vmem>> -> memref<80xf32, #tpu.memory_space<vmem>>
    %dma_start3A_54 = arith.constant 0 : i32
    %dma_start3A_55 = tpu.memref_slice %arg5[%add3A, %dma_start3A_49, %dma_start3A_54] : memref<32x125x80xf32, #tpu.memory_space<hbm>> -> memref<1x1x80xf32, #tpu.memory_space<hbm>>
    %dma_start3A_56 = tpu.memref_squeeze %dma_start3A_55 : memref<1x1x80xf32, #tpu.memory_space<hbm>> -> memref<80xf32, #tpu.memory_space<hbm>>
    %dma_start3A_57 = arith.constant 0 : i32
    %dma_start3A_58 = tpu.memref_slice %arg12[%dma_start3A_50, %dma_start3A_57] : memref<4x80xf32, #tpu.memory_space<vmem>> -> memref<1x80xf32, #tpu.memory_space<vmem>>
    %dma_start3A_59 = tpu.memref_squeeze %dma_start3A_58 : memref<1x80xf32, #tpu.memory_space<vmem>> -> memref<80xf32, #tpu.memory_space<vmem>>
    %dma_start3A_60 = arith.constant 0 : i32
    %dma_start3A_61 = tpu.memref_slice %arg5[%add3A, %dma_start3A_49, %dma_start3A_60] : memref<32x125x80xf32, #tpu.memory_space<hbm>> -> memref<1x1x80xf32, #tpu.memory_space<hbm>>
    %dma_start3A_62 = tpu.memref_squeeze %dma_start3A_61 : memref<1x1x80xf32, #tpu.memory_space<hbm>> -> memref<80xf32, #tpu.memory_space<hbm>>
    tpu.enqueue_dma source(%dma_start3A_62 : memref<80xf32, #tpu.memory_space<hbm>>) target(%dma_start3A_59 : memref<80xf32, #tpu.memory_space<vmem>>) target_semaphore(%arg18 : memref<!tpu.dma_semaphore, #tpu.memory_space<semaphore_mem>>)
    %scan3A = arith.constant 0 : i32
    %scan3A_63 = arith.constant 31 : i32
    %scan3A_64 = arith.addi %scan3A, %scan3A_63 : i32
    %scan3A_65 = arith.constant 1 : i32
    scf.for %scan3A_150 = %scan3A to %scan3A_64 step %scan3A_65  : i32 {
      %mul3A_151 = arith.constant 4 : i32
      %mul3A_152 = arith.muli %scan3A_150, %mul3A_151 : i32
      %add3A_153 = arith.constant 0 : i32
      %add3A_154 = arith.addi %add3A_153, %mul3A_152 : i32
      %dma_wait3A_155 = arith.constant 0 : i32
      %dma_wait3A_156 = arith.constant 1 : i32
      %dma_wait3A_157 = arith.constant 0 : i32
      %dma_wait3A_158 = tpu.memref_slice %arg10[%dma_wait3A_156, %dma_wait3A_157] : memref<4x80xi32, #tpu.memory_space<vmem>> -> memref<1x80xi32, #tpu.memory_space<vmem>>
      %dma_wait3A_159 = tpu.memref_squeeze %dma_wait3A_158 : memref<1x80xi32, #tpu.memory_space<vmem>> -> memref<80xi32, #tpu.memory_space<vmem>>
      %dma_wait3A_160 = arith.constant 0 : i32
      %dma_wait3A_161 = tpu.memref_slice %arg3[%add3A, %dma_wait3A_155, %dma_wait3A_160] : memref<32x125x80xi32, #tpu.memory_space<hbm>> -> memref<1x1x80xi32, #tpu.memory_space<hbm>>
      %dma_wait3A_162 = tpu.memref_squeeze %dma_wait3A_161 : memref<1x1x80xi32, #tpu.memory_space<hbm>> -> memref<80xi32, #tpu.memory_space<hbm>>
      %dma_wait3A_163 = arith.constant 0 : i32
      %dma_wait3A_164 = tpu.memref_slice %arg10[%dma_wait3A_156, %dma_wait3A_163] : memref<4x80xi32, #tpu.memory_space<vmem>> -> memref<1x80xi32, #tpu.memory_space<vmem>>
      %dma_wait3A_165 = tpu.memref_squeeze %dma_wait3A_164 : memref<1x80xi32, #tpu.memory_space<vmem>> -> memref<80xi32, #tpu.memory_space<vmem>>
      %dma_wait3A_166 = arith.constant 0 : i32
      %dma_wait3A_167 = tpu.memref_slice %arg3[%add3A, %dma_wait3A_155, %dma_wait3A_166] : memref<32x125x80xi32, #tpu.memory_space<hbm>> -> memref<1x1x80xi32, #tpu.memory_space<hbm>>
      %dma_wait3A_168 = tpu.memref_squeeze %dma_wait3A_167 : memref<1x1x80xi32, #tpu.memory_space<hbm>> -> memref<80xi32, #tpu.memory_space<hbm>>
      tpu.wait_dma2 semaphore(%arg18 : memref<!tpu.dma_semaphore, #tpu.memory_space<semaphore_mem>>) src(%dma_wait3A_168 : memref<80xi32, #tpu.memory_space<hbm>>) dst(%dma_wait3A_165 : memref<80xi32, #tpu.memory_space<vmem>>)
      %dma_wait3A_169 = arith.constant 0 : i32
      %dma_wait3A_170 = arith.constant 1 : i32
      %dma_wait3A_171 = arith.constant 0 : i32
      %dma_wait3A_172 = tpu.memref_slice %arg11[%dma_wait3A_170, %dma_wait3A_171] : memref<4x80xi32, #tpu.memory_space<vmem>> -> memref<1x80xi32, #tpu.memory_space<vmem>>
      %dma_wait3A_173 = tpu.memref_squeeze %dma_wait3A_172 : memref<1x80xi32, #tpu.memory_space<vmem>> -> memref<80xi32, #tpu.memory_space<vmem>>
      %dma_wait3A_174 = arith.constant 0 : i32
      %dma_wait3A_175 = tpu.memref_slice %arg4[%add3A, %dma_wait3A_169, %dma_wait3A_174] : memref<32x125x80xi32, #tpu.memory_space<hbm>> -> memref<1x1x80xi32, #tpu.memory_space<hbm>>
      %dma_wait3A_176 = tpu.memref_squeeze %dma_wait3A_175 : memref<1x1x80xi32, #tpu.memory_space<hbm>> -> memref<80xi32, #tpu.memory_space<hbm>>
      %dma_wait3A_177 = arith.constant 0 : i32
      %dma_wait3A_178 = tpu.memref_slice %arg11[%dma_wait3A_170, %dma_wait3A_177] : memref<4x80xi32, #tpu.memory_space<vmem>> -> memref<1x80xi32, #tpu.memory_space<vmem>>
      %dma_wait3A_179 = tpu.memref_squeeze %dma_wait3A_178 : memref<1x80xi32, #tpu.memory_space<vmem>> -> memref<80xi32, #tpu.memory_space<vmem>>
      %dma_wait3A_180 = arith.constant 0 : i32
      %dma_wait3A_181 = tpu.memref_slice %arg4[%add3A, %dma_wait3A_169, %dma_wait3A_180] : memref<32x125x80xi32, #tpu.memory_space<hbm>> -> memref<1x1x80xi32, #tpu.memory_space<hbm>>
      %dma_wait3A_182 = tpu.memref_squeeze %dma_wait3A_181 : memref<1x1x80xi32, #tpu.memory_space<hbm>> -> memref<80xi32, #tpu.memory_space<hbm>>
      tpu.wait_dma2 semaphore(%arg18 : memref<!tpu.dma_semaphore, #tpu.memory_space<semaphore_mem>>) src(%dma_wait3A_182 : memref<80xi32, #tpu.memory_space<hbm>>) dst(%dma_wait3A_179 : memref<80xi32, #tpu.memory_space<vmem>>)
      %dma_wait3A_183 = arith.constant 0 : i32
      %dma_wait3A_184 = arith.constant 1 : i32
      %dma_wait3A_185 = arith.constant 0 : i32
      %dma_wait3A_186 = tpu.memref_slice %arg12[%dma_wait3A_184, %dma_wait3A_185] : memref<4x80xf32, #tpu.memory_space<vmem>> -> memref<1x80xf32, #tpu.memory_space<vmem>>
      %dma_wait3A_187 = tpu.memref_squeeze %dma_wait3A_186 : memref<1x80xf32, #tpu.memory_space<vmem>> -> memref<80xf32, #tpu.memory_space<vmem>>
      %dma_wait3A_188 = arith.constant 0 : i32
      %dma_wait3A_189 = tpu.memref_slice %arg5[%add3A, %dma_wait3A_183, %dma_wait3A_188] : memref<32x125x80xf32, #tpu.memory_space<hbm>> -> memref<1x1x80xf32, #tpu.memory_space<hbm>>
      %dma_wait3A_190 = tpu.memref_squeeze %dma_wait3A_189 : memref<1x1x80xf32, #tpu.memory_space<hbm>> -> memref<80xf32, #tpu.memory_space<hbm>>
      %dma_wait3A_191 = arith.constant 0 : i32
      %dma_wait3A_192 = tpu.memref_slice %arg12[%dma_wait3A_184, %dma_wait3A_191] : memref<4x80xf32, #tpu.memory_space<vmem>> -> memref<1x80xf32, #tpu.memory_space<vmem>>
      %dma_wait3A_193 = tpu.memref_squeeze %dma_wait3A_192 : memref<1x80xf32, #tpu.memory_space<vmem>> -> memref<80xf32, #tpu.memory_space<vmem>>
      %dma_wait3A_194 = arith.constant 0 : i32
      %dma_wait3A_195 = tpu.memref_slice %arg5[%add3A, %dma_wait3A_183, %dma_wait3A_194] : memref<32x125x80xf32, #tpu.memory_space<hbm>> -> memref<1x1x80xf32, #tpu.memory_space<hbm>>
      %dma_wait3A_196 = tpu.memref_squeeze %dma_wait3A_195 : memref<1x1x80xf32, #tpu.memory_space<hbm>> -> memref<80xf32, #tpu.memory_space<hbm>>
      tpu.wait_dma2 semaphore(%arg18 : memref<!tpu.dma_semaphore, #tpu.memory_space<semaphore_mem>>) src(%dma_wait3A_196 : memref<80xf32, #tpu.memory_space<hbm>>) dst(%dma_wait3A_193 : memref<80xf32, #tpu.memory_space<vmem>>)
      %ge3A = arith.constant 1 : i32
      %ge3A_197 = arith.cmpi sge, %add3A_154, %ge3A : i32
      %convert_element_type3A_198 = arith.extui %ge3A_197 : i1 to i32
      %cond3A_199 = arith.constant 0 : i32
      %cond3A_200 = arith.cmpi ne, %convert_element_type3A_198, %cond3A_199 : i32
      scf.if %cond3A_200 {
        %dma_wait3A_707 = arith.constant 1 : i32
        %dma_wait3A_708 = arith.constant 1 : i32
        %dma_wait3A_709 = arith.constant 0 : i32
        %dma_wait3A_710 = arith.constant 0 : i32
        %dma_wait3A_711 = tpu.memref_slice %arg9[%dma_wait3A_707, %dma_wait3A_709, %dma_wait3A_710] : memref<2x80x144xf32, #tpu.memory_space<vmem>> -> memref<1x80x144xf32, #tpu.memory_space<vmem>>
        %dma_wait3A_712 = tpu.memref_squeeze %dma_wait3A_711 : memref<1x80x144xf32, #tpu.memory_space<vmem>> -> memref<80x144xf32, #tpu.memory_space<vmem>>
        %dma_wait3A_713 = arith.constant 0 : i32
        %dma_wait3A_714 = tpu.memref_slice %arg11[%dma_wait3A_708, %dma_wait3A_713] : memref<4x80xi32, #tpu.memory_space<vmem>> -> memref<1x80xi32, #tpu.memory_space<vmem>>
        %dma_wait3A_715 = tpu.memref_squeeze %dma_wait3A_714 : memref<1x80xi32, #tpu.memory_space<vmem>> -> memref<80xi32, #tpu.memory_space<vmem>>
        %dma_wait3A_716 = arith.constant 0 : i32
        %dma_wait3A_717 = arith.constant 0 : i32
        %dma_wait3A_718 = tpu.memref_slice %arg13[%dma_wait3A_716, %dma_wait3A_717] : memref<10000x144xf32, #tpu.memory_space<vmem_shared>> -> memref<10000x144xf32, #tpu.memory_space<vmem_shared>>
        tpu.wait_indirect_dma semaphore(%arg17 : memref<!tpu.dma_semaphore, #tpu.memory_space<semaphore_mem>>) src(%dma_wait3A_712 : memref<80x144xf32, #tpu.memory_space<vmem>>) dst(%dma_wait3A_718 : memref<10000x144xf32, #tpu.memory_space<vmem_shared>>)
      } else {
      }
      %dma_start3A_201 = arith.constant 1 : i32
      %dma_start3A_202 = arith.constant 1 : i32
      %dma_start3A_203 = arith.constant 0 : i32
      %dma_start3A_204 = arith.constant 0 : i32
      %dma_start3A_205 = tpu.memref_slice %arg9[%dma_start3A_202, %dma_start3A_203, %dma_start3A_204] : memref<2x80x144xf32, #tpu.memory_space<vmem>> -> memref<1x80x144xf32, #tpu.memory_space<vmem>>
      %dma_start3A_206 = tpu.memref_squeeze %dma_start3A_205 : memref<1x80x144xf32, #tpu.memory_space<vmem>> -> memref<80x144xf32, #tpu.memory_space<vmem>>
      %dma_start3A_207 = arith.constant 0 : i32
      %dma_start3A_208 = tpu.memref_slice %arg10[%dma_start3A_201, %dma_start3A_207] : memref<4x80xi32, #tpu.memory_space<vmem>> -> memref<1x80xi32, #tpu.memory_space<vmem>>
      %dma_start3A_209 = tpu.memref_squeeze %dma_start3A_208 : memref<1x80xi32, #tpu.memory_space<vmem>> -> memref<80xi32, #tpu.memory_space<vmem>>
      %dma_start3A_210 = arith.constant 0 : i32
      %dma_start3A_211 = arith.constant 0 : i32
      %dma_start3A_212 = tpu.memref_slice %arg2[%dma_start3A_210, %dma_start3A_211] : memref<10000x144xf32, #tpu.memory_space<hbm>> -> memref<10000x144xf32, #tpu.memory_space<hbm>>
      tpu.enqueue_indirect_dma source(%dma_start3A_212 : memref<10000x144xf32, #tpu.memory_space<hbm>>) target(%dma_start3A_206 : memref<80x144xf32, #tpu.memory_space<vmem>>) offsets(%dma_start3A_209 : memref<80xi32, #tpu.memory_space<vmem>>) semaphore(%arg15 : memref<!tpu.dma_semaphore, #tpu.memory_space<semaphore_mem>>)
      %dma_wait3A_213 = arith.constant 0 : i32
      %dma_wait3A_214 = arith.constant 0 : i32
      %dma_wait3A_215 = arith.constant 0 : i32
      %dma_wait3A_216 = arith.constant 0 : i32
      %dma_wait3A_217 = tpu.memref_slice %arg9[%dma_wait3A_214, %dma_wait3A_215, %dma_wait3A_216] : memref<2x80x144xf32, #tpu.memory_space<vmem>> -> memref<1x80x144xf32, #tpu.memory_space<vmem>>
      %dma_wait3A_218 = tpu.memref_squeeze %dma_wait3A_217 : memref<1x80x144xf32, #tpu.memory_space<vmem>> -> memref<80x144xf32, #tpu.memory_space<vmem>>
      %dma_wait3A_219 = arith.constant 0 : i32
      %dma_wait3A_220 = tpu.memref_slice %arg10[%dma_wait3A_213, %dma_wait3A_219] : memref<4x80xi32, #tpu.memory_space<vmem>> -> memref<1x80xi32, #tpu.memory_space<vmem>>
      %dma_wait3A_221 = tpu.memref_squeeze %dma_wait3A_220 : memref<1x80xi32, #tpu.memory_space<vmem>> -> memref<80xi32, #tpu.memory_space<vmem>>
      %dma_wait3A_222 = arith.constant 0 : i32
      %dma_wait3A_223 = arith.constant 0 : i32
      %dma_wait3A_224 = tpu.memref_slice %arg2[%dma_wait3A_222, %dma_wait3A_223] : memref<10000x144xf32, #tpu.memory_space<hbm>> -> memref<10000x144xf32, #tpu.memory_space<hbm>>
      tpu.wait_indirect_dma semaphore(%arg14 : memref<!tpu.dma_semaphore, #tpu.memory_space<semaphore_mem>>) src(%dma_wait3A_224 : memref<10000x144xf32, #tpu.memory_space<hbm>>) dst(%dma_wait3A_218 : memref<80x144xf32, #tpu.memory_space<vmem>>)
      %parallel_loop3A_225 = arith.constant 0 : i32
      %parallel_loop3A_226 = arith.constant 80 : i32
      %parallel_loop3A_227 = arith.constant 1 : i32
      scf.for %parallel_loop3A_707 = %parallel_loop3A_225 to %parallel_loop3A_226 step %parallel_loop3A_227  : i32 {
        %parallel_loop3A_708 = vector.broadcast %parallel_loop3A_707 : i32 to vector<16xi32>
        %parallel_loop3A_709 = arith.constant 0 : i32
        %parallel_loop3A_710 = arith.constant 0 : i32
        %parallel_loop3A_711 = tpu.memref_slice %arg12[%parallel_loop3A_709, %parallel_loop3A_710] : memref<4x80xf32, #tpu.memory_space<vmem>> -> memref<1x80xf32, #tpu.memory_space<vmem>>
        %parallel_loop3A_712 = tpu.memref_squeeze %parallel_loop3A_711 : memref<1x80xf32, #tpu.memory_space<vmem>> -> memref<80xf32, #tpu.memory_space<vmem>>
        %parallel_loop3A_713 = tpu.vector_load_idx %parallel_loop3A_712[%parallel_loop3A_708] : memref<80xf32, #tpu.memory_space<vmem>>[vector<16xi32>], vector<16xf32>,
        %parallel_loop3A_714 = arith.constant 0 : i32
        %parallel_loop3A_715 = arith.index_cast %parallel_loop3A_714 : i32 to index
        %parallel_loop3A_716 = arith.index_cast %parallel_loop3A_707 : i32 to index
        %parallel_loop3A_717 = arith.constant 0 : index
        %parallel_loop3A_718 = tpu.vector_load %arg9[%parallel_loop3A_715, %parallel_loop3A_716, %parallel_loop3A_717] {strides = array<i32>} : memref<2x80x144xf32, #tpu.memory_space<vmem>>, vector<16xf32>,
        %parallel_loop3A_719 = arith.mulf %parallel_loop3A_718, %parallel_loop3A_713 : vector<16xf32>
        %parallel_loop3A_720 = arith.constant 0 : i32
        %parallel_loop3A_721 = arith.index_cast %parallel_loop3A_720 : i32 to index
        %parallel_loop3A_722 = arith.index_cast %parallel_loop3A_707 : i32 to index
        %parallel_loop3A_723 = arith.constant 0 : index
        %parallel_loop3A_724 = tpu.vector_load %arg9[%parallel_loop3A_721, %parallel_loop3A_722, %parallel_loop3A_723] {strides = array<i32>} : memref<2x80x144xf32, #tpu.memory_space<vmem>>, vector<16xf32>,
        tpu.vector_store %arg9[%parallel_loop3A_721, %parallel_loop3A_722, %parallel_loop3A_723], %parallel_loop3A_719 {strides = array<i32>} : memref<2x80x144xf32, #tpu.memory_space<vmem>>, vector<16xf32>,
        %parallel_loop3A_725 = arith.constant 0 : i32
        %parallel_loop3A_726 = arith.index_cast %parallel_loop3A_725 : i32 to index
        %parallel_loop3A_727 = arith.index_cast %parallel_loop3A_707 : i32 to index
        %parallel_loop3A_728 = arith.constant 16 : index
        %parallel_loop3A_729 = tpu.vector_load %arg9[%parallel_loop3A_726, %parallel_loop3A_727, %parallel_loop3A_728] {strides = array<i32>} : memref<2x80x144xf32, #tpu.memory_space<vmem>>, vector<16xf32>,
        %parallel_loop3A_730 = arith.mulf %parallel_loop3A_729, %parallel_loop3A_713 : vector<16xf32>
        %parallel_loop3A_731 = arith.constant 0 : i32
        %parallel_loop3A_732 = arith.index_cast %parallel_loop3A_731 : i32 to index
        %parallel_loop3A_733 = arith.index_cast %parallel_loop3A_707 : i32 to index
        %parallel_loop3A_734 = arith.constant 16 : index
        %parallel_loop3A_735 = tpu.vector_load %arg9[%parallel_loop3A_732, %parallel_loop3A_733, %parallel_loop3A_734] {strides = array<i32>} : memref<2x80x144xf32, #tpu.memory_space<vmem>>, vector<16xf32>,
        tpu.vector_store %arg9[%parallel_loop3A_732, %parallel_loop3A_733, %parallel_loop3A_734], %parallel_loop3A_730 {strides = array<i32>} : memref<2x80x144xf32, #tpu.memory_space<vmem>>, vector<16xf32>,
        %parallel_loop3A_736 = arith.constant 0 : i32
        %parallel_loop3A_737 = arith.index_cast %parallel_loop3A_736 : i32 to index
        %parallel_loop3A_738 = arith.index_cast %parallel_loop3A_707 : i32 to index
        %parallel_loop3A_739 = arith.constant 32 : index
        %parallel_loop3A_740 = tpu.vector_load %arg9[%parallel_loop3A_737, %parallel_loop3A_738, %parallel_loop3A_739] {strides = array<i32>} : memref<2x80x144xf32, #tpu.memory_space<vmem>>, vector<16xf32>,
        %parallel_loop3A_741 = arith.mulf %parallel_loop3A_740, %parallel_loop3A_713 : vector<16xf32>
        %parallel_loop3A_742 = arith.constant 0 : i32
        %parallel_loop3A_743 = arith.index_cast %parallel_loop3A_742 : i32 to index
        %parallel_loop3A_744 = arith.index_cast %parallel_loop3A_707 : i32 to index
        %parallel_loop3A_745 = arith.constant 32 : index
        %parallel_loop3A_746 = tpu.vector_load %arg9[%parallel_loop3A_743, %parallel_loop3A_744, %parallel_loop3A_745] {strides = array<i32>} : memref<2x80x144xf32, #tpu.memory_space<vmem>>, vector<16xf32>,
        tpu.vector_store %arg9[%parallel_loop3A_743, %parallel_loop3A_744, %parallel_loop3A_745], %parallel_loop3A_741 {strides = array<i32>} : memref<2x80x144xf32, #tpu.memory_space<vmem>>, vector<16xf32>,
        %parallel_loop3A_747 = arith.constant 0 : i32
        %parallel_loop3A_748 = arith.index_cast %parallel_loop3A_747 : i32 to index
        %parallel_loop3A_749 = arith.index_cast %parallel_loop3A_707 : i32 to index
        %parallel_loop3A_750 = arith.constant 48 : index
        %parallel_loop3A_751 = tpu.vector_load %arg9[%parallel_loop3A_748, %parallel_loop3A_749, %parallel_loop3A_750] {strides = array<i32>} : memref<2x80x144xf32, #tpu.memory_space<vmem>>, vector<16xf32>,
        %parallel_loop3A_752 = arith.mulf %parallel_loop3A_751, %parallel_loop3A_713 : vector<16xf32>
        %parallel_loop3A_753 = arith.constant 0 : i32
        %parallel_loop3A_754 = arith.index_cast %parallel_loop3A_753 : i32 to index
        %parallel_loop3A_755 = arith.index_cast %parallel_loop3A_707 : i32 to index
        %parallel_loop3A_756 = arith.constant 48 : index
        %parallel_loop3A_757 = tpu.vector_load %arg9[%parallel_loop3A_754, %parallel_loop3A_755, %parallel_loop3A_756] {strides = array<i32>} : memref<2x80x144xf32, #tpu.memory_space<vmem>>, vector<16xf32>,
        tpu.vector_store %arg9[%parallel_loop3A_754, %parallel_loop3A_755, %parallel_loop3A_756], %parallel_loop3A_752 {strides = array<i32>} : memref<2x80x144xf32, #tpu.memory_space<vmem>>, vector<16xf32>,
        %parallel_loop3A_758 = arith.constant 0 : i32
        %parallel_loop3A_759 = arith.index_cast %parallel_loop3A_758 : i32 to index
        %parallel_loop3A_760 = arith.index_cast %parallel_loop3A_707 : i32 to index
        %parallel_loop3A_761 = arith.constant 64 : index
        %parallel_loop3A_762 = tpu.vector_load %arg9[%parallel_loop3A_759, %parallel_loop3A_760, %parallel_loop3A_761] {strides = array<i32>} : memref<2x80x144xf32, #tpu.memory_space<vmem>>, vector<16xf32>,
        %parallel_loop3A_763 = arith.mulf %parallel_loop3A_762, %parallel_loop3A_713 : vector<16xf32>
        %parallel_loop3A_764 = arith.constant 0 : i32
        %parallel_loop3A_765 = arith.index_cast %parallel_loop3A_764 : i32 to index
        %parallel_loop3A_766 = arith.index_cast %parallel_loop3A_707 : i32 to index
        %parallel_loop3A_767 = arith.constant 64 : index
        %parallel_loop3A_768 = tpu.vector_load %arg9[%parallel_loop3A_765, %parallel_loop3A_766, %parallel_loop3A_767] {strides = array<i32>} : memref<2x80x144xf32, #tpu.memory_space<vmem>>, vector<16xf32>,
        tpu.vector_store %arg9[%parallel_loop3A_765, %parallel_loop3A_766, %parallel_loop3A_767], %parallel_loop3A_763 {strides = array<i32>} : memref<2x80x144xf32, #tpu.memory_space<vmem>>, vector<16xf32>,
        %parallel_loop3A_769 = arith.constant 0 : i32
        %parallel_loop3A_770 = arith.index_cast %parallel_loop3A_769 : i32 to index
        %parallel_loop3A_771 = arith.index_cast %parallel_loop3A_707 : i32 to index
        %parallel_loop3A_772 = arith.constant 80 : index
        %parallel_loop3A_773 = tpu.vector_load %arg9[%parallel_loop3A_770, %parallel_loop3A_771, %parallel_loop3A_772] {strides = array<i32>} : memref<2x80x144xf32, #tpu.memory_space<vmem>>, vector<16xf32>,
        %parallel_loop3A_774 = arith.mulf %parallel_loop3A_773, %parallel_loop3A_713 : vector<16xf32>
        %parallel_loop3A_775 = arith.constant 0 : i32
        %parallel_loop3A_776 = arith.index_cast %parallel_loop3A_775 : i32 to index
        %parallel_loop3A_777 = arith.index_cast %parallel_loop3A_707 : i32 to index
        %parallel_loop3A_778 = arith.constant 80 : index
        %parallel_loop3A_779 = tpu.vector_load %arg9[%parallel_loop3A_776, %parallel_loop3A_777, %parallel_loop3A_778] {strides = array<i32>} : memref<2x80x144xf32, #tpu.memory_space<vmem>>, vector<16xf32>,
        tpu.vector_store %arg9[%parallel_loop3A_776, %parallel_loop3A_777, %parallel_loop3A_778], %parallel_loop3A_774 {strides = array<i32>} : memref<2x80x144xf32, #tpu.memory_space<vmem>>, vector<16xf32>,
        %parallel_loop3A_780 = arith.constant 0 : i32
        %parallel_loop3A_781 = arith.index_cast %parallel_loop3A_780 : i32 to index
        %parallel_loop3A_782 = arith.index_cast %parallel_loop3A_707 : i32 to index
        %parallel_loop3A_783 = arith.constant 96 : index
        %parallel_loop3A_784 = tpu.vector_load %arg9[%parallel_loop3A_781, %parallel_loop3A_782, %parallel_loop3A_783] {strides = array<i32>} : memref<2x80x144xf32, #tpu.memory_space<vmem>>, vector<16xf32>,
        %parallel_loop3A_785 = arith.mulf %parallel_loop3A_784, %parallel_loop3A_713 : vector<16xf32>
        %parallel_loop3A_786 = arith.constant 0 : i32
        %parallel_loop3A_787 = arith.index_cast %parallel_loop3A_786 : i32 to index
        %parallel_loop3A_788 = arith.index_cast %parallel_loop3A_707 : i32 to index
        %parallel_loop3A_789 = arith.constant 96 : index
        %parallel_loop3A_790 = tpu.vector_load %arg9[%parallel_loop3A_787, %parallel_loop3A_788, %parallel_loop3A_789] {strides = array<i32>} : memref<2x80x144xf32, #tpu.memory_space<vmem>>, vector<16xf32>,
        tpu.vector_store %arg9[%parallel_loop3A_787, %parallel_loop3A_788, %parallel_loop3A_789], %parallel_loop3A_785 {strides = array<i32>} : memref<2x80x144xf32, #tpu.memory_space<vmem>>, vector<16xf32>,
        %parallel_loop3A_791 = arith.constant 0 : i32
        %parallel_loop3A_792 = arith.index_cast %parallel_loop3A_791 : i32 to index
        %parallel_loop3A_793 = arith.index_cast %parallel_loop3A_707 : i32 to index
        %parallel_loop3A_794 = arith.constant 112 : index
        %parallel_loop3A_795 = tpu.vector_load %arg9[%parallel_loop3A_792, %parallel_loop3A_793, %parallel_loop3A_794] {strides = array<i32>} : memref<2x80x144xf32, #tpu.memory_space<vmem>>, vector<16xf32>,
        %parallel_loop3A_796 = arith.mulf %parallel_loop3A_795, %parallel_loop3A_713 : vector<16xf32>
        %parallel_loop3A_797 = arith.constant 0 : i32
        %parallel_loop3A_798 = arith.index_cast %parallel_loop3A_797 : i32 to index
        %parallel_loop3A_799 = arith.index_cast %parallel_loop3A_707 : i32 to index
        %parallel_loop3A_800 = arith.constant 112 : index
        %parallel_loop3A_801 = tpu.vector_load %arg9[%parallel_loop3A_798, %parallel_loop3A_799, %parallel_loop3A_800] {strides = array<i32>} : memref<2x80x144xf32, #tpu.memory_space<vmem>>, vector<16xf32>,
        tpu.vector_store %arg9[%parallel_loop3A_798, %parallel_loop3A_799, %parallel_loop3A_800], %parallel_loop3A_796 {strides = array<i32>} : memref<2x80x144xf32, #tpu.memory_space<vmem>>, vector<16xf32>,
        %parallel_loop3A_802 = arith.constant 0 : i32
        %parallel_loop3A_803 = arith.index_cast %parallel_loop3A_802 : i32 to index
        %parallel_loop3A_804 = arith.index_cast %parallel_loop3A_707 : i32 to index
        %parallel_loop3A_805 = arith.constant 128 : index
        %parallel_loop3A_806 = tpu.vector_load %arg9[%parallel_loop3A_803, %parallel_loop3A_804, %parallel_loop3A_805] {strides = array<i32>} : memref<2x80x144xf32, #tpu.memory_space<vmem>>, vector<16xf32>,
        %parallel_loop3A_807 = arith.mulf %parallel_loop3A_806, %parallel_loop3A_713 : vector<16xf32>
        %parallel_loop3A_808 = arith.constant 0 : i32
        %parallel_loop3A_809 = arith.index_cast %parallel_loop3A_808 : i32 to index
        %parallel_loop3A_810 = arith.index_cast %parallel_loop3A_707 : i32 to index
        %parallel_loop3A_811 = arith.constant 128 : index
        %parallel_loop3A_812 = tpu.vector_load %arg9[%parallel_loop3A_809, %parallel_loop3A_810, %parallel_loop3A_811] {strides = array<i32>} : memref<2x80x144xf32, #tpu.memory_space<vmem>>, vector<16xf32>,
        tpu.vector_store %arg9[%parallel_loop3A_809, %parallel_loop3A_810, %parallel_loop3A_811], %parallel_loop3A_807 {strides = array<i32>} : memref<2x80x144xf32, #tpu.memory_space<vmem>>, vector<16xf32>,
      } {sc.loop_unroll_factor = 4 : i64, sc.parallel_access}
      %dma_start3A_228 = arith.constant 0 : i32
      %dma_start3A_229 = arith.constant 0 : i32
      %dma_start3A_230 = arith.constant 0 : i32
      %dma_start3A_231 = arith.constant 0 : i32
      %dma_start3A_232 = tpu.memref_slice %arg9[%dma_start3A_228, %dma_start3A_230, %dma_start3A_231] : memref<2x80x144xf32, #tpu.memory_space<vmem>> -> memref<1x80x144xf32, #tpu.memory_space<vmem>>
      %dma_start3A_233 = tpu.memref_squeeze %dma_start3A_232 : memref<1x80x144xf32, #tpu.memory_space<vmem>> -> memref<80x144xf32, #tpu.memory_space<vmem>>
      %dma_start3A_234 = arith.constant 0 : i32
      %dma_start3A_235 = tpu.memref_slice %arg11[%dma_start3A_229, %dma_start3A_234] : memref<4x80xi32, #tpu.memory_space<vmem>> -> memref<1x80xi32, #tpu.memory_space<vmem>>
      %dma_start3A_236 = tpu.memref_squeeze %dma_start3A_235 : memref<1x80xi32, #tpu.memory_space<vmem>> -> memref<80xi32, #tpu.memory_space<vmem>>
      %dma_start3A_237 = arith.constant 0 : i32
      %dma_start3A_238 = arith.constant 0 : i32
      %dma_start3A_239 = tpu.memref_slice %arg13[%dma_start3A_237, %dma_start3A_238] : memref<10000x144xf32, #tpu.memory_space<vmem_shared>> -> memref<10000x144xf32, #tpu.memory_space<vmem_shared>>
      tpu.enqueue_indirect_dma source(%dma_start3A_233 : memref<80x144xf32, #tpu.memory_space<vmem>>) target(%dma_start3A_239 : memref<10000x144xf32, #tpu.memory_space<vmem_shared>>) offsets(%dma_start3A_236 : memref<80xi32, #tpu.memory_space<vmem>>) semaphore(%arg16 : memref<!tpu.dma_semaphore, #tpu.memory_space<semaphore_mem>>) {add = true}
      %add3A_240 = arith.constant 2 : i32
      %add3A_241 = arith.addi %add3A_154, %add3A_240 : i32
      %ge3A_242 = arith.constant 125 : i32
      %ge3A_243 = arith.cmpi sge, %add3A_241, %ge3A_242 : i32
      %sub3A = arith.constant 125 : i32
      %sub3A_244 = arith.subi %add3A_241, %sub3A : i32
      %select_n3A = arith.select %ge3A_243, %sub3A_244, %add3A_241 : i32
      %dma_start3A_245 = arith.constant 2 : i32
      %dma_start3A_246 = arith.constant 0 : i32
      %dma_start3A_247 = tpu.memref_slice %arg10[%dma_start3A_245, %dma_start3A_246] : memref<4x80xi32, #tpu.memory_space<vmem>> -> memref<1x80xi32, #tpu.memory_space<vmem>>
      %dma_start3A_248 = tpu.memref_squeeze %dma_start3A_247 : memref<1x80xi32, #tpu.memory_space<vmem>> -> memref<80xi32, #tpu.memory_space<vmem>>
      %dma_start3A_249 = arith.constant 0 : i32
      %dma_start3A_250 = tpu.memref_slice %arg3[%add3A, %select_n3A, %dma_start3A_249] : memref<32x125x80xi32, #tpu.memory_space<hbm>> -> memref<1x1x80xi32, #tpu.memory_space<hbm>>
      %dma_start3A_251 = tpu.memref_squeeze %dma_start3A_250 : memref<1x1x80xi32, #tpu.memory_space<hbm>> -> memref<80xi32, #tpu.memory_space<hbm>>
      %dma_start3A_252 = arith.constant 0 : i32
      %dma_start3A_253 = tpu.memref_slice %arg10[%dma_start3A_245, %dma_start3A_252] : memref<4x80xi32, #tpu.memory_space<vmem>> -> memref<1x80xi32, #tpu.memory_space<vmem>>
      %dma_start3A_254 = tpu.memref_squeeze %dma_start3A_253 : memref<1x80xi32, #tpu.memory_space<vmem>> -> memref<80xi32, #tpu.memory_space<vmem>>
      %dma_start3A_255 = arith.constant 0 : i32
      %dma_start3A_256 = tpu.memref_slice %arg3[%add3A, %select_n3A, %dma_start3A_255] : memref<32x125x80xi32, #tpu.memory_space<hbm>> -> memref<1x1x80xi32, #tpu.memory_space<hbm>>
      %dma_start3A_257 = tpu.memref_squeeze %dma_start3A_256 : memref<1x1x80xi32, #tpu.memory_space<hbm>> -> memref<80xi32, #tpu.memory_space<hbm>>
      tpu.enqueue_dma source(%dma_start3A_257 : memref<80xi32, #tpu.memory_space<hbm>>) target(%dma_start3A_254 : memref<80xi32, #tpu.memory_space<vmem>>) target_semaphore(%arg18 : memref<!tpu.dma_semaphore, #tpu.memory_space<semaphore_mem>>)
      %dma_start3A_258 = arith.constant 2 : i32
      %dma_start3A_259 = arith.constant 0 : i32
      %dma_start3A_260 = tpu.memref_slice %arg11[%dma_start3A_258, %dma_start3A_259] : memref<4x80xi32, #tpu.memory_space<vmem>> -> memref<1x80xi32, #tpu.memory_space<vmem>>
      %dma_start3A_261 = tpu.memref_squeeze %dma_start3A_260 : memref<1x80xi32, #tpu.memory_space<vmem>> -> memref<80xi32, #tpu.memory_space<vmem>>
      %dma_start3A_262 = arith.constant 0 : i32
      %dma_start3A_263 = tpu.memref_slice %arg4[%add3A, %select_n3A, %dma_start3A_262] : memref<32x125x80xi32, #tpu.memory_space<hbm>> -> memref<1x1x80xi32, #tpu.memory_space<hbm>>
      %dma_start3A_264 = tpu.memref_squeeze %dma_start3A_263 : memref<1x1x80xi32, #tpu.memory_space<hbm>> -> memref<80xi32, #tpu.memory_space<hbm>>
      %dma_start3A_265 = arith.constant 0 : i32
      %dma_start3A_266 = tpu.memref_slice %arg11[%dma_start3A_258, %dma_start3A_265] : memref<4x80xi32, #tpu.memory_space<vmem>> -> memref<1x80xi32, #tpu.memory_space<vmem>>
      %dma_start3A_267 = tpu.memref_squeeze %dma_start3A_266 : memref<1x80xi32, #tpu.memory_space<vmem>> -> memref<80xi32, #tpu.memory_space<vmem>>
      %dma_start3A_268 = arith.constant 0 : i32
      %dma_start3A_269 = tpu.memref_slice %arg4[%add3A, %select_n3A, %dma_start3A_268] : memref<32x125x80xi32, #tpu.memory_space<hbm>> -> memref<1x1x80xi32, #tpu.memory_space<hbm>>
      %dma_start3A_270 = tpu.memref_squeeze %dma_start3A_269 : memref<1x1x80xi32, #tpu.memory_space<hbm>> -> memref<80xi32, #tpu.memory_space<hbm>>
      tpu.enqueue_dma source(%dma_start3A_270 : memref<80xi32, #tpu.memory_space<hbm>>) target(%dma_start3A_267 : memref<80xi32, #tpu.memory_space<vmem>>) target_semaphore(%arg18 : memref<!tpu.dma_semaphore, #tpu.memory_space<semaphore_mem>>)
      %dma_start3A_271 = arith.constant 2 : i32
      %dma_start3A_272 = arith.constant 0 : i32
      %dma_start3A_273 = tpu.memref_slice %arg12[%dma_start3A_271, %dma_start3A_272] : memref<4x80xf32, #tpu.memory_space<vmem>> -> memref<1x80xf32, #tpu.memory_space<vmem>>
      %dma_start3A_274 = tpu.memref_squeeze %dma_start3A_273 : memref<1x80xf32, #tpu.memory_space<vmem>> -> memref<80xf32, #tpu.memory_space<vmem>>
      %dma_start3A_275 = arith.constant 0 : i32
      %dma_start3A_276 = tpu.memref_slice %arg5[%add3A, %select_n3A, %dma_start3A_275] : memref<32x125x80xf32, #tpu.memory_space<hbm>> -> memref<1x1x80xf32, #tpu.memory_space<hbm>>
      %dma_start3A_277 = tpu.memref_squeeze %dma_start3A_276 : memref<1x1x80xf32, #tpu.memory_space<hbm>> -> memref<80xf32, #tpu.memory_space<hbm>>
      %dma_start3A_278 = arith.constant 0 : i32
      %dma_start3A_279 = tpu.memref_slice %arg12[%dma_start3A_271, %dma_start3A_278] : memref<4x80xf32, #tpu.memory_space<vmem>> -> memref<1x80xf32, #tpu.memory_space<vmem>>
      %dma_start3A_280 = tpu.memref_squeeze %dma_start3A_279 : memref<1x80xf32, #tpu.memory_space<vmem>> -> memref<80xf32, #tpu.memory_space<vmem>>
      %dma_start3A_281 = arith.constant 0 : i32
      %dma_start3A_282 = tpu.memref_slice %arg5[%add3A, %select_n3A, %dma_start3A_281] : memref<32x125x80xf32, #tpu.memory_space<hbm>> -> memref<1x1x80xf32, #tpu.memory_space<hbm>>
      %dma_start3A_283 = tpu.memref_squeeze %dma_start3A_282 : memref<1x1x80xf32, #tpu.memory_space<hbm>> -> memref<80xf32, #tpu.memory_space<hbm>>
      tpu.enqueue_dma source(%dma_start3A_283 : memref<80xf32, #tpu.memory_space<hbm>>) target(%dma_start3A_280 : memref<80xf32, #tpu.memory_space<vmem>>) target_semaphore(%arg18 : memref<!tpu.dma_semaphore, #tpu.memory_space<semaphore_mem>>)
      %add3A_284 = arith.constant 1 : i32
      %add3A_285 = arith.addi %add3A_154, %add3A_284 : i32
      %dma_wait3A_286 = arith.constant 0 : i32
      %dma_wait3A_287 = arith.constant 2 : i32
      %dma_wait3A_288 = arith.constant 0 : i32
      %dma_wait3A_289 = tpu.memref_slice %arg10[%dma_wait3A_287, %dma_wait3A_288] : memref<4x80xi32, #tpu.memory_space<vmem>> -> memref<1x80xi32, #tpu.memory_space<vmem>>
      %dma_wait3A_290 = tpu.memref_squeeze %dma_wait3A_289 : memref<1x80xi32, #tpu.memory_space<vmem>> -> memref<80xi32, #tpu.memory_space<vmem>>
      %dma_wait3A_291 = arith.constant 0 : i32
      %dma_wait3A_292 = tpu.memref_slice %arg3[%add3A, %dma_wait3A_286, %dma_wait3A_291] : memref<32x125x80xi32, #tpu.memory_space<hbm>> -> memref<1x1x80xi32, #tpu.memory_space<hbm>>
      %dma_wait3A_293 = tpu.memref_squeeze %dma_wait3A_292 : memref<1x1x80xi32, #tpu.memory_space<hbm>> -> memref<80xi32, #tpu.memory_space<hbm>>
      %dma_wait3A_294 = arith.constant 0 : i32
      %dma_wait3A_295 = tpu.memref_slice %arg10[%dma_wait3A_287, %dma_wait3A_294] : memref<4x80xi32, #tpu.memory_space<vmem>> -> memref<1x80xi32, #tpu.memory_space<vmem>>
      %dma_wait3A_296 = tpu.memref_squeeze %dma_wait3A_295 : memref<1x80xi32, #tpu.memory_space<vmem>> -> memref<80xi32, #tpu.memory_space<vmem>>
      %dma_wait3A_297 = arith.constant 0 : i32
      %dma_wait3A_298 = tpu.memref_slice %arg3[%add3A, %dma_wait3A_286, %dma_wait3A_297] : memref<32x125x80xi32, #tpu.memory_space<hbm>> -> memref<1x1x80xi32, #tpu.memory_space<hbm>>
      %dma_wait3A_299 = tpu.memref_squeeze %dma_wait3A_298 : memref<1x1x80xi32, #tpu.memory_space<hbm>> -> memref<80xi32, #tpu.memory_space<hbm>>
      tpu.wait_dma2 semaphore(%arg18 : memref<!tpu.dma_semaphore, #tpu.memory_space<semaphore_mem>>) src(%dma_wait3A_299 : memref<80xi32, #tpu.memory_space<hbm>>) dst(%dma_wait3A_296 : memref<80xi32, #tpu.memory_space<vmem>>)
      %dma_wait3A_300 = arith.constant 0 : i32
      %dma_wait3A_301 = arith.constant 2 : i32
      %dma_wait3A_302 = arith.constant 0 : i32
      %dma_wait3A_303 = tpu.memref_slice %arg11[%dma_wait3A_301, %dma_wait3A_302] : memref<4x80xi32, #tpu.memory_space<vmem>> -> memref<1x80xi32, #tpu.memory_space<vmem>>
      %dma_wait3A_304 = tpu.memref_squeeze %dma_wait3A_303 : memref<1x80xi32, #tpu.memory_space<vmem>> -> memref<80xi32, #tpu.memory_space<vmem>>
      %dma_wait3A_305 = arith.constant 0 : i32
      %dma_wait3A_306 = tpu.memref_slice %arg4[%add3A, %dma_wait3A_300, %dma_wait3A_305] : memref<32x125x80xi32, #tpu.memory_space<hbm>> -> memref<1x1x80xi32, #tpu.memory_space<hbm>>
      %dma_wait3A_307 = tpu.memref_squeeze %dma_wait3A_306 : memref<1x1x80xi32, #tpu.memory_space<hbm>> -> memref<80xi32, #tpu.memory_space<hbm>>
      %dma_wait3A_308 = arith.constant 0 : i32
      %dma_wait3A_309 = tpu.memref_slice %arg11[%dma_wait3A_301, %dma_wait3A_308] : memref<4x80xi32, #tpu.memory_space<vmem>> -> memref<1x80xi32, #tpu.memory_space<vmem>>
      %dma_wait3A_310 = tpu.memref_squeeze %dma_wait3A_309 : memref<1x80xi32, #tpu.memory_space<vmem>> -> memref<80xi32, #tpu.memory_space<vmem>>
      %dma_wait3A_311 = arith.constant 0 : i32
      %dma_wait3A_312 = tpu.memref_slice %arg4[%add3A, %dma_wait3A_300, %dma_wait3A_311] : memref<32x125x80xi32, #tpu.memory_space<hbm>> -> memref<1x1x80xi32, #tpu.memory_space<hbm>>
      %dma_wait3A_313 = tpu.memref_squeeze %dma_wait3A_312 : memref<1x1x80xi32, #tpu.memory_space<hbm>> -> memref<80xi32, #tpu.memory_space<hbm>>
      tpu.wait_dma2 semaphore(%arg18 : memref<!tpu.dma_semaphore, #tpu.memory_space<semaphore_mem>>) src(%dma_wait3A_313 : memref<80xi32, #tpu.memory_space<hbm>>) dst(%dma_wait3A_310 : memref<80xi32, #tpu.memory_space<vmem>>)
      %dma_wait3A_314 = arith.constant 0 : i32
      %dma_wait3A_315 = arith.constant 2 : i32
      %dma_wait3A_316 = arith.constant 0 : i32
      %dma_wait3A_317 = tpu.memref_slice %arg12[%dma_wait3A_315, %dma_wait3A_316] : memref<4x80xf32, #tpu.memory_space<vmem>> -> memref<1x80xf32, #tpu.memory_space<vmem>>
      %dma_wait3A_318 = tpu.memref_squeeze %dma_wait3A_317 : memref<1x80xf32, #tpu.memory_space<vmem>> -> memref<80xf32, #tpu.memory_space<vmem>>
      %dma_wait3A_319 = arith.constant 0 : i32
      %dma_wait3A_320 = tpu.memref_slice %arg5[%add3A, %dma_wait3A_314, %dma_wait3A_319] : memref<32x125x80xf32, #tpu.memory_space<hbm>> -> memref<1x1x80xf32, #tpu.memory_space<hbm>>
      %dma_wait3A_321 = tpu.memref_squeeze %dma_wait3A_320 : memref<1x1x80xf32, #tpu.memory_space<hbm>> -> memref<80xf32, #tpu.memory_space<hbm>>
      %dma_wait3A_322 = arith.constant 0 : i32
      %dma_wait3A_323 = tpu.memref_slice %arg12[%dma_wait3A_315, %dma_wait3A_322] : memref<4x80xf32, #tpu.memory_space<vmem>> -> memref<1x80xf32, #tpu.memory_space<vmem>>
      %dma_wait3A_324 = tpu.memref_squeeze %dma_wait3A_323 : memref<1x80xf32, #tpu.memory_space<vmem>> -> memref<80xf32, #tpu.memory_space<vmem>>
      %dma_wait3A_325 = arith.constant 0 : i32
      %dma_wait3A_326 = tpu.memref_slice %arg5[%add3A, %dma_wait3A_314, %dma_wait3A_325] : memref<32x125x80xf32, #tpu.memory_space<hbm>> -> memref<1x1x80xf32, #tpu.memory_space<hbm>>
      %dma_wait3A_327 = tpu.memref_squeeze %dma_wait3A_326 : memref<1x1x80xf32, #tpu.memory_space<hbm>> -> memref<80xf32, #tpu.memory_space<hbm>>
      tpu.wait_dma2 semaphore(%arg18 : memref<!tpu.dma_semaphore, #tpu.memory_space<semaphore_mem>>) src(%dma_wait3A_327 : memref<80xf32, #tpu.memory_space<hbm>>) dst(%dma_wait3A_324 : memref<80xf32, #tpu.memory_space<vmem>>)
      %dma_wait3A_328 = arith.constant 0 : i32
      %dma_wait3A_329 = arith.constant 2 : i32
      %dma_wait3A_330 = arith.constant 0 : i32
      %dma_wait3A_331 = arith.constant 0 : i32
      %dma_wait3A_332 = tpu.memref_slice %arg9[%dma_wait3A_328, %dma_wait3A_330, %dma_wait3A_331] : memref<2x80x144xf32, #tpu.memory_space<vmem>> -> memref<1x80x144xf32, #tpu.memory_space<vmem>>
      %dma_wait3A_333 = tpu.memref_squeeze %dma_wait3A_332 : memref<1x80x144xf32, #tpu.memory_space<vmem>> -> memref<80x144xf32, #tpu.memory_space<vmem>>
      %dma_wait3A_334 = arith.constant 0 : i32
      %dma_wait3A_335 = tpu.memref_slice %arg11[%dma_wait3A_329, %dma_wait3A_334] : memref<4x80xi32, #tpu.memory_space<vmem>> -> memref<1x80xi32, #tpu.memory_space<vmem>>
      %dma_wait3A_336 = tpu.memref_squeeze %dma_wait3A_335 : memref<1x80xi32, #tpu.memory_space<vmem>> -> memref<80xi32, #tpu.memory_space<vmem>>
      %dma_wait3A_337 = arith.constant 0 : i32
      %dma_wait3A_338 = arith.constant 0 : i32
      %dma_wait3A_339 = tpu.memref_slice %arg13[%dma_wait3A_337, %dma_wait3A_338] : memref<10000x144xf32, #tpu.memory_space<vmem_shared>> -> memref<10000x144xf32, #tpu.memory_space<vmem_shared>>
      tpu.wait_indirect_dma semaphore(%arg16 : memref<!tpu.dma_semaphore, #tpu.memory_space<semaphore_mem>>) src(%dma_wait3A_333 : memref<80x144xf32, #tpu.memory_space<vmem>>) dst(%dma_wait3A_339 : memref<10000x144xf32, #tpu.memory_space<vmem_shared>>)
      %dma_start3A_340 = arith.constant 2 : i32
      %dma_start3A_341 = arith.constant 0 : i32
      %dma_start3A_342 = arith.constant 0 : i32
      %dma_start3A_343 = arith.constant 0 : i32
      %dma_start3A_344 = tpu.memref_slice %arg9[%dma_start3A_341, %dma_start3A_342, %dma_start3A_343] : memref<2x80x144xf32, #tpu.memory_space<vmem>> -> memref<1x80x144xf32, #tpu.memory_space<vmem>>
      %dma_start3A_345 = tpu.memref_squeeze %dma_start3A_344 : memref<1x80x144xf32, #tpu.memory_space<vmem>> -> memref<80x144xf32, #tpu.memory_space<vmem>>
      %dma_start3A_346 = arith.constant 0 : i32
      %dma_start3A_347 = tpu.memref_slice %arg10[%dma_start3A_340, %dma_start3A_346] : memref<4x80xi32, #tpu.memory_space<vmem>> -> memref<1x80xi32, #tpu.memory_space<vmem>>
      %dma_start3A_348 = tpu.memref_squeeze %dma_start3A_347 : memref<1x80xi32, #tpu.memory_space<vmem>> -> memref<80xi32, #tpu.memory_space<vmem>>
      %dma_start3A_349 = arith.constant 0 : i32
      %dma_start3A_350 = arith.constant 0 : i32
      %dma_start3A_351 = tpu.memref_slice %arg2[%dma_start3A_349, %dma_start3A_350] : memref<10000x144xf32, #tpu.memory_space<hbm>> -> memref<10000x144xf32, #tpu.memory_space<hbm>>
      tpu.enqueue_indirect_dma source(%dma_start3A_351 : memref<10000x144xf32, #tpu.memory_space<hbm>>) target(%dma_start3A_345 : memref<80x144xf32, #tpu.memory_space<vmem>>) offsets(%dma_start3A_348 : memref<80xi32, #tpu.memory_space<vmem>>) semaphore(%arg14 : memref<!tpu.dma_semaphore, #tpu.memory_space<semaphore_mem>>)
      %dma_wait3A_352 = arith.constant 1 : i32
      %dma_wait3A_353 = arith.constant 1 : i32
      %dma_wait3A_354 = arith.constant 0 : i32
      %dma_wait3A_355 = arith.constant 0 : i32
      %dma_wait3A_356 = tpu.memref_slice %arg9[%dma_wait3A_353, %dma_wait3A_354, %dma_wait3A_355] : memref<2x80x144xf32, #tpu.memory_space<vmem>> -> memref<1x80x144xf32, #tpu.memory_space<vmem>>
      %dma_wait3A_357 = tpu.memref_squeeze %dma_wait3A_356 : memref<1x80x144xf32, #tpu.memory_space<vmem>> -> memref<80x144xf32, #tpu.memory_space<vmem>>
      %dma_wait3A_358 = arith.constant 0 : i32
      %dma_wait3A_359 = tpu.memref_slice %arg10[%dma_wait3A_352, %dma_wait3A_358] : memref<4x80xi32, #tpu.memory_space<vmem>> -> memref<1x80xi32, #tpu.memory_space<vmem>>
      %dma_wait3A_360 = tpu.memref_squeeze %dma_wait3A_359 : memref<1x80xi32, #tpu.memory_space<vmem>> -> memref<80xi32, #tpu.memory_space<vmem>>
      %dma_wait3A_361 = arith.constant 0 : i32
      %dma_wait3A_362 = arith.constant 0 : i32
      %dma_wait3A_363 = tpu.memref_slice %arg2[%dma_wait3A_361, %dma_wait3A_362] : memref<10000x144xf32, #tpu.memory_space<hbm>> -> memref<10000x144xf32, #tpu.memory_space<hbm>>
      tpu.wait_indirect_dma semaphore(%arg15 : memref<!tpu.dma_semaphore, #tpu.memory_space<semaphore_mem>>) src(%dma_wait3A_363 : memref<10000x144xf32, #tpu.memory_space<hbm>>) dst(%dma_wait3A_357 : memref<80x144xf32, #tpu.memory_space<vmem>>)
      %parallel_loop3A_364 = arith.constant 0 : i32
      %parallel_loop3A_365 = arith.constant 80 : i32
      %parallel_loop3A_366 = arith.constant 1 : i32
      scf.for %parallel_loop3A_707 = %parallel_loop3A_364 to %parallel_loop3A_365 step %parallel_loop3A_366  : i32 {
        %parallel_loop3A_708 = vector.broadcast %parallel_loop3A_707 : i32 to vector<16xi32>
        %parallel_loop3A_709 = arith.constant 1 : i32
        %parallel_loop3A_710 = arith.constant 0 : i32
        %parallel_loop3A_711 = tpu.memref_slice %arg12[%parallel_loop3A_709, %parallel_loop3A_710] : memref<4x80xf32, #tpu.memory_space<vmem>> -> memref<1x80xf32, #tpu.memory_space<vmem>>
        %parallel_loop3A_712 = tpu.memref_squeeze %parallel_loop3A_711 : memref<1x80xf32, #tpu.memory_space<vmem>> -> memref<80xf32, #tpu.memory_space<vmem>>
        %parallel_loop3A_713 = tpu.vector_load_idx %parallel_loop3A_712[%parallel_loop3A_708] : memref<80xf32, #tpu.memory_space<vmem>>[vector<16xi32>], vector<16xf32>,
        %parallel_loop3A_714 = arith.constant 1 : i32
        %parallel_loop3A_715 = arith.index_cast %parallel_loop3A_714 : i32 to index
        %parallel_loop3A_716 = arith.index_cast %parallel_loop3A_707 : i32 to index
        %parallel_loop3A_717 = arith.constant 0 : index
        %parallel_loop3A_718 = tpu.vector_load %arg9[%parallel_loop3A_715, %parallel_loop3A_716, %parallel_loop3A_717] {strides = array<i32>} : memref<2x80x144xf32, #tpu.memory_space<vmem>>, vector<16xf32>,
        %parallel_loop3A_719 = arith.mulf %parallel_loop3A_718, %parallel_loop3A_713 : vector<16xf32>
        %parallel_loop3A_720 = arith.constant 1 : i32
        %parallel_loop3A_721 = arith.index_cast %parallel_loop3A_720 : i32 to index
        %parallel_loop3A_722 = arith.index_cast %parallel_loop3A_707 : i32 to index
        %parallel_loop3A_723 = arith.constant 0 : index
        %parallel_loop3A_724 = tpu.vector_load %arg9[%parallel_loop3A_721, %parallel_loop3A_722, %parallel_loop3A_723] {strides = array<i32>} : memref<2x80x144xf32, #tpu.memory_space<vmem>>, vector<16xf32>,
        tpu.vector_store %arg9[%parallel_loop3A_721, %parallel_loop3A_722, %parallel_loop3A_723], %parallel_loop3A_719 {strides = array<i32>} : memref<2x80x144xf32, #tpu.memory_space<vmem>>, vector<16xf32>,
        %parallel_loop3A_725 = arith.constant 1 : i32
        %parallel_loop3A_726 = arith.index_cast %parallel_loop3A_725 : i32 to index
        %parallel_loop3A_727 = arith.index_cast %parallel_loop3A_707 : i32 to index
        %parallel_loop3A_728 = arith.constant 16 : index
        %parallel_loop3A_729 = tpu.vector_load %arg9[%parallel_loop3A_726, %parallel_loop3A_727, %parallel_loop3A_728] {strides = array<i32>} : memref<2x80x144xf32, #tpu.memory_space<vmem>>, vector<16xf32>,
        %parallel_loop3A_730 = arith.mulf %parallel_loop3A_729, %parallel_loop3A_713 : vector<16xf32>
        %parallel_loop3A_731 = arith.constant 1 : i32
        %parallel_loop3A_732 = arith.index_cast %parallel_loop3A_731 : i32 to index
        %parallel_loop3A_733 = arith.index_cast %parallel_loop3A_707 : i32 to index
        %parallel_loop3A_734 = arith.constant 16 : index
        %parallel_loop3A_735 = tpu.vector_load %arg9[%parallel_loop3A_732, %parallel_loop3A_733, %parallel_loop3A_734] {strides = array<i32>} : memref<2x80x144xf32, #tpu.memory_space<vmem>>, vector<16xf32>,
        tpu.vector_store %arg9[%parallel_loop3A_732, %parallel_loop3A_733, %parallel_loop3A_734], %parallel_loop3A_730 {strides = array<i32>} : memref<2x80x144xf32, #tpu.memory_space<vmem>>, vector<16xf32>,
        %parallel_loop3A_736 = arith.constant 1 : i32
        %parallel_loop3A_737 = arith.index_cast %parallel_loop3A_736 : i32 to index
        %parallel_loop3A_738 = arith.index_cast %parallel_loop3A_707 : i32 to index
        %parallel_loop3A_739 = arith.constant 32 : index
        %parallel_loop3A_740 = tpu.vector_load %arg9[%parallel_loop3A_737, %parallel_loop3A_738, %parallel_loop3A_739] {strides = array<i32>} : memref<2x80x144xf32, #tpu.memory_space<vmem>>, vector<16xf32>,
        %parallel_loop3A_741 = arith.mulf %parallel_loop3A_740, %parallel_loop3A_713 : vector<16xf32>
        %parallel_loop3A_742 = arith.constant 1 : i32
        %parallel_loop3A_743 = arith.index_cast %parallel_loop3A_742 : i32 to index
        %parallel_loop3A_744 = arith.index_cast %parallel_loop3A_707 : i32 to index
        %parallel_loop3A_745 = arith.constant 32 : index
        %parallel_loop3A_746 = tpu.vector_load %arg9[%parallel_loop3A_743, %parallel_loop3A_744, %parallel_loop3A_745] {strides = array<i32>} : memref<2x80x144xf32, #tpu.memory_space<vmem>>, vector<16xf32>,
        tpu.vector_store %arg9[%parallel_loop3A_743, %parallel_loop3A_744, %parallel_loop3A_745], %parallel_loop3A_741 {strides = array<i32>} : memref<2x80x144xf32, #tpu.memory_space<vmem>>, vector<16xf32>,
        %parallel_loop3A_747 = arith.constant 1 : i32
        %parallel_loop3A_748 = arith.index_cast %parallel_loop3A_747 : i32 to index
        %parallel_loop3A_749 = arith.index_cast %parallel_loop3A_707 : i32 to index
        %parallel_loop3A_750 = arith.constant 48 : index
        %parallel_loop3A_751 = tpu.vector_load %arg9[%parallel_loop3A_748, %parallel_loop3A_749, %parallel_loop3A_750] {strides = array<i32>} : memref<2x80x144xf32, #tpu.memory_space<vmem>>, vector<16xf32>,
        %parallel_loop3A_752 = arith.mulf %parallel_loop3A_751, %parallel_loop3A_713 : vector<16xf32>
        %parallel_loop3A_753 = arith.constant 1 : i32
        %parallel_loop3A_754 = arith.index_cast %parallel_loop3A_753 : i32 to index
        %parallel_loop3A_755 = arith.index_cast %parallel_loop3A_707 : i32 to index
        %parallel_loop3A_756 = arith.constant 48 : index
        %parallel_loop3A_757 = tpu.vector_load %arg9[%parallel_loop3A_754, %parallel_loop3A_755, %parallel_loop3A_756] {strides = array<i32>} : memref<2x80x144xf32, #tpu.memory_space<vmem>>, vector<16xf32>,
        tpu.vector_store %arg9[%parallel_loop3A_754, %parallel_loop3A_755, %parallel_loop3A_756], %parallel_loop3A_752 {strides = array<i32>} : memref<2x80x144xf32, #tpu.memory_space<vmem>>, vector<16xf32>,
        %parallel_loop3A_758 = arith.constant 1 : i32
        %parallel_loop3A_759 = arith.index_cast %parallel_loop3A_758 : i32 to index
        %parallel_loop3A_760 = arith.index_cast %parallel_loop3A_707 : i32 to index
        %parallel_loop3A_761 = arith.constant 64 : index
        %parallel_loop3A_762 = tpu.vector_load %arg9[%parallel_loop3A_759, %parallel_loop3A_760, %parallel_loop3A_761] {strides = array<i32>} : memref<2x80x144xf32, #tpu.memory_space<vmem>>, vector<16xf32>,
        %parallel_loop3A_763 = arith.mulf %parallel_loop3A_762, %parallel_loop3A_713 : vector<16xf32>
        %parallel_loop3A_764 = arith.constant 1 : i32
        %parallel_loop3A_765 = arith.index_cast %parallel_loop3A_764 : i32 to index
        %parallel_loop3A_766 = arith.index_cast %parallel_loop3A_707 : i32 to index
        %parallel_loop3A_767 = arith.constant 64 : index
        %parallel_loop3A_768 = tpu.vector_load %arg9[%parallel_loop3A_765, %parallel_loop3A_766, %parallel_loop3A_767] {strides = array<i32>} : memref<2x80x144xf32, #tpu.memory_space<vmem>>, vector<16xf32>,
        tpu.vector_store %arg9[%parallel_loop3A_765, %parallel_loop3A_766, %parallel_loop3A_767], %parallel_loop3A_763 {strides = array<i32>} : memref<2x80x144xf32, #tpu.memory_space<vmem>>, vector<16xf32>,
        %parallel_loop3A_769 = arith.constant 1 : i32
        %parallel_loop3A_770 = arith.index_cast %parallel_loop3A_769 : i32 to index
        %parallel_loop3A_771 = arith.index_cast %parallel_loop3A_707 : i32 to index
        %parallel_loop3A_772 = arith.constant 80 : index
        %parallel_loop3A_773 = tpu.vector_load %arg9[%parallel_loop3A_770, %parallel_loop3A_771, %parallel_loop3A_772] {strides = array<i32>} : memref<2x80x144xf32, #tpu.memory_space<vmem>>, vector<16xf32>,
        %parallel_loop3A_774 = arith.mulf %parallel_loop3A_773, %parallel_loop3A_713 : vector<16xf32>
        %parallel_loop3A_775 = arith.constant 1 : i32
        %parallel_loop3A_776 = arith.index_cast %parallel_loop3A_775 : i32 to index
        %parallel_loop3A_777 = arith.index_cast %parallel_loop3A_707 : i32 to index
        %parallel_loop3A_778 = arith.constant 80 : index
        %parallel_loop3A_779 = tpu.vector_load %arg9[%parallel_loop3A_776, %parallel_loop3A_777, %parallel_loop3A_778] {strides = array<i32>} : memref<2x80x144xf32, #tpu.memory_space<vmem>>, vector<16xf32>,
        tpu.vector_store %arg9[%parallel_loop3A_776, %parallel_loop3A_777, %parallel_loop3A_778], %parallel_loop3A_774 {strides = array<i32>} : memref<2x80x144xf32, #tpu.memory_space<vmem>>, vector<16xf32>,
        %parallel_loop3A_780 = arith.constant 1 : i32
        %parallel_loop3A_781 = arith.index_cast %parallel_loop3A_780 : i32 to index
        %parallel_loop3A_782 = arith.index_cast %parallel_loop3A_707 : i32 to index
        %parallel_loop3A_783 = arith.constant 96 : index
        %parallel_loop3A_784 = tpu.vector_load %arg9[%parallel_loop3A_781, %parallel_loop3A_782, %parallel_loop3A_783] {strides = array<i32>} : memref<2x80x144xf32, #tpu.memory_space<vmem>>, vector<16xf32>,
        %parallel_loop3A_785 = arith.mulf %parallel_loop3A_784, %parallel_loop3A_713 : vector<16xf32>
        %parallel_loop3A_786 = arith.constant 1 : i32
        %parallel_loop3A_787 = arith.index_cast %parallel_loop3A_786 : i32 to index
        %parallel_loop3A_788 = arith.index_cast %parallel_loop3A_707 : i32 to index
        %parallel_loop3A_789 = arith.constant 96 : index
        %parallel_loop3A_790 = tpu.vector_load %arg9[%parallel_loop3A_787, %parallel_loop3A_788, %parallel_loop3A_789] {strides = array<i32>} : memref<2x80x144xf32, #tpu.memory_space<vmem>>, vector<16xf32>,
        tpu.vector_store %arg9[%parallel_loop3A_787, %parallel_loop3A_788, %parallel_loop3A_789], %parallel_loop3A_785 {strides = array<i32>} : memref<2x80x144xf32, #tpu.memory_space<vmem>>, vector<16xf32>,
        %parallel_loop3A_791 = arith.constant 1 : i32
        %parallel_loop3A_792 = arith.index_cast %parallel_loop3A_791 : i32 to index
        %parallel_loop3A_793 = arith.index_cast %parallel_loop3A_707 : i32 to index
        %parallel_loop3A_794 = arith.constant 112 : index
        %parallel_loop3A_795 = tpu.vector_load %arg9[%parallel_loop3A_792, %parallel_loop3A_793, %parallel_loop3A_794] {strides = array<i32>} : memref<2x80x144xf32, #tpu.memory_space<vmem>>, vector<16xf32>,
        %parallel_loop3A_796 = arith.mulf %parallel_loop3A_795, %parallel_loop3A_713 : vector<16xf32>
        %parallel_loop3A_797 = arith.constant 1 : i32
        %parallel_loop3A_798 = arith.index_cast %parallel_loop3A_797 : i32 to index
        %parallel_loop3A_799 = arith.index_cast %parallel_loop3A_707 : i32 to index
        %parallel_loop3A_800 = arith.constant 112 : index
        %parallel_loop3A_801 = tpu.vector_load %arg9[%parallel_loop3A_798, %parallel_loop3A_799, %parallel_loop3A_800] {strides = array<i32>} : memref<2x80x144xf32, #tpu.memory_space<vmem>>, vector<16xf32>,
        tpu.vector_store %arg9[%parallel_loop3A_798, %parallel_loop3A_799, %parallel_loop3A_800], %parallel_loop3A_796 {strides = array<i32>} : memref<2x80x144xf32, #tpu.memory_space<vmem>>, vector<16xf32>,
        %parallel_loop3A_802 = arith.constant 1 : i32
        %parallel_loop3A_803 = arith.index_cast %parallel_loop3A_802 : i32 to index
        %parallel_loop3A_804 = arith.index_cast %parallel_loop3A_707 : i32 to index
        %parallel_loop3A_805 = arith.constant 128 : index
        %parallel_loop3A_806 = tpu.vector_load %arg9[%parallel_loop3A_803, %parallel_loop3A_804, %parallel_loop3A_805] {strides = array<i32>} : memref<2x80x144xf32, #tpu.memory_space<vmem>>, vector<16xf32>,
        %parallel_loop3A_807 = arith.mulf %parallel_loop3A_806, %parallel_loop3A_713 : vector<16xf32>
        %parallel_loop3A_808 = arith.constant 1 : i32
        %parallel_loop3A_809 = arith.index_cast %parallel_loop3A_808 : i32 to index
        %parallel_loop3A_810 = arith.index_cast %parallel_loop3A_707 : i32 to index
        %parallel_loop3A_811 = arith.constant 128 : index
        %parallel_loop3A_812 = tpu.vector_load %arg9[%parallel_loop3A_809, %parallel_loop3A_810, %parallel_loop3A_811] {strides = array<i32>} : memref<2x80x144xf32, #tpu.memory_space<vmem>>, vector<16xf32>,
        tpu.vector_store %arg9[%parallel_loop3A_809, %parallel_loop3A_810, %parallel_loop3A_811], %parallel_loop3A_807 {strides = array<i32>} : memref<2x80x144xf32, #tpu.memory_space<vmem>>, vector<16xf32>,
      } {sc.loop_unroll_factor = 4 : i64, sc.parallel_access}
      %dma_start3A_367 = arith.constant 1 : i32
      %dma_start3A_368 = arith.constant 1 : i32
      %dma_start3A_369 = arith.constant 0 : i32
      %dma_start3A_370 = arith.constant 0 : i32
      %dma_start3A_371 = tpu.memref_slice %arg9[%dma_start3A_367, %dma_start3A_369, %dma_start3A_370] : memref<2x80x144xf32, #tpu.memory_space<vmem>> -> memref<1x80x144xf32, #tpu.memory_space<vmem>>
      %dma_start3A_372 = tpu.memref_squeeze %dma_start3A_371 : memref<1x80x144xf32, #tpu.memory_space<vmem>> -> memref<80x144xf32, #tpu.memory_space<vmem>>
      %dma_start3A_373 = arith.constant 0 : i32
      %dma_start3A_374 = tpu.memref_slice %arg11[%dma_start3A_368, %dma_start3A_373] : memref<4x80xi32, #tpu.memory_space<vmem>> -> memref<1x80xi32, #tpu.memory_space<vmem>>
      %dma_start3A_375 = tpu.memref_squeeze %dma_start3A_374 : memref<1x80xi32, #tpu.memory_space<vmem>> -> memref<80xi32, #tpu.memory_space<vmem>>
      %dma_start3A_376 = arith.constant 0 : i32
      %dma_start3A_377 = arith.constant 0 : i32
      %dma_start3A_378 = tpu.memref_slice %arg13[%dma_start3A_376, %dma_start3A_377] : memref<10000x144xf32, #tpu.memory_space<vmem_shared>> -> memref<10000x144xf32, #tpu.memory_space<vmem_shared>>
      tpu.enqueue_indirect_dma source(%dma_start3A_372 : memref<80x144xf32, #tpu.memory_space<vmem>>) target(%dma_start3A_378 : memref<10000x144xf32, #tpu.memory_space<vmem_shared>>) offsets(%dma_start3A_375 : memref<80xi32, #tpu.memory_space<vmem>>) semaphore(%arg17 : memref<!tpu.dma_semaphore, #tpu.memory_space<semaphore_mem>>) {add = true}
      %add3A_379 = arith.constant 2 : i32
      %add3A_380 = arith.addi %add3A_285, %add3A_379 : i32
      %ge3A_381 = arith.constant 125 : i32
      %ge3A_382 = arith.cmpi sge, %add3A_380, %ge3A_381 : i32
      %sub3A_383 = arith.constant 125 : i32
      %sub3A_384 = arith.subi %add3A_380, %sub3A_383 : i32
      %select_n3A_385 = arith.select %ge3A_382, %sub3A_384, %add3A_380 : i32
      %dma_start3A_386 = arith.constant 3 : i32
      %dma_start3A_387 = arith.constant 0 : i32
      %dma_start3A_388 = tpu.memref_slice %arg10[%dma_start3A_386, %dma_start3A_387] : memref<4x80xi32, #tpu.memory_space<vmem>> -> memref<1x80xi32, #tpu.memory_space<vmem>>
      %dma_start3A_389 = tpu.memref_squeeze %dma_start3A_388 : memref<1x80xi32, #tpu.memory_space<vmem>> -> memref<80xi32, #tpu.memory_space<vmem>>
      %dma_start3A_390 = arith.constant 0 : i32
      %dma_start3A_391 = tpu.memref_slice %arg3[%add3A, %select_n3A_385, %dma_start3A_390] : memref<32x125x80xi32, #tpu.memory_space<hbm>> -> memref<1x1x80xi32, #tpu.memory_space<hbm>>
      %dma_start3A_392 = tpu.memref_squeeze %dma_start3A_391 : memref<1x1x80xi32, #tpu.memory_space<hbm>> -> memref<80xi32, #tpu.memory_space<hbm>>
      %dma_start3A_393 = arith.constant 0 : i32
      %dma_start3A_394 = tpu.memref_slice %arg10[%dma_start3A_386, %dma_start3A_393] : memref<4x80xi32, #tpu.memory_space<vmem>> -> memref<1x80xi32, #tpu.memory_space<vmem>>
      %dma_start3A_395 = tpu.memref_squeeze %dma_start3A_394 : memref<1x80xi32, #tpu.memory_space<vmem>> -> memref<80xi32, #tpu.memory_space<vmem>>
      %dma_start3A_396 = arith.constant 0 : i32
      %dma_start3A_397 = tpu.memref_slice %arg3[%add3A, %select_n3A_385, %dma_start3A_396] : memref<32x125x80xi32, #tpu.memory_space<hbm>> -> memref<1x1x80xi32, #tpu.memory_space<hbm>>
      %dma_start3A_398 = tpu.memref_squeeze %dma_start3A_397 : memref<1x1x80xi32, #tpu.memory_space<hbm>> -> memref<80xi32, #tpu.memory_space<hbm>>
      tpu.enqueue_dma source(%dma_start3A_398 : memref<80xi32, #tpu.memory_space<hbm>>) target(%dma_start3A_395 : memref<80xi32, #tpu.memory_space<vmem>>) target_semaphore(%arg18 : memref<!tpu.dma_semaphore, #tpu.memory_space<semaphore_mem>>)
      %dma_start3A_399 = arith.constant 3 : i32
      %dma_start3A_400 = arith.constant 0 : i32
      %dma_start3A_401 = tpu.memref_slice %arg11[%dma_start3A_399, %dma_start3A_400] : memref<4x80xi32, #tpu.memory_space<vmem>> -> memref<1x80xi32, #tpu.memory_space<vmem>>
      %dma_start3A_402 = tpu.memref_squeeze %dma_start3A_401 : memref<1x80xi32, #tpu.memory_space<vmem>> -> memref<80xi32, #tpu.memory_space<vmem>>
      %dma_start3A_403 = arith.constant 0 : i32
      %dma_start3A_404 = tpu.memref_slice %arg4[%add3A, %select_n3A_385, %dma_start3A_403] : memref<32x125x80xi32, #tpu.memory_space<hbm>> -> memref<1x1x80xi32, #tpu.memory_space<hbm>>
      %dma_start3A_405 = tpu.memref_squeeze %dma_start3A_404 : memref<1x1x80xi32, #tpu.memory_space<hbm>> -> memref<80xi32, #tpu.memory_space<hbm>>
      %dma_start3A_406 = arith.constant 0 : i32
      %dma_start3A_407 = tpu.memref_slice %arg11[%dma_start3A_399, %dma_start3A_406] : memref<4x80xi32, #tpu.memory_space<vmem>> -> memref<1x80xi32, #tpu.memory_space<vmem>>
      %dma_start3A_408 = tpu.memref_squeeze %dma_start3A_407 : memref<1x80xi32, #tpu.memory_space<vmem>> -> memref<80xi32, #tpu.memory_space<vmem>>
      %dma_start3A_409 = arith.constant 0 : i32
      %dma_start3A_410 = tpu.memref_slice %arg4[%add3A, %select_n3A_385, %dma_start3A_409] : memref<32x125x80xi32, #tpu.memory_space<hbm>> -> memref<1x1x80xi32, #tpu.memory_space<hbm>>
      %dma_start3A_411 = tpu.memref_squeeze %dma_start3A_410 : memref<1x1x80xi32, #tpu.memory_space<hbm>> -> memref<80xi32, #tpu.memory_space<hbm>>
      tpu.enqueue_dma source(%dma_start3A_411 : memref<80xi32, #tpu.memory_space<hbm>>) target(%dma_start3A_408 : memref<80xi32, #tpu.memory_space<vmem>>) target_semaphore(%arg18 : memref<!tpu.dma_semaphore, #tpu.memory_space<semaphore_mem>>)
      %dma_start3A_412 = arith.constant 3 : i32
      %dma_start3A_413 = arith.constant 0 : i32
      %dma_start3A_414 = tpu.memref_slice %arg12[%dma_start3A_412, %dma_start3A_413] : memref<4x80xf32, #tpu.memory_space<vmem>> -> memref<1x80xf32, #tpu.memory_space<vmem>>
      %dma_start3A_415 = tpu.memref_squeeze %dma_start3A_414 : memref<1x80xf32, #tpu.memory_space<vmem>> -> memref<80xf32, #tpu.memory_space<vmem>>
      %dma_start3A_416 = arith.constant 0 : i32
      %dma_start3A_417 = tpu.memref_slice %arg5[%add3A, %select_n3A_385, %dma_start3A_416] : memref<32x125x80xf32, #tpu.memory_space<hbm>> -> memref<1x1x80xf32, #tpu.memory_space<hbm>>
      %dma_start3A_418 = tpu.memref_squeeze %dma_start3A_417 : memref<1x1x80xf32, #tpu.memory_space<hbm>> -> memref<80xf32, #tpu.memory_space<hbm>>
      %dma_start3A_419 = arith.constant 0 : i32
      %dma_start3A_420 = tpu.memref_slice %arg12[%dma_start3A_412, %dma_start3A_419] : memref<4x80xf32, #tpu.memory_space<vmem>> -> memref<1x80xf32, #tpu.memory_space<vmem>>
      %dma_start3A_421 = tpu.memref_squeeze %dma_start3A_420 : memref<1x80xf32, #tpu.memory_space<vmem>> -> memref<80xf32, #tpu.memory_space<vmem>>
      %dma_start3A_422 = arith.constant 0 : i32
      %dma_start3A_423 = tpu.memref_slice %arg5[%add3A, %select_n3A_385, %dma_start3A_422] : memref<32x125x80xf32, #tpu.memory_space<hbm>> -> memref<1x1x80xf32, #tpu.memory_space<hbm>>
      %dma_start3A_424 = tpu.memref_squeeze %dma_start3A_423 : memref<1x1x80xf32, #tpu.memory_space<hbm>> -> memref<80xf32, #tpu.memory_space<hbm>>
      tpu.enqueue_dma source(%dma_start3A_424 : memref<80xf32, #tpu.memory_space<hbm>>) target(%dma_start3A_421 : memref<80xf32, #tpu.memory_space<vmem>>) target_semaphore(%arg18 : memref<!tpu.dma_semaphore, #tpu.memory_space<semaphore_mem>>)
      %add3A_425 = arith.constant 2 : i32
      %add3A_426 = arith.addi %add3A_154, %add3A_425 : i32
      %dma_wait3A_427 = arith.constant 0 : i32
      %dma_wait3A_428 = arith.constant 3 : i32
      %dma_wait3A_429 = arith.constant 0 : i32
      %dma_wait3A_430 = tpu.memref_slice %arg10[%dma_wait3A_428, %dma_wait3A_429] : memref<4x80xi32, #tpu.memory_space<vmem>> -> memref<1x80xi32, #tpu.memory_space<vmem>>
      %dma_wait3A_431 = tpu.memref_squeeze %dma_wait3A_430 : memref<1x80xi32, #tpu.memory_space<vmem>> -> memref<80xi32, #tpu.memory_space<vmem>>
      %dma_wait3A_432 = arith.constant 0 : i32
      %dma_wait3A_433 = tpu.memref_slice %arg3[%add3A, %dma_wait3A_427, %dma_wait3A_432] : memref<32x125x80xi32, #tpu.memory_space<hbm>> -> memref<1x1x80xi32, #tpu.memory_space<hbm>>
      %dma_wait3A_434 = tpu.memref_squeeze %dma_wait3A_433 : memref<1x1x80xi32, #tpu.memory_space<hbm>> -> memref<80xi32, #tpu.memory_space<hbm>>
      %dma_wait3A_435 = arith.constant 0 : i32
      %dma_wait3A_436 = tpu.memref_slice %arg10[%dma_wait3A_428, %dma_wait3A_435] : memref<4x80xi32, #tpu.memory_space<vmem>> -> memref<1x80xi32, #tpu.memory_space<vmem>>
      %dma_wait3A_437 = tpu.memref_squeeze %dma_wait3A_436 : memref<1x80xi32, #tpu.memory_space<vmem>> -> memref<80xi32, #tpu.memory_space<vmem>>
      %dma_wait3A_438 = arith.constant 0 : i32
      %dma_wait3A_439 = tpu.memref_slice %arg3[%add3A, %dma_wait3A_427, %dma_wait3A_438] : memref<32x125x80xi32, #tpu.memory_space<hbm>> -> memref<1x1x80xi32, #tpu.memory_space<hbm>>
      %dma_wait3A_440 = tpu.memref_squeeze %dma_wait3A_439 : memref<1x1x80xi32, #tpu.memory_space<hbm>> -> memref<80xi32, #tpu.memory_space<hbm>>
      tpu.wait_dma2 semaphore(%arg18 : memref<!tpu.dma_semaphore, #tpu.memory_space<semaphore_mem>>) src(%dma_wait3A_440 : memref<80xi32, #tpu.memory_space<hbm>>) dst(%dma_wait3A_437 : memref<80xi32, #tpu.memory_space<vmem>>)
      %dma_wait3A_441 = arith.constant 0 : i32
      %dma_wait3A_442 = arith.constant 3 : i32
      %dma_wait3A_443 = arith.constant 0 : i32
      %dma_wait3A_444 = tpu.memref_slice %arg11[%dma_wait3A_442, %dma_wait3A_443] : memref<4x80xi32, #tpu.memory_space<vmem>> -> memref<1x80xi32, #tpu.memory_space<vmem>>
      %dma_wait3A_445 = tpu.memref_squeeze %dma_wait3A_444 : memref<1x80xi32, #tpu.memory_space<vmem>> -> memref<80xi32, #tpu.memory_space<vmem>>
      %dma_wait3A_446 = arith.constant 0 : i32
      %dma_wait3A_447 = tpu.memref_slice %arg4[%add3A, %dma_wait3A_441, %dma_wait3A_446] : memref<32x125x80xi32, #tpu.memory_space<hbm>> -> memref<1x1x80xi32, #tpu.memory_space<hbm>>
      %dma_wait3A_448 = tpu.memref_squeeze %dma_wait3A_447 : memref<1x1x80xi32, #tpu.memory_space<hbm>> -> memref<80xi32, #tpu.memory_space<hbm>>
      %dma_wait3A_449 = arith.constant 0 : i32
      %dma_wait3A_450 = tpu.memref_slice %arg11[%dma_wait3A_442, %dma_wait3A_449] : memref<4x80xi32, #tpu.memory_space<vmem>> -> memref<1x80xi32, #tpu.memory_space<vmem>>
      %dma_wait3A_451 = tpu.memref_squeeze %dma_wait3A_450 : memref<1x80xi32, #tpu.memory_space<vmem>> -> memref<80xi32, #tpu.memory_space<vmem>>
      %dma_wait3A_452 = arith.constant 0 : i32
      %dma_wait3A_453 = tpu.memref_slice %arg4[%add3A, %dma_wait3A_441, %dma_wait3A_452] : memref<32x125x80xi32, #tpu.memory_space<hbm>> -> memref<1x1x80xi32, #tpu.memory_space<hbm>>
      %dma_wait3A_454 = tpu.memref_squeeze %dma_wait3A_453 : memref<1x1x80xi32, #tpu.memory_space<hbm>> -> memref<80xi32, #tpu.memory_space<hbm>>
      tpu.wait_dma2 semaphore(%arg18 : memref<!tpu.dma_semaphore, #tpu.memory_space<semaphore_mem>>) src(%dma_wait3A_454 : memref<80xi32, #tpu.memory_space<hbm>>) dst(%dma_wait3A_451 : memref<80xi32, #tpu.memory_space<vmem>>)
      %dma_wait3A_455 = arith.constant 0 : i32
      %dma_wait3A_456 = arith.constant 3 : i32
      %dma_wait3A_457 = arith.constant 0 : i32
      %dma_wait3A_458 = tpu.memref_slice %arg12[%dma_wait3A_456, %dma_wait3A_457] : memref<4x80xf32, #tpu.memory_space<vmem>> -> memref<1x80xf32, #tpu.memory_space<vmem>>
      %dma_wait3A_459 = tpu.memref_squeeze %dma_wait3A_458 : memref<1x80xf32, #tpu.memory_space<vmem>> -> memref<80xf32, #tpu.memory_space<vmem>>
      %dma_wait3A_460 = arith.constant 0 : i32
      %dma_wait3A_461 = tpu.memref_slice %arg5[%add3A, %dma_wait3A_455, %dma_wait3A_460] : memref<32x125x80xf32, #tpu.memory_space<hbm>> -> memref<1x1x80xf32, #tpu.memory_space<hbm>>
      %dma_wait3A_462 = tpu.memref_squeeze %dma_wait3A_461 : memref<1x1x80xf32, #tpu.memory_space<hbm>> -> memref<80xf32, #tpu.memory_space<hbm>>
      %dma_wait3A_463 = arith.constant 0 : i32
      %dma_wait3A_464 = tpu.memref_slice %arg12[%dma_wait3A_456, %dma_wait3A_463] : memref<4x80xf32, #tpu.memory_space<vmem>> -> memref<1x80xf32, #tpu.memory_space<vmem>>
      %dma_wait3A_465 = tpu.memref_squeeze %dma_wait3A_464 : memref<1x80xf32, #tpu.memory_space<vmem>> -> memref<80xf32, #tpu.memory_space<vmem>>
      %dma_wait3A_466 = arith.constant 0 : i32
      %dma_wait3A_467 = tpu.memref_slice %arg5[%add3A, %dma_wait3A_455, %dma_wait3A_466] : memref<32x125x80xf32, #tpu.memory_space<hbm>> -> memref<1x1x80xf32, #tpu.memory_space<hbm>>
      %dma_wait3A_468 = tpu.memref_squeeze %dma_wait3A_467 : memref<1x1x80xf32, #tpu.memory_space<hbm>> -> memref<80xf32, #tpu.memory_space<hbm>>
      tpu.wait_dma2 semaphore(%arg18 : memref<!tpu.dma_semaphore, #tpu.memory_space<semaphore_mem>>) src(%dma_wait3A_468 : memref<80xf32, #tpu.memory_space<hbm>>) dst(%dma_wait3A_465 : memref<80xf32, #tpu.memory_space<vmem>>)
      %dma_wait3A_469 = arith.constant 1 : i32
      %dma_wait3A_470 = arith.constant 3 : i32
      %dma_wait3A_471 = arith.constant 0 : i32
      %dma_wait3A_472 = arith.constant 0 : i32
      %dma_wait3A_473 = tpu.memref_slice %arg9[%dma_wait3A_469, %dma_wait3A_471, %dma_wait3A_472] : memref<2x80x144xf32, #tpu.memory_space<vmem>> -> memref<1x80x144xf32, #tpu.memory_space<vmem>>
      %dma_wait3A_474 = tpu.memref_squeeze %dma_wait3A_473 : memref<1x80x144xf32, #tpu.memory_space<vmem>> -> memref<80x144xf32, #tpu.memory_space<vmem>>
      %dma_wait3A_475 = arith.constant 0 : i32
      %dma_wait3A_476 = tpu.memref_slice %arg11[%dma_wait3A_470, %dma_wait3A_475] : memref<4x80xi32, #tpu.memory_space<vmem>> -> memref<1x80xi32, #tpu.memory_space<vmem>>
      %dma_wait3A_477 = tpu.memref_squeeze %dma_wait3A_476 : memref<1x80xi32, #tpu.memory_space<vmem>> -> memref<80xi32, #tpu.memory_space<vmem>>
      %dma_wait3A_478 = arith.constant 0 : i32
      %dma_wait3A_479 = arith.constant 0 : i32
      %dma_wait3A_480 = tpu.memref_slice %arg13[%dma_wait3A_478, %dma_wait3A_479] : memref<10000x144xf32, #tpu.memory_space<vmem_shared>> -> memref<10000x144xf32, #tpu.memory_space<vmem_shared>>
      tpu.wait_indirect_dma semaphore(%arg17 : memref<!tpu.dma_semaphore, #tpu.memory_space<semaphore_mem>>) src(%dma_wait3A_474 : memref<80x144xf32, #tpu.memory_space<vmem>>) dst(%dma_wait3A_480 : memref<10000x144xf32, #tpu.memory_space<vmem_shared>>)
      %dma_start3A_481 = arith.constant 3 : i32
      %dma_start3A_482 = arith.constant 1 : i32
      %dma_start3A_483 = arith.constant 0 : i32
      %dma_start3A_484 = arith.constant 0 : i32
      %dma_start3A_485 = tpu.memref_slice %arg9[%dma_start3A_482, %dma_start3A_483, %dma_start3A_484] : memref<2x80x144xf32, #tpu.memory_space<vmem>> -> memref<1x80x144xf32, #tpu.memory_space<vmem>>
      %dma_start3A_486 = tpu.memref_squeeze %dma_start3A_485 : memref<1x80x144xf32, #tpu.memory_space<vmem>> -> memref<80x144xf32, #tpu.memory_space<vmem>>
      %dma_start3A_487 = arith.constant 0 : i32
      %dma_start3A_488 = tpu.memref_slice %arg10[%dma_start3A_481, %dma_start3A_487] : memref<4x80xi32, #tpu.memory_space<vmem>> -> memref<1x80xi32, #tpu.memory_space<vmem>>
      %dma_start3A_489 = tpu.memref_squeeze %dma_start3A_488 : memref<1x80xi32, #tpu.memory_space<vmem>> -> memref<80xi32, #tpu.memory_space<vmem>>
      %dma_start3A_490 = arith.constant 0 : i32
      %dma_start3A_491 = arith.constant 0 : i32
      %dma_start3A_492 = tpu.memref_slice %arg2[%dma_start3A_490, %dma_start3A_491] : memref<10000x144xf32, #tpu.memory_space<hbm>> -> memref<10000x144xf32, #tpu.memory_space<hbm>>
      tpu.enqueue_indirect_dma source(%dma_start3A_492 : memref<10000x144xf32, #tpu.memory_space<hbm>>) target(%dma_start3A_486 : memref<80x144xf32, #tpu.memory_space<vmem>>) offsets(%dma_start3A_489 : memref<80xi32, #tpu.memory_space<vmem>>) semaphore(%arg15 : memref<!tpu.dma_semaphore, #tpu.memory_space<semaphore_mem>>)
      %dma_wait3A_493 = arith.constant 2 : i32
      %dma_wait3A_494 = arith.constant 0 : i32
      %dma_wait3A_495 = arith.constant 0 : i32
      %dma_wait3A_496 = arith.constant 0 : i32
      %dma_wait3A_497 = tpu.memref_slice %arg9[%dma_wait3A_494, %dma_wait3A_495, %dma_wait3A_496] : memref<2x80x144xf32, #tpu.memory_space<vmem>> -> memref<1x80x144xf32, #tpu.memory_space<vmem>>
      %dma_wait3A_498 = tpu.memref_squeeze %dma_wait3A_497 : memref<1x80x144xf32, #tpu.memory_space<vmem>> -> memref<80x144xf32, #tpu.memory_space<vmem>>
      %dma_wait3A_499 = arith.constant 0 : i32
      %dma_wait3A_500 = tpu.memref_slice %arg10[%dma_wait3A_493, %dma_wait3A_499] : memref<4x80xi32, #tpu.memory_space<vmem>> -> memref<1x80xi32, #tpu.memory_space<vmem>>
      %dma_wait3A_501 = tpu.memref_squeeze %dma_wait3A_500 : memref<1x80xi32, #tpu.memory_space<vmem>> -> memref<80xi32, #tpu.memory_space<vmem>>
      %dma_wait3A_502 = arith.constant 0 : i32
      %dma_wait3A_503 = arith.constant 0 : i32
      %dma_wait3A_504 = tpu.memref_slice %arg2[%dma_wait3A_502, %dma_wait3A_503] : memref<10000x144xf32, #tpu.memory_space<hbm>> -> memref<10000x144xf32, #tpu.memory_space<hbm>>
      tpu.wait_indirect_dma semaphore(%arg14 : memref<!tpu.dma_semaphore, #tpu.memory_space<semaphore_mem>>) src(%dma_wait3A_504 : memref<10000x144xf32, #tpu.memory_space<hbm>>) dst(%dma_wait3A_498 : memref<80x144xf32, #tpu.memory_space<vmem>>)
      %parallel_loop3A_505 = arith.constant 0 : i32
      %parallel_loop3A_506 = arith.constant 80 : i32
      %parallel_loop3A_507 = arith.constant 1 : i32
      scf.for %parallel_loop3A_707 = %parallel_loop3A_505 to %parallel_loop3A_506 step %parallel_loop3A_507  : i32 {
        %parallel_loop3A_708 = vector.broadcast %parallel_loop3A_707 : i32 to vector<16xi32>
        %parallel_loop3A_709 = arith.constant 2 : i32
        %parallel_loop3A_710 = arith.constant 0 : i32
        %parallel_loop3A_711 = tpu.memref_slice %arg12[%parallel_loop3A_709, %parallel_loop3A_710] : memref<4x80xf32, #tpu.memory_space<vmem>> -> memref<1x80xf32, #tpu.memory_space<vmem>>
        %parallel_loop3A_712 = tpu.memref_squeeze %parallel_loop3A_711 : memref<1x80xf32, #tpu.memory_space<vmem>> -> memref<80xf32, #tpu.memory_space<vmem>>
        %parallel_loop3A_713 = tpu.vector_load_idx %parallel_loop3A_712[%parallel_loop3A_708] : memref<80xf32, #tpu.memory_space<vmem>>[vector<16xi32>], vector<16xf32>,
        %parallel_loop3A_714 = arith.constant 0 : i32
        %parallel_loop3A_715 = arith.index_cast %parallel_loop3A_714 : i32 to index
        %parallel_loop3A_716 = arith.index_cast %parallel_loop3A_707 : i32 to index
        %parallel_loop3A_717 = arith.constant 0 : index
        %parallel_loop3A_718 = tpu.vector_load %arg9[%parallel_loop3A_715, %parallel_loop3A_716, %parallel_loop3A_717] {strides = array<i32>} : memref<2x80x144xf32, #tpu.memory_space<vmem>>, vector<16xf32>,
        %parallel_loop3A_719 = arith.mulf %parallel_loop3A_718, %parallel_loop3A_713 : vector<16xf32>
        %parallel_loop3A_720 = arith.constant 0 : i32
        %parallel_loop3A_721 = arith.index_cast %parallel_loop3A_720 : i32 to index
        %parallel_loop3A_722 = arith.index_cast %parallel_loop3A_707 : i32 to index
        %parallel_loop3A_723 = arith.constant 0 : index
        %parallel_loop3A_724 = tpu.vector_load %arg9[%parallel_loop3A_721, %parallel_loop3A_722, %parallel_loop3A_723] {strides = array<i32>} : memref<2x80x144xf32, #tpu.memory_space<vmem>>, vector<16xf32>,
        tpu.vector_store %arg9[%parallel_loop3A_721, %parallel_loop3A_722, %parallel_loop3A_723], %parallel_loop3A_719 {strides = array<i32>} : memref<2x80x144xf32, #tpu.memory_space<vmem>>, vector<16xf32>,
        %parallel_loop3A_725 = arith.constant 0 : i32
        %parallel_loop3A_726 = arith.index_cast %parallel_loop3A_725 : i32 to index
        %parallel_loop3A_727 = arith.index_cast %parallel_loop3A_707 : i32 to index
        %parallel_loop3A_728 = arith.constant 16 : index
        %parallel_loop3A_729 = tpu.vector_load %arg9[%parallel_loop3A_726, %parallel_loop3A_727, %parallel_loop3A_728] {strides = array<i32>} : memref<2x80x144xf32, #tpu.memory_space<vmem>>, vector<16xf32>,
        %parallel_loop3A_730 = arith.mulf %parallel_loop3A_729, %parallel_loop3A_713 : vector<16xf32>
        %parallel_loop3A_731 = arith.constant 0 : i32
        %parallel_loop3A_732 = arith.index_cast %parallel_loop3A_731 : i32 to index
        %parallel_loop3A_733 = arith.index_cast %parallel_loop3A_707 : i32 to index
        %parallel_loop3A_734 = arith.constant 16 : index
        %parallel_loop3A_735 = tpu.vector_load %arg9[%parallel_loop3A_732, %parallel_loop3A_733, %parallel_loop3A_734] {strides = array<i32>} : memref<2x80x144xf32, #tpu.memory_space<vmem>>, vector<16xf32>,
        tpu.vector_store %arg9[%parallel_loop3A_732, %parallel_loop3A_733, %parallel_loop3A_734], %parallel_loop3A_730 {strides = array<i32>} : memref<2x80x144xf32, #tpu.memory_space<vmem>>, vector<16xf32>,
        %parallel_loop3A_736 = arith.constant 0 : i32
        %parallel_loop3A_737 = arith.index_cast %parallel_loop3A_736 : i32 to index
        %parallel_loop3A_738 = arith.index_cast %parallel_loop3A_707 : i32 to index
        %parallel_loop3A_739 = arith.constant 32 : index
        %parallel_loop3A_740 = tpu.vector_load %arg9[%parallel_loop3A_737, %parallel_loop3A_738, %parallel_loop3A_739] {strides = array<i32>} : memref<2x80x144xf32, #tpu.memory_space<vmem>>, vector<16xf32>,
        %parallel_loop3A_741 = arith.mulf %parallel_loop3A_740, %parallel_loop3A_713 : vector<16xf32>
        %parallel_loop3A_742 = arith.constant 0 : i32
        %parallel_loop3A_743 = arith.index_cast %parallel_loop3A_742 : i32 to index
        %parallel_loop3A_744 = arith.index_cast %parallel_loop3A_707 : i32 to index
        %parallel_loop3A_745 = arith.constant 32 : index
        %parallel_loop3A_746 = tpu.vector_load %arg9[%parallel_loop3A_743, %parallel_loop3A_744, %parallel_loop3A_745] {strides = array<i32>} : memref<2x80x144xf32, #tpu.memory_space<vmem>>, vector<16xf32>,
        tpu.vector_store %arg9[%parallel_loop3A_743, %parallel_loop3A_744, %parallel_loop3A_745], %parallel_loop3A_741 {strides = array<i32>} : memref<2x80x144xf32, #tpu.memory_space<vmem>>, vector<16xf32>,
        %parallel_loop3A_747 = arith.constant 0 : i32
        %parallel_loop3A_748 = arith.index_cast %parallel_loop3A_747 : i32 to index
        %parallel_loop3A_749 = arith.index_cast %parallel_loop3A_707 : i32 to index
        %parallel_loop3A_750 = arith.constant 48 : index
        %parallel_loop3A_751 = tpu.vector_load %arg9[%parallel_loop3A_748, %parallel_loop3A_749, %parallel_loop3A_750] {strides = array<i32>} : memref<2x80x144xf32, #tpu.memory_space<vmem>>, vector<16xf32>,
        %parallel_loop3A_752 = arith.mulf %parallel_loop3A_751, %parallel_loop3A_713 : vector<16xf32>
        %parallel_loop3A_753 = arith.constant 0 : i32
        %parallel_loop3A_754 = arith.index_cast %parallel_loop3A_753 : i32 to index
        %parallel_loop3A_755 = arith.index_cast %parallel_loop3A_707 : i32 to index
        %parallel_loop3A_756 = arith.constant 48 : index
        %parallel_loop3A_757 = tpu.vector_load %arg9[%parallel_loop3A_754, %parallel_loop3A_755, %parallel_loop3A_756] {strides = array<i32>} : memref<2x80x144xf32, #tpu.memory_space<vmem>>, vector<16xf32>,
        tpu.vector_store %arg9[%parallel_loop3A_754, %parallel_loop3A_755, %parallel_loop3A_756], %parallel_loop3A_752 {strides = array<i32>} : memref<2x80x144xf32, #tpu.memory_space<vmem>>, vector<16xf32>,
        %parallel_loop3A_758 = arith.constant 0 : i32
        %parallel_loop3A_759 = arith.index_cast %parallel_loop3A_758 : i32 to index
        %parallel_loop3A_760 = arith.index_cast %parallel_loop3A_707 : i32 to index
        %parallel_loop3A_761 = arith.constant 64 : index
        %parallel_loop3A_762 = tpu.vector_load %arg9[%parallel_loop3A_759, %parallel_loop3A_760, %parallel_loop3A_761] {strides = array<i32>} : memref<2x80x144xf32, #tpu.memory_space<vmem>>, vector<16xf32>,
        %parallel_loop3A_763 = arith.mulf %parallel_loop3A_762, %parallel_loop3A_713 : vector<16xf32>
        %parallel_loop3A_764 = arith.constant 0 : i32
        %parallel_loop3A_765 = arith.index_cast %parallel_loop3A_764 : i32 to index
        %parallel_loop3A_766 = arith.index_cast %parallel_loop3A_707 : i32 to index
        %parallel_loop3A_767 = arith.constant 64 : index
        %parallel_loop3A_768 = tpu.vector_load %arg9[%parallel_loop3A_765, %parallel_loop3A_766, %parallel_loop3A_767] {strides = array<i32>} : memref<2x80x144xf32, #tpu.memory_space<vmem>>, vector<16xf32>,
        tpu.vector_store %arg9[%parallel_loop3A_765, %parallel_loop3A_766, %parallel_loop3A_767], %parallel_loop3A_763 {strides = array<i32>} : memref<2x80x144xf32, #tpu.memory_space<vmem>>, vector<16xf32>,
        %parallel_loop3A_769 = arith.constant 0 : i32
        %parallel_loop3A_770 = arith.index_cast %parallel_loop3A_769 : i32 to index
        %parallel_loop3A_771 = arith.index_cast %parallel_loop3A_707 : i32 to index
        %parallel_loop3A_772 = arith.constant 80 : index
        %parallel_loop3A_773 = tpu.vector_load %arg9[%parallel_loop3A_770, %parallel_loop3A_771, %parallel_loop3A_772] {strides = array<i32>} : memref<2x80x144xf32, #tpu.memory_space<vmem>>, vector<16xf32>,
        %parallel_loop3A_774 = arith.mulf %parallel_loop3A_773, %parallel_loop3A_713 : vector<16xf32>
        %parallel_loop3A_775 = arith.constant 0 : i32
        %parallel_loop3A_776 = arith.index_cast %parallel_loop3A_775 : i32 to index
        %parallel_loop3A_777 = arith.index_cast %parallel_loop3A_707 : i32 to index
        %parallel_loop3A_778 = arith.constant 80 : index
        %parallel_loop3A_779 = tpu.vector_load %arg9[%parallel_loop3A_776, %parallel_loop3A_777, %parallel_loop3A_778] {strides = array<i32>} : memref<2x80x144xf32, #tpu.memory_space<vmem>>, vector<16xf32>,
        tpu.vector_store %arg9[%parallel_loop3A_776, %parallel_loop3A_777, %parallel_loop3A_778], %parallel_loop3A_774 {strides = array<i32>} : memref<2x80x144xf32, #tpu.memory_space<vmem>>, vector<16xf32>,
        %parallel_loop3A_780 = arith.constant 0 : i32
        %parallel_loop3A_781 = arith.index_cast %parallel_loop3A_780 : i32 to index
        %parallel_loop3A_782 = arith.index_cast %parallel_loop3A_707 : i32 to index
        %parallel_loop3A_783 = arith.constant 96 : index
        %parallel_loop3A_784 = tpu.vector_load %arg9[%parallel_loop3A_781, %parallel_loop3A_782, %parallel_loop3A_783] {strides = array<i32>} : memref<2x80x144xf32, #tpu.memory_space<vmem>>, vector<16xf32>,
        %parallel_loop3A_785 = arith.mulf %parallel_loop3A_784, %parallel_loop3A_713 : vector<16xf32>
        %parallel_loop3A_786 = arith.constant 0 : i32
        %parallel_loop3A_787 = arith.index_cast %parallel_loop3A_786 : i32 to index
        %parallel_loop3A_788 = arith.index_cast %parallel_loop3A_707 : i32 to index
        %parallel_loop3A_789 = arith.constant 96 : index
        %parallel_loop3A_790 = tpu.vector_load %arg9[%parallel_loop3A_787, %parallel_loop3A_788, %parallel_loop3A_789] {strides = array<i32>} : memref<2x80x144xf32, #tpu.memory_space<vmem>>, vector<16xf32>,
        tpu.vector_store %arg9[%parallel_loop3A_787, %parallel_loop3A_788, %parallel_loop3A_789], %parallel_loop3A_785 {strides = array<i32>} : memref<2x80x144xf32, #tpu.memory_space<vmem>>, vector<16xf32>,
        %parallel_loop3A_791 = arith.constant 0 : i32
        %parallel_loop3A_792 = arith.index_cast %parallel_loop3A_791 : i32 to index
        %parallel_loop3A_793 = arith.index_cast %parallel_loop3A_707 : i32 to index
        %parallel_loop3A_794 = arith.constant 112 : index
        %parallel_loop3A_795 = tpu.vector_load %arg9[%parallel_loop3A_792, %parallel_loop3A_793, %parallel_loop3A_794] {strides = array<i32>} : memref<2x80x144xf32, #tpu.memory_space<vmem>>, vector<16xf32>,
        %parallel_loop3A_796 = arith.mulf %parallel_loop3A_795, %parallel_loop3A_713 : vector<16xf32>
        %parallel_loop3A_797 = arith.constant 0 : i32
        %parallel_loop3A_798 = arith.index_cast %parallel_loop3A_797 : i32 to index
        %parallel_loop3A_799 = arith.index_cast %parallel_loop3A_707 : i32 to index
        %parallel_loop3A_800 = arith.constant 112 : index
        %parallel_loop3A_801 = tpu.vector_load %arg9[%parallel_loop3A_798, %parallel_loop3A_799, %parallel_loop3A_800] {strides = array<i32>} : memref<2x80x144xf32, #tpu.memory_space<vmem>>, vector<16xf32>,
        tpu.vector_store %arg9[%parallel_loop3A_798, %parallel_loop3A_799, %parallel_loop3A_800], %parallel_loop3A_796 {strides = array<i32>} : memref<2x80x144xf32, #tpu.memory_space<vmem>>, vector<16xf32>,
        %parallel_loop3A_802 = arith.constant 0 : i32
        %parallel_loop3A_803 = arith.index_cast %parallel_loop3A_802 : i32 to index
        %parallel_loop3A_804 = arith.index_cast %parallel_loop3A_707 : i32 to index
        %parallel_loop3A_805 = arith.constant 128 : index
        %parallel_loop3A_806 = tpu.vector_load %arg9[%parallel_loop3A_803, %parallel_loop3A_804, %parallel_loop3A_805] {strides = array<i32>} : memref<2x80x144xf32, #tpu.memory_space<vmem>>, vector<16xf32>,
        %parallel_loop3A_807 = arith.mulf %parallel_loop3A_806, %parallel_loop3A_713 : vector<16xf32>
        %parallel_loop3A_808 = arith.constant 0 : i32
        %parallel_loop3A_809 = arith.index_cast %parallel_loop3A_808 : i32 to index
        %parallel_loop3A_810 = arith.index_cast %parallel_loop3A_707 : i32 to index
        %parallel_loop3A_811 = arith.constant 128 : index
        %parallel_loop3A_812 = tpu.vector_load %arg9[%parallel_loop3A_809, %parallel_loop3A_810, %parallel_loop3A_811] {strides = array<i32>} : memref<2x80x144xf32, #tpu.memory_space<vmem>>, vector<16xf32>,
        tpu.vector_store %arg9[%parallel_loop3A_809, %parallel_loop3A_810, %parallel_loop3A_811], %parallel_loop3A_807 {strides = array<i32>} : memref<2x80x144xf32, #tpu.memory_space<vmem>>, vector<16xf32>,
      } {sc.loop_unroll_factor = 4 : i64, sc.parallel_access}
      %dma_start3A_508 = arith.constant 0 : i32
      %dma_start3A_509 = arith.constant 2 : i32
      %dma_start3A_510 = arith.constant 0 : i32
      %dma_start3A_511 = arith.constant 0 : i32
      %dma_start3A_512 = tpu.memref_slice %arg9[%dma_start3A_508, %dma_start3A_510, %dma_start3A_511] : memref<2x80x144xf32, #tpu.memory_space<vmem>> -> memref<1x80x144xf32, #tpu.memory_space<vmem>>
      %dma_start3A_513 = tpu.memref_squeeze %dma_start3A_512 : memref<1x80x144xf32, #tpu.memory_space<vmem>> -> memref<80x144xf32, #tpu.memory_space<vmem>>
      %dma_start3A_514 = arith.constant 0 : i32
      %dma_start3A_515 = tpu.memref_slice %arg11[%dma_start3A_509, %dma_start3A_514] : memref<4x80xi32, #tpu.memory_space<vmem>> -> memref<1x80xi32, #tpu.memory_space<vmem>>
      %dma_start3A_516 = tpu.memref_squeeze %dma_start3A_515 : memref<1x80xi32, #tpu.memory_space<vmem>> -> memref<80xi32, #tpu.memory_space<vmem>>
      %dma_start3A_517 = arith.constant 0 : i32
      %dma_start3A_518 = arith.constant 0 : i32
      %dma_start3A_519 = tpu.memref_slice %arg13[%dma_start3A_517, %dma_start3A_518] : memref<10000x144xf32, #tpu.memory_space<vmem_shared>> -> memref<10000x144xf32, #tpu.memory_space<vmem_shared>>
      tpu.enqueue_indirect_dma source(%dma_start3A_513 : memref<80x144xf32, #tpu.memory_space<vmem>>) target(%dma_start3A_519 : memref<10000x144xf32, #tpu.memory_space<vmem_shared>>) offsets(%dma_start3A_516 : memref<80xi32, #tpu.memory_space<vmem>>) semaphore(%arg16 : memref<!tpu.dma_semaphore, #tpu.memory_space<semaphore_mem>>) {add = true}
      %add3A_520 = arith.constant 2 : i32
      %add3A_521 = arith.addi %add3A_426, %add3A_520 : i32
      %ge3A_522 = arith.constant 125 : i32
      %ge3A_523 = arith.cmpi sge, %add3A_521, %ge3A_522 : i32
      %sub3A_524 = arith.constant 125 : i32
      %sub3A_525 = arith.subi %add3A_521, %sub3A_524 : i32
      %select_n3A_526 = arith.select %ge3A_523, %sub3A_525, %add3A_521 : i32
      %dma_start3A_527 = arith.constant 0 : i32
      %dma_start3A_528 = arith.constant 0 : i32
      %dma_start3A_529 = tpu.memref_slice %arg10[%dma_start3A_527, %dma_start3A_528] : memref<4x80xi32, #tpu.memory_space<vmem>> -> memref<1x80xi32, #tpu.memory_space<vmem>>
      %dma_start3A_530 = tpu.memref_squeeze %dma_start3A_529 : memref<1x80xi32, #tpu.memory_space<vmem>> -> memref<80xi32, #tpu.memory_space<vmem>>
      %dma_start3A_531 = arith.constant 0 : i32
      %dma_start3A_532 = tpu.memref_slice %arg3[%add3A, %select_n3A_526, %dma_start3A_531] : memref<32x125x80xi32, #tpu.memory_space<hbm>> -> memref<1x1x80xi32, #tpu.memory_space<hbm>>
      %dma_start3A_533 = tpu.memref_squeeze %dma_start3A_532 : memref<1x1x80xi32, #tpu.memory_space<hbm>> -> memref<80xi32, #tpu.memory_space<hbm>>
      %dma_start3A_534 = arith.constant 0 : i32
      %dma_start3A_535 = tpu.memref_slice %arg10[%dma_start3A_527, %dma_start3A_534] : memref<4x80xi32, #tpu.memory_space<vmem>> -> memref<1x80xi32, #tpu.memory_space<vmem>>
      %dma_start3A_536 = tpu.memref_squeeze %dma_start3A_535 : memref<1x80xi32, #tpu.memory_space<vmem>> -> memref<80xi32, #tpu.memory_space<vmem>>
      %dma_start3A_537 = arith.constant 0 : i32
      %dma_start3A_538 = tpu.memref_slice %arg3[%add3A, %select_n3A_526, %dma_start3A_537] : memref<32x125x80xi32, #tpu.memory_space<hbm>> -> memref<1x1x80xi32, #tpu.memory_space<hbm>>
      %dma_start3A_539 = tpu.memref_squeeze %dma_start3A_538 : memref<1x1x80xi32, #tpu.memory_space<hbm>> -> memref<80xi32, #tpu.memory_space<hbm>>
      tpu.enqueue_dma source(%dma_start3A_539 : memref<80xi32, #tpu.memory_space<hbm>>) target(%dma_start3A_536 : memref<80xi32, #tpu.memory_space<vmem>>) target_semaphore(%arg18 : memref<!tpu.dma_semaphore, #tpu.memory_space<semaphore_mem>>)
      %dma_start3A_540 = arith.constant 0 : i32
      %dma_start3A_541 = arith.constant 0 : i32
      %dma_start3A_542 = tpu.memref_slice %arg11[%dma_start3A_540, %dma_start3A_541] : memref<4x80xi32, #tpu.memory_space<vmem>> -> memref<1x80xi32, #tpu.memory_space<vmem>>
      %dma_start3A_543 = tpu.memref_squeeze %dma_start3A_542 : memref<1x80xi32, #tpu.memory_space<vmem>> -> memref<80xi32, #tpu.memory_space<vmem>>
      %dma_start3A_544 = arith.constant 0 : i32
      %dma_start3A_545 = tpu.memref_slice %arg4[%add3A, %select_n3A_526, %dma_start3A_544] : memref<32x125x80xi32, #tpu.memory_space<hbm>> -> memref<1x1x80xi32, #tpu.memory_space<hbm>>
      %dma_start3A_546 = tpu.memref_squeeze %dma_start3A_545 : memref<1x1x80xi32, #tpu.memory_space<hbm>> -> memref<80xi32, #tpu.memory_space<hbm>>
      %dma_start3A_547 = arith.constant 0 : i32
      %dma_start3A_548 = tpu.memref_slice %arg11[%dma_start3A_540, %dma_start3A_547] : memref<4x80xi32, #tpu.memory_space<vmem>> -> memref<1x80xi32, #tpu.memory_space<vmem>>
      %dma_start3A_549 = tpu.memref_squeeze %dma_start3A_548 : memref<1x80xi32, #tpu.memory_space<vmem>> -> memref<80xi32, #tpu.memory_space<vmem>>
      %dma_start3A_550 = arith.constant 0 : i32
      %dma_start3A_551 = tpu.memref_slice %arg4[%add3A, %select_n3A_526, %dma_start3A_550] : memref<32x125x80xi32, #tpu.memory_space<hbm>> -> memref<1x1x80xi32, #tpu.memory_space<hbm>>
      %dma_start3A_552 = tpu.memref_squeeze %dma_start3A_551 : memref<1x1x80xi32, #tpu.memory_space<hbm>> -> memref<80xi32, #tpu.memory_space<hbm>>
      tpu.enqueue_dma source(%dma_start3A_552 : memref<80xi32, #tpu.memory_space<hbm>>) target(%dma_start3A_549 : memref<80xi32, #tpu.memory_space<vmem>>) target_semaphore(%arg18 : memref<!tpu.dma_semaphore, #tpu.memory_space<semaphore_mem>>)
      %dma_start3A_553 = arith.constant 0 : i32
      %dma_start3A_554 = arith.constant 0 : i32
      %dma_start3A_555 = tpu.memref_slice %arg12[%dma_start3A_553, %dma_start3A_554] : memref<4x80xf32, #tpu.memory_space<vmem>> -> memref<1x80xf32, #tpu.memory_space<vmem>>
      %dma_start3A_556 = tpu.memref_squeeze %dma_start3A_555 : memref<1x80xf32, #tpu.memory_space<vmem>> -> memref<80xf32, #tpu.memory_space<vmem>>
      %dma_start3A_557 = arith.constant 0 : i32
      %dma_start3A_558 = tpu.memref_slice %arg5[%add3A, %select_n3A_526, %dma_start3A_557] : memref<32x125x80xf32, #tpu.memory_space<hbm>> -> memref<1x1x80xf32, #tpu.memory_space<hbm>>
      %dma_start3A_559 = tpu.memref_squeeze %dma_start3A_558 : memref<1x1x80xf32, #tpu.memory_space<hbm>> -> memref<80xf32, #tpu.memory_space<hbm>>
      %dma_start3A_560 = arith.constant 0 : i32
      %dma_start3A_561 = tpu.memref_slice %arg12[%dma_start3A_553, %dma_start3A_560] : memref<4x80xf32, #tpu.memory_space<vmem>> -> memref<1x80xf32, #tpu.memory_space<vmem>>
      %dma_start3A_562 = tpu.memref_squeeze %dma_start3A_561 : memref<1x80xf32, #tpu.memory_space<vmem>> -> memref<80xf32, #tpu.memory_space<vmem>>
      %dma_start3A_563 = arith.constant 0 : i32
      %dma_start3A_564 = tpu.memref_slice %arg5[%add3A, %select_n3A_526, %dma_start3A_563] : memref<32x125x80xf32, #tpu.memory_space<hbm>> -> memref<1x1x80xf32, #tpu.memory_space<hbm>>
      %dma_start3A_565 = tpu.memref_squeeze %dma_start3A_564 : memref<1x1x80xf32, #tpu.memory_space<hbm>> -> memref<80xf32, #tpu.memory_space<hbm>>
      tpu.enqueue_dma source(%dma_start3A_565 : memref<80xf32, #tpu.memory_space<hbm>>) target(%dma_start3A_562 : memref<80xf32, #tpu.memory_space<vmem>>) target_semaphore(%arg18 : memref<!tpu.dma_semaphore, #tpu.memory_space<semaphore_mem>>)
      %add3A_566 = arith.constant 3 : i32
      %add3A_567 = arith.addi %add3A_154, %add3A_566 : i32
      %dma_wait3A_568 = arith.constant 0 : i32
      %dma_wait3A_569 = arith.constant 0 : i32
      %dma_wait3A_570 = arith.constant 0 : i32
      %dma_wait3A_571 = tpu.memref_slice %arg10[%dma_wait3A_569, %dma_wait3A_570] : memref<4x80xi32, #tpu.memory_space<vmem>> -> memref<1x80xi32, #tpu.memory_space<vmem>>
      %dma_wait3A_572 = tpu.memref_squeeze %dma_wait3A_571 : memref<1x80xi32, #tpu.memory_space<vmem>> -> memref<80xi32, #tpu.memory_space<vmem>>
      %dma_wait3A_573 = arith.constant 0 : i32
      %dma_wait3A_574 = tpu.memref_slice %arg3[%add3A, %dma_wait3A_568, %dma_wait3A_573] : memref<32x125x80xi32, #tpu.memory_space<hbm>> -> memref<1x1x80xi32, #tpu.memory_space<hbm>>
      %dma_wait3A_575 = tpu.memref_squeeze %dma_wait3A_574 : memref<1x1x80xi32, #tpu.memory_space<hbm>> -> memref<80xi32, #tpu.memory_space<hbm>>
      %dma_wait3A_576 = arith.constant 0 : i32
      %dma_wait3A_577 = tpu.memref_slice %arg10[%dma_wait3A_569, %dma_wait3A_576] : memref<4x80xi32, #tpu.memory_space<vmem>> -> memref<1x80xi32, #tpu.memory_space<vmem>>
      %dma_wait3A_578 = tpu.memref_squeeze %dma_wait3A_577 : memref<1x80xi32, #tpu.memory_space<vmem>> -> memref<80xi32, #tpu.memory_space<vmem>>
      %dma_wait3A_579 = arith.constant 0 : i32
      %dma_wait3A_580 = tpu.memref_slice %arg3[%add3A, %dma_wait3A_568, %dma_wait3A_579] : memref<32x125x80xi32, #tpu.memory_space<hbm>> -> memref<1x1x80xi32, #tpu.memory_space<hbm>>
      %dma_wait3A_581 = tpu.memref_squeeze %dma_wait3A_580 : memref<1x1x80xi32, #tpu.memory_space<hbm>> -> memref<80xi32, #tpu.memory_space<hbm>>
      tpu.wait_dma2 semaphore(%arg18 : memref<!tpu.dma_semaphore, #tpu.memory_space<semaphore_mem>>) src(%dma_wait3A_581 : memref<80xi32, #tpu.memory_space<hbm>>) dst(%dma_wait3A_578 : memref<80xi32, #tpu.memory_space<vmem>>)
      %dma_wait3A_582 = arith.constant 0 : i32
      %dma_wait3A_583 = arith.constant 0 : i32
      %dma_wait3A_584 = arith.constant 0 : i32
      %dma_wait3A_585 = tpu.memref_slice %arg11[%dma_wait3A_583, %dma_wait3A_584] : memref<4x80xi32, #tpu.memory_space<vmem>> -> memref<1x80xi32, #tpu.memory_space<vmem>>
      %dma_wait3A_586 = tpu.memref_squeeze %dma_wait3A_585 : memref<1x80xi32, #tpu.memory_space<vmem>> -> memref<80xi32, #tpu.memory_space<vmem>>
      %dma_wait3A_587 = arith.constant 0 : i32
      %dma_wait3A_588 = tpu.memref_slice %arg4[%add3A, %dma_wait3A_582, %dma_wait3A_587] : memref<32x125x80xi32, #tpu.memory_space<hbm>> -> memref<1x1x80xi32, #tpu.memory_space<hbm>>
      %dma_wait3A_589 = tpu.memref_squeeze %dma_wait3A_588 : memref<1x1x80xi32, #tpu.memory_space<hbm>> -> memref<80xi32, #tpu.memory_space<hbm>>
      %dma_wait3A_590 = arith.constant 0 : i32
      %dma_wait3A_591 = tpu.memref_slice %arg11[%dma_wait3A_583, %dma_wait3A_590] : memref<4x80xi32, #tpu.memory_space<vmem>> -> memref<1x80xi32, #tpu.memory_space<vmem>>
      %dma_wait3A_592 = tpu.memref_squeeze %dma_wait3A_591 : memref<1x80xi32, #tpu.memory_space<vmem>> -> memref<80xi32, #tpu.memory_space<vmem>>
      %dma_wait3A_593 = arith.constant 0 : i32
      %dma_wait3A_594 = tpu.memref_slice %arg4[%add3A, %dma_wait3A_582, %dma_wait3A_593] : memref<32x125x80xi32, #tpu.memory_space<hbm>> -> memref<1x1x80xi32, #tpu.memory_space<hbm>>
      %dma_wait3A_595 = tpu.memref_squeeze %dma_wait3A_594 : memref<1x1x80xi32, #tpu.memory_space<hbm>> -> memref<80xi32, #tpu.memory_space<hbm>>
      tpu.wait_dma2 semaphore(%arg18 : memref<!tpu.dma_semaphore, #tpu.memory_space<semaphore_mem>>) src(%dma_wait3A_595 : memref<80xi32, #tpu.memory_space<hbm>>) dst(%dma_wait3A_592 : memref<80xi32, #tpu.memory_space<vmem>>)
      %dma_wait3A_596 = arith.constant 0 : i32
      %dma_wait3A_597 = arith.constant 0 : i32
      %dma_wait3A_598 = arith.constant 0 : i32
      %dma_wait3A_599 = tpu.memref_slice %arg12[%dma_wait3A_597, %dma_wait3A_598] : memref<4x80xf32, #tpu.memory_space<vmem>> -> memref<1x80xf32, #tpu.memory_space<vmem>>
      %dma_wait3A_600 = tpu.memref_squeeze %dma_wait3A_599 : memref<1x80xf32, #tpu.memory_space<vmem>> -> memref<80xf32, #tpu.memory_space<vmem>>
      %dma_wait3A_601 = arith.constant 0 : i32
      %dma_wait3A_602 = tpu.memref_slice %arg5[%add3A, %dma_wait3A_596, %dma_wait3A_601] : memref<32x125x80xf32, #tpu.memory_space<hbm>> -> memref<1x1x80xf32, #tpu.memory_space<hbm>>
      %dma_wait3A_603 = tpu.memref_squeeze %dma_wait3A_602 : memref<1x1x80xf32, #tpu.memory_space<hbm>> -> memref<80xf32, #tpu.memory_space<hbm>>
      %dma_wait3A_604 = arith.constant 0 : i32
      %dma_wait3A_605 = tpu.memref_slice %arg12[%dma_wait3A_597, %dma_wait3A_604] : memref<4x80xf32, #tpu.memory_space<vmem>> -> memref<1x80xf32, #tpu.memory_space<vmem>>
      %dma_wait3A_606 = tpu.memref_squeeze %dma_wait3A_605 : memref<1x80xf32, #tpu.memory_space<vmem>> -> memref<80xf32, #tpu.memory_space<vmem>>
      %dma_wait3A_607 = arith.constant 0 : i32
      %dma_wait3A_608 = tpu.memref_slice %arg5[%add3A, %dma_wait3A_596, %dma_wait3A_607] : memref<32x125x80xf32, #tpu.memory_space<hbm>> -> memref<1x1x80xf32, #tpu.memory_space<hbm>>
      %dma_wait3A_609 = tpu.memref_squeeze %dma_wait3A_608 : memref<1x1x80xf32, #tpu.memory_space<hbm>> -> memref<80xf32, #tpu.memory_space<hbm>>
      tpu.wait_dma2 semaphore(%arg18 : memref<!tpu.dma_semaphore, #tpu.memory_space<semaphore_mem>>) src(%dma_wait3A_609 : memref<80xf32, #tpu.memory_space<hbm>>) dst(%dma_wait3A_606 : memref<80xf32, #tpu.memory_space<vmem>>)
      %dma_wait3A_610 = arith.constant 0 : i32
      %dma_wait3A_611 = arith.constant 0 : i32
      %dma_wait3A_612 = arith.constant 0 : i32
      %dma_wait3A_613 = arith.constant 0 : i32
      %dma_wait3A_614 = tpu.memref_slice %arg9[%dma_wait3A_610, %dma_wait3A_612, %dma_wait3A_613] : memref<2x80x144xf32, #tpu.memory_space<vmem>> -> memref<1x80x144xf32, #tpu.memory_space<vmem>>
      %dma_wait3A_615 = tpu.memref_squeeze %dma_wait3A_614 : memref<1x80x144xf32, #tpu.memory_space<vmem>> -> memref<80x144xf32, #tpu.memory_space<vmem>>
      %dma_wait3A_616 = arith.constant 0 : i32
      %dma_wait3A_617 = tpu.memref_slice %arg11[%dma_wait3A_611, %dma_wait3A_616] : memref<4x80xi32, #tpu.memory_space<vmem>> -> memref<1x80xi32, #tpu.memory_space<vmem>>
      %dma_wait3A_618 = tpu.memref_squeeze %dma_wait3A_617 : memref<1x80xi32, #tpu.memory_space<vmem>> -> memref<80xi32, #tpu.memory_space<vmem>>
      %dma_wait3A_619 = arith.constant 0 : i32
      %dma_wait3A_620 = arith.constant 0 : i32
      %dma_wait3A_621 = tpu.memref_slice %arg13[%dma_wait3A_619, %dma_wait3A_620] : memref<10000x144xf32, #tpu.memory_space<vmem_shared>> -> memref<10000x144xf32, #tpu.memory_space<vmem_shared>>
      tpu.wait_indirect_dma semaphore(%arg16 : memref<!tpu.dma_semaphore, #tpu.memory_space<semaphore_mem>>) src(%dma_wait3A_615 : memref<80x144xf32, #tpu.memory_space<vmem>>) dst(%dma_wait3A_621 : memref<10000x144xf32, #tpu.memory_space<vmem_shared>>)
      %dma_start3A_622 = arith.constant 0 : i32
      %dma_start3A_623 = arith.constant 0 : i32
      %dma_start3A_624 = arith.constant 0 : i32
      %dma_start3A_625 = arith.constant 0 : i32
      %dma_start3A_626 = tpu.memref_slice %arg9[%dma_start3A_623, %dma_start3A_624, %dma_start3A_625] : memref<2x80x144xf32, #tpu.memory_space<vmem>> -> memref<1x80x144xf32, #tpu.memory_space<vmem>>
      %dma_start3A_627 = tpu.memref_squeeze %dma_start3A_626 : memref<1x80x144xf32, #tpu.memory_space<vmem>> -> memref<80x144xf32, #tpu.memory_space<vmem>>
      %dma_start3A_628 = arith.constant 0 : i32
      %dma_start3A_629 = tpu.memref_slice %arg10[%dma_start3A_622, %dma_start3A_628] : memref<4x80xi32, #tpu.memory_space<vmem>> -> memref<1x80xi32, #tpu.memory_space<vmem>>
      %dma_start3A_630 = tpu.memref_squeeze %dma_start3A_629 : memref<1x80xi32, #tpu.memory_space<vmem>> -> memref<80xi32, #tpu.memory_space<vmem>>
      %dma_start3A_631 = arith.constant 0 : i32
      %dma_start3A_632 = arith.constant 0 : i32
      %dma_start3A_633 = tpu.memref_slice %arg2[%dma_start3A_631, %dma_start3A_632] : memref<10000x144xf32, #tpu.memory_space<hbm>> -> memref<10000x144xf32, #tpu.memory_space<hbm>>
      tpu.enqueue_indirect_dma source(%dma_start3A_633 : memref<10000x144xf32, #tpu.memory_space<hbm>>) target(%dma_start3A_627 : memref<80x144xf32, #tpu.memory_space<vmem>>) offsets(%dma_start3A_630 : memref<80xi32, #tpu.memory_space<vmem>>) semaphore(%arg14 : memref<!tpu.dma_semaphore, #tpu.memory_space<semaphore_mem>>)
      %dma_wait3A_634 = arith.constant 3 : i32
      %dma_wait3A_635 = arith.constant 1 : i32
      %dma_wait3A_636 = arith.constant 0 : i32
      %dma_wait3A_637 = arith.constant 0 : i32
      %dma_wait3A_638 = tpu.memref_slice %arg9[%dma_wait3A_635, %dma_wait3A_636, %dma_wait3A_637] : memref<2x80x144xf32, #tpu.memory_space<vmem>> -> memref<1x80x144xf32, #tpu.memory_space<vmem>>
      %dma_wait3A_639 = tpu.memref_squeeze %dma_wait3A_638 : memref<1x80x144xf32, #tpu.memory_space<vmem>> -> memref<80x144xf32, #tpu.memory_space<vmem>>
      %dma_wait3A_640 = arith.constant 0 : i32
      %dma_wait3A_641 = tpu.memref_slice %arg10[%dma_wait3A_634, %dma_wait3A_640] : memref<4x80xi32, #tpu.memory_space<vmem>> -> memref<1x80xi32, #tpu.memory_space<vmem>>
      %dma_wait3A_642 = tpu.memref_squeeze %dma_wait3A_641 : memref<1x80xi32, #tpu.memory_space<vmem>> -> memref<80xi32, #tpu.memory_space<vmem>>
      %dma_wait3A_643 = arith.constant 0 : i32
      %dma_wait3A_644 = arith.constant 0 : i32
      %dma_wait3A_645 = tpu.memref_slice %arg2[%dma_wait3A_643, %dma_wait3A_644] : memref<10000x144xf32, #tpu.memory_space<hbm>> -> memref<10000x144xf32, #tpu.memory_space<hbm>>
      tpu.wait_indirect_dma semaphore(%arg15 : memref<!tpu.dma_semaphore, #tpu.memory_space<semaphore_mem>>) src(%dma_wait3A_645 : memref<10000x144xf32, #tpu.memory_space<hbm>>) dst(%dma_wait3A_639 : memref<80x144xf32, #tpu.memory_space<vmem>>)
      %parallel_loop3A_646 = arith.constant 0 : i32
      %parallel_loop3A_647 = arith.constant 80 : i32
      %parallel_loop3A_648 = arith.constant 1 : i32
      scf.for %parallel_loop3A_707 = %parallel_loop3A_646 to %parallel_loop3A_647 step %parallel_loop3A_648  : i32 {
        %parallel_loop3A_708 = vector.broadcast %parallel_loop3A_707 : i32 to vector<16xi32>
        %parallel_loop3A_709 = arith.constant 3 : i32
        %parallel_loop3A_710 = arith.constant 0 : i32
        %parallel_loop3A_711 = tpu.memref_slice %arg12[%parallel_loop3A_709, %parallel_loop3A_710] : memref<4x80xf32, #tpu.memory_space<vmem>> -> memref<1x80xf32, #tpu.memory_space<vmem>>
        %parallel_loop3A_712 = tpu.memref_squeeze %parallel_loop3A_711 : memref<1x80xf32, #tpu.memory_space<vmem>> -> memref<80xf32, #tpu.memory_space<vmem>>
        %parallel_loop3A_713 = tpu.vector_load_idx %parallel_loop3A_712[%parallel_loop3A_708] : memref<80xf32, #tpu.memory_space<vmem>>[vector<16xi32>], vector<16xf32>,
        %parallel_loop3A_714 = arith.constant 1 : i32
        %parallel_loop3A_715 = arith.index_cast %parallel_loop3A_714 : i32 to index
        %parallel_loop3A_716 = arith.index_cast %parallel_loop3A_707 : i32 to index
        %parallel_loop3A_717 = arith.constant 0 : index
        %parallel_loop3A_718 = tpu.vector_load %arg9[%parallel_loop3A_715, %parallel_loop3A_716, %parallel_loop3A_717] {strides = array<i32>} : memref<2x80x144xf32, #tpu.memory_space<vmem>>, vector<16xf32>,
        %parallel_loop3A_719 = arith.mulf %parallel_loop3A_718, %parallel_loop3A_713 : vector<16xf32>
        %parallel_loop3A_720 = arith.constant 1 : i32
        %parallel_loop3A_721 = arith.index_cast %parallel_loop3A_720 : i32 to index
        %parallel_loop3A_722 = arith.index_cast %parallel_loop3A_707 : i32 to index
        %parallel_loop3A_723 = arith.constant 0 : index
        %parallel_loop3A_724 = tpu.vector_load %arg9[%parallel_loop3A_721, %parallel_loop3A_722, %parallel_loop3A_723] {strides = array<i32>} : memref<2x80x144xf32, #tpu.memory_space<vmem>>, vector<16xf32>,
        tpu.vector_store %arg9[%parallel_loop3A_721, %parallel_loop3A_722, %parallel_loop3A_723], %parallel_loop3A_719 {strides = array<i32>} : memref<2x80x144xf32, #tpu.memory_space<vmem>>, vector<16xf32>,
        %parallel_loop3A_725 = arith.constant 1 : i32
        %parallel_loop3A_726 = arith.index_cast %parallel_loop3A_725 : i32 to index
        %parallel_loop3A_727 = arith.index_cast %parallel_loop3A_707 : i32 to index
        %parallel_loop3A_728 = arith.constant 16 : index
        %parallel_loop3A_729 = tpu.vector_load %arg9[%parallel_loop3A_726, %parallel_loop3A_727, %parallel_loop3A_728] {strides = array<i32>} : memref<2x80x144xf32, #tpu.memory_space<vmem>>, vector<16xf32>,
        %parallel_loop3A_730 = arith.mulf %parallel_loop3A_729, %parallel_loop3A_713 : vector<16xf32>
        %parallel_loop3A_731 = arith.constant 1 : i32
        %parallel_loop3A_732 = arith.index_cast %parallel_loop3A_731 : i32 to index
        %parallel_loop3A_733 = arith.index_cast %parallel_loop3A_707 : i32 to index
        %parallel_loop3A_734 = arith.constant 16 : index
        %parallel_loop3A_735 = tpu.vector_load %arg9[%parallel_loop3A_732, %parallel_loop3A_733, %parallel_loop3A_734] {strides = array<i32>} : memref<2x80x144xf32, #tpu.memory_space<vmem>>, vector<16xf32>,
        tpu.vector_store %arg9[%parallel_loop3A_732, %parallel_loop3A_733, %parallel_loop3A_734], %parallel_loop3A_730 {strides = array<i32>} : memref<2x80x144xf32, #tpu.memory_space<vmem>>, vector<16xf32>,
        %parallel_loop3A_736 = arith.constant 1 : i32
        %parallel_loop3A_737 = arith.index_cast %parallel_loop3A_736 : i32 to index
        %parallel_loop3A_738 = arith.index_cast %parallel_loop3A_707 : i32 to index
        %parallel_loop3A_739 = arith.constant 32 : index
        %parallel_loop3A_740 = tpu.vector_load %arg9[%parallel_loop3A_737, %parallel_loop3A_738, %parallel_loop3A_739] {strides = array<i32>} : memref<2x80x144xf32, #tpu.memory_space<vmem>>, vector<16xf32>,
        %parallel_loop3A_741 = arith.mulf %parallel_loop3A_740, %parallel_loop3A_713 : vector<16xf32>
        %parallel_loop3A_742 = arith.constant 1 : i32
        %parallel_loop3A_743 = arith.index_cast %parallel_loop3A_742 : i32 to index
        %parallel_loop3A_744 = arith.index_cast %parallel_loop3A_707 : i32 to index
        %parallel_loop3A_745 = arith.constant 32 : index
        %parallel_loop3A_746 = tpu.vector_load %arg9[%parallel_loop3A_743, %parallel_loop3A_744, %parallel_loop3A_745] {strides = array<i32>} : memref<2x80x144xf32, #tpu.memory_space<vmem>>, vector<16xf32>,
        tpu.vector_store %arg9[%parallel_loop3A_743, %parallel_loop3A_744, %parallel_loop3A_745], %parallel_loop3A_741 {strides = array<i32>} : memref<2x80x144xf32, #tpu.memory_space<vmem>>, vector<16xf32>,
        %parallel_loop3A_747 = arith.constant 1 : i32
        %parallel_loop3A_748 = arith.index_cast %parallel_loop3A_747 : i32 to index
        %parallel_loop3A_749 = arith.index_cast %parallel_loop3A_707 : i32 to index
        %parallel_loop3A_750 = arith.constant 48 : index
        %parallel_loop3A_751 = tpu.vector_load %arg9[%parallel_loop3A_748, %parallel_loop3A_749, %parallel_loop3A_750] {strides = array<i32>} : memref<2x80x144xf32, #tpu.memory_space<vmem>>, vector<16xf32>,
        %parallel_loop3A_752 = arith.mulf %parallel_loop3A_751, %parallel_loop3A_713 : vector<16xf32>
        %parallel_loop3A_753 = arith.constant 1 : i32
        %parallel_loop3A_754 = arith.index_cast %parallel_loop3A_753 : i32 to index
        %parallel_loop3A_755 = arith.index_cast %parallel_loop3A_707 : i32 to index
        %parallel_loop3A_756 = arith.constant 48 : index
        %parallel_loop3A_757 = tpu.vector_load %arg9[%parallel_loop3A_754, %parallel_loop3A_755, %parallel_loop3A_756] {strides = array<i32>} : memref<2x80x144xf32, #tpu.memory_space<vmem>>, vector<16xf32>,
        tpu.vector_store %arg9[%parallel_loop3A_754, %parallel_loop3A_755, %parallel_loop3A_756], %parallel_loop3A_752 {strides = array<i32>} : memref<2x80x144xf32, #tpu.memory_space<vmem>>, vector<16xf32>,
        %parallel_loop3A_758 = arith.constant 1 : i32
        %parallel_loop3A_759 = arith.index_cast %parallel_loop3A_758 : i32 to index
        %parallel_loop3A_760 = arith.index_cast %parallel_loop3A_707 : i32 to index
        %parallel_loop3A_761 = arith.constant 64 : index
        %parallel_loop3A_762 = tpu.vector_load %arg9[%parallel_loop3A_759, %parallel_loop3A_760, %parallel_loop3A_761] {strides = array<i32>} : memref<2x80x144xf32, #tpu.memory_space<vmem>>, vector<16xf32>,
        %parallel_loop3A_763 = arith.mulf %parallel_loop3A_762, %parallel_loop3A_713 : vector<16xf32>
        %parallel_loop3A_764 = arith.constant 1 : i32
        %parallel_loop3A_765 = arith.index_cast %parallel_loop3A_764 : i32 to index
        %parallel_loop3A_766 = arith.index_cast %parallel_loop3A_707 : i32 to index
        %parallel_loop3A_767 = arith.constant 64 : index
        %parallel_loop3A_768 = tpu.vector_load %arg9[%parallel_loop3A_765, %parallel_loop3A_766, %parallel_loop3A_767] {strides = array<i32>} : memref<2x80x144xf32, #tpu.memory_space<vmem>>, vector<16xf32>,
        tpu.vector_store %arg9[%parallel_loop3A_765, %parallel_loop3A_766, %parallel_loop3A_767], %parallel_loop3A_763 {strides = array<i32>} : memref<2x80x144xf32, #tpu.memory_space<vmem>>, vector<16xf32>,
        %parallel_loop3A_769 = arith.constant 1 : i32
        %parallel_loop3A_770 = arith.index_cast %parallel_loop3A_769 : i32 to index
        %parallel_loop3A_771 = arith.index_cast %parallel_loop3A_707 : i32 to index
        %parallel_loop3A_772 = arith.constant 80 : index
        %parallel_loop3A_773 = tpu.vector_load %arg9[%parallel_loop3A_770, %parallel_loop3A_771, %parallel_loop3A_772] {strides = array<i32>} : memref<2x80x144xf32, #tpu.memory_space<vmem>>, vector<16xf32>,
        %parallel_loop3A_774 = arith.mulf %parallel_loop3A_773, %parallel_loop3A_713 : vector<16xf32>
        %parallel_loop3A_775 = arith.constant 1 : i32
        %parallel_loop3A_776 = arith.index_cast %parallel_loop3A_775 : i32 to index
        %parallel_loop3A_777 = arith.index_cast %parallel_loop3A_707 : i32 to index
        %parallel_loop3A_778 = arith.constant 80 : index
        %parallel_loop3A_779 = tpu.vector_load %arg9[%parallel_loop3A_776, %parallel_loop3A_777, %parallel_loop3A_778] {strides = array<i32>} : memref<2x80x144xf32, #tpu.memory_space<vmem>>, vector<16xf32>,
        tpu.vector_store %arg9[%parallel_loop3A_776, %parallel_loop3A_777, %parallel_loop3A_778], %parallel_loop3A_774 {strides = array<i32>} : memref<2x80x144xf32, #tpu.memory_space<vmem>>, vector<16xf32>,
        %parallel_loop3A_780 = arith.constant 1 : i32
        %parallel_loop3A_781 = arith.index_cast %parallel_loop3A_780 : i32 to index
        %parallel_loop3A_782 = arith.index_cast %parallel_loop3A_707 : i32 to index
        %parallel_loop3A_783 = arith.constant 96 : index
        %parallel_loop3A_784 = tpu.vector_load %arg9[%parallel_loop3A_781, %parallel_loop3A_782, %parallel_loop3A_783] {strides = array<i32>} : memref<2x80x144xf32, #tpu.memory_space<vmem>>, vector<16xf32>,
        %parallel_loop3A_785 = arith.mulf %parallel_loop3A_784, %parallel_loop3A_713 : vector<16xf32>
        %parallel_loop3A_786 = arith.constant 1 : i32
        %parallel_loop3A_787 = arith.index_cast %parallel_loop3A_786 : i32 to index
        %parallel_loop3A_788 = arith.index_cast %parallel_loop3A_707 : i32 to index
        %parallel_loop3A_789 = arith.constant 96 : index
        %parallel_loop3A_790 = tpu.vector_load %arg9[%parallel_loop3A_787, %parallel_loop3A_788, %parallel_loop3A_789] {strides = array<i32>} : memref<2x80x144xf32, #tpu.memory_space<vmem>>, vector<16xf32>,
        tpu.vector_store %arg9[%parallel_loop3A_787, %parallel_loop3A_788, %parallel_loop3A_789], %parallel_loop3A_785 {strides = array<i32>} : memref<2x80x144xf32, #tpu.memory_space<vmem>>, vector<16xf32>,
        %parallel_loop3A_791 = arith.constant 1 : i32
        %parallel_loop3A_792 = arith.index_cast %parallel_loop3A_791 : i32 to index
        %parallel_loop3A_793 = arith.index_cast %parallel_loop3A_707 : i32 to index
        %parallel_loop3A_794 = arith.constant 112 : index
        %parallel_loop3A_795 = tpu.vector_load %arg9[%parallel_loop3A_792, %parallel_loop3A_793, %parallel_loop3A_794] {strides = array<i32>} : memref<2x80x144xf32, #tpu.memory_space<vmem>>, vector<16xf32>,
        %parallel_loop3A_796 = arith.mulf %parallel_loop3A_795, %parallel_loop3A_713 : vector<16xf32>
        %parallel_loop3A_797 = arith.constant 1 : i32
        %parallel_loop3A_798 = arith.index_cast %parallel_loop3A_797 : i32 to index
        %parallel_loop3A_799 = arith.index_cast %parallel_loop3A_707 : i32 to index
        %parallel_loop3A_800 = arith.constant 112 : index
        %parallel_loop3A_801 = tpu.vector_load %arg9[%parallel_loop3A_798, %parallel_loop3A_799, %parallel_loop3A_800] {strides = array<i32>} : memref<2x80x144xf32, #tpu.memory_space<vmem>>, vector<16xf32>,
        tpu.vector_store %arg9[%parallel_loop3A_798, %parallel_loop3A_799, %parallel_loop3A_800], %parallel_loop3A_796 {strides = array<i32>} : memref<2x80x144xf32, #tpu.memory_space<vmem>>, vector<16xf32>,
        %parallel_loop3A_802 = arith.constant 1 : i32
        %parallel_loop3A_803 = arith.index_cast %parallel_loop3A_802 : i32 to index
        %parallel_loop3A_804 = arith.index_cast %parallel_loop3A_707 : i32 to index
        %parallel_loop3A_805 = arith.constant 128 : index
        %parallel_loop3A_806 = tpu.vector_load %arg9[%parallel_loop3A_803, %parallel_loop3A_804, %parallel_loop3A_805] {strides = array<i32>} : memref<2x80x144xf32, #tpu.memory_space<vmem>>, vector<16xf32>,
        %parallel_loop3A_807 = arith.mulf %parallel_loop3A_806, %parallel_loop3A_713 : vector<16xf32>
        %parallel_loop3A_808 = arith.constant 1 : i32
        %parallel_loop3A_809 = arith.index_cast %parallel_loop3A_808 : i32 to index
        %parallel_loop3A_810 = arith.index_cast %parallel_loop3A_707 : i32 to index
        %parallel_loop3A_811 = arith.constant 128 : index
        %parallel_loop3A_812 = tpu.vector_load %arg9[%parallel_loop3A_809, %parallel_loop3A_810, %parallel_loop3A_811] {strides = array<i32>} : memref<2x80x144xf32, #tpu.memory_space<vmem>>, vector<16xf32>,
        tpu.vector_store %arg9[%parallel_loop3A_809, %parallel_loop3A_810, %parallel_loop3A_811], %parallel_loop3A_807 {strides = array<i32>} : memref<2x80x144xf32, #tpu.memory_space<vmem>>, vector<16xf32>,
      } {sc.loop_unroll_factor = 4 : i64, sc.parallel_access}
      %dma_start3A_649 = arith.constant 1 : i32
      %dma_start3A_650 = arith.constant 3 : i32
      %dma_start3A_651 = arith.constant 0 : i32
      %dma_start3A_652 = arith.constant 0 : i32
      %dma_start3A_653 = tpu.memref_slice %arg9[%dma_start3A_649, %dma_start3A_651, %dma_start3A_652] : memref<2x80x144xf32, #tpu.memory_space<vmem>> -> memref<1x80x144xf32, #tpu.memory_space<vmem>>
      %dma_start3A_654 = tpu.memref_squeeze %dma_start3A_653 : memref<1x80x144xf32, #tpu.memory_space<vmem>> -> memref<80x144xf32, #tpu.memory_space<vmem>>
      %dma_start3A_655 = arith.constant 0 : i32
      %dma_start3A_656 = tpu.memref_slice %arg11[%dma_start3A_650, %dma_start3A_655] : memref<4x80xi32, #tpu.memory_space<vmem>> -> memref<1x80xi32, #tpu.memory_space<vmem>>
      %dma_start3A_657 = tpu.memref_squeeze %dma_start3A_656 : memref<1x80xi32, #tpu.memory_space<vmem>> -> memref<80xi32, #tpu.memory_space<vmem>>
      %dma_start3A_658 = arith.constant 0 : i32
      %dma_start3A_659 = arith.constant 0 : i32
      %dma_start3A_660 = tpu.memref_slice %arg13[%dma_start3A_658, %dma_start3A_659] : memref<10000x144xf32, #tpu.memory_space<vmem_shared>> -> memref<10000x144xf32, #tpu.memory_space<vmem_shared>>
      tpu.enqueue_indirect_dma source(%dma_start3A_654 : memref<80x144xf32, #tpu.memory_space<vmem>>) target(%dma_start3A_660 : memref<10000x144xf32, #tpu.memory_space<vmem_shared>>) offsets(%dma_start3A_657 : memref<80xi32, #tpu.memory_space<vmem>>) semaphore(%arg17 : memref<!tpu.dma_semaphore, #tpu.memory_space<semaphore_mem>>) {add = true}
      %add3A_661 = arith.constant 2 : i32
      %add3A_662 = arith.addi %add3A_567, %add3A_661 : i32
      %ge3A_663 = arith.constant 125 : i32
      %ge3A_664 = arith.cmpi sge, %add3A_662, %ge3A_663 : i32
      %sub3A_665 = arith.constant 125 : i32
      %sub3A_666 = arith.subi %add3A_662, %sub3A_665 : i32
      %select_n3A_667 = arith.select %ge3A_664, %sub3A_666, %add3A_662 : i32
      %dma_start3A_668 = arith.constant 1 : i32
      %dma_start3A_669 = arith.constant 0 : i32
      %dma_start3A_670 = tpu.memref_slice %arg10[%dma_start3A_668, %dma_start3A_669] : memref<4x80xi32, #tpu.memory_space<vmem>> -> memref<1x80xi32, #tpu.memory_space<vmem>>
      %dma_start3A_671 = tpu.memref_squeeze %dma_start3A_670 : memref<1x80xi32, #tpu.memory_space<vmem>> -> memref<80xi32, #tpu.memory_space<vmem>>
      %dma_start3A_672 = arith.constant 0 : i32
      %dma_start3A_673 = tpu.memref_slice %arg3[%add3A, %select_n3A_667, %dma_start3A_672] : memref<32x125x80xi32, #tpu.memory_space<hbm>> -> memref<1x1x80xi32, #tpu.memory_space<hbm>>
      %dma_start3A_674 = tpu.memref_squeeze %dma_start3A_673 : memref<1x1x80xi32, #tpu.memory_space<hbm>> -> memref<80xi32, #tpu.memory_space<hbm>>
      %dma_start3A_675 = arith.constant 0 : i32
      %dma_start3A_676 = tpu.memref_slice %arg10[%dma_start3A_668, %dma_start3A_675] : memref<4x80xi32, #tpu.memory_space<vmem>> -> memref<1x80xi32, #tpu.memory_space<vmem>>
      %dma_start3A_677 = tpu.memref_squeeze %dma_start3A_676 : memref<1x80xi32, #tpu.memory_space<vmem>> -> memref<80xi32, #tpu.memory_space<vmem>>
      %dma_start3A_678 = arith.constant 0 : i32
      %dma_start3A_679 = tpu.memref_slice %arg3[%add3A, %select_n3A_667, %dma_start3A_678] : memref<32x125x80xi32, #tpu.memory_space<hbm>> -> memref<1x1x80xi32, #tpu.memory_space<hbm>>
      %dma_start3A_680 = tpu.memref_squeeze %dma_start3A_679 : memref<1x1x80xi32, #tpu.memory_space<hbm>> -> memref<80xi32, #tpu.memory_space<hbm>>
      tpu.enqueue_dma source(%dma_start3A_680 : memref<80xi32, #tpu.memory_space<hbm>>) target(%dma_start3A_677 : memref<80xi32, #tpu.memory_space<vmem>>) target_semaphore(%arg18 : memref<!tpu.dma_semaphore, #tpu.memory_space<semaphore_mem>>)
      %dma_start3A_681 = arith.constant 1 : i32
      %dma_start3A_682 = arith.constant 0 : i32
      %dma_start3A_683 = tpu.memref_slice %arg11[%dma_start3A_681, %dma_start3A_682] : memref<4x80xi32, #tpu.memory_space<vmem>> -> memref<1x80xi32, #tpu.memory_space<vmem>>
      %dma_start3A_684 = tpu.memref_squeeze %dma_start3A_683 : memref<1x80xi32, #tpu.memory_space<vmem>> -> memref<80xi32, #tpu.memory_space<vmem>>
      %dma_start3A_685 = arith.constant 0 : i32
      %dma_start3A_686 = tpu.memref_slice %arg4[%add3A, %select_n3A_667, %dma_start3A_685] : memref<32x125x80xi32, #tpu.memory_space<hbm>> -> memref<1x1x80xi32, #tpu.memory_space<hbm>>
      %dma_start3A_687 = tpu.memref_squeeze %dma_start3A_686 : memref<1x1x80xi32, #tpu.memory_space<hbm>> -> memref<80xi32, #tpu.memory_space<hbm>>
      %dma_start3A_688 = arith.constant 0 : i32
      %dma_start3A_689 = tpu.memref_slice %arg11[%dma_start3A_681, %dma_start3A_688] : memref<4x80xi32, #tpu.memory_space<vmem>> -> memref<1x80xi32, #tpu.memory_space<vmem>>
      %dma_start3A_690 = tpu.memref_squeeze %dma_start3A_689 : memref<1x80xi32, #tpu.memory_space<vmem>> -> memref<80xi32, #tpu.memory_space<vmem>>
      %dma_start3A_691 = arith.constant 0 : i32
      %dma_start3A_692 = tpu.memref_slice %arg4[%add3A, %select_n3A_667, %dma_start3A_691] : memref<32x125x80xi32, #tpu.memory_space<hbm>> -> memref<1x1x80xi32, #tpu.memory_space<hbm>>
      %dma_start3A_693 = tpu.memref_squeeze %dma_start3A_692 : memref<1x1x80xi32, #tpu.memory_space<hbm>> -> memref<80xi32, #tpu.memory_space<hbm>>
      tpu.enqueue_dma source(%dma_start3A_693 : memref<80xi32, #tpu.memory_space<hbm>>) target(%dma_start3A_690 : memref<80xi32, #tpu.memory_space<vmem>>) target_semaphore(%arg18 : memref<!tpu.dma_semaphore, #tpu.memory_space<semaphore_mem>>)
      %dma_start3A_694 = arith.constant 1 : i32
      %dma_start3A_695 = arith.constant 0 : i32
      %dma_start3A_696 = tpu.memref_slice %arg12[%dma_start3A_694, %dma_start3A_695] : memref<4x80xf32, #tpu.memory_space<vmem>> -> memref<1x80xf32, #tpu.memory_space<vmem>>
      %dma_start3A_697 = tpu.memref_squeeze %dma_start3A_696 : memref<1x80xf32, #tpu.memory_space<vmem>> -> memref<80xf32, #tpu.memory_space<vmem>>
      %dma_start3A_698 = arith.constant 0 : i32
      %dma_start3A_699 = tpu.memref_slice %arg5[%add3A, %select_n3A_667, %dma_start3A_698] : memref<32x125x80xf32, #tpu.memory_space<hbm>> -> memref<1x1x80xf32, #tpu.memory_space<hbm>>
      %dma_start3A_700 = tpu.memref_squeeze %dma_start3A_699 : memref<1x1x80xf32, #tpu.memory_space<hbm>> -> memref<80xf32, #tpu.memory_space<hbm>>
      %dma_start3A_701 = arith.constant 0 : i32
      %dma_start3A_702 = tpu.memref_slice %arg12[%dma_start3A_694, %dma_start3A_701] : memref<4x80xf32, #tpu.memory_space<vmem>> -> memref<1x80xf32, #tpu.memory_space<vmem>>
      %dma_start3A_703 = tpu.memref_squeeze %dma_start3A_702 : memref<1x80xf32, #tpu.memory_space<vmem>> -> memref<80xf32, #tpu.memory_space<vmem>>
      %dma_start3A_704 = arith.constant 0 : i32
      %dma_start3A_705 = tpu.memref_slice %arg5[%add3A, %select_n3A_667, %dma_start3A_704] : memref<32x125x80xf32, #tpu.memory_space<hbm>> -> memref<1x1x80xf32, #tpu.memory_space<hbm>>
      %dma_start3A_706 = tpu.memref_squeeze %dma_start3A_705 : memref<1x1x80xf32, #tpu.memory_space<hbm>> -> memref<80xf32, #tpu.memory_space<hbm>>
      tpu.enqueue_dma source(%dma_start3A_706 : memref<80xf32, #tpu.memory_space<hbm>>) target(%dma_start3A_703 : memref<80xf32, #tpu.memory_space<vmem>>) target_semaphore(%arg18 : memref<!tpu.dma_semaphore, #tpu.memory_space<semaphore_mem>>)
    }
    %scan3A_66 = arith.constant 31 : i32
    %dma_wait3A = arith.constant 0 : i32
    %dma_wait3A_67 = arith.constant 0 : i32
    %dma_wait3A_68 = arith.constant 0 : i32
    %dma_wait3A_69 = arith.constant 0 : i32
    %dma_wait3A_70 = tpu.memref_slice %arg9[%dma_wait3A_67, %dma_wait3A_68, %dma_wait3A_69] : memref<2x80x144xf32, #tpu.memory_space<vmem>> -> memref<1x80x144xf32, #tpu.memory_space<vmem>>
    %dma_wait3A_71 = tpu.memref_squeeze %dma_wait3A_70 : memref<1x80x144xf32, #tpu.memory_space<vmem>> -> memref<80x144xf32, #tpu.memory_space<vmem>>
    %dma_wait3A_72 = arith.constant 0 : i32
    %dma_wait3A_73 = tpu.memref_slice %arg10[%dma_wait3A, %dma_wait3A_72] : memref<4x80xi32, #tpu.memory_space<vmem>> -> memref<1x80xi32, #tpu.memory_space<vmem>>
    %dma_wait3A_74 = tpu.memref_squeeze %dma_wait3A_73 : memref<1x80xi32, #tpu.memory_space<vmem>> -> memref<80xi32, #tpu.memory_space<vmem>>
    %dma_wait3A_75 = arith.constant 0 : i32
    %dma_wait3A_76 = arith.constant 0 : i32
    %dma_wait3A_77 = tpu.memref_slice %arg2[%dma_wait3A_75, %dma_wait3A_76] : memref<10000x144xf32, #tpu.memory_space<hbm>> -> memref<10000x144xf32, #tpu.memory_space<hbm>>
    tpu.wait_indirect_dma semaphore(%arg14 : memref<!tpu.dma_semaphore, #tpu.memory_space<semaphore_mem>>) src(%dma_wait3A_77 : memref<10000x144xf32, #tpu.memory_space<hbm>>) dst(%dma_wait3A_71 : memref<80x144xf32, #tpu.memory_space<vmem>>)
    %parallel_loop3A = arith.constant 0 : i32
    %parallel_loop3A_78 = arith.constant 80 : i32
    %parallel_loop3A_79 = arith.constant 1 : i32
    scf.for %parallel_loop3A_150 = %parallel_loop3A to %parallel_loop3A_78 step %parallel_loop3A_79  : i32 {
      %parallel_loop3A_151 = vector.broadcast %parallel_loop3A_150 : i32 to vector<16xi32>
      %parallel_loop3A_152 = arith.constant 0 : i32
      %parallel_loop3A_153 = arith.constant 0 : i32
      %parallel_loop3A_154 = tpu.memref_slice %arg12[%parallel_loop3A_152, %parallel_loop3A_153] : memref<4x80xf32, #tpu.memory_space<vmem>> -> memref<1x80xf32, #tpu.memory_space<vmem>>
      %parallel_loop3A_155 = tpu.memref_squeeze %parallel_loop3A_154 : memref<1x80xf32, #tpu.memory_space<vmem>> -> memref<80xf32, #tpu.memory_space<vmem>>
      %parallel_loop3A_156 = tpu.vector_load_idx %parallel_loop3A_155[%parallel_loop3A_151] : memref<80xf32, #tpu.memory_space<vmem>>[vector<16xi32>], vector<16xf32>,
      %parallel_loop3A_157 = arith.constant 0 : i32
      %parallel_loop3A_158 = arith.index_cast %parallel_loop3A_157 : i32 to index
      %parallel_loop3A_159 = arith.index_cast %parallel_loop3A_150 : i32 to index
      %parallel_loop3A_160 = arith.constant 0 : index
      %parallel_loop3A_161 = tpu.vector_load %arg9[%parallel_loop3A_158, %parallel_loop3A_159, %parallel_loop3A_160] {strides = array<i32>} : memref<2x80x144xf32, #tpu.memory_space<vmem>>, vector<16xf32>,
      %parallel_loop3A_162 = arith.mulf %parallel_loop3A_161, %parallel_loop3A_156 : vector<16xf32>
      %parallel_loop3A_163 = arith.constant 0 : i32
      %parallel_loop3A_164 = arith.index_cast %parallel_loop3A_163 : i32 to index
      %parallel_loop3A_165 = arith.index_cast %parallel_loop3A_150 : i32 to index
      %parallel_loop3A_166 = arith.constant 0 : index
      %parallel_loop3A_167 = tpu.vector_load %arg9[%parallel_loop3A_164, %parallel_loop3A_165, %parallel_loop3A_166] {strides = array<i32>} : memref<2x80x144xf32, #tpu.memory_space<vmem>>, vector<16xf32>,
      tpu.vector_store %arg9[%parallel_loop3A_164, %parallel_loop3A_165, %parallel_loop3A_166], %parallel_loop3A_162 {strides = array<i32>} : memref<2x80x144xf32, #tpu.memory_space<vmem>>, vector<16xf32>,
      %parallel_loop3A_168 = arith.constant 0 : i32
      %parallel_loop3A_169 = arith.index_cast %parallel_loop3A_168 : i32 to index
      %parallel_loop3A_170 = arith.index_cast %parallel_loop3A_150 : i32 to index
      %parallel_loop3A_171 = arith.constant 16 : index
      %parallel_loop3A_172 = tpu.vector_load %arg9[%parallel_loop3A_169, %parallel_loop3A_170, %parallel_loop3A_171] {strides = array<i32>} : memref<2x80x144xf32, #tpu.memory_space<vmem>>, vector<16xf32>,
      %parallel_loop3A_173 = arith.mulf %parallel_loop3A_172, %parallel_loop3A_156 : vector<16xf32>
      %parallel_loop3A_174 = arith.constant 0 : i32
      %parallel_loop3A_175 = arith.index_cast %parallel_loop3A_174 : i32 to index
      %parallel_loop3A_176 = arith.index_cast %parallel_loop3A_150 : i32 to index
      %parallel_loop3A_177 = arith.constant 16 : index
      %parallel_loop3A_178 = tpu.vector_load %arg9[%parallel_loop3A_175, %parallel_loop3A_176, %parallel_loop3A_177] {strides = array<i32>} : memref<2x80x144xf32, #tpu.memory_space<vmem>>, vector<16xf32>,
      tpu.vector_store %arg9[%parallel_loop3A_175, %parallel_loop3A_176, %parallel_loop3A_177], %parallel_loop3A_173 {strides = array<i32>} : memref<2x80x144xf32, #tpu.memory_space<vmem>>, vector<16xf32>,
      %parallel_loop3A_179 = arith.constant 0 : i32
      %parallel_loop3A_180 = arith.index_cast %parallel_loop3A_179 : i32 to index
      %parallel_loop3A_181 = arith.index_cast %parallel_loop3A_150 : i32 to index
      %parallel_loop3A_182 = arith.constant 32 : index
      %parallel_loop3A_183 = tpu.vector_load %arg9[%parallel_loop3A_180, %parallel_loop3A_181, %parallel_loop3A_182] {strides = array<i32>} : memref<2x80x144xf32, #tpu.memory_space<vmem>>, vector<16xf32>,
      %parallel_loop3A_184 = arith.mulf %parallel_loop3A_183, %parallel_loop3A_156 : vector<16xf32>
      %parallel_loop3A_185 = arith.constant 0 : i32
      %parallel_loop3A_186 = arith.index_cast %parallel_loop3A_185 : i32 to index
      %parallel_loop3A_187 = arith.index_cast %parallel_loop3A_150 : i32 to index
      %parallel_loop3A_188 = arith.constant 32 : index
      %parallel_loop3A_189 = tpu.vector_load %arg9[%parallel_loop3A_186, %parallel_loop3A_187, %parallel_loop3A_188] {strides = array<i32>} : memref<2x80x144xf32, #tpu.memory_space<vmem>>, vector<16xf32>,
      tpu.vector_store %arg9[%parallel_loop3A_186, %parallel_loop3A_187, %parallel_loop3A_188], %parallel_loop3A_184 {strides = array<i32>} : memref<2x80x144xf32, #tpu.memory_space<vmem>>, vector<16xf32>,
      %parallel_loop3A_190 = arith.constant 0 : i32
      %parallel_loop3A_191 = arith.index_cast %parallel_loop3A_190 : i32 to index
      %parallel_loop3A_192 = arith.index_cast %parallel_loop3A_150 : i32 to index
      %parallel_loop3A_193 = arith.constant 48 : index
      %parallel_loop3A_194 = tpu.vector_load %arg9[%parallel_loop3A_191, %parallel_loop3A_192, %parallel_loop3A_193] {strides = array<i32>} : memref<2x80x144xf32, #tpu.memory_space<vmem>>, vector<16xf32>,
      %parallel_loop3A_195 = arith.mulf %parallel_loop3A_194, %parallel_loop3A_156 : vector<16xf32>
      %parallel_loop3A_196 = arith.constant 0 : i32
      %parallel_loop3A_197 = arith.index_cast %parallel_loop3A_196 : i32 to index
      %parallel_loop3A_198 = arith.index_cast %parallel_loop3A_150 : i32 to index
      %parallel_loop3A_199 = arith.constant 48 : index
      %parallel_loop3A_200 = tpu.vector_load %arg9[%parallel_loop3A_197, %parallel_loop3A_198, %parallel_loop3A_199] {strides = array<i32>} : memref<2x80x144xf32, #tpu.memory_space<vmem>>, vector<16xf32>,
      tpu.vector_store %arg9[%parallel_loop3A_197, %parallel_loop3A_198, %parallel_loop3A_199], %parallel_loop3A_195 {strides = array<i32>} : memref<2x80x144xf32, #tpu.memory_space<vmem>>, vector<16xf32>,
      %parallel_loop3A_201 = arith.constant 0 : i32
      %parallel_loop3A_202 = arith.index_cast %parallel_loop3A_201 : i32 to index
      %parallel_loop3A_203 = arith.index_cast %parallel_loop3A_150 : i32 to index
      %parallel_loop3A_204 = arith.constant 64 : index
      %parallel_loop3A_205 = tpu.vector_load %arg9[%parallel_loop3A_202, %parallel_loop3A_203, %parallel_loop3A_204] {strides = array<i32>} : memref<2x80x144xf32, #tpu.memory_space<vmem>>, vector<16xf32>,
      %parallel_loop3A_206 = arith.mulf %parallel_loop3A_205, %parallel_loop3A_156 : vector<16xf32>
      %parallel_loop3A_207 = arith.constant 0 : i32
      %parallel_loop3A_208 = arith.index_cast %parallel_loop3A_207 : i32 to index
      %parallel_loop3A_209 = arith.index_cast %parallel_loop3A_150 : i32 to index
      %parallel_loop3A_210 = arith.constant 64 : index
      %parallel_loop3A_211 = tpu.vector_load %arg9[%parallel_loop3A_208, %parallel_loop3A_209, %parallel_loop3A_210] {strides = array<i32>} : memref<2x80x144xf32, #tpu.memory_space<vmem>>, vector<16xf32>,
      tpu.vector_store %arg9[%parallel_loop3A_208, %parallel_loop3A_209, %parallel_loop3A_210], %parallel_loop3A_206 {strides = array<i32>} : memref<2x80x144xf32, #tpu.memory_space<vmem>>, vector<16xf32>,
      %parallel_loop3A_212 = arith.constant 0 : i32
      %parallel_loop3A_213 = arith.index_cast %parallel_loop3A_212 : i32 to index
      %parallel_loop3A_214 = arith.index_cast %parallel_loop3A_150 : i32 to index
      %parallel_loop3A_215 = arith.constant 80 : index
      %parallel_loop3A_216 = tpu.vector_load %arg9[%parallel_loop3A_213, %parallel_loop3A_214, %parallel_loop3A_215] {strides = array<i32>} : memref<2x80x144xf32, #tpu.memory_space<vmem>>, vector<16xf32>,
      %parallel_loop3A_217 = arith.mulf %parallel_loop3A_216, %parallel_loop3A_156 : vector<16xf32>
      %parallel_loop3A_218 = arith.constant 0 : i32
      %parallel_loop3A_219 = arith.index_cast %parallel_loop3A_218 : i32 to index
      %parallel_loop3A_220 = arith.index_cast %parallel_loop3A_150 : i32 to index
      %parallel_loop3A_221 = arith.constant 80 : index
      %parallel_loop3A_222 = tpu.vector_load %arg9[%parallel_loop3A_219, %parallel_loop3A_220, %parallel_loop3A_221] {strides = array<i32>} : memref<2x80x144xf32, #tpu.memory_space<vmem>>, vector<16xf32>,
      tpu.vector_store %arg9[%parallel_loop3A_219, %parallel_loop3A_220, %parallel_loop3A_221], %parallel_loop3A_217 {strides = array<i32>} : memref<2x80x144xf32, #tpu.memory_space<vmem>>, vector<16xf32>,
      %parallel_loop3A_223 = arith.constant 0 : i32
      %parallel_loop3A_224 = arith.index_cast %parallel_loop3A_223 : i32 to index
      %parallel_loop3A_225 = arith.index_cast %parallel_loop3A_150 : i32 to index
      %parallel_loop3A_226 = arith.constant 96 : index
      %parallel_loop3A_227 = tpu.vector_load %arg9[%parallel_loop3A_224, %parallel_loop3A_225, %parallel_loop3A_226] {strides = array<i32>} : memref<2x80x144xf32, #tpu.memory_space<vmem>>, vector<16xf32>,
      %parallel_loop3A_228 = arith.mulf %parallel_loop3A_227, %parallel_loop3A_156 : vector<16xf32>
      %parallel_loop3A_229 = arith.constant 0 : i32
      %parallel_loop3A_230 = arith.index_cast %parallel_loop3A_229 : i32 to index
      %parallel_loop3A_231 = arith.index_cast %parallel_loop3A_150 : i32 to index
      %parallel_loop3A_232 = arith.constant 96 : index
      %parallel_loop3A_233 = tpu.vector_load %arg9[%parallel_loop3A_230, %parallel_loop3A_231, %parallel_loop3A_232] {strides = array<i32>} : memref<2x80x144xf32, #tpu.memory_space<vmem>>, vector<16xf32>,
      tpu.vector_store %arg9[%parallel_loop3A_230, %parallel_loop3A_231, %parallel_loop3A_232], %parallel_loop3A_228 {strides = array<i32>} : memref<2x80x144xf32, #tpu.memory_space<vmem>>, vector<16xf32>,
      %parallel_loop3A_234 = arith.constant 0 : i32
      %parallel_loop3A_235 = arith.index_cast %parallel_loop3A_234 : i32 to index
      %parallel_loop3A_236 = arith.index_cast %parallel_loop3A_150 : i32 to index
      %parallel_loop3A_237 = arith.constant 112 : index
      %parallel_loop3A_238 = tpu.vector_load %arg9[%parallel_loop3A_235, %parallel_loop3A_236, %parallel_loop3A_237] {strides = array<i32>} : memref<2x80x144xf32, #tpu.memory_space<vmem>>, vector<16xf32>,
      %parallel_loop3A_239 = arith.mulf %parallel_loop3A_238, %parallel_loop3A_156 : vector<16xf32>
      %parallel_loop3A_240 = arith.constant 0 : i32
      %parallel_loop3A_241 = arith.index_cast %parallel_loop3A_240 : i32 to index
      %parallel_loop3A_242 = arith.index_cast %parallel_loop3A_150 : i32 to index
      %parallel_loop3A_243 = arith.constant 112 : index
      %parallel_loop3A_244 = tpu.vector_load %arg9[%parallel_loop3A_241, %parallel_loop3A_242, %parallel_loop3A_243] {strides = array<i32>} : memref<2x80x144xf32, #tpu.memory_space<vmem>>, vector<16xf32>,
      tpu.vector_store %arg9[%parallel_loop3A_241, %parallel_loop3A_242, %parallel_loop3A_243], %parallel_loop3A_239 {strides = array<i32>} : memref<2x80x144xf32, #tpu.memory_space<vmem>>, vector<16xf32>,
      %parallel_loop3A_245 = arith.constant 0 : i32
      %parallel_loop3A_246 = arith.index_cast %parallel_loop3A_245 : i32 to index
      %parallel_loop3A_247 = arith.index_cast %parallel_loop3A_150 : i32 to index
      %parallel_loop3A_248 = arith.constant 128 : index
      %parallel_loop3A_249 = tpu.vector_load %arg9[%parallel_loop3A_246, %parallel_loop3A_247, %parallel_loop3A_248] {strides = array<i32>} : memref<2x80x144xf32, #tpu.memory_space<vmem>>, vector<16xf32>,
      %parallel_loop3A_250 = arith.mulf %parallel_loop3A_249, %parallel_loop3A_156 : vector<16xf32>
      %parallel_loop3A_251 = arith.constant 0 : i32
      %parallel_loop3A_252 = arith.index_cast %parallel_loop3A_251 : i32 to index
      %parallel_loop3A_253 = arith.index_cast %parallel_loop3A_150 : i32 to index
      %parallel_loop3A_254 = arith.constant 128 : index
      %parallel_loop3A_255 = tpu.vector_load %arg9[%parallel_loop3A_252, %parallel_loop3A_253, %parallel_loop3A_254] {strides = array<i32>} : memref<2x80x144xf32, #tpu.memory_space<vmem>>, vector<16xf32>,
      tpu.vector_store %arg9[%parallel_loop3A_252, %parallel_loop3A_253, %parallel_loop3A_254], %parallel_loop3A_250 {strides = array<i32>} : memref<2x80x144xf32, #tpu.memory_space<vmem>>, vector<16xf32>,
    } {sc.loop_unroll_factor = 4 : i64, sc.parallel_access}
    %run_scoped3A_80 = arith.constant 0 : i32
    %run_scoped3A_81 = arith.constant 0 : i32
    "tpu.region"() ({
      %run_scoped3A_150 = tpu.sem_alloc : memref<!tpu.dma_semaphore, #tpu.memory_space<semaphore_mem>>
      %dma_start3A_151 = arith.constant 0 : i32
      %dma_start3A_152 = arith.constant 0 : i32
      %dma_start3A_153 = tpu.memref_slice %arg9[%run_scoped3A_80, %dma_start3A_151, %dma_start3A_152] : memref<2x80x144xf32, #tpu.memory_space<vmem>> -> memref<1x80x144xf32, #tpu.memory_space<vmem>>
      %dma_start3A_154 = tpu.memref_squeeze %dma_start3A_153 : memref<1x80x144xf32, #tpu.memory_space<vmem>> -> memref<80x144xf32, #tpu.memory_space<vmem>>
      %dma_start3A_155 = arith.constant 0 : i32
      %dma_start3A_156 = tpu.memref_slice %arg11[%run_scoped3A_81, %dma_start3A_155] : memref<4x80xi32, #tpu.memory_space<vmem>> -> memref<1x80xi32, #tpu.memory_space<vmem>>
      %dma_start3A_157 = tpu.memref_squeeze %dma_start3A_156 : memref<1x80xi32, #tpu.memory_space<vmem>> -> memref<80xi32, #tpu.memory_space<vmem>>
      %dma_start3A_158 = arith.constant 0 : i32
      %dma_start3A_159 = arith.constant 0 : i32
      %dma_start3A_160 = tpu.memref_slice %arg13[%dma_start3A_158, %dma_start3A_159] : memref<10000x144xf32, #tpu.memory_space<vmem_shared>> -> memref<10000x144xf32, #tpu.memory_space<vmem_shared>>
      tpu.enqueue_indirect_dma source(%dma_start3A_154 : memref<80x144xf32, #tpu.memory_space<vmem>>) target(%dma_start3A_160 : memref<10000x144xf32, #tpu.memory_space<vmem_shared>>) offsets(%dma_start3A_157 : memref<80xi32, #tpu.memory_space<vmem>>) semaphore(%run_scoped3A_150 : memref<!tpu.dma_semaphore, #tpu.memory_space<semaphore_mem>>) {add = true}
      %dma_wait3A_161 = arith.constant 0 : i32
      %dma_wait3A_162 = arith.constant 0 : i32
      %dma_wait3A_163 = tpu.memref_slice %arg9[%run_scoped3A_80, %dma_wait3A_161, %dma_wait3A_162] : memref<2x80x144xf32, #tpu.memory_space<vmem>> -> memref<1x80x144xf32, #tpu.memory_space<vmem>>
      %dma_wait3A_164 = tpu.memref_squeeze %dma_wait3A_163 : memref<1x80x144xf32, #tpu.memory_space<vmem>> -> memref<80x144xf32, #tpu.memory_space<vmem>>
      %dma_wait3A_165 = arith.constant 0 : i32
      %dma_wait3A_166 = tpu.memref_slice %arg11[%run_scoped3A_81, %dma_wait3A_165] : memref<4x80xi32, #tpu.memory_space<vmem>> -> memref<1x80xi32, #tpu.memory_space<vmem>>
      %dma_wait3A_167 = tpu.memref_squeeze %dma_wait3A_166 : memref<1x80xi32, #tpu.memory_space<vmem>> -> memref<80xi32, #tpu.memory_space<vmem>>
      %dma_wait3A_168 = arith.constant 0 : i32
      %dma_wait3A_169 = arith.constant 0 : i32
      %dma_wait3A_170 = tpu.memref_slice %arg13[%dma_wait3A_168, %dma_wait3A_169] : memref<10000x144xf32, #tpu.memory_space<vmem_shared>> -> memref<10000x144xf32, #tpu.memory_space<vmem_shared>>
      tpu.wait_indirect_dma semaphore(%run_scoped3A_150 : memref<!tpu.dma_semaphore, #tpu.memory_space<semaphore_mem>>) src(%dma_wait3A_164 : memref<80x144xf32, #tpu.memory_space<vmem>>) dst(%dma_wait3A_170 : memref<10000x144xf32, #tpu.memory_space<vmem_shared>>)
      tpu.yield
    }) : () -> ()
    %dma_wait3A_82 = arith.constant 1 : i32
    %dma_wait3A_83 = arith.constant 1 : i32
    %dma_wait3A_84 = arith.constant 0 : i32
    %dma_wait3A_85 = arith.constant 0 : i32
    %dma_wait3A_86 = tpu.memref_slice %arg9[%dma_wait3A_82, %dma_wait3A_84, %dma_wait3A_85] : memref<2x80x144xf32, #tpu.memory_space<vmem>> -> memref<1x80x144xf32, #tpu.memory_space<vmem>>
    %dma_wait3A_87 = tpu.memref_squeeze %dma_wait3A_86 : memref<1x80x144xf32, #tpu.memory_space<vmem>> -> memref<80x144xf32, #tpu.memory_space<vmem>>
    %dma_wait3A_88 = arith.constant 0 : i32
    %dma_wait3A_89 = tpu.memref_slice %arg11[%dma_wait3A_83, %dma_wait3A_88] : memref<4x80xi32, #tpu.memory_space<vmem>> -> memref<1x80xi32, #tpu.memory_space<vmem>>
    %dma_wait3A_90 = tpu.memref_squeeze %dma_wait3A_89 : memref<1x80xi32, #tpu.memory_space<vmem>> -> memref<80xi32, #tpu.memory_space<vmem>>
    %dma_wait3A_91 = arith.constant 0 : i32
    %dma_wait3A_92 = arith.constant 0 : i32
    %dma_wait3A_93 = tpu.memref_slice %arg13[%dma_wait3A_91, %dma_wait3A_92] : memref<10000x144xf32, #tpu.memory_space<vmem_shared>> -> memref<10000x144xf32, #tpu.memory_space<vmem_shared>>
    tpu.wait_indirect_dma semaphore(%arg17 : memref<!tpu.dma_semaphore, #tpu.memory_space<semaphore_mem>>) src(%dma_wait3A_87 : memref<80x144xf32, #tpu.memory_space<vmem>>) dst(%dma_wait3A_93 : memref<10000x144xf32, #tpu.memory_space<vmem_shared>>)
    %dma_wait3A_94 = arith.constant 0 : i32
    %dma_wait3A_95 = arith.constant 1 : i32
    %dma_wait3A_96 = arith.constant 0 : i32
    %dma_wait3A_97 = tpu.memref_slice %arg10[%dma_wait3A_95, %dma_wait3A_96] : memref<4x80xi32, #tpu.memory_space<vmem>> -> memref<1x80xi32, #tpu.memory_space<vmem>>
    %dma_wait3A_98 = tpu.memref_squeeze %dma_wait3A_97 : memref<1x80xi32, #tpu.memory_space<vmem>> -> memref<80xi32, #tpu.memory_space<vmem>>
    %dma_wait3A_99 = arith.constant 0 : i32
    %dma_wait3A_100 = tpu.memref_slice %arg3[%add3A, %dma_wait3A_94, %dma_wait3A_99] : memref<32x125x80xi32, #tpu.memory_space<hbm>> -> memref<1x1x80xi32, #tpu.memory_space<hbm>>
    %dma_wait3A_101 = tpu.memref_squeeze %dma_wait3A_100 : memref<1x1x80xi32, #tpu.memory_space<hbm>> -> memref<80xi32, #tpu.memory_space<hbm>>
    %dma_wait3A_102 = arith.constant 0 : i32
    %dma_wait3A_103 = tpu.memref_slice %arg10[%dma_wait3A_95, %dma_wait3A_102] : memref<4x80xi32, #tpu.memory_space<vmem>> -> memref<1x80xi32, #tpu.memory_space<vmem>>
    %dma_wait3A_104 = tpu.memref_squeeze %dma_wait3A_103 : memref<1x80xi32, #tpu.memory_space<vmem>> -> memref<80xi32, #tpu.memory_space<vmem>>
    %dma_wait3A_105 = arith.constant 0 : i32
    %dma_wait3A_106 = tpu.memref_slice %arg3[%add3A, %dma_wait3A_94, %dma_wait3A_105] : memref<32x125x80xi32, #tpu.memory_space<hbm>> -> memref<1x1x80xi32, #tpu.memory_space<hbm>>
    %dma_wait3A_107 = tpu.memref_squeeze %dma_wait3A_106 : memref<1x1x80xi32, #tpu.memory_space<hbm>> -> memref<80xi32, #tpu.memory_space<hbm>>
    tpu.wait_dma2 semaphore(%arg18 : memref<!tpu.dma_semaphore, #tpu.memory_space<semaphore_mem>>) src(%dma_wait3A_107 : memref<80xi32, #tpu.memory_space<hbm>>) dst(%dma_wait3A_104 : memref<80xi32, #tpu.memory_space<vmem>>)
    %dma_wait3A_108 = arith.constant 0 : i32
    %dma_wait3A_109 = arith.constant 1 : i32
    %dma_wait3A_110 = arith.constant 0 : i32
    %dma_wait3A_111 = tpu.memref_slice %arg11[%dma_wait3A_109, %dma_wait3A_110] : memref<4x80xi32, #tpu.memory_space<vmem>> -> memref<1x80xi32, #tpu.memory_space<vmem>>
    %dma_wait3A_112 = tpu.memref_squeeze %dma_wait3A_111 : memref<1x80xi32, #tpu.memory_space<vmem>> -> memref<80xi32, #tpu.memory_space<vmem>>
    %dma_wait3A_113 = arith.constant 0 : i32
    %dma_wait3A_114 = tpu.memref_slice %arg4[%add3A, %dma_wait3A_108, %dma_wait3A_113] : memref<32x125x80xi32, #tpu.memory_space<hbm>> -> memref<1x1x80xi32, #tpu.memory_space<hbm>>
    %dma_wait3A_115 = tpu.memref_squeeze %dma_wait3A_114 : memref<1x1x80xi32, #tpu.memory_space<hbm>> -> memref<80xi32, #tpu.memory_space<hbm>>
    %dma_wait3A_116 = arith.constant 0 : i32
    %dma_wait3A_117 = tpu.memref_slice %arg11[%dma_wait3A_109, %dma_wait3A_116] : memref<4x80xi32, #tpu.memory_space<vmem>> -> memref<1x80xi32, #tpu.memory_space<vmem>>
    %dma_wait3A_118 = tpu.memref_squeeze %dma_wait3A_117 : memref<1x80xi32, #tpu.memory_space<vmem>> -> memref<80xi32, #tpu.memory_space<vmem>>
    %dma_wait3A_119 = arith.constant 0 : i32
    %dma_wait3A_120 = tpu.memref_slice %arg4[%add3A, %dma_wait3A_108, %dma_wait3A_119] : memref<32x125x80xi32, #tpu.memory_space<hbm>> -> memref<1x1x80xi32, #tpu.memory_space<hbm>>
    %dma_wait3A_121 = tpu.memref_squeeze %dma_wait3A_120 : memref<1x1x80xi32, #tpu.memory_space<hbm>> -> memref<80xi32, #tpu.memory_space<hbm>>
    tpu.wait_dma2 semaphore(%arg18 : memref<!tpu.dma_semaphore, #tpu.memory_space<semaphore_mem>>) src(%dma_wait3A_121 : memref<80xi32, #tpu.memory_space<hbm>>) dst(%dma_wait3A_118 : memref<80xi32, #tpu.memory_space<vmem>>)
    %dma_wait3A_122 = arith.constant 0 : i32
    %dma_wait3A_123 = arith.constant 1 : i32
    %dma_wait3A_124 = arith.constant 0 : i32
    %dma_wait3A_125 = tpu.memref_slice %arg12[%dma_wait3A_123, %dma_wait3A_124] : memref<4x80xf32, #tpu.memory_space<vmem>> -> memref<1x80xf32, #tpu.memory_space<vmem>>
    %dma_wait3A_126 = tpu.memref_squeeze %dma_wait3A_125 : memref<1x80xf32, #tpu.memory_space<vmem>> -> memref<80xf32, #tpu.memory_space<vmem>>
    %dma_wait3A_127 = arith.constant 0 : i32
    %dma_wait3A_128 = tpu.memref_slice %arg5[%add3A, %dma_wait3A_122, %dma_wait3A_127] : memref<32x125x80xf32, #tpu.memory_space<hbm>> -> memref<1x1x80xf32, #tpu.memory_space<hbm>>
    %dma_wait3A_129 = tpu.memref_squeeze %dma_wait3A_128 : memref<1x1x80xf32, #tpu.memory_space<hbm>> -> memref<80xf32, #tpu.memory_space<hbm>>
    %dma_wait3A_130 = arith.constant 0 : i32
    %dma_wait3A_131 = tpu.memref_slice %arg12[%dma_wait3A_123, %dma_wait3A_130] : memref<4x80xf32, #tpu.memory_space<vmem>> -> memref<1x80xf32, #tpu.memory_space<vmem>>
    %dma_wait3A_132 = tpu.memref_squeeze %dma_wait3A_131 : memref<1x80xf32, #tpu.memory_space<vmem>> -> memref<80xf32, #tpu.memory_space<vmem>>
    %dma_wait3A_133 = arith.constant 0 : i32
    %dma_wait3A_134 = tpu.memref_slice %arg5[%add3A, %dma_wait3A_122, %dma_wait3A_133] : memref<32x125x80xf32, #tpu.memory_space<hbm>> -> memref<1x1x80xf32, #tpu.memory_space<hbm>>
    %dma_wait3A_135 = tpu.memref_squeeze %dma_wait3A_134 : memref<1x1x80xf32, #tpu.memory_space<hbm>> -> memref<80xf32, #tpu.memory_space<hbm>>
    tpu.wait_dma2 semaphore(%arg18 : memref<!tpu.dma_semaphore, #tpu.memory_space<semaphore_mem>>) src(%dma_wait3A_135 : memref<80xf32, #tpu.memory_space<hbm>>) dst(%dma_wait3A_132 : memref<80xf32, #tpu.memory_space<vmem>>)
    %barrier3A_136 = arith.constant 0 : index
    tpu.barrier barrier_id(%barrier3A_136)
    %mul3A_137 = arith.constant 624 : i32
    %mul3A_138 = arith.muli %arg1, %mul3A_137 : i32
    %multiple_of3A_139 = tpu.assume_multiple %mul3A_138, 8 : i32
    %eq3A_140 = arith.constant 0 : i32
    %eq3A_141 = arith.cmpi eq, %arg0, %eq3A_140 : i32
    %convert_element_type3A_142 = arith.extui %eq3A_141 : i1 to i32
    %cond3A_143 = arith.constant 0 : i32
    %cond3A_144 = arith.cmpi ne, %convert_element_type3A_142, %cond3A_143 : i32
    scf.if %cond3A_144 {
      "tpu.region"() ({
        %run_scoped3A_155 = tpu.sem_alloc : memref<!tpu.dma_semaphore, #tpu.memory_space<semaphore_mem>>
        %dma_start3A_156 = arith.constant 0 : i32
        %dma_start3A_157 = tpu.memref_slice %arg7[%multiple_of3A_139, %dma_start3A_156] : memref<10000x144xf32, #tpu.memory_space<hbm>> -> memref<624x144xf32, #tpu.memory_space<hbm>>
        %dma_start3A_158 = arith.constant 0 : i32
        %dma_start3A_159 = tpu.memref_slice %arg13[%multiple_of3A_139, %dma_start3A_158] : memref<10000x144xf32, #tpu.memory_space<vmem_shared>> -> memref<624x144xf32, #tpu.memory_space<vmem_shared>>
        tpu.enqueue_dma source(%dma_start3A_159 : memref<624x144xf32, #tpu.memory_space<vmem_shared>>) target(%dma_start3A_157 : memref<624x144xf32, #tpu.memory_space<hbm>>) target_semaphore(%run_scoped3A_155 : memref<!tpu.dma_semaphore, #tpu.memory_space<semaphore_mem>>)
        %dma_wait3A_160 = arith.constant 0 : i32
        %dma_wait3A_161 = tpu.memref_slice %arg7[%multiple_of3A_139, %dma_wait3A_160] : memref<10000x144xf32, #tpu.memory_space<hbm>> -> memref<624x144xf32, #tpu.memory_space<hbm>>
        %dma_wait3A_162 = arith.constant 0 : i32
        %dma_wait3A_163 = tpu.memref_slice %arg13[%multiple_of3A_139, %dma_wait3A_162] : memref<10000x144xf32, #tpu.memory_space<vmem_shared>> -> memref<624x144xf32, #tpu.memory_space<vmem_shared>>
        tpu.wait_dma2 semaphore(%run_scoped3A_155 : memref<!tpu.dma_semaphore, #tpu.memory_space<semaphore_mem>>) src(%dma_wait3A_163 : memref<624x144xf32, #tpu.memory_space<vmem_shared>>) dst(%dma_wait3A_161 : memref<624x144xf32, #tpu.memory_space<hbm>>)
        tpu.yield
      }) : () -> ()
      %eq3A_150 = arith.constant 15 : i32
      %eq3A_151 = arith.cmpi eq, %arg1, %eq3A_150 : i32
      %convert_element_type3A_152 = arith.extui %eq3A_151 : i1 to i32
      %cond3A_153 = arith.constant 0 : i32
      %cond3A_154 = arith.cmpi ne, %convert_element_type3A_152, %cond3A_153 : i32
      scf.if %cond3A_154 {
        "tpu.region"() ({
          %run_scoped3A_155 = tpu.sem_alloc : memref<!tpu.dma_semaphore, #tpu.memory_space<semaphore_mem>>
          %dma_start3A_156 = arith.constant 9984 : i32
          %dma_start3A_157 = arith.constant 0 : i32
          %dma_start3A_158 = tpu.memref_slice %arg7[%dma_start3A_156, %dma_start3A_157] : memref<10000x144xf32, #tpu.memory_space<hbm>> -> memref<16x144xf32, #tpu.memory_space<hbm>>
          %dma_start3A_159 = arith.constant 9984 : i32
          %dma_start3A_160 = arith.constant 0 : i32
          %dma_start3A_161 = tpu.memref_slice %arg13[%dma_start3A_159, %dma_start3A_160] : memref<10000x144xf32, #tpu.memory_space<vmem_shared>> -> memref<16x144xf32, #tpu.memory_space<vmem_shared>>
          tpu.enqueue_dma source(%dma_start3A_161 : memref<16x144xf32, #tpu.memory_space<vmem_shared>>) target(%dma_start3A_158 : memref<16x144xf32, #tpu.memory_space<hbm>>) target_semaphore(%run_scoped3A_155 : memref<!tpu.dma_semaphore, #tpu.memory_space<semaphore_mem>>)
          %dma_wait3A_162 = arith.constant 9984 : i32
          %dma_wait3A_163 = arith.constant 0 : i32
          %dma_wait3A_164 = tpu.memref_slice %arg7[%dma_wait3A_162, %dma_wait3A_163] : memref<10000x144xf32, #tpu.memory_space<hbm>> -> memref<16x144xf32, #tpu.memory_space<hbm>>
          %dma_wait3A_165 = arith.constant 9984 : i32
          %dma_wait3A_166 = arith.constant 0 : i32
          %dma_wait3A_167 = tpu.memref_slice %arg13[%dma_wait3A_165, %dma_wait3A_166] : memref<10000x144xf32, #tpu.memory_space<vmem_shared>> -> memref<16x144xf32, #tpu.memory_space<vmem_shared>>
          tpu.wait_dma2 semaphore(%run_scoped3A_155 : memref<!tpu.dma_semaphore, #tpu.memory_space<semaphore_mem>>) src(%dma_wait3A_167 : memref<16x144xf32, #tpu.memory_space<vmem_shared>>) dst(%dma_wait3A_164 : memref<16x144xf32, #tpu.memory_space<hbm>>)
          tpu.yield
        }) : () -> ()
      } else {
      }
    } else {
    }
    %eq3A_145 = arith.constant 1 : i32
    %eq3A_146 = arith.cmpi eq, %arg0, %eq3A_145 : i32
    %convert_element_type3A_147 = arith.extui %eq3A_146 : i1 to i32
    %cond3A_148 = arith.constant 0 : i32
    %cond3A_149 = arith.cmpi ne, %convert_element_type3A_147, %cond3A_148 : i32
    scf.if %cond3A_149 {
      "tpu.region"() ({
        %run_scoped3A_155 = tpu.sem_alloc : memref<!tpu.dma_semaphore, #tpu.memory_space<semaphore_mem>>
        %dma_start3A_156 = arith.constant 0 : i32
        %dma_start3A_157 = tpu.memref_slice %arg8[%multiple_of3A_139, %dma_start3A_156] : memref<10000x144xf32, #tpu.memory_space<hbm>> -> memref<624x144xf32, #tpu.memory_space<hbm>>
        %dma_start3A_158 = arith.constant 0 : i32
        %dma_start3A_159 = tpu.memref_slice %arg13[%multiple_of3A_139, %dma_start3A_158] : memref<10000x144xf32, #tpu.memory_space<vmem_shared>> -> memref<624x144xf32, #tpu.memory_space<vmem_shared>>
        tpu.enqueue_dma source(%dma_start3A_159 : memref<624x144xf32, #tpu.memory_space<vmem_shared>>) target(%dma_start3A_157 : memref<624x144xf32, #tpu.memory_space<hbm>>) target_semaphore(%run_scoped3A_155 : memref<!tpu.dma_semaphore, #tpu.memory_space<semaphore_mem>>)
        %dma_wait3A_160 = arith.constant 0 : i32
        %dma_wait3A_161 = tpu.memref_slice %arg8[%multiple_of3A_139, %dma_wait3A_160] : memref<10000x144xf32, #tpu.memory_space<hbm>> -> memref<624x144xf32, #tpu.memory_space<hbm>>
        %dma_wait3A_162 = arith.constant 0 : i32
        %dma_wait3A_163 = tpu.memref_slice %arg13[%multiple_of3A_139, %dma_wait3A_162] : memref<10000x144xf32, #tpu.memory_space<vmem_shared>> -> memref<624x144xf32, #tpu.memory_space<vmem_shared>>
        tpu.wait_dma2 semaphore(%run_scoped3A_155 : memref<!tpu.dma_semaphore, #tpu.memory_space<semaphore_mem>>) src(%dma_wait3A_163 : memref<624x144xf32, #tpu.memory_space<vmem_shared>>) dst(%dma_wait3A_161 : memref<624x144xf32, #tpu.memory_space<hbm>>)
        tpu.yield
      }) : () -> ()
      %eq3A_150 = arith.constant 15 : i32
      %eq3A_151 = arith.cmpi eq, %arg1, %eq3A_150 : i32
      %convert_element_type3A_152 = arith.extui %eq3A_151 : i1 to i32
      %cond3A_153 = arith.constant 0 : i32
      %cond3A_154 = arith.cmpi ne, %convert_element_type3A_152, %cond3A_153 : i32
      scf.if %cond3A_154 {
        "tpu.region"() ({
          %run_scoped3A_155 = tpu.sem_alloc : memref<!tpu.dma_semaphore, #tpu.memory_space<semaphore_mem>>
          %dma_start3A_156 = arith.constant 9984 : i32
          %dma_start3A_157 = arith.constant 0 : i32
          %dma_start3A_158 = tpu.memref_slice %arg8[%dma_start3A_156, %dma_start3A_157] : memref<10000x144xf32, #tpu.memory_space<hbm>> -> memref<16x144xf32, #tpu.memory_space<hbm>>
          %dma_start3A_159 = arith.constant 9984 : i32
          %dma_start3A_160 = arith.constant 0 : i32
          %dma_start3A_161 = tpu.memref_slice %arg13[%dma_start3A_159, %dma_start3A_160] : memref<10000x144xf32, #tpu.memory_space<vmem_shared>> -> memref<16x144xf32, #tpu.memory_space<vmem_shared>>
          tpu.enqueue_dma source(%dma_start3A_161 : memref<16x144xf32, #tpu.memory_space<vmem_shared>>) target(%dma_start3A_158 : memref<16x144xf32, #tpu.memory_space<hbm>>) target_semaphore(%run_scoped3A_155 : memref<!tpu.dma_semaphore, #tpu.memory_space<semaphore_mem>>)
          %dma_wait3A_162 = arith.constant 9984 : i32
          %dma_wait3A_163 = arith.constant 0 : i32
          %dma_wait3A_164 = tpu.memref_slice %arg8[%dma_wait3A_162, %dma_wait3A_163] : memref<10000x144xf32, #tpu.memory_space<hbm>> -> memref<16x144xf32, #tpu.memory_space<hbm>>
          %dma_wait3A_165 = arith.constant 9984 : i32
          %dma_wait3A_166 = arith.constant 0 : i32
          %dma_wait3A_167 = tpu.memref_slice %arg13[%dma_wait3A_165, %dma_wait3A_166] : memref<10000x144xf32, #tpu.memory_space<vmem_shared>> -> memref<16x144xf32, #tpu.memory_space<vmem_shared>>
          tpu.wait_dma2 semaphore(%run_scoped3A_155 : memref<!tpu.dma_semaphore, #tpu.memory_space<semaphore_mem>>) src(%dma_wait3A_167 : memref<16x144xf32, #tpu.memory_space<vmem_shared>>) dst(%dma_wait3A_164 : memref<16x144xf32, #tpu.memory_space<hbm>>)
          tpu.yield
        }) : () -> ()
      } else {
      }
    } else {
    }
    return
  }
}

#map = affine_map<(d0, d1) -> (0)>
#map1 = affine_map<(d0, d1) -> (0, 0)>
module attributes {stable_mosaic.version = 14 : i64} {
  func.func @_scw_body(%arg0: i32, %arg1: i32, %arg2: memref<10000xf32, #tpu.memory_space<hbm>>, %arg3: memref<10000xf32, #tpu.memory_space<hbm>>, %arg4: memref<32x10000xi32, #tpu.memory_space<hbm>>, %arg5: memref<32x10000xi32, #tpu.memory_space<hbm>>, %arg6: memref<32x10000xf32, #tpu.memory_space<hbm>>, %arg7: memref<10000xf32, #tpu.memory_space<vmem>>, %arg8: memref<10000xf32, #tpu.memory_space<vmem>>, %arg9: memref<10000xi32, #tpu.memory_space<vmem>>, %arg10: memref<10000xi32, #tpu.memory_space<vmem>>, %arg11: memref<10000xf32, #tpu.memory_space<vmem>>, %arg12: memref<!tpu.dma_semaphore, #tpu.memory_space<semaphore_mem>>) attributes {dimension_semantics = [#tpu.dimension_semantics<core_parallel>, #tpu.dimension_semantics<subcore_parallel>], iteration_bounds = array<i64: 2, 16>, scalar_prefetch = 0 : i64, scratch_operands = 6 : i64, tpu.core_type = #tpu.core_type<sc_vector_subcore>, window_params = [{transform_indices = #map}, {transform_indices = #map}, {transform_indices = #map1}, {transform_indices = #map1}, {transform_indices = #map1}]} {
    %mul3A = arith.constant 2 : i32
    %mul3A_0 = arith.muli %arg1, %mul3A : i32
    %add3A = arith.addi %mul3A_0, %arg0 : i32
    tpu.enqueue_dma source(%arg2 : memref<10000xf32, #tpu.memory_space<hbm>>) target(%arg7 : memref<10000xf32, #tpu.memory_space<vmem>>) target_semaphore(%arg12 : memref<!tpu.dma_semaphore, #tpu.memory_space<semaphore_mem>>)
    tpu.enqueue_dma source(%arg3 : memref<10000xf32, #tpu.memory_space<hbm>>) target(%arg8 : memref<10000xf32, #tpu.memory_space<vmem>>) target_semaphore(%arg12 : memref<!tpu.dma_semaphore, #tpu.memory_space<semaphore_mem>>)
    %dma_start3A = arith.constant 0 : i32
    %dma_start3A_1 = tpu.memref_slice %arg4[%add3A, %dma_start3A] : memref<32x10000xi32, #tpu.memory_space<hbm>> -> memref<1x10000xi32, #tpu.memory_space<hbm>>
    %dma_start3A_2 = tpu.memref_squeeze %dma_start3A_1 : memref<1x10000xi32, #tpu.memory_space<hbm>> -> memref<10000xi32, #tpu.memory_space<hbm>>
    %dma_start3A_3 = arith.constant 0 : i32
    %dma_start3A_4 = tpu.memref_slice %arg4[%add3A, %dma_start3A_3] : memref<32x10000xi32, #tpu.memory_space<hbm>> -> memref<1x10000xi32, #tpu.memory_space<hbm>>
    %dma_start3A_5 = tpu.memref_squeeze %dma_start3A_4 : memref<1x10000xi32, #tpu.memory_space<hbm>> -> memref<10000xi32, #tpu.memory_space<hbm>>
    tpu.enqueue_dma source(%dma_start3A_5 : memref<10000xi32, #tpu.memory_space<hbm>>) target(%arg9 : memref<10000xi32, #tpu.memory_space<vmem>>) target_semaphore(%arg12 : memref<!tpu.dma_semaphore, #tpu.memory_space<semaphore_mem>>)
    %dma_start3A_6 = arith.constant 0 : i32
    %dma_start3A_7 = tpu.memref_slice %arg5[%add3A, %dma_start3A_6] : memref<32x10000xi32, #tpu.memory_space<hbm>> -> memref<1x10000xi32, #tpu.memory_space<hbm>>
    %dma_start3A_8 = tpu.memref_squeeze %dma_start3A_7 : memref<1x10000xi32, #tpu.memory_space<hbm>> -> memref<10000xi32, #tpu.memory_space<hbm>>
    %dma_start3A_9 = arith.constant 0 : i32
    %dma_start3A_10 = tpu.memref_slice %arg5[%add3A, %dma_start3A_9] : memref<32x10000xi32, #tpu.memory_space<hbm>> -> memref<1x10000xi32, #tpu.memory_space<hbm>>
    %dma_start3A_11 = tpu.memref_squeeze %dma_start3A_10 : memref<1x10000xi32, #tpu.memory_space<hbm>> -> memref<10000xi32, #tpu.memory_space<hbm>>
    tpu.enqueue_dma source(%dma_start3A_11 : memref<10000xi32, #tpu.memory_space<hbm>>) target(%arg10 : memref<10000xi32, #tpu.memory_space<vmem>>) target_semaphore(%arg12 : memref<!tpu.dma_semaphore, #tpu.memory_space<semaphore_mem>>)
    tpu.wait_dma2 semaphore(%arg12 : memref<!tpu.dma_semaphore, #tpu.memory_space<semaphore_mem>>) src(%arg2 : memref<10000xf32, #tpu.memory_space<hbm>>) dst(%arg7 : memref<10000xf32, #tpu.memory_space<vmem>>)
    tpu.wait_dma2 semaphore(%arg12 : memref<!tpu.dma_semaphore, #tpu.memory_space<semaphore_mem>>) src(%arg3 : memref<10000xf32, #tpu.memory_space<hbm>>) dst(%arg8 : memref<10000xf32, #tpu.memory_space<vmem>>)
    %dma_wait3A = arith.constant 0 : i32
    %dma_wait3A_12 = tpu.memref_slice %arg4[%add3A, %dma_wait3A] : memref<32x10000xi32, #tpu.memory_space<hbm>> -> memref<1x10000xi32, #tpu.memory_space<hbm>>
    %dma_wait3A_13 = tpu.memref_squeeze %dma_wait3A_12 : memref<1x10000xi32, #tpu.memory_space<hbm>> -> memref<10000xi32, #tpu.memory_space<hbm>>
    %dma_wait3A_14 = arith.constant 0 : i32
    %dma_wait3A_15 = tpu.memref_slice %arg4[%add3A, %dma_wait3A_14] : memref<32x10000xi32, #tpu.memory_space<hbm>> -> memref<1x10000xi32, #tpu.memory_space<hbm>>
    %dma_wait3A_16 = tpu.memref_squeeze %dma_wait3A_15 : memref<1x10000xi32, #tpu.memory_space<hbm>> -> memref<10000xi32, #tpu.memory_space<hbm>>
    tpu.wait_dma2 semaphore(%arg12 : memref<!tpu.dma_semaphore, #tpu.memory_space<semaphore_mem>>) src(%dma_wait3A_16 : memref<10000xi32, #tpu.memory_space<hbm>>) dst(%arg9 : memref<10000xi32, #tpu.memory_space<vmem>>)
    %dma_wait3A_17 = arith.constant 0 : i32
    %dma_wait3A_18 = tpu.memref_slice %arg5[%add3A, %dma_wait3A_17] : memref<32x10000xi32, #tpu.memory_space<hbm>> -> memref<1x10000xi32, #tpu.memory_space<hbm>>
    %dma_wait3A_19 = tpu.memref_squeeze %dma_wait3A_18 : memref<1x10000xi32, #tpu.memory_space<hbm>> -> memref<10000xi32, #tpu.memory_space<hbm>>
    %dma_wait3A_20 = arith.constant 0 : i32
    %dma_wait3A_21 = tpu.memref_slice %arg5[%add3A, %dma_wait3A_20] : memref<32x10000xi32, #tpu.memory_space<hbm>> -> memref<1x10000xi32, #tpu.memory_space<hbm>>
    %dma_wait3A_22 = tpu.memref_squeeze %dma_wait3A_21 : memref<1x10000xi32, #tpu.memory_space<hbm>> -> memref<10000xi32, #tpu.memory_space<hbm>>
    tpu.wait_dma2 semaphore(%arg12 : memref<!tpu.dma_semaphore, #tpu.memory_space<semaphore_mem>>) src(%dma_wait3A_22 : memref<10000xi32, #tpu.memory_space<hbm>>) dst(%arg10 : memref<10000xi32, #tpu.memory_space<vmem>>)
    %parallel_loop3A = arith.constant 0 : i32
    %parallel_loop3A_23 = arith.constant 625 : i32
    %parallel_loop3A_24 = arith.constant 1 : i32
    scf.for %parallel_loop3A_25 = %parallel_loop3A to %parallel_loop3A_23 step %parallel_loop3A_24  : i32 {
      %parallel_loop3A_26 = arith.constant 16 : i32
      %parallel_loop3A_27 = arith.muli %parallel_loop3A_25, %parallel_loop3A_26 : i32
      %parallel_loop3A_28 = arith.index_cast %parallel_loop3A_27 : i32 to index
      %parallel_loop3A_29 = tpu.vector_load %arg9[%parallel_loop3A_28] {strides = array<i32>} : memref<10000xi32, #tpu.memory_space<vmem>>, vector<16xi32>,
      %parallel_loop3A_30 = tpu.vector_load_idx %arg7[%parallel_loop3A_29] : memref<10000xf32, #tpu.memory_space<vmem>>[vector<16xi32>], vector<16xf32>,
      %parallel_loop3A_31 = arith.index_cast %parallel_loop3A_27 : i32 to index
      %parallel_loop3A_32 = tpu.vector_load %arg10[%parallel_loop3A_31] {strides = array<i32>} : memref<10000xi32, #tpu.memory_space<vmem>>, vector<16xi32>,
      %parallel_loop3A_33 = tpu.vector_load_idx %arg8[%parallel_loop3A_32] : memref<10000xf32, #tpu.memory_space<vmem>>[vector<16xi32>], vector<16xf32>,
      %parallel_loop3A_34 = arith.addf %parallel_loop3A_30, %parallel_loop3A_33 : vector<16xf32>
      %parallel_loop3A_35 = arith.constant 2.000000e-01 : f32
      %parallel_loop3A_36 = vector.broadcast %parallel_loop3A_35 : f32 to vector<16xf32>
      %parallel_loop3A_37 = arith.mulf %parallel_loop3A_36, %parallel_loop3A_34 : vector<16xf32>
      %parallel_loop3A_38 = arith.maximumf %parallel_loop3A_34, %parallel_loop3A_37 : vector<16xf32>
      %parallel_loop3A_39 = math.exp %parallel_loop3A_38 : vector<16xf32>
      %parallel_loop3A_40 = arith.index_cast %parallel_loop3A_27 : i32 to index
      %parallel_loop3A_41 = tpu.vector_load %arg11[%parallel_loop3A_40] {strides = array<i32>} : memref<10000xf32, #tpu.memory_space<vmem>>, vector<16xf32>,
      tpu.vector_store %arg11[%parallel_loop3A_40], %parallel_loop3A_39 {strides = array<i32>} : memref<10000xf32, #tpu.memory_space<vmem>>, vector<16xf32>,
    } {sc.loop_unroll_factor = 4 : i64, sc.parallel_access}
    "tpu.region"() ({
      %run_scoped3A = tpu.sem_alloc : memref<!tpu.dma_semaphore, #tpu.memory_space<semaphore_mem>>
      %dma_start3A_25 = arith.constant 0 : i32
      %dma_start3A_26 = tpu.memref_slice %arg6[%add3A, %dma_start3A_25] : memref<32x10000xf32, #tpu.memory_space<hbm>> -> memref<1x10000xf32, #tpu.memory_space<hbm>>
      %dma_start3A_27 = tpu.memref_squeeze %dma_start3A_26 : memref<1x10000xf32, #tpu.memory_space<hbm>> -> memref<10000xf32, #tpu.memory_space<hbm>>
      %dma_start3A_28 = arith.constant 0 : i32
      %dma_start3A_29 = tpu.memref_slice %arg6[%add3A, %dma_start3A_28] : memref<32x10000xf32, #tpu.memory_space<hbm>> -> memref<1x10000xf32, #tpu.memory_space<hbm>>
      %dma_start3A_30 = tpu.memref_squeeze %dma_start3A_29 : memref<1x10000xf32, #tpu.memory_space<hbm>> -> memref<10000xf32, #tpu.memory_space<hbm>>
      tpu.enqueue_dma source(%arg11 : memref<10000xf32, #tpu.memory_space<vmem>>) target(%dma_start3A_30 : memref<10000xf32, #tpu.memory_space<hbm>>) target_semaphore(%run_scoped3A : memref<!tpu.dma_semaphore, #tpu.memory_space<semaphore_mem>>)
      %dma_wait3A_31 = arith.constant 0 : i32
      %dma_wait3A_32 = tpu.memref_slice %arg6[%add3A, %dma_wait3A_31] : memref<32x10000xf32, #tpu.memory_space<hbm>> -> memref<1x10000xf32, #tpu.memory_space<hbm>>
      %dma_wait3A_33 = tpu.memref_squeeze %dma_wait3A_32 : memref<1x10000xf32, #tpu.memory_space<hbm>> -> memref<10000xf32, #tpu.memory_space<hbm>>
      %dma_wait3A_34 = arith.constant 0 : i32
      %dma_wait3A_35 = tpu.memref_slice %arg6[%add3A, %dma_wait3A_34] : memref<32x10000xf32, #tpu.memory_space<hbm>> -> memref<1x10000xf32, #tpu.memory_space<hbm>>
      %dma_wait3A_36 = tpu.memref_squeeze %dma_wait3A_35 : memref<1x10000xf32, #tpu.memory_space<hbm>> -> memref<10000xf32, #tpu.memory_space<hbm>>
      tpu.wait_dma2 semaphore(%run_scoped3A : memref<!tpu.dma_semaphore, #tpu.memory_space<semaphore_mem>>) src(%arg11 : memref<10000xf32, #tpu.memory_space<vmem>>) dst(%dma_wait3A_36 : memref<10000xf32, #tpu.memory_space<hbm>>)
      tpu.yield
    }) : () -> ()
    return
  }
}

module attributes {stable_mosaic.version = 14 : i64} {
  func.func @_pre_body(%arg0: i32, %arg1: memref<2000x128xf32, #tpu.memory_space<vmem>>, %arg2: memref<128x128xf32, #tpu.memory_space<vmem>>, %arg3: memref<1x128xf32, #tpu.memory_space<vmem>>, %arg4: memref<1x128xf32, #tpu.memory_space<vmem>>, %arg5: memref<2000x144xf32, #tpu.memory_space<vmem>>, %arg6: memref<2000x1xf32, #tpu.memory_space<vmem>>, %arg7: memref<2000x1xf32, #tpu.memory_space<vmem>>) attributes {dimension_semantics = [#tpu.dimension_semantics<arbitrary>], iteration_bounds = array<i64: 5>, scalar_prefetch = 0 : i64, scratch_operands = 0 : i64, tpu.core_type = #tpu.core_type<tc>, window_params = [{transform_indices = @transform_0, window_bounds = array<i64: 2000, 128>}, {pipeline_mode = #tpu.pipeline_mode<synchronous>, transform_indices = @transform_1, window_bounds = array<i64: 128, 128>}, {pipeline_mode = #tpu.pipeline_mode<synchronous>, transform_indices = @transform_2, window_bounds = array<i64: 1, 128>}, {pipeline_mode = #tpu.pipeline_mode<synchronous>, transform_indices = @transform_3, window_bounds = array<i64: 1, 128>}, {transform_indices = @transform_4, window_bounds = array<i64: 2000, 144>}, {transform_indices = @transform_5, window_bounds = array<i64: 2000, 1>}, {transform_indices = @transform_6, window_bounds = array<i64: 2000, 1>}]} {
    %get3A = arith.constant 0 : index
    %get3A_0 = arith.constant 0 : index
    %get3A_1 = vector.load %arg1[%get3A, %get3A_0] : memref<2000x128xf32, #tpu.memory_space<vmem>>, vector<2000x128xf32>
    %get3A_2 = arith.constant 0 : index
    %get3A_3 = arith.constant 0 : index
    %get3A_4 = vector.load %arg2[%get3A_2, %get3A_3] : memref<128x128xf32, #tpu.memory_space<vmem>>, vector<128x128xf32>
    %dot_general3A = arith.constant dense<0.000000e+00> : vector<2000x128xf32>
    %dot_general3A_5 = tpu.matmul %get3A_1, %get3A_4, %dot_general3A {dimension_numbers = #tpu.dot_dimension_numbers<[1], [0], [0], [1], [0, 0, 1, 1], [], []>, transpose_lhs_hint = false} : vector<2000x128xf32>, vector<128x128xf32>, vector<2000x128xf32> -> vector<2000x128xf32>
    %broadcast_in_dim3A = arith.constant 1.000000e+00 : f32
    %broadcast_in_dim3A_6 = vector.broadcast %broadcast_in_dim3A : f32 to vector<2000x1xf32>
    %broadcast_in_dim3A_7 = arith.constant 0.000000e+00 : f32
    %broadcast_in_dim3A_8 = vector.broadcast %broadcast_in_dim3A_7 : f32 to vector<2000x15xf32>
    %concatenate3A = tpu.concatenate %dot_general3A_5, %broadcast_in_dim3A_6, %broadcast_in_dim3A_8 in 1 : vector<2000x128xf32>, vector<2000x1xf32>, vector<2000x15xf32> -> vector<2000x144xf32>
    %swap3A = arith.constant 0 : index
    %swap3A_9 = arith.constant 0 : index
    %swap3A_10 = vector.load %arg5[%swap3A, %swap3A_9] : memref<2000x144xf32, #tpu.memory_space<vmem>>, vector<2000x144xf32>
    tpu.vector_store %arg5[%swap3A, %swap3A_9], %concatenate3A {strides = array<i32>} : memref<2000x144xf32, #tpu.memory_space<vmem>>, vector<2000x144xf32>,
    %get3A_11 = arith.constant 0 : index
    %get3A_12 = arith.constant 0 : index
    %get3A_13 = vector.load %arg3[%get3A_11, %get3A_12] : memref<1x128xf32, #tpu.memory_space<vmem>>, vector<1x128xf32>
    %mul3A = vector.broadcast %get3A_13 : vector<1x128xf32> to vector<2000x128xf32>
    %mul3A_14 = arith.mulf %dot_general3A_5, %mul3A : vector<2000x128xf32>
    %reduce_sum3A = arith.constant dense<0.000000e+00> : vector<2000xf32>
    %reduce_sum3A_15 = vector.multi_reduction <add>, %mul3A_14, %reduce_sum3A [1] : vector<2000x128xf32> to vector<2000xf32>
    %broadcast_in_dim3A_16 = vector.shape_cast %reduce_sum3A_15 : vector<2000xf32> to vector<2000x1xf32>
    %swap3A_17 = arith.constant 0 : index
    %swap3A_18 = arith.constant 0 : index
    %swap3A_19 = vector.load %arg6[%swap3A_17, %swap3A_18] : memref<2000x1xf32, #tpu.memory_space<vmem>>, vector<2000x1xf32>
    tpu.vector_store %arg6[%swap3A_17, %swap3A_18], %broadcast_in_dim3A_16 {strides = array<i32>} : memref<2000x1xf32, #tpu.memory_space<vmem>>, vector<2000x1xf32>,
    %get3A_20 = arith.constant 0 : index
    %get3A_21 = arith.constant 0 : index
    %get3A_22 = vector.load %arg4[%get3A_20, %get3A_21] : memref<1x128xf32, #tpu.memory_space<vmem>>, vector<1x128xf32>
    %mul3A_23 = vector.broadcast %get3A_22 : vector<1x128xf32> to vector<2000x128xf32>
    %mul3A_24 = arith.mulf %dot_general3A_5, %mul3A_23 : vector<2000x128xf32>
    %reduce_sum3A_25 = arith.constant dense<0.000000e+00> : vector<2000xf32>
    %reduce_sum3A_26 = vector.multi_reduction <add>, %mul3A_24, %reduce_sum3A_25 [1] : vector<2000x128xf32> to vector<2000xf32>
    %broadcast_in_dim3A_27 = vector.shape_cast %reduce_sum3A_26 : vector<2000xf32> to vector<2000x1xf32>
    %swap3A_28 = arith.constant 0 : index
    %swap3A_29 = arith.constant 0 : index
    %swap3A_30 = vector.load %arg7[%swap3A_28, %swap3A_29] : memref<2000x1xf32, #tpu.memory_space<vmem>>, vector<2000x1xf32>
    tpu.vector_store %arg7[%swap3A_28, %swap3A_29], %broadcast_in_dim3A_27 {strides = array<i32>} : memref<2000x1xf32, #tpu.memory_space<vmem>>, vector<2000x1xf32>,
    return
  }
  func.func @transform_0(%arg0: i32) -> (i32, i32) {
    %c0_i32 = arith.constant 0 : i32
    %c0_i32_0 = arith.constant 0 : i32
    return %arg0, %c0_i32 : i32, i32
  }
  func.func @transform_1(%arg0: i32) -> (i32, i32) {
    %c0_i32 = arith.constant 0 : i32
    %c0_i32_0 = arith.constant 0 : i32
    %c0_i32_1 = arith.constant 0 : i32
    return %c0_i32, %c0_i32_0 : i32, i32
  }
  func.func @transform_2(%arg0: i32) -> (i32, i32) {
    %c0_i32 = arith.constant 0 : i32
    %c0_i32_0 = arith.constant 0 : i32
    %c0_i32_1 = arith.constant 0 : i32
    return %c0_i32, %c0_i32_0 : i32, i32
  }
  func.func @transform_3(%arg0: i32) -> (i32, i32) {
    %c0_i32 = arith.constant 0 : i32
    %c0_i32_0 = arith.constant 0 : i32
    %c0_i32_1 = arith.constant 0 : i32
    return %c0_i32, %c0_i32_0 : i32, i32
  }
  func.func @transform_4(%arg0: i32) -> (i32, i32) {
    %c0_i32 = arith.constant 0 : i32
    %c0_i32_0 = arith.constant 0 : i32
    return %arg0, %c0_i32 : i32, i32
  }
  func.func @transform_5(%arg0: i32) -> (i32, i32) {
    %c0_i32 = arith.constant 0 : i32
    %c0_i32_0 = arith.constant 0 : i32
    return %arg0, %c0_i32 : i32, i32
  }
  func.func @transform_6(%arg0: i32) -> (i32, i32) {
    %c0_i32 = arith.constant 0 : i32
    %c0_i32_0 = arith.constant 0 : i32
    return %arg0, %c0_i32 : i32, i32
  }
}

module attributes {stable_mosaic.version = 14 : i64} {
  func.func @_post_body(%arg0: memref<10000x144xf32, #tpu.memory_space<vmem>>, %arg1: memref<10000x144xf32, #tpu.memory_space<vmem>>, %arg2: memref<1x128xf32, #tpu.memory_space<vmem>>, %arg3: memref<1x128xf32, #tpu.memory_space<vmem>>, %arg4: memref<128x128xf32, #tpu.memory_space<vmem>>, %arg5: memref<1x128xf32, #tpu.memory_space<vmem>>, %arg6: memref<128x128xf32, #tpu.memory_space<vmem>>, %arg7: memref<1x128xf32, #tpu.memory_space<vmem>>, %arg8: memref<1x128xf32, #tpu.memory_space<vmem>>, %arg9: memref<1x128xf32, #tpu.memory_space<vmem>>, %arg10: memref<64x128xf32, #tpu.memory_space<vmem>>, %arg11: memref<1x64xf32, #tpu.memory_space<vmem>>, %arg12: memref<10000x64xf32, #tpu.memory_space<vmem>>) attributes {dimension_semantics = [], scalar_prefetch = 0 : i64, scratch_operands = 0 : i64, tpu.core_type = #tpu.core_type<tc>} {
    %get3A = arith.constant 0 : index
    %get3A_0 = arith.constant 0 : index
    %get3A_1 = vector.load %arg0[%get3A, %get3A_0] : memref<10000x144xf32, #tpu.memory_space<vmem>>, vector<10000x128xf32>
    %get3A_2 = arith.constant 0 : index
    %get3A_3 = arith.constant 0 : index
    %get3A_4 = vector.load %arg1[%get3A_2, %get3A_3] : memref<10000x144xf32, #tpu.memory_space<vmem>>, vector<10000x128xf32>
    %add3A = arith.addf %get3A_1, %get3A_4 : vector<10000x128xf32>
    %get3A_5 = arith.constant 0 : index
    %get3A_6 = arith.constant 128 : index
    %get3A_7 = vector.load %arg0[%get3A_5, %get3A_6] : memref<10000x144xf32, #tpu.memory_space<vmem>>, vector<10000x1xf32>
    %get3A_8 = arith.constant 0 : index
    %get3A_9 = arith.constant 128 : index
    %get3A_10 = vector.load %arg1[%get3A_8, %get3A_9] : memref<10000x144xf32, #tpu.memory_space<vmem>>, vector<10000x1xf32>
    %add3A_11 = arith.addf %get3A_7, %get3A_10 : vector<10000x1xf32>
    %add3A_12 = arith.constant 1.000000e-16 : f32
    %add3A_13 = vector.broadcast %add3A_12 : f32 to vector<10000x1xf32>
    %add3A_14 = arith.addf %add3A_11, %add3A_13 : vector<10000x1xf32>
    %div3A = vector.broadcast %add3A_14 : vector<10000x1xf32> to vector<10000x128xf32>
    %div3A_15 = arith.divf %add3A, %div3A : vector<10000x128xf32>
    %max3A = arith.constant 0.000000e+00 : f32
    %max3A_16 = vector.broadcast %max3A : f32 to vector<10000x128xf32>
    %max3A_17 = arith.maximumf %div3A_15, %max3A_16 : vector<10000x128xf32>
    %reduce_sum3A = arith.constant dense<0.000000e+00> : vector<128xf32>
    %reduce_sum3A_18 = vector.multi_reduction <add>, %max3A_17, %reduce_sum3A [0] : vector<10000x128xf32> to vector<128xf32>
    %broadcast_in_dim3A = vector.shape_cast %reduce_sum3A_18 : vector<128xf32> to vector<1x128xf32>
    %div3A_19 = arith.constant 1.000000e+04 : f32
    %div3A_20 = vector.broadcast %div3A_19 : f32 to vector<1x128xf32>
    %div3A_21 = arith.divf %broadcast_in_dim3A, %div3A_20 : vector<1x128xf32>
    %sub3A = vector.broadcast %div3A_21 : vector<1x128xf32> to vector<10000x128xf32>
    %sub3A_22 = arith.subf %max3A_17, %sub3A : vector<10000x128xf32>
    %integer_pow3A = arith.mulf %sub3A_22, %sub3A_22 : vector<10000x128xf32>
    %reduce_sum3A_23 = arith.constant dense<0.000000e+00> : vector<128xf32>
    %reduce_sum3A_24 = vector.multi_reduction <add>, %integer_pow3A, %reduce_sum3A_23 [0] : vector<10000x128xf32> to vector<128xf32>
    %broadcast_in_dim3A_25 = vector.shape_cast %reduce_sum3A_24 : vector<128xf32> to vector<1x128xf32>
    %div3A_26 = arith.constant 1.000000e+04 : f32
    %div3A_27 = vector.broadcast %div3A_26 : f32 to vector<1x128xf32>
    %div3A_28 = arith.divf %broadcast_in_dim3A_25, %div3A_27 : vector<1x128xf32>
    %sub3A_29 = vector.broadcast %div3A_21 : vector<1x128xf32> to vector<10000x128xf32>
    %sub3A_30 = arith.subf %max3A_17, %sub3A_29 : vector<10000x128xf32>
    %add3A_31 = arith.constant 9.99999974E-6 : f32
    %add3A_32 = vector.broadcast %add3A_31 : f32 to vector<1x128xf32>
    %add3A_33 = arith.addf %div3A_28, %add3A_32 : vector<1x128xf32>
    %sqrt3A = math.sqrt %add3A_33 : vector<1x128xf32>
    %div3A_34 = vector.broadcast %sqrt3A : vector<1x128xf32> to vector<10000x128xf32>
    %div3A_35 = arith.divf %sub3A_30, %div3A_34 : vector<10000x128xf32>
    %get3A_36 = arith.constant 0 : index
    %get3A_37 = arith.constant 0 : index
    %get3A_38 = vector.load %arg2[%get3A_36, %get3A_37] : memref<1x128xf32, #tpu.memory_space<vmem>>, vector<1x128xf32>
    %mul3A = vector.broadcast %get3A_38 : vector<1x128xf32> to vector<10000x128xf32>
    %mul3A_39 = arith.mulf %div3A_35, %mul3A : vector<10000x128xf32>
    %get3A_40 = arith.constant 0 : index
    %get3A_41 = arith.constant 0 : index
    %get3A_42 = vector.load %arg3[%get3A_40, %get3A_41] : memref<1x128xf32, #tpu.memory_space<vmem>>, vector<1x128xf32>
    %add3A_43 = vector.broadcast %get3A_42 : vector<1x128xf32> to vector<10000x128xf32>
    %add3A_44 = arith.addf %mul3A_39, %add3A_43 : vector<10000x128xf32>
    %get3A_45 = arith.constant 0 : index
    %get3A_46 = arith.constant 0 : index
    %get3A_47 = vector.load %arg4[%get3A_45, %get3A_46] : memref<128x128xf32, #tpu.memory_space<vmem>>, vector<128x128xf32>
    %dot_general3A = arith.constant dense<0.000000e+00> : vector<10000x128xf32>
    %dot_general3A_48 = tpu.matmul %add3A_44, %get3A_47, %dot_general3A {dimension_numbers = #tpu.dot_dimension_numbers<[1], [1], [0], [0], [0, 0, 1, 0], [], []>, transpose_lhs_hint = false} : vector<10000x128xf32>, vector<128x128xf32>, vector<10000x128xf32> -> vector<10000x128xf32>
    %get3A_49 = arith.constant 0 : index
    %get3A_50 = arith.constant 0 : index
    %get3A_51 = vector.load %arg5[%get3A_49, %get3A_50] : memref<1x128xf32, #tpu.memory_space<vmem>>, vector<1x128xf32>
    %add3A_52 = vector.broadcast %get3A_51 : vector<1x128xf32> to vector<10000x128xf32>
    %add3A_53 = arith.addf %dot_general3A_48, %add3A_52 : vector<10000x128xf32>
    %max3A_54 = arith.constant 0.000000e+00 : f32
    %max3A_55 = vector.broadcast %max3A_54 : f32 to vector<10000x128xf32>
    %max3A_56 = arith.maximumf %add3A_53, %max3A_55 : vector<10000x128xf32>
    %get3A_57 = arith.constant 0 : index
    %get3A_58 = arith.constant 0 : index
    %get3A_59 = vector.load %arg6[%get3A_57, %get3A_58] : memref<128x128xf32, #tpu.memory_space<vmem>>, vector<128x128xf32>
    %dot_general3A_60 = arith.constant dense<0.000000e+00> : vector<10000x128xf32>
    %dot_general3A_61 = tpu.matmul %max3A_56, %get3A_59, %dot_general3A_60 {dimension_numbers = #tpu.dot_dimension_numbers<[1], [1], [0], [0], [0, 0, 1, 0], [], []>, transpose_lhs_hint = false} : vector<10000x128xf32>, vector<128x128xf32>, vector<10000x128xf32> -> vector<10000x128xf32>
    %get3A_62 = arith.constant 0 : index
    %get3A_63 = arith.constant 0 : index
    %get3A_64 = vector.load %arg7[%get3A_62, %get3A_63] : memref<1x128xf32, #tpu.memory_space<vmem>>, vector<1x128xf32>
    %add3A_65 = vector.broadcast %get3A_64 : vector<1x128xf32> to vector<10000x128xf32>
    %add3A_66 = arith.addf %dot_general3A_61, %add3A_65 : vector<10000x128xf32>
    %max3A_67 = arith.constant 0.000000e+00 : f32
    %max3A_68 = vector.broadcast %max3A_67 : f32 to vector<10000x128xf32>
    %max3A_69 = arith.maximumf %add3A_66, %max3A_68 : vector<10000x128xf32>
    %reduce_sum3A_70 = arith.constant dense<0.000000e+00> : vector<128xf32>
    %reduce_sum3A_71 = vector.multi_reduction <add>, %max3A_69, %reduce_sum3A_70 [0] : vector<10000x128xf32> to vector<128xf32>
    %broadcast_in_dim3A_72 = vector.shape_cast %reduce_sum3A_71 : vector<128xf32> to vector<1x128xf32>
    %div3A_73 = arith.constant 1.000000e+04 : f32
    %div3A_74 = vector.broadcast %div3A_73 : f32 to vector<1x128xf32>
    %div3A_75 = arith.divf %broadcast_in_dim3A_72, %div3A_74 : vector<1x128xf32>
    %sub3A_76 = vector.broadcast %div3A_75 : vector<1x128xf32> to vector<10000x128xf32>
    %sub3A_77 = arith.subf %max3A_69, %sub3A_76 : vector<10000x128xf32>
    %integer_pow3A_78 = arith.mulf %sub3A_77, %sub3A_77 : vector<10000x128xf32>
    %reduce_sum3A_79 = arith.constant dense<0.000000e+00> : vector<128xf32>
    %reduce_sum3A_80 = vector.multi_reduction <add>, %integer_pow3A_78, %reduce_sum3A_79 [0] : vector<10000x128xf32> to vector<128xf32>
    %broadcast_in_dim3A_81 = vector.shape_cast %reduce_sum3A_80 : vector<128xf32> to vector<1x128xf32>
    %div3A_82 = arith.constant 1.000000e+04 : f32
    %div3A_83 = vector.broadcast %div3A_82 : f32 to vector<1x128xf32>
    %div3A_84 = arith.divf %broadcast_in_dim3A_81, %div3A_83 : vector<1x128xf32>
    %sub3A_85 = vector.broadcast %div3A_75 : vector<1x128xf32> to vector<10000x128xf32>
    %sub3A_86 = arith.subf %max3A_69, %sub3A_85 : vector<10000x128xf32>
    %add3A_87 = arith.constant 9.99999974E-6 : f32
    %add3A_88 = vector.broadcast %add3A_87 : f32 to vector<1x128xf32>
    %add3A_89 = arith.addf %div3A_84, %add3A_88 : vector<1x128xf32>
    %sqrt3A_90 = math.sqrt %add3A_89 : vector<1x128xf32>
    %div3A_91 = vector.broadcast %sqrt3A_90 : vector<1x128xf32> to vector<10000x128xf32>
    %div3A_92 = arith.divf %sub3A_86, %div3A_91 : vector<10000x128xf32>
    %get3A_93 = arith.constant 0 : index
    %get3A_94 = arith.constant 0 : index
    %get3A_95 = vector.load %arg8[%get3A_93, %get3A_94] : memref<1x128xf32, #tpu.memory_space<vmem>>, vector<1x128xf32>
    %mul3A_96 = vector.broadcast %get3A_95 : vector<1x128xf32> to vector<10000x128xf32>
    %mul3A_97 = arith.mulf %div3A_92, %mul3A_96 : vector<10000x128xf32>
    %get3A_98 = arith.constant 0 : index
    %get3A_99 = arith.constant 0 : index
    %get3A_100 = vector.load %arg9[%get3A_98, %get3A_99] : memref<1x128xf32, #tpu.memory_space<vmem>>, vector<1x128xf32>
    %add3A_101 = vector.broadcast %get3A_100 : vector<1x128xf32> to vector<10000x128xf32>
    %add3A_102 = arith.addf %mul3A_97, %add3A_101 : vector<10000x128xf32>
    %get3A_103 = arith.constant 0 : index
    %get3A_104 = arith.constant 0 : index
    %get3A_105 = vector.load %arg10[%get3A_103, %get3A_104] : memref<64x128xf32, #tpu.memory_space<vmem>>, vector<64x128xf32>
    %dot_general3A_106 = arith.constant dense<0.000000e+00> : vector<10000x64xf32>
    %dot_general3A_107 = tpu.matmul %add3A_102, %get3A_105, %dot_general3A_106 {dimension_numbers = #tpu.dot_dimension_numbers<[1], [1], [0], [0], [0, 0, 1, 0], [], []>, transpose_lhs_hint = false} : vector<10000x128xf32>, vector<64x128xf32>, vector<10000x64xf32> -> vector<10000x64xf32>
    %get3A_108 = arith.constant 0 : index
    %get3A_109 = arith.constant 0 : index
    %get3A_110 = vector.load %arg11[%get3A_108, %get3A_109] : memref<1x64xf32, #tpu.memory_space<vmem>>, vector<1x64xf32>
    %add3A_111 = vector.broadcast %get3A_110 : vector<1x64xf32> to vector<10000x64xf32>
    %add3A_112 = arith.addf %dot_general3A_107, %add3A_111 : vector<10000x64xf32>
    %reduce_max3A = arith.constant dense<0xFF800000> : vector<10000xf32>
    %reduce_max3A_113 = vector.multi_reduction <maximumf>, %add3A_112, %reduce_max3A [1] : vector<10000x64xf32> to vector<10000xf32>
    %broadcast_in_dim3A_114 = vector.shape_cast %reduce_max3A_113 : vector<10000xf32> to vector<10000x1xf32>
    %sub3A_115 = vector.broadcast %broadcast_in_dim3A_114 : vector<10000x1xf32> to vector<10000x64xf32>
    %sub3A_116 = arith.subf %add3A_112, %sub3A_115 : vector<10000x64xf32>
    %exp3A = math.exp %sub3A_116 : vector<10000x64xf32>
    %reduce_sum3A_117 = arith.constant dense<0.000000e+00> : vector<10000xf32>
    %reduce_sum3A_118 = vector.multi_reduction <add>, %exp3A, %reduce_sum3A_117 [1] : vector<10000x64xf32> to vector<10000xf32>
    %broadcast_in_dim3A_119 = vector.shape_cast %reduce_sum3A_118 : vector<10000xf32> to vector<10000x1xf32>
    %div3A_120 = vector.broadcast %broadcast_in_dim3A_119 : vector<10000x1xf32> to vector<10000x64xf32>
    %div3A_121 = arith.divf %exp3A, %div3A_120 : vector<10000x64xf32>
    %swap3A = arith.constant 0 : index
    %swap3A_122 = arith.constant 0 : index
    %swap3A_123 = vector.load %arg12[%swap3A, %swap3A_122] : memref<10000x64xf32, #tpu.memory_space<vmem>>, vector<10000x64xf32>
    tpu.vector_store %arg12[%swap3A, %swap3A_122], %div3A_121 {strides = array<i32>} : memref<10000x64xf32, #tpu.memory_space<vmem>>, vector<10000x64xf32>,
    return
  }
}

</mosaic_0001>

<sc_bundles>
// kernel: kernel.6.cloned.1.call-start
scs
__scs_entry_jumppad:
0x0: {  	(pc) =	sbr.rel $0x88, $3  }
0x1: {  	(tag) =	ssettag $0x0;
	lr =	simm.s32 $0x1  }
0x2: {  	[smem:$0x3F92] =	sst lr;
	_ =	strace $0xD0000000  }
0x3: {  	_ = 	snop  }
0x4: {  	_ = 	snop  }
0x5: {  	_ = 	snop  }
0x6: {  	_ = 	snop  }
0x7: {  	_ = 	snop  }
__scs_overlays_trampoline_lowered:
0x8: {  	[smem:$0x3FA1] =	sst s0  }
0x9: {  	[smem:$0x3FA2] =	sst s1  }
0xa: {  	[smem:$0x3FA3] =	sst s2  }
0xb: {  	[smem:$0x3FA4] =	sst s3  }
0xc: {  	[smem:$0x3FA5] =	sst s4  }
0xd: {  	[smem:$0x3FA6] =	sst s5  }
0xe: {  	[smem:$0x3FA7] =	sst s6  }
0xf: {  	[smem:$0x3FA8] =	sst s7  }
0x10: {  	[smem:$0x3FA9] =	sst s8  }
0x11: {  	[smem:$0x3FAA] =	sst s9;
	s0 =	simm.s32 @!p0 $0x0  }
0x12: {  	s1 =	sld [smem:$0x3F90];
	s0 =	simm.s32 @p0 $0x1  }
0x13: {  	[smem:$0x3FAB] =	sst s0;
	s0 =	simm.s32 @!p1 $0x0  }
0x14: {  	s2 =	sld [smem:$0x3F8F];
	s0 =	simm.s32 @p1 $0x1  }
0x15: {  	[smem:$0x3FAC] =	sst s0;
	s0 =	simm.s32 @!p2 $0x0  }
0x16: {  	s3 =	sld [smem:$0x3FDB];
	s0 =	simm.s32 @p2 $0x1  }
0x17: {  	s4 =	simm.s32 $0x1BF5;
	[smem:$0x3FAE] =	sst s0  }
0x18: {  	s0 =	sld [smem:$0x3F91];
	_ =	swait.ge [sflag:s4], $0x0  }
0x19: {  	s7 =	sld [smem:$0x3F92]  }
0x1a: {  	s8 =	sadd.s32 $0xFFFFE003, lr  }
0x1b: {  	s9 =	sadd.s32 $0xFFFFFEF7, lr;
	s5 =	simm.s32 $0xFFFFFFFF;
	p2 =	slt.u32 s8, $0xFFFFF086  }
0x1c: {  	p1 =	slt.u32 s9, $0xF7A;
	s5 =	simm.s32 @!p2 $0x0  }
0x1d: {  	s5 =	simm.s32 @p1 $0x1;
	p0 =	seq.s32 s7, s2  }
0x1e: {  	s7 =	smul.u32 @!p0 $0xF7A, s2;
	p2 =	seq.s32 @!p0 s5, $0x0  }
0x1f: {  	s9 =	smul.u32 $0xF7A, s1;
	s8 =	simm.s32 @!p0 $0x1BF5;
	p2 =	por !p2, p0  }
0x20: {  	[sflag:s8] =	ssyncset.s32 @!p0 $0xFFFFF086;
	s6 =	sadd.s32 @!p0 s3, s7;
	s7 =	simm.s32 @!p0 $0x108  }
0x21: {  	s3 =	sadd.s32 s3, s9;
	s6 =	sadd.s32 @!p0 $0x88, s6;
	s7 =	simm.s32 @p2 $0x1082  }
0x22: {  	[simem:s7], [sflag:s8] =	dma.local @!p0 [hbm:s6], $0xF7A  }
0x23: {  	s9 =	sor.u32 $0xD0000000, s2;
	s6 =	simm.s32 $0x108;
	_ =	swait.ge @!p0 [sflag:s8], $0x0  }
0x24: {  	s3 =	sadd.s32 $0x88, s3;
	s6 =	simm.s32 @!p1 $0x1082;
	[sflag:s4] =	ssyncset.s32 $0xFFFFF086  }
0x25: {  	[simem:s6], [sflag:s4] =	dma.local [hbm:s3], $0xF7A  }
0x26: {  	[smem:$0x3F92] =	sst s1;
	(tag) =	ssettag s2;
	_ =	strace s9  }
0x27: {  	s1 =	sld [smem:$0x3FA2]  }
0x28: {  	s2 =	sld [smem:$0x3FA3]  }
0x29: {  	s4 =	sld [smem:$0x3FA5]  }
0x2a: {  	p0 =	seq.s32 s5, $0x0;
	s5 =	sld [smem:$0x3FA6]  }
0x2b: {  	s6 =	sld [smem:$0x3FA7]  }
0x2c: {  	s7 =	sld [smem:$0x3FA8]  }
0x2d: {  	s3 =	simm.s32 $0x108;
	s8 =	sld [smem:$0x3FA9]  }
0x2e: {  	s3 =	simm.s32 @!p0 $0x1082;
	s9 =	sld [smem:$0x3FAA]  }
0x2f: {  	lr =	sadd.s32 s0, s3;
	s0 =	sld [smem:$0x3FA1]  }
0x30: {  	s3 =	sld [smem:$0x3FA4]  }
0x31: {  	[smem:$0x3FAD] =	sst s10  }
0x32: {  	s10 =	sld [smem:$0x3FAB];
	_ =	sdelay $0x3  }
0x33: {  	p0 =	seq.s32 s10, $0x1;
	s10 =	sld [smem:$0x3FAD];
	_ =	sdelay $0x3  }
0x34: {  	[smem:$0x3FAD] =	sst s10  }
0x35: {  	s10 =	sld [smem:$0x3FAC];
	_ =	sdelay $0x3  }
0x36: {  	p1 =	seq.s32 s10, $0x1;
	s10 =	sld [smem:$0x3FAD];
	_ =	sdelay $0x3  }
0x37: {  	[smem:$0x3FAD] =	sst s10  }
0x38: {  	s10 =	sld [smem:$0x3FAE]  }
0x39: {  	_ = 	snop;
	(pc) =	sbr.ind lr, $3  }
0x3a: {  	_ = 	snop  }
0x3b: {  	_ = 	snop  }
0x3c: {  	p2 =	seq.s32 s10, $0x1;
	s10 =	sld [smem:$0x3FAD]  }
0x3d: {  	_ =	shalt  }
0x3e: {  	_ =	shalt  }
0x3f: {  	_ =	shalt  }
0x40: {  	_ =	shalt  }
0x41: {  	_ =	shalt  }
0x42: {  	_ =	shalt  }
0x43: {  	_ =	shalt  }
0x44: {  	_ =	shalt  }
0x45: {  	_ =	shalt  }
0x46: {  	_ =	shalt  }
0x47: {  	_ =	shalt  }
0x48: {  	_ =	shalt  }
0x49: {  	_ =	shalt  }
0x4a: {  	_ =	shalt  }
0x4b: {  	_ =	shalt  }
0x4c: {  	_ =	shalt  }
0x4d: {  	_ =	shalt  }
0x4e: {  	_ =	shalt  }
0x4f: {  	_ =	shalt  }
0x50: {  	_ =	shalt  }
0x51: {  	_ =	shalt  }
0x52: {  	_ =	shalt  }
0x53: {  	_ =	shalt  }
0x54: {  	_ =	shalt  }
0x55: {  	_ =	shalt  }
0x56: {  	_ =	shalt  }
0x57: {  	_ =	shalt  }
0x58: {  	_ =	shalt  }
0x59: {  	_ =	shalt  }
0x5a: {  	_ =	shalt  }
0x5b: {  	_ =	shalt  }
0x5c: {  	_ =	shalt  }
0x5d: {  	_ =	shalt  }
0x5e: {  	_ =	shalt  }
0x5f: {  	_ =	shalt  }
0x60: {  	_ =	shalt  }
0x61: {  	_ =	shalt  }
0x62: {  	_ =	shalt  }
0x63: {  	_ =	shalt  }
0x64: {  	_ =	shalt  }
0x65: {  	_ =	shalt  }
0x66: {  	_ =	shalt  }
0x67: {  	_ =	shalt  }
0x68: {  	_ =	shalt  }
0x69: {  	_ =	shalt  }
0x6a: {  	_ =	shalt  }
0x6b: {  	_ =	shalt  }
0x6c: {  	_ =	shalt  }
0x6d: {  	_ =	shalt  }
0x6e: {  	_ =	shalt  }
0x6f: {  	_ =	shalt  }
0x70: {  	_ =	shalt  }
0x71: {  	_ =	shalt  }
0x72: {  	_ =	shalt  }
0x73: {  	_ =	shalt  }
0x74: {  	_ =	shalt  }
0x75: {  	_ =	shalt  }
0x76: {  	_ =	shalt  }
0x77: {  	_ =	shalt  }
0x78: {  	_ =	shalt  }
0x79: {  	_ =	shalt  }
0x7a: {  	_ =	shalt  }
0x7b: {  	_ =	shalt  }
0x7c: {  	_ =	shalt  }
0x7d: {  	_ =	shalt  }
0x7e: {  	_ =	shalt  }
0x7f: {  	_ =	shalt  }
0x80: {  	_ =	shalt  }
0x81: {  	_ =	shalt  }
0x82: {  	_ =	shalt  }
0x83: {  	_ =	shalt  }
0x84: {  	_ =	shalt  }
0x85: {  	_ =	shalt  }
0x86: {  	_ =	shalt  }
0x87: {  	_ =	shalt  }
.Lfunc_end0:
.L_simem_size_0:
called_computation_lowered:
.L_overlay_start_0:
0x88: {  	s2 =	sld [smem:$0x3FD9]  }
0x89: {  	s3 =	sld [smem:$0x3FFE];
	_ =	sdelay $0x1  }
0x8a: {  	s1 =	srdreg.scid  }
0x8b: {  	s0 =	sand.u32 $0x1, s1  }
0x8c: {  	s17 =	sshll.u32 s0, $0xA;
	s2 =	sadd.s32 s3, s2  }
0x8d: {  	s2 =	sadd.s32 s2, s17  }
0x8e: {  	[smem:$0x3FB9] =	sst s2  }
0x8f: {  	_ = 	snop  }
0x90: {  	s2 =	sld [smem:$0x3FD0];
	(tm) =	ssettm $0x1  }
0x91: {  	s18 =	sld [smem:$0x3FFB];
	_ =	sdelay $0x3  }
0x92: {  	_ =	strace s18  }
0x93: {  	s3 =	sld [smem:$0x3FFC];
	_ =	sdelay $0x3  }
0x94: {  	_ =	strace s3  }
0x95: {  	s3 =	sld [smem:$0x3FFD];
	_ =	sdelay $0x3  }
0x96: {  	_ =	strace s3  }
0x97: {  	_ =	strace $0x8FFFFFFF  }
0x98: {  	s19 =	sld [smem:$0x3FDB];
	_ =	sdelay $0x1  }
0x99: {  	s4 =	simm.s32 $_scs_section_size  }
0x9a: {  	s5 =	simm.s32 $_size__tile_overlayer_lowered;
	s6 =	simm.s32 $_tile_overlayer_lowered  }
0x9b: {  	s22 =	simm.s32 $0x1BFF;
	s21 =	sshll.u32 s6, $0x1;
	s3 =	sadd.s32 s4, s19  }
0x9c: {  	s7 =	simm.s32 $0x0;
	s20 =	sshll.u32 s5, $0x1;
	s5 =	sadd.s32 s21, s3  }
0x9d: {  	[timem:s7], [sflag:s22] =	dma.local [hbm:s5], s20  }
0x9e: {  	_ =	swait.ge [sflag:s22], s20  }
0x9f: {  	s4 =	ssub.s32 $0x0, s20;
	[sflag:s22] =	ssyncset.done $0x0  }
0xa0: {  	[sflag:s22] =	ssyncadd.s32 s4;
	_ =	sdelay $0x1  }
0xa1: {  	s23 =	simm.s32 $0x1B8B  }
0xa2: {  	_ =	swait.ge [sflag:s23], $0x1  }
0xa3: {  	[sflag:s23] =	ssyncset.done $0x0  }
0xa4: {  	s25 =	simm.s32 $0x1B8E;
	s24 =	sld [smem:$0x3FFE];
	[sflag:s23] =	ssyncadd.s32 $0xFFFFFFFF  }
0xa5: {  	s26 =	simm.s32 $execute0_lowered;
	[smem:$0x3FD2] =	sst s25  }
0xa6: {  	s5 =	sshll.u32 s26, $0x1;
	_ =	strace $0x80000046;
	[dreg:$0x1] =	wrdreg $0xFFFFFFFF  }
0xa7: {  	s28 =	simm.s32 $_size_execute0_lowered;
	s3 =	sadd.s32 s3, s5;
	[dreg:$0x0] =	wrdreg $0x0  }
0xa8: {  	s5 =	sshll.u32 s28, $0x1;
	[dreg:$0x2] =	wrdreg s3  }
0xa9: {  	[dreg:$0x3] =	wrdreg s5  }
0xaa: {  	[dreg:$0x4] =	wrdreg $0xC0  }
0xab: {  	_ =	task [dreg:s7], $0x5FFFF  }
0xac: {  	[dreg:$0x1] =	wrdreg $0xFFFFFFFF  }
0xad: {  	[dreg:$0x0] =	wrdreg $0x60  }
0xae: {  	[dreg:$0x2] =	wrdreg s24  }
0xaf: {  	[dreg:$0x3] =	wrdreg s2  }
0xb0: {  	[dreg:$0x4] =	wrdreg $0x9  }
0xb1: {  	_ =	task.clear_ibuf [dreg:s7], $0x5FFFF;
	_ =	strace $0x90000046  }
0xb2: {  	s29 =	simm.s32 $0x9;
	_ =	strace $0x80000048  }
0xb3: {  	_ =	swait.ge [sflag:s29], $0x1  }
0xb4: {  	[sflag:s29] =	ssyncadd.s32 $0xFFFFFFFF  }
0xb5: {  	_ =	strace $0x90000048  }
0xb6: {  	_ =	sfence  }
0xb7: {  	s30 =	sld [smem:$0x0];
	_ =	sdelay $0x2  }
0xb8: {  	s31 =	sshll.u32 s1, $0xD;
	s1 =	sshrl.u32 s1, $0x2  }
0xb9: {  	s3 =	sand.u32 $0x4000, s31;
	s1 =	sadd.s32 s1, s30  }
0xba: {  	s0 =	sor.u32 s3, s0;
	s1 =	sshll.u32 s1, $0x11  }
0xbb: {  	s0 =	sor.u32 s1, s0  }
0xbc: {  	s0 =	sadd.s32 $0x8F2B, s0  }
0xbd: {  	[sflag:s0] =	ssyncadd.remote.s32 $0x1  }
0xbe: {  	_ =	sfence.sel $0xFFFF  }
0xbf: {  	[dreg:$0x0] =	wrdreg $0xFFFFFFFF;
	(pc) =	sbr.abs _section_cstart, $3  }
0xc0: {  	[dreg:$0x1] =	wrdreg $0xFFFFFFFF  }
0xc1: {  	_ =	task.clear_ibuf [dreg:s7], $0x2FFFF;
	_ =	strace $0x9FFFFFFF  }
0xc2: {  	(tm) =	ssettm $0x7FFFFFFF  }
0xc3: {  	_ =	shalt  }
tec
execute0_lowered:
.L_overlay_start_1:
0x0: {  	(tag) =	ssettag $0x1  }
0x1: {  	s5 =	rddreg [dreg:$0x0];
	s1 =	srdreg.scid  }
0x2: {  	s0 =	stileid.u32;
	s6 =	rddreg [dreg:$0x1];
	s2 =	simm.s32 $0x0  }
0x3: {  	s10 =	simm.s32 $0x4E20;
	s11 =	simm.s32 $0x7530;
	s12 =	simm.s32 $0x1  }
0x4: {  	s13 =	simm.s32 $0x9C40;
	s14 =	simm.s32 $0x2;
	s15 =	simm.s32 $0x0  }
0x5: {  	s4 =	sand.u32 $0x1, s1;
	s3 =	sshll.u32 s0, $0x1;
	s1 =	rddreg [dreg:$0x2]  }
0x6: {  	[smem:$0x7FF] =	sst s2;
	s3 =	sor.u32 s4, s3;
	s8 =	ssub.s32 $0x2, s4  }
0x7: {  	_ =	strace $0x80000047;
	s7 =	smul.u32 $0x4E2, s3;
	s31 =	sshrl.u32 s8, $0x1  }
0x8: {  	s4 =	sadd.s32 $0x50800, s5;
	s3 =	sadd.s32 $0x50E00, s5;
	s8 =	ssub.s32 s8, s31  }
0x9: {  	s9 =	sadd.s32 s7, s5;
	s6 =	sadd.s32 s6, s7;
	s8 =	smax.u32 s8, $0x1  }
0xa: {  	s5 =	sadd.s32 $0x51400, s9;
	s7 =	sadd.s32 $0x5B200, s9;
	s9 =	simm.s32 $0x2710  }
.LBB2_1:
0xb: {  	[tilespmem:s2], [sflag:$0x1] =	stream.linear.gather [hbm4b:s3+s2], $0x2710, $0x38;
	[tilespmem:$0xC350] =	vst v63  }
0xc: {  	_ = 	snop  }
0xd: {  	[tilespmem:s9], [sflag:$0x1] =	stream.linear.gather [hbm4b:s4+s2], $0x2710, $0x38;
	[tilespmem:$0xC350] =	vst v63  }
0xe: {  	_ = 	snop  }
0xf: {  	[tilespmem:s10], [sflag:$0x1] =	stream.linear.gather [hbm4b:s5+s2], $0x2710, $0x38;
	[tilespmem:$0xC350] =	vst v63  }
0x10: {  	_ = 	snop  }
0x11: {  	[tilespmem:s11], [sflag:$0x1] =	stream.linear.gather [hbm4b:s6+s2], $0x2710, $0x38;
	[tilespmem:$0xC350] =	vst v63  }
0x12: {  	_ =	swait.ge [sflag:s12], $0x2710  }
0x13: {  	[sflag:s12] =	ssyncset.done $0x0  }
0x14: {  	[sflag:s12] =	ssyncadd.s32 $0xFFFFD8F0  }
0x15: {  	_ =	swait.ge [sflag:s12], $0x2710  }
0x16: {  	[sflag:s12] =	ssyncset.done $0x0  }
0x17: {  	[sflag:s12] =	ssyncadd.s32 $0xFFFFD8F0  }
0x18: {  	_ =	swait.ge [sflag:s12], $0x2710  }
0x19: {  	[sflag:s12] =	ssyncset.done $0x0  }
0x1a: {  	[sflag:s12] =	ssyncadd.s32 $0xFFFFD8F0  }
0x1b: {  	_ =	swait.ge [sflag:s12], $0x2710  }
0x1c: {  	[sflag:s12] =	ssyncset.done $0x0  }
0x1d: {  	s16 =	simm.s32 $0x4E40;
	[sflag:s12] =	ssyncadd.s32 $0xFFFFD8F0  }
0x1e: {  	s17 =	simm.s32 $0x7550;
	v0 =	vld [tilespmem:s16+$0x10]  }
0x1f: {  	v1 =	vld [tilespmem:s17+$0x10]  }
0x20: {  	v2 =	vld [tilespmem:s17+$0xFFFFFFE0]  }
0x21: {  	v3 =	vld [tilespmem:s16+$0xFFFFFFF0]  }
0x22: {  	v4 =	vld [tilespmem:s17+$0xFFFFFFF0]  }
0x23: {  	v5 =	vld [tilespmem:s16+$0x0]  }
0x24: {  	v6 =	vld [tilespmem:s17+$0x0]  }
0x25: {  	v7 =	vld [tilespmem:s16+$0xFFFFFFE0]  }
0x26: {  	v0 =	vld.idx.msk [tilespmem:v0+s2+$0x0], $0xffff  }
0x27: {  	s31 =	simm.s32 $0x4E80;
	v1 =	vld.idx.msk [tilespmem:v1+s9+$0x0], $0xffff  }
0x28: {  	v11 =	vld [tilespmem:s31+$0xFFFFFFF0]  }
0x29: {  	v2 =	vld.idx.msk [tilespmem:v2+s9+$0x0], $0xffff  }
0x2a: {  	v3 =	vld.idx.msk [tilespmem:v3+s2+$0x0], $0xffff  }
0x2b: {  	v4 =	vld.idx.msk [tilespmem:v4+s9+$0x0], $0xffff  }
0x2c: {  	v5 =	vld.idx.msk [tilespmem:v5+s2+$0x0], $0xffff;
	v0 =	vadd.f32 v1, v0  }
0x2d: {  	v1 =	vld [tilespmem:s31+$0x10]  }
0x2e: {  	v6 =	vld.idx.msk [tilespmem:v6+s9+$0x0], $0xffff;
	v9 =	vmul.f32 $2.000000030e-01, v0  }
0x2f: {  	s16 =	simm.s32 $0x7590;
	v7 =	vld.idx.msk [tilespmem:v7+s2+$0x0], $0xffff  }
0x30: {  	v8 =	vld [tilespmem:s16+$0x10];
	v0 =	vmax.f32 v0, v9  }
0x31: {  	v3 =	vadd.f32 v4, v3;
	v4 =	vld [tilespmem:s16+$0x0];
	v0 =	vmul.f32 $1.442695020e+00, v0  }
0x32: {  	v10 =	vld [tilespmem:s16+$0xFFFFFFE0]  }
0x33: {  	v12 =	vld [tilespmem:s31+$0x0];
	v5 =	vadd.f32 v6, v5;
	(erf) = vpow2.f32 v0;
	v0 =	vmul.f32 $2.000000030e-01, v3  }
0x34: {  	v62 =	vld [tilespmem:s16+$0xFFFFFFF0];
	v2 =	vadd.f32 v2, v7  }
0x35: {  	v7 =	vld.idx.msk [tilespmem:v1+s2+$0x0], $0xffff;
	v1 =	vmul.f32 $2.000000030e-01, v5;
	v3 =	vmax.f32 v3, v0  }
0x36: {  	v6 =	vld [tilespmem:s31+$0xFFFFFFE0];
	v13 =	vmul.f32 $2.000000030e-01, v2;
	v3 =	vmul.f32 $1.442695020e+00, v3  }
0x37: {  	v5 =	vmax.f32 v5, v1  }
0x38: {  	v8 =	vld.idx.msk [tilespmem:v8+s9+$0x0], $0xffff;
	v2 =	vmax.f32 v2, v13;
	v63 =	vmul.f32 $1.442695020e+00, v5;
	(erf) = vpow2.f32 v3  }
0x39: {  	v4 =	vld.idx.msk [tilespmem:v4+s9+$0x0], $0xffff;
	v3 =	vmul.f32 $1.442695020e+00, v2  }
0x3a: {  	v0 =	vld.idx.msk [tilespmem:v10+s9+$0x0], $0xffff;
	(erf) = vpow2.f32 v63  }
0x3b: {  	v1 =	vld.idx.msk [tilespmem:v11+s2+$0x0], $0xffff;
	(erf) = vpow2.f32 v3  }
0x3c: {  	v5 =	vld.idx.msk [tilespmem:v62+s9+$0x0], $0xffff  }
0x3d: {  	v2 =	vld.idx.msk [tilespmem:v12+s2+$0x0], $0xffff  }
0x3e: {  	s18 =	simm.s32 $0x4;
	s19 =	simm.s32 $0x4EC0;
	s17 =	simm.s32 $0x9C60;
	v3 =	vld.idx.msk [tilespmem:v6+s2+$0x0], $0xffff;
	v6 =	vadd.f32 v8, v7;
	v7 =	vpop (erf)  }
.LBB2_2:
0x3f: {  	v8 =	vld [tilespmem:s19+$0x10];
	s16 =	sadd.s32 $0x40, s16;
	[tilespmem:s17+$0x10] =	vst v7  }
0x40: {  	s18 =	sadd.s32 $0x4, s18;
	v7 =	vld [tilespmem:s16+$0x10];
	v9 =	vmul.f32 $2.000000030e-01, v6  }
0x41: {  	p0 =	slt.u32 s18, $0x26C;
	v1 =	vadd.f32 v5, v1;
	v10 =	vld [tilespmem:s16+$0xFFFFFFE0];
	v5 =	vpop (erf)  }
0x42: {  	v11 =	vld [tilespmem:s19+$0xFFFFFFF0];
	v12 =	vmax.f32 v6, v9;
	[tilespmem:s17+$0xFFFFFFF0] =	vst v5  }
0x43: {  	v9 =	vmul.f32 $2.000000030e-01, v1;
	v2 =	vadd.f32 v4, v2;
	v5 =	vld [tilespmem:s16+$0xFFFFFFF0];
	v4 =	vmul.f32 $1.442695020e+00, v12;
	v6 =	vpop (erf)  }
0x44: {  	v0 =	vadd.f32 v0, v3;
	v12 =	vld [tilespmem:s19+$0x0];
	[tilespmem:s17+$0x0] =	vst v6;
	v3 =	vpop (erf)  }
0x45: {  	v1 =	vmax.f32 v1, v9;
	v9 =	vmul.f32 $2.000000030e-01, v2;
	v6 =	vld [tilespmem:s16+$0x0];
	(erf) = vpow2.f32 v4;
	[tilespmem:s17+$0xFFFFFFE0] =	vst v3  }
0x46: {  	v4 =	vmul.f32 $2.000000030e-01, v0;
	v1 =	vmul.f32 $1.442695020e+00, v1;
	v3 =	vld [tilespmem:s19+$0xFFFFFFE0]  }
0x47: {  	v2 =	vmax.f32 v2, v9;
	v8 =	vld.idx.msk [tilespmem:v8+s2+$0x0], $0xffff  }
0x48: {  	v4 =	vmax.f32 v0, v4;
	v2 =	vmul.f32 $1.442695020e+00, v2;
	v7 =	vld.idx.msk [tilespmem:v7+s9+$0x0], $0xffff;
	(erf) = vpow2.f32 v1  }
0x49: {  	v4 =	vmul.f32 $1.442695020e+00, v4;
	v0 =	vld.idx.msk [tilespmem:v10+s9+$0x0], $0xffff  }
.Ltmp0:
0x4a: {  	v1 =	vld.idx.msk [tilespmem:v11+s2+$0x0], $0xffff;
	(erf) = vpow2.f32 v2;
	(pc) =	sbr.rel @p0 .LBB2_2-.Ltmp0, $4  }
0x4b: {  	v5 =	vld.idx.msk [tilespmem:v5+s9+$0x0], $0xffff;
	(erf) = vpow2.f32 v4  }
0x4c: {  	v2 =	vld.idx.msk [tilespmem:v12+s2+$0x0], $0xffff  }
0x4d: {  	v4 =	vld.idx.msk [tilespmem:v6+s9+$0x0], $0xffff  }
0x4e: {  	s17 =	sadd.s32 $0x40, s17;
	s19 =	sadd.s32 $0x40, s19;
	v6 =	vadd.f32 v7, v8;
	v3 =	vld.idx.msk [tilespmem:v3+s2+$0x0], $0xffff;
	v7 =	vpop (erf)  }
0x4f: {  	_ =	sdelay $0x1  }
0x50: {  	v1 =	vadd.f32 v5, v1  }
0x51: {  	v52 =	vmul.f32 $2.000000030e-01, v6;
	v2 =	vadd.f32 v4, v2  }
0x52: {  	v53 =	vmul.f32 $2.000000030e-01, v1;
	v0 =	vadd.f32 v0, v3  }
0x53: {  	v54 =	vmax.f32 v6, v52;
	v55 =	vmul.f32 $2.000000030e-01, v2  }
0x54: {  	v3 =	vmul.f32 $1.442695020e+00, v54;
	v1 =	vmax.f32 v1, v53;
	v56 =	vmul.f32 $2.000000030e-01, v0  }
0x55: {  	v1 =	vmul.f32 $1.442695020e+00, v1;
	v2 =	vmax.f32 v2, v55  }
0x56: {  	(erf) = vpow2.f32 v3;
	v0 =	vmax.f32 v0, v56;
	v2 =	vmul.f32 $1.442695020e+00, v2  }
0x57: {  	(erf) = vpow2.f32 v1;
	v0 =	vmul.f32 $1.442695020e+00, v0  }
0x58: {  	(erf) = vpow2.f32 v2  }
0x59: {  	(erf) = vpow2.f32 v0;
	_ =	sdelay $0x2  }
0x5a: {  	[tilespmem:s17+$0x10] =	vst v7;
	v57 =	vpop (erf)  }
0x5b: {  	[tilespmem:s17+$0xFFFFFFF0] =	vst v57;
	v58 =	vpop (erf)  }
0x5c: {  	v59 =	vpop (erf);
	[tilespmem:s17+$0x0] =	vst v58  }
0x5d: {  	s16 =	sadd.s32 $0x40, s17;
	[tilespmem:s17+$0xFFFFFFE0] =	vst v59;
	v60 =	vpop (erf)  }
0x5e: {  	[tilespmem:s16+$0x10] =	vst v60;
	v61 =	vpop (erf)  }
0x5f: {  	[tilespmem:s16+$0xFFFFFFF0] =	vst v61;
	v62 =	vpop (erf)  }
0x60: {  	[tilespmem:s16+$0x0] =	vst v62;
	v63 =	vpop (erf)  }
0x61: {  	[tilespmem:s16+$0xFFFFFFE0] =	vst v63  }
0x62: {  	v0 =	vld [tilespmem:$0x7520]  }
0x63: {  	v1 =	vld [tilespmem:$0x9C30];
	_ =	sdelay $0x6  }
0x64: {  	v0 =	vld.idx.msk [tilespmem:v0+s2+$0x0], $0xffff  }
0x65: {  	v1 =	vld.idx.msk [tilespmem:v1+s9+$0x0], $0xffff;
	_ =	sdelay $0x4  }
0x66: {  	v0 =	vadd.f32 v1, v0;
	_ =	sdelay $0x1  }
0x67: {  	v1 =	vmul.f32 $2.000000030e-01, v0;
	_ =	sdelay $0x1  }
0x68: {  	v0 =	vmax.f32 v0, v1  }
0x69: {  	v0 =	vmul.f32 $1.442695020e+00, v0;
	_ =	sdelay $0x1  }
0x6a: {  	(erf) = vpow2.f32 v0;
	_ =	sdelay $0x7  }
0x6b: {  	s15 =	sadd.s32 $0x1, s15  }
0x6c: {  	p0 =	sne.s32 s15, s8;
	v0 =	vpop (erf)  }
.Ltmp1:
0x6d: {  	[tilespmem:$0xC340] =	vst v0;
	(pc) =	sbr.rel @p0 .LBB2_1-.Ltmp1, $4  }
0x6e: {  	[hbm4b:s7+s2] =	stream.linear.scatter [tilespmem:s13], [sflag:$0x2], $0x2710, $0x38;
	[tilespmem:$0xC350] =	vst v63  }
0x6f: {  	_ =	swait.ge [sflag:s14], $0x2710  }
0x70: {  	[sflag:s14] =	ssyncset.done $0x0  }
0x71: {  	[sflag:s14] =	ssyncadd.s32 $0xFFFFD8F0  }
0x72: {  	_ =	sfence.sel $0x180000  }
0x73: {  	[bflag:$0x0] =	sbarrier.arrive $0xFFFF  }
0x74: {  	p0 =	sne.s32 s0, $0x0;
	_ =	strace $0x90000047  }
0x75: {  	s0 =	sadd.s32 @!p0 $0x100000, s1;
	[bflag:$0x2] =	sbarrier.arrive $0xFFFF  }
0x76: {  	[sflag:s0] =	ssyncadd.tile.s32 @!p0 $0x1;
	_ =	shalt  }
.Lfunc_end2:
_tile_overlayer_lowered:
.L_overlay_start_2:
0x77: {  	(tag) =	ssettag $0x2  }
0x78: {  	s0 =	rddreg [dreg:$0x0];
	s2 =	stileid.u32  }
0x79: {  	s1 =	rddreg [dreg:$0x1];
	p0 =	sne.s32 s2, $0x0  }
0x7a: {  	s3 =	rddreg [dreg:$0x2];
	[bflag:$0x3] =	sbarrier.arrive $0xFFFF;
	s2 =	simm.s32 @!p0 $0x1C02  }
0x7b: {  	[timem:s3], [sflag:s2] =	dma.local @!p0 [hbm:s0], s1  }
0x7c: {  	s0 =	simm.s32 @!p0 $0x2  }
0x7d: {  	_ =	swait.ge @!p0 [sflag:s0], s1  }
0x7e: {  	s1 =	ssub.s32 @!p0 $0x0, s1;
	[sflag:s0] =	ssyncset.done @!p0 $0x0  }
0x7f: {  	[sflag:s0] =	ssyncadd.s32 @!p0 s1  }
0x80: {  	[bflag:$0x3] =	sbarrier.arrive $0xFFFF  }
0x81: {  	_ =	shalt  }

// kernel: kernel.9.cloned.1.call-start
scs
__scs_entry_jumppad:
0x0: {  	(pc) =	sbr.rel $0x88, $3  }
0x1: {  	(tag) =	ssettag $0x0;
	lr =	simm.s32 $0x1  }
0x2: {  	[smem:$0x3F92] =	sst lr;
	_ =	strace $0xD0000000  }
0x3: {  	_ = 	snop  }
0x4: {  	_ = 	snop  }
0x5: {  	_ = 	snop  }
0x6: {  	_ = 	snop  }
0x7: {  	_ = 	snop  }
__scs_overlays_trampoline_lowered:
0x8: {  	[smem:$0x3FA1] =	sst s0  }
0x9: {  	[smem:$0x3FA2] =	sst s1  }
0xa: {  	[smem:$0x3FA3] =	sst s2  }
0xb: {  	[smem:$0x3FA4] =	sst s3  }
0xc: {  	[smem:$0x3FA5] =	sst s4  }
0xd: {  	[smem:$0x3FA6] =	sst s5  }
0xe: {  	[smem:$0x3FA7] =	sst s6  }
0xf: {  	[smem:$0x3FA8] =	sst s7  }
0x10: {  	[smem:$0x3FA9] =	sst s8  }
0x11: {  	[smem:$0x3FAA] =	sst s9;
	s0 =	simm.s32 @!p0 $0x0  }
0x12: {  	s1 =	sld [smem:$0x3F90];
	s0 =	simm.s32 @p0 $0x1  }
0x13: {  	[smem:$0x3FAB] =	sst s0;
	s0 =	simm.s32 @!p1 $0x0  }
0x14: {  	s2 =	sld [smem:$0x3F8F];
	s0 =	simm.s32 @p1 $0x1  }
0x15: {  	[smem:$0x3FAC] =	sst s0;
	s0 =	simm.s32 @!p2 $0x0  }
0x16: {  	s3 =	sld [smem:$0x3FDB];
	s0 =	simm.s32 @p2 $0x1  }
0x17: {  	s4 =	simm.s32 $0x1BF5;
	[smem:$0x3FAE] =	sst s0  }
0x18: {  	s0 =	sld [smem:$0x3F91];
	_ =	swait.ge [sflag:s4], $0x0  }
0x19: {  	s7 =	sld [smem:$0x3F92]  }
0x1a: {  	s8 =	sadd.s32 $0xFFFFE003, lr  }
0x1b: {  	s9 =	sadd.s32 $0xFFFFFEF7, lr;
	s5 =	simm.s32 $0xFFFFFFFF;
	p2 =	slt.u32 s8, $0xFFFFF086  }
0x1c: {  	p1 =	slt.u32 s9, $0xF7A;
	s5 =	simm.s32 @!p2 $0x0  }
0x1d: {  	s5 =	simm.s32 @p1 $0x1;
	p0 =	seq.s32 s7, s2  }
0x1e: {  	s7 =	smul.u32 @!p0 $0xF7A, s2;
	p2 =	seq.s32 @!p0 s5, $0x0  }
0x1f: {  	s9 =	smul.u32 $0xF7A, s1;
	s8 =	simm.s32 @!p0 $0x1BF5;
	p2 =	por !p2, p0  }
0x20: {  	[sflag:s8] =	ssyncset.s32 @!p0 $0xFFFFF086;
	s6 =	sadd.s32 @!p0 s3, s7;
	s7 =	simm.s32 @!p0 $0x108  }
0x21: {  	s3 =	sadd.s32 s3, s9;
	s6 =	sadd.s32 @!p0 $0x88, s6;
	s7 =	simm.s32 @p2 $0x1082  }
0x22: {  	[simem:s7], [sflag:s8] =	dma.local @!p0 [hbm:s6], $0xF7A  }
0x23: {  	s9 =	sor.u32 $0xD0000000, s2;
	s6 =	simm.s32 $0x108;
	_ =	swait.ge @!p0 [sflag:s8], $0x0  }
0x24: {  	s3 =	sadd.s32 $0x88, s3;
	s6 =	simm.s32 @!p1 $0x1082;
	[sflag:s4] =	ssyncset.s32 $0xFFFFF086  }
0x25: {  	[simem:s6], [sflag:s4] =	dma.local [hbm:s3], $0xF7A  }
0x26: {  	[smem:$0x3F92] =	sst s1;
	(tag) =	ssettag s2;
	_ =	strace s9  }
0x27: {  	s1 =	sld [smem:$0x3FA2]  }
0x28: {  	s2 =	sld [smem:$0x3FA3]  }
0x29: {  	s4 =	sld [smem:$0x3FA5]  }
0x2a: {  	p0 =	seq.s32 s5, $0x0;
	s5 =	sld [smem:$0x3FA6]  }
0x2b: {  	s6 =	sld [smem:$0x3FA7]  }
0x2c: {  	s7 =	sld [smem:$0x3FA8]  }
0x2d: {  	s3 =	simm.s32 $0x108;
	s8 =	sld [smem:$0x3FA9]  }
0x2e: {  	s3 =	simm.s32 @!p0 $0x1082;
	s9 =	sld [smem:$0x3FAA]  }
0x2f: {  	lr =	sadd.s32 s0, s3;
	s0 =	sld [smem:$0x3FA1]  }
0x30: {  	s3 =	sld [smem:$0x3FA4]  }
0x31: {  	[smem:$0x3FAD] =	sst s10  }
0x32: {  	s10 =	sld [smem:$0x3FAB];
	_ =	sdelay $0x3  }
0x33: {  	p0 =	seq.s32 s10, $0x1;
	s10 =	sld [smem:$0x3FAD];
	_ =	sdelay $0x3  }
0x34: {  	[smem:$0x3FAD] =	sst s10  }
0x35: {  	s10 =	sld [smem:$0x3FAC];
	_ =	sdelay $0x3  }
0x36: {  	p1 =	seq.s32 s10, $0x1;
	s10 =	sld [smem:$0x3FAD];
	_ =	sdelay $0x3  }
0x37: {  	[smem:$0x3FAD] =	sst s10  }
0x38: {  	s10 =	sld [smem:$0x3FAE]  }
0x39: {  	_ = 	snop;
	(pc) =	sbr.ind lr, $3  }
0x3a: {  	_ = 	snop  }
0x3b: {  	_ = 	snop  }
0x3c: {  	p2 =	seq.s32 s10, $0x1;
	s10 =	sld [smem:$0x3FAD]  }
0x3d: {  	_ =	shalt  }
0x3e: {  	_ =	shalt  }
0x3f: {  	_ =	shalt  }
0x40: {  	_ =	shalt  }
0x41: {  	_ =	shalt  }
0x42: {  	_ =	shalt  }
0x43: {  	_ =	shalt  }
0x44: {  	_ =	shalt  }
0x45: {  	_ =	shalt  }
0x46: {  	_ =	shalt  }
0x47: {  	_ =	shalt  }
0x48: {  	_ =	shalt  }
0x49: {  	_ =	shalt  }
0x4a: {  	_ =	shalt  }
0x4b: {  	_ =	shalt  }
0x4c: {  	_ =	shalt  }
0x4d: {  	_ =	shalt  }
0x4e: {  	_ =	shalt  }
0x4f: {  	_ =	shalt  }
0x50: {  	_ =	shalt  }
0x51: {  	_ =	shalt  }
0x52: {  	_ =	shalt  }
0x53: {  	_ =	shalt  }
0x54: {  	_ =	shalt  }
0x55: {  	_ =	shalt  }
0x56: {  	_ =	shalt  }
0x57: {  	_ =	shalt  }
0x58: {  	_ =	shalt  }
0x59: {  	_ =	shalt  }
0x5a: {  	_ =	shalt  }
0x5b: {  	_ =	shalt  }
0x5c: {  	_ =	shalt  }
0x5d: {  	_ =	shalt  }
0x5e: {  	_ =	shalt  }
0x5f: {  	_ =	shalt  }
0x60: {  	_ =	shalt  }
0x61: {  	_ =	shalt  }
0x62: {  	_ =	shalt  }
0x63: {  	_ =	shalt  }
0x64: {  	_ =	shalt  }
0x65: {  	_ =	shalt  }
0x66: {  	_ =	shalt  }
0x67: {  	_ =	shalt  }
0x68: {  	_ =	shalt  }
0x69: {  	_ =	shalt  }
0x6a: {  	_ =	shalt  }
0x6b: {  	_ =	shalt  }
0x6c: {  	_ =	shalt  }
0x6d: {  	_ =	shalt  }
0x6e: {  	_ =	shalt  }
0x6f: {  	_ =	shalt  }
0x70: {  	_ =	shalt  }
0x71: {  	_ =	shalt  }
0x72: {  	_ =	shalt  }
0x73: {  	_ =	shalt  }
0x74: {  	_ =	shalt  }
0x75: {  	_ =	shalt  }
0x76: {  	_ =	shalt  }
0x77: {  	_ =	shalt  }
0x78: {  	_ =	shalt  }
0x79: {  	_ =	shalt  }
0x7a: {  	_ =	shalt  }
0x7b: {  	_ =	shalt  }
0x7c: {  	_ =	shalt  }
0x7d: {  	_ =	shalt  }
0x7e: {  	_ =	shalt  }
0x7f: {  	_ =	shalt  }
0x80: {  	_ =	shalt  }
0x81: {  	_ =	shalt  }
0x82: {  	_ =	shalt  }
0x83: {  	_ =	shalt  }
0x84: {  	_ =	shalt  }
0x85: {  	_ =	shalt  }
0x86: {  	_ =	shalt  }
0x87: {  	_ =	shalt  }
.Lfunc_end0:
.L_simem_size_0:
called_computation.1_lowered:
.L_overlay_start_0:
0x88: {  	s2 =	sld [smem:$0x3FD9]  }
0x89: {  	s3 =	sld [smem:$0x3FFE];
	_ =	sdelay $0x1  }
0x8a: {  	s1 =	srdreg.scid  }
0x8b: {  	s0 =	sand.u32 $0x1, s1  }
0x8c: {  	s17 =	sshll.u32 s0, $0xA;
	s2 =	sadd.s32 s3, s2  }
0x8d: {  	s2 =	sadd.s32 s2, s17  }
0x8e: {  	[smem:$0x3FB9] =	sst s2  }
0x8f: {  	_ = 	snop  }
0x90: {  	s2 =	sld [smem:$0x3FD0];
	(tm) =	ssettm $0x1  }
0x91: {  	s18 =	sld [smem:$0x3FFB];
	_ =	sdelay $0x3  }
0x92: {  	_ =	strace s18  }
0x93: {  	s3 =	sld [smem:$0x3FFC];
	_ =	sdelay $0x3  }
0x94: {  	_ =	strace s3  }
0x95: {  	s3 =	sld [smem:$0x3FFD];
	_ =	sdelay $0x3  }
0x96: {  	_ =	strace s3  }
0x97: {  	_ =	strace $0x8FFFFFFF  }
0x98: {  	s19 =	sld [smem:$0x3FDB];
	_ =	sdelay $0x1  }
0x99: {  	s4 =	simm.s32 $_scs_section_size  }
0x9a: {  	s5 =	simm.s32 $_size__tile_overlayer_lowered;
	s6 =	simm.s32 $_tile_overlayer_lowered  }
0x9b: {  	s22 =	simm.s32 $0x1BFF;
	s21 =	sshll.u32 s6, $0x1;
	s3 =	sadd.s32 s4, s19  }
0x9c: {  	s7 =	simm.s32 $0x0;
	s20 =	sshll.u32 s5, $0x1;
	s5 =	sadd.s32 s21, s3  }
0x9d: {  	[timem:s7], [sflag:s22] =	dma.local [hbm:s5], s20  }
0x9e: {  	_ =	swait.ge [sflag:s22], s20  }
0x9f: {  	s4 =	ssub.s32 $0x0, s20;
	[sflag:s22] =	ssyncset.done $0x0  }
0xa0: {  	[sflag:s22] =	ssyncadd.s32 s4;
	_ =	sdelay $0x1  }
0xa1: {  	s23 =	simm.s32 $0x1B8B  }
0xa2: {  	_ =	swait.ge [sflag:s23], $0x1  }
0xa3: {  	[sflag:s23] =	ssyncset.done $0x0  }
0xa4: {  	s25 =	simm.s32 $0x1B8E;
	s24 =	sld [smem:$0x3FFE];
	[sflag:s23] =	ssyncadd.s32 $0xFFFFFFFF  }
0xa5: {  	s26 =	simm.s32 $execute0_lowered;
	[smem:$0x3FD2] =	sst s25  }
0xa6: {  	s5 =	sshll.u32 s26, $0x1;
	_ =	strace $0x80000049;
	[dreg:$0x1] =	wrdreg $0xFFFFFFFF  }
0xa7: {  	s28 =	simm.s32 $_size_execute0_lowered;
	s3 =	sadd.s32 s3, s5;
	[dreg:$0x0] =	wrdreg $0x0  }
0xa8: {  	s5 =	sshll.u32 s28, $0x1;
	[dreg:$0x2] =	wrdreg s3  }
0xa9: {  	[dreg:$0x3] =	wrdreg s5  }
0xaa: {  	[dreg:$0x4] =	wrdreg $0xC0  }
0xab: {  	_ =	task [dreg:s7], $0x5FFFF  }
0xac: {  	[dreg:$0x1] =	wrdreg $0xFFFFFFFF  }
0xad: {  	[dreg:$0x0] =	wrdreg $0x60  }
0xae: {  	[dreg:$0x2] =	wrdreg s24  }
0xaf: {  	[dreg:$0x3] =	wrdreg s2  }
0xb0: {  	[dreg:$0x4] =	wrdreg $0x5DC00  }
0xb1: {  	[dreg:$0x5] =	wrdreg $0x9  }
0xb2: {  	_ =	task.clear_ibuf [dreg:s7], $0x6FFFF;
	_ =	strace $0x90000049  }
0xb3: {  	s29 =	simm.s32 $0x9;
	_ =	strace $0x8000004B  }
0xb4: {  	_ =	swait.ge [sflag:s29], $0x1  }
0xb5: {  	[sflag:s29] =	ssyncadd.s32 $0xFFFFFFFF  }
0xb6: {  	_ =	strace $0x9000004B  }
0xb7: {  	_ =	sfence  }
0xb8: {  	s30 =	sld [smem:$0x0];
	_ =	sdelay $0x2  }
0xb9: {  	s31 =	sshll.u32 s1, $0xD;
	s1 =	sshrl.u32 s1, $0x2  }
0xba: {  	s3 =	sand.u32 $0x4000, s31;
	s1 =	sadd.s32 s1, s30  }
0xbb: {  	s0 =	sor.u32 s3, s0;
	s1 =	sshll.u32 s1, $0x11  }
0xbc: {  	s0 =	sor.u32 s1, s0  }
0xbd: {  	s0 =	sadd.s32 $0x8F2B, s0  }
0xbe: {  	[sflag:s0] =	ssyncadd.remote.s32 $0x1  }
0xbf: {  	_ =	sfence.sel $0xFFFF  }
0xc0: {  	[dreg:$0x0] =	wrdreg $0xFFFFFFFF;
	(pc) =	sbr.abs _section_cstart, $3  }
0xc1: {  	[dreg:$0x1] =	wrdreg $0xFFFFFFFF  }
0xc2: {  	_ =	task.clear_ibuf [dreg:s7], $0x2FFFF;
	_ =	strace $0x9FFFFFFF  }
0xc3: {  	(tm) =	ssettm $0x7FFFFFFF  }
tec
execute0_lowered:
.L_overlay_start_1:
0x0: {  	(tag) =	ssettag $0x1  }
0x1: {  	s0 =	rddreg [dreg:$0x0]  }
0x2: {  	s2 =	rddreg [dreg:$0x1]  }
0x3: {  	s3 =	rddreg [dreg:$0x2];
	s4 =	simm.s32 $0x0;
	s14 =	stileid.u32  }
0x4: {  	s9 =	srdreg.scid;
	s30 =	simm.s32 $0x5A00;
	s31 =	simm.s32 $0x5B40  }
0x5: {  	[smem:$0x7FF] =	sst s4;
	s1 =	smul.u32 $0x15F00, s14;
	s5 =	sadd.s32 $0x2600, s0  }
0x6: {  	s6 =	sadd.s32 $0x51400, s0;
	s7 =	sadd.s32 $0x5B200, s0;
	s9 =	sand.u32 $0x1, s9  }
0x7: {  	s11 =	sshll.u32 s14, $0x1;
	s15 =	sadd.s32 $0xBD000, s0;
	s16 =	sadd.s32 $0x91000, s0  }
0x8: {  	s28 =	sshll.u32 s14, $0x6;
	p1 =	sne.s32 s14, $0xF;
	p2 =	seq.s32 s14, $0xF  }
0x9: {  	s14 =	simm.s32 $0x4;
	_ =	strace $0x8000004A;
	s12 =	ssub.s32 $0x2, s9  }
0xa: {  	s11 =	sor.u32 s9, s11;
	s22 =	sor.u32 $0x1C06, s28;
	[dreg:$0x4] =	wrdreg s15  }
0xb: {  	p0 =	seq.s32 s9, $0x1;
	[dreg:$0x5] =	wrdreg s16;
	s9 =	simm.s32 $0x5  }
0xc: {  	s8 =	sshrl.u32 s1, $0x3;
	s13 =	sshrl.u32 s12, $0x1;
	s17 =	smul.u32 $0x2710, s11  }
0xd: {  	s1 =	sadd.s32 s1, s3;
	s11 =	simm.s32 $0x2D00;
	[dreg:$0x8] =	wrdreg s22  }
0xe: {  	s26 =	ssub.s32 s12, s13;
	[dreg:$0x6] =	wrdreg s1;
	s12 =	sadd.s32 $0x15F000, s3  }
0xf: {  	s10 =	sadd.s32 s8, s0;
	s0 =	sadd.s32 $0x90E00, s0;
	[dreg:$0x9] =	wrdreg s12  }
0x10: {  	s24 =	sadd.s32 s15, s8;
	s25 =	sadd.s32 s16, s8;
	[dreg:$0xa] =	wrdreg s0  }
0x11: {  	s15 =	simm.s32 $0x6;
	s8 =	simm.s32 $0x5CD0;
	[dreg:$0x12] =	wrdreg s24  }
0x12: {  	s10 =	sadd.s32 $0x65000, s10;
	s29 =	sshrl.u32 s17, $0x3;
	[dreg:$0x13] =	wrdreg s25  }
0x13: {  	s23 =	sadd.s32 $0xA0, s17;
	s26 =	smax.u32 s26, $0x1;
	[dreg:$0x7] =	wrdreg s10  }
0x14: {  	s28 =	sadd.s32 $0x140, s17;
	s16 =	smov.u32 s17;
	[dreg:$0x11] =	wrdreg s23  }
0x15: {  	s24 =	simm.s32 $0x5B90;
	s12 =	simm.s32 $0x1;
	[dreg:$0x14] =	wrdreg s26  }
0x16: {  	s25 =	simm.s32 $0x5D70;
	s13 =	sadd.s32 s6, s29;
	[dreg:$0x15] =	wrdreg s28  }
0x17: {  	s18 =	sadd.s32 s2, s29;
	s19 =	sadd.s32 s7, s29;
	[dreg:$0xb] =	wrdreg s13  }
0x18: {  	s20 =	sadd.s32 $0xA, s29;
	s29 =	sadd.s32 $0xF0, s17;
	[dreg:$0xc] =	wrdreg s18  }
0x19: {  	s23 =	simm.s32 $0x5A50;
	s17 =	simm.s32 $0x5D20;
	[dreg:$0xd] =	wrdreg s19  }
.Ltmp0:
0x1a: {  	s1 =	sadd.s32 s6, s20;
	[dreg:$0x16] =	wrdreg s29;
	(pc) =	sbr.rel .LBB2_1-.Ltmp0, $4  }
0x1b: {  	s26 =	simm.s32 $0x0;
	s21 =	sadd.s32 s2, s20;
	[dreg:$0xe] =	wrdreg s1  }
0x1c: {  	s0 =	sadd.s32 s7, s20;
	s18 =	simm.s32 $0x3;
	[dreg:$0xf] =	wrdreg s21  }
0x1d: {  	s19 =	simm.s32 $0x2;
	s20 =	simm.s32 $0x5AF0;
	[dreg:$0x10] =	wrdreg s0  }
0x1e: {  	s0 =	simm.s32 $0x5C80;
	s1 =	simm.s32 $0x50;
	s21 =	simm.s32 $0x5C30  }
.LBB2_16:
0x1f: {  	s13 =	rddreg [dreg:$0x9]  }
0x20: {  	s10 =	sadd.s32 $0x2BE00, s10;
	s13 =	sshrl.u32 s13, $0x3  }
0x21: {  	[hbm:s10], [sflag:s22] =	dma.local [spmem:s13], $0x120  }
0x22: {  	_ =	swait.ge [sflag:s15], $0x120  }
0x23: {  	[sflag:s15] =	ssyncset.done $0x0  }
0x24: {  	[sflag:s15] =	ssyncadd.s32 $0xFFFFFEE0  }
.LBB2_17:
0x25: {  	s26 =	sadd.s32 $0x1, s26;
	s10 =	rddreg [dreg:$0x14]  }
0x26: {  	p3 =	sne.s32 s26, s10  }
.Ltmp1:
0x27: {  	_ = 	snop;
	(pc) =	sbr.rel @!p3 .LBB2_18-.Ltmp1, $1  }
0x28: {  	_ =	sdelay $0x3  }
.LBB2_1:
0x29: {  	[dreg:$0x17] =	wrdreg s26  }
0x2a: {  	s10 =	rddreg [dreg:$0x6]  }
0x2b: {  	s28 =	rddreg [dreg:$0x7];
	s13 =	sshrl.u32 s10, $0x3  }
0x2c: {  	[dreg:$0x18] =	wrdreg s13  }
0x2d: {  	[spmem:s13], [sflag:s22] =	dma.local [hbm:s28], $0x2BE0  }
0x2e: {  	_ =	swait.ge [sflag:s15], $0x2BE0  }
0x2f: {  	[sflag:s15] =	ssyncset.done $0x0;
	s10 =	rddreg [dreg:$0x9]  }
0x30: {  	s13 =	rddreg [dreg:$0xa];
	[sflag:s15] =	ssyncadd.s32 $0xFFFFD420;
	s10 =	sshrl.u32 @!p1 s10, $0x3  }
0x31: {  	[spmem:s10], [sflag:s22] =	dma.local @!p1 [hbm:s13], $0x120  }
0x32: {  	s10 =	simm.s32 @!p1 $0x6  }
0x33: {  	_ =	swait.ge @!p1 [sflag:s10], $0x120  }
0x34: {  	[sflag:s10] =	ssyncset.done @!p1 $0x0  }
0x35: {  	[sflag:s10] =	ssyncadd.s32 @!p1 $0xFFFFFEE0  }
0x36: {  	[bflag:$0x0] =	sbarrier.arrive $0xFFFF  }
0x37: {  	s29 =	rddreg [dreg:$0xb]  }
0x38: {  	[tilespmem:s30], [sflag:$0x6] =	stream.linear.gather [hbm4b:s29+s4], $0x50, $0x38;
	[tilespmem:$0x1BD50] =	vst v63  }
0x39: {  	_ =	swait.ge [sflag:s15], $0x50  }
0x3a: {  	[sflag:s15] =	ssyncset.done $0x0  }
0x3b: {  	s13 =	rddreg [dreg:$0xc];
	[sflag:s15] =	ssyncadd.s32 $0xFFFFFFB0  }
0x3c: {  	[tilespmem:s31], [sflag:$0x6] =	stream.linear.gather [hbm4b:s13+s4], $0x50, $0x38;
	[tilespmem:$0x1BD50] =	vst v63  }
0x3d: {  	_ =	swait.ge [sflag:s15], $0x50  }
0x3e: {  	[sflag:s15] =	ssyncset.done $0x0  }
0x3f: {  	s22 =	rddreg [dreg:$0xd];
	[sflag:s15] =	ssyncadd.s32 $0xFFFFFFB0  }
0x40: {  	[tilespmem:s0], [sflag:$0x6] =	stream.linear.gather [hbm4b:s22+s4], $0x50, $0x38;
	[tilespmem:$0x1BD50] =	vst v63  }
0x41: {  	_ =	swait.ge [sflag:s15], $0x50  }
0x42: {  	[sflag:s15] =	ssyncset.done $0x0  }
0x43: {  	[sflag:s15] =	ssyncadd.s32 $0xFFFFFFB0  }
0x44: {  	[tilespmem:s4], [sflag:$0x1] =	stream.indirect.gather [hbm4b:s5+s1], $0x90, s30, s1, $0xb8;
	[tilespmem:$0x1BD50] =	vst v63  }
0x45: {  	s26 =	rddreg [dreg:$0xe]  }
0x46: {  	[tilespmem:s23], [sflag:$0x5] =	stream.linear.gather [hbm4b:s26+s4], $0x50, $0x38;
	[tilespmem:$0x1BD50] =	vst v63  }
0x47: {  	s28 =	rddreg [dreg:$0xf]  }
0x48: {  	[tilespmem:s24], [sflag:$0x5] =	stream.linear.gather [hbm4b:s28+s4], $0x50, $0x38;
	[tilespmem:$0x1BD50] =	vst v63  }
0x49: {  	s13 =	simm.s32 $0x0;
	s29 =	rddreg [dreg:$0x10]  }
0x4a: {  	[tilespmem:s8], [sflag:$0x5] =	stream.linear.gather [hbm4b:s29+s4], $0x50, $0x38;
	[tilespmem:$0x1BD50] =	vst v63  }
.LBB2_2:
0x4b: {  	_ =	swait.ge [sflag:s9], $0x50  }
0x4c: {  	[sflag:s9] =	ssyncset.done $0x0  }
0x4d: {  	[sflag:s9] =	ssyncadd.s32 $0xFFFFFFB0  }
0x4e: {  	_ =	swait.ge [sflag:s9], $0x50  }
0x4f: {  	[sflag:s9] =	ssyncset.done $0x0  }
0x50: {  	[sflag:s9] =	ssyncadd.s32 $0xFFFFFFB0  }
0x51: {  	_ =	swait.ge [sflag:s9], $0x50  }
0x52: {  	p3 =	seq.s32 s13, $0x0;
	s10 =	simm.s32 $0x0;
	[sflag:s9] =	ssyncset.done $0x0  }
0x53: {  	s26 =	simm.s32 $0x2;
	s22 =	simm.s32 @!p3 $0x4;
	v0 =	vmov s10;
	[sflag:s9] =	ssyncadd.s32 $0xFFFFFFB0  }
0x54: {  	v1 =	vmov s26;
	v0 =	vand.u32 $0xFFFFFFFC, v0;
	_ =	swait.ge @!p3 [sflag:s22], $0x2D00  }
0x55: {  	v1 =	vand.u32 $0xFFFFFFFE, v1;
	v0 =	vbroadcast v0, $0x0;
	[sflag:s22] =	ssyncset.done @!p3 $0x0  }
0x56: {  	v1 =	vbroadcast v1, $0x0;
	[sflag:s22] =	ssyncadd.s32 @!p3 $0xFFFFD300  }
0x57: {  	[tilespmem:s11], [sflag:$0x2] =	stream.indirect.gather [hbm4b:s5+s1], $0x90, s23, s1, $0xb8;
	[tilespmem:$0x1BD50] =	vst v63  }
0x58: {  	_ =	swait.ge [sflag:s12], $0x2D00  }
0x59: {  	[sflag:s12] =	ssyncset.done $0x0  }
0x5a: {  	[sflag:s12] =	ssyncadd.s32 $0xFFFFD300  }
0x5b: {  	v2 =	vld.idx.msk [tilespmem:v0+s0+$0x0], $0xffff  }
0x5c: {  	s29 =	simm.s32 $0x120;
	s28 =	simm.s32 $0x1;
	v0 =	vld.idx.msk [tilespmem:v1+s0+$0x0], $0xffff  }
0x5d: {  	v4 =	vmov s28;
	v1 =	vld [tilespmem:s29+$0x80]  }
0x5e: {  	v4 =	vand.u32 $0xFFFFFFFD, v4;
	v3 =	vld [tilespmem:s29+$0xFFFFFEE0]  }
0x5f: {  	v4 =	vbroadcast v4, $0x0;
	v5 =	vld [tilespmem:s29+$0xFFFFFEF0]  }
0x60: {  	v6 =	vld [tilespmem:s29+$0xFFFFFF00]  }
0x61: {  	v7 =	vld [tilespmem:s29+$0xFFFFFF10]  }
0x62: {  	v8 =	vld [tilespmem:s29+$0xFFFFFF20]  }
0x63: {  	v10 =	vld [tilespmem:s29+$0xFFFFFF40]  }
0x64: {  	v9 =	vld [tilespmem:s29+$0xFFFFFF30];
	v3 =	vmul.f32 v3, v2  }
0x65: {  	v4 =	vld.idx.msk [tilespmem:v4+s0+$0x0], $0xffff;
	v5 =	vmul.f32 v5, v2  }
0x66: {  	v11 =	vld [tilespmem:s29+$0xFFFFFF70];
	v1 =	vmul.f32 v1, v0;
	[tilespmem:s29+$0xFFFFFEE0] =	vst v3  }
0x67: {  	v12 =	vld [tilespmem:s29+$0xFFFFFF80];
	v6 =	vmul.f32 v6, v2;
	[tilespmem:s29+$0xFFFFFEF0] =	vst v5  }
0x68: {  	v63 =	vld [tilespmem:s29+$0x60];
	v10 =	vmul.f32 v10, v2;
	[tilespmem:s29+$0x80] =	vst v1  }
0x69: {  	v3 =	vld [tilespmem:s29+$0xFFFFFF50];
	[tilespmem:s29+$0xFFFFFF00] =	vst v6;
	v6 =	vmul.f32 v8, v2  }
0x6a: {  	v5 =	vld [tilespmem:s29+$0xFFFFFF60];
	v1 =	vmul.f32 v7, v2;
	[tilespmem:s29+$0xFFFFFF40] =	vst v10  }
0x6b: {  	v7 =	vld [tilespmem:s29+$0xFFFFFF90];
	[tilespmem:s29+$0xFFFFFF20] =	vst v6;
	v6 =	vmul.f32 v11, v4  }
0x6c: {  	v8 =	vld [tilespmem:s29+$0xFFFFFFA0];
	[tilespmem:s29+$0xFFFFFF10] =	vst v1;
	v1 =	vmul.f32 v9, v2  }
0x6d: {  	v9 =	vld [tilespmem:s29+$0xFFFFFFB0];
	[tilespmem:s29+$0xFFFFFF70] =	vst v6;
	v6 =	vmul.f32 v12, v4  }
0x6e: {  	v11 =	vld [tilespmem:s29+$0xFFFFFFC0];
	[tilespmem:s29+$0xFFFFFF30] =	vst v1;
	v3 =	vmul.f32 v3, v2  }
0x6f: {  	v1 =	vld [tilespmem:s29+$0xFFFFFFD0];
	v2 =	vmul.f32 v5, v2;
	[tilespmem:s29+$0xFFFFFF80] =	vst v6  }
0x70: {  	v10 =	vld [tilespmem:s29+$0xFFFFFFE0];
	[tilespmem:s29+$0xFFFFFF50] =	vst v3;
	v3 =	vmul.f32 v7, v4  }
0x71: {  	v6 =	vld [tilespmem:s29+$0x0];
	[tilespmem:s29+$0xFFFFFF60] =	vst v2;
	v2 =	vmul.f32 v8, v4  }
0x72: {  	s15 =	simm.s32 $0x3;
	v5 =	vld [tilespmem:s29+$0xFFFFFFF0];
	[tilespmem:s29+$0xFFFFFF90] =	vst v3;
	v3 =	vmul.f32 v9, v4  }
0x73: {  	v7 =	vld [tilespmem:s29+$0x10];
	v8 =	vmov s15;
	[tilespmem:s29+$0xFFFFFFA0] =	vst v2;
	v2 =	vmul.f32 v11, v4  }
0x74: {  	v9 =	vld [tilespmem:s29+$0x20];
	v1 =	vmul.f32 v1, v4;
	[tilespmem:s29+$0xFFFFFFB0] =	vst v3  }
0x75: {  	v3 =	vld [tilespmem:s29+$0x30];
	[tilespmem:s29+$0xFFFFFFC0] =	vst v2;
	v2 =	vmul.f32 v10, v4  }
0x76: {  	v10 =	vld [tilespmem:s29+$0x40];
	[tilespmem:s29+$0xFFFFFFD0] =	vst v1;
	v6 =	vmul.f32 v6, v0  }
0x77: {  	v11 =	vld [tilespmem:s29+$0x50];
	v4 =	vmul.f32 v5, v4;
	[tilespmem:s29+$0xFFFFFFE0] =	vst v2  }
0x78: {  	v1 =	vld.idx.msk [tilespmem:v8+s0+$0x0], $0xffff;
	v5 =	vmul.f32 v7, v0;
	[tilespmem:s29+$0x0] =	vst v6  }
0x79: {  	[tilespmem:s29+$0xFFFFFFF0] =	vst v4;
	v2 =	vld [tilespmem:s29+$0x70];
	v4 =	vmul.f32 v9, v0  }
0x7a: {  	s22 =	simm.s32 $0x4;
	v7 =	vld [tilespmem:s29+$0x90];
	[tilespmem:s29+$0x10] =	vst v5;
	v5 =	vmul.f32 v3, v0  }
0x7b: {  	s28 =	simm.s32 $0x5;
	v6 =	vld [tilespmem:s29+$0xA0];
	v3 =	vmov s22;
	[tilespmem:s29+$0x20] =	vst v4;
	v8 =	vmul.f32 v10, v0  }
0x7c: {  	s26 =	simm.s32 $0x7;
	v9 =	vmul.f32 v11, v0;
	v11 =	vmov s28;
	v4 =	vand.u32 $0xFFFFFFFC, v3;
	[tilespmem:s29+$0x30] =	vst v5;
	v5 =	vld [tilespmem:s29+$0xB0]  }
0x7d: {  	s10 =	simm.s32 $0x120;
	s22 =	simm.s32 $0x8;
	v10 =	vmul.f32 v63, v0;
	v3 =	vmov s26;
	s26 =	simm.s32 $0x6;
	v4 =	vbroadcast v4, $0x0;
	[tilespmem:s29+$0x40] =	vst v8;
	v8 =	vld [tilespmem:s29+$0xC0]  }
.LBB2_3:
0x7e: {  	p3 =	slt.u32 s22, $0x4C;
	v11 =	vand.u32 $0xFFFFFFFD, v11;
	v12 =	vmov s26;
	[tilespmem:s29+$0x50] =	vst v9;
	v0 =	vmul.f32 v2, v0;
	v2 =	vld [tilespmem:s29+$0xD0]  }
0x7f: {  	v9 =	vbroadcast v11, $0x0;
	v11 =	vand.u32 $0xFFFFFFFE, v12;
	[tilespmem:s29+$0x60] =	vst v10;
	v7 =	vmul.f32 v7, v1;
	v10 =	vld [tilespmem:s29+$0xE0]  }
0x80: {  	v11 =	vbroadcast v11, $0x0;
	[tilespmem:s29+$0x70] =	vst v0;
	v0 =	vmul.f32 v6, v1;
	v6 =	vld [tilespmem:s29+$0xF0]  }
0x81: {  	[tilespmem:s29+$0x90] =	vst v7;
	v5 =	vmul.f32 v5, v1;
	v7 =	vld [tilespmem:s29+$0x100]  }
0x82: {  	[tilespmem:s29+$0xA0] =	vst v0;
	v0 =	vmul.f32 v8, v1;
	v8 =	vld [tilespmem:s29+$0x110]  }
0x83: {  	v3 =	vld.idx.msk [tilespmem:v3+s0+$0x0], $0xffff;
	[tilespmem:s29+$0xB0] =	vst v5;
	v2 =	vmul.f32 v2, v1  }
0x84: {  	v4 =	vld.idx.msk [tilespmem:v4+s0+$0x0], $0xffff;
	[tilespmem:s29+$0xC0] =	vst v0;
	v5 =	vmul.f32 v10, v1  }
0x85: {  	v9 =	vld.idx.msk [tilespmem:v9+s0+$0x0], $0xffff;
	[tilespmem:s29+$0xD0] =	vst v2;
	v2 =	vmul.f32 v6, v1  }
0x86: {  	s29 =	sadd.s32 $0x240, s29;
	v0 =	vld.idx.msk [tilespmem:v11+s0+$0x0], $0xffff;
	[tilespmem:s10+$0xE0] =	vst v5;
	v5 =	vmul.f32 v7, v1  }
0x87: {  	v6 =	vld [tilespmem:s29+$0x80];
	[tilespmem:s10+$0xF0] =	vst v2;
	v7 =	vmul.f32 v8, v1  }
0x88: {  	v2 =	vld [tilespmem:s29+$0xFFFFFEE0];
	[tilespmem:s10+$0x100] =	vst v5  }
0x89: {  	v1 =	vmov v3;
	v5 =	vld [tilespmem:s29+$0xFFFFFEF0];
	[tilespmem:s10+$0x110] =	vst v7;
	s10 =	smov.u32 s29  }
0x8a: {  	v3 =	vld [tilespmem:s29+$0xFFFFFF00]  }
0x8b: {  	v7 =	vld [tilespmem:s29+$0xFFFFFF10]  }
0x8c: {  	v8 =	vld [tilespmem:s29+$0xFFFFFF20];
	v6 =	vmul.f32 v6, v0  }
0x8d: {  	v2 =	vmul.f32 v2, v4;
	v10 =	vld [tilespmem:s29+$0xFFFFFF30]  }
0x8e: {  	v5 =	vmul.f32 v5, v4;
	v11 =	vld [tilespmem:s29+$0xFFFFFF40];
	[tilespmem:s29+$0x80] =	vst v6  }
0x8f: {  	[tilespmem:s29+$0xFFFFFEE0] =	vst v2;
	v2 =	vmul.f32 v3, v4;
	v3 =	vld [tilespmem:s29+$0xFFFFFF50]  }
0x90: {  	[tilespmem:s29+$0xFFFFFEF0] =	vst v5;
	v5 =	vmul.f32 v7, v4;
	v6 =	vld [tilespmem:s29+$0xFFFFFF60]  }
0x91: {  	[tilespmem:s29+$0xFFFFFF00] =	vst v2;
	v2 =	vmul.f32 v8, v4;
	v7 =	vld [tilespmem:s29+$0xFFFFFF70]  }
0x92: {  	[tilespmem:s29+$0xFFFFFF10] =	vst v5;
	v5 =	vmul.f32 v10, v4;
	v8 =	vld [tilespmem:s29+$0xFFFFFF80]  }
0x93: {  	[tilespmem:s29+$0xFFFFFF20] =	vst v2;
	v2 =	vmul.f32 v11, v4;
	v10 =	vld [tilespmem:s29+$0xFFFFFF90]  }
0x94: {  	[tilespmem:s29+$0xFFFFFF30] =	vst v5;
	v3 =	vmul.f32 v3, v4;
	v5 =	vld [tilespmem:s29+$0xFFFFFFA0]  }
0x95: {  	[tilespmem:s29+$0xFFFFFF40] =	vst v2;
	v2 =	vmul.f32 v6, v4;
	v4 =	vld [tilespmem:s29+$0xFFFFFFB0]  }
0x96: {  	[tilespmem:s29+$0xFFFFFF50] =	vst v3;
	v3 =	vmul.f32 v7, v9;
	v6 =	vld [tilespmem:s29+$0xFFFFFFC0]  }
0x97: {  	[tilespmem:s29+$0xFFFFFF60] =	vst v2;
	v2 =	vmul.f32 v8, v9;
	v7 =	vld [tilespmem:s29+$0xFFFFFFD0]  }
0x98: {  	[tilespmem:s29+$0xFFFFFF70] =	vst v3;
	v3 =	vmul.f32 v10, v9;
	v8 =	vld [tilespmem:s29+$0xFFFFFFE0]  }
0x99: {  	[tilespmem:s29+$0xFFFFFF80] =	vst v2;
	v2 =	vmul.f32 v5, v9;
	v5 =	vld [tilespmem:s29+$0xFFFFFFF0]  }
0x9a: {  	[tilespmem:s29+$0xFFFFFF90] =	vst v3;
	v3 =	vmul.f32 v4, v9;
	v4 =	vld [tilespmem:s29+$0x0]  }
0x9b: {  	[tilespmem:s29+$0xFFFFFFA0] =	vst v2;
	v2 =	vmul.f32 v6, v9;
	v6 =	vld [tilespmem:s29+$0x10]  }
0x9c: {  	[tilespmem:s29+$0xFFFFFFB0] =	vst v3;
	v3 =	vmul.f32 v7, v9;
	v7 =	vld [tilespmem:s29+$0x20]  }
0x9d: {  	[tilespmem:s29+$0xFFFFFFC0] =	vst v2;
	v2 =	vmul.f32 v8, v9;
	v8 =	vld [tilespmem:s29+$0x30]  }
0x9e: {  	[tilespmem:s29+$0xFFFFFFD0] =	vst v3;
	v3 =	vmul.f32 v5, v9;
	v5 =	vld [tilespmem:s29+$0x40]  }
0x9f: {  	[tilespmem:s29+$0xFFFFFFE0] =	vst v2;
	v2 =	vmul.f32 v4, v0;
	v4 =	vld [tilespmem:s29+$0x50]  }
0xa0: {  	[tilespmem:s29+$0xFFFFFFF0] =	vst v3;
	v3 =	vmul.f32 v6, v0;
	v10 =	vld [tilespmem:s29+$0x60]  }
.Ltmp2:
0xa1: {  	[tilespmem:s29+$0x0] =	vst v2;
	v6 =	vmul.f32 v7, v0;
	v2 =	vld [tilespmem:s29+$0x70];
	(pc) =	sbr.rel @p3 .LBB2_3-.Ltmp2, $4  }
0xa2: {  	[tilespmem:s29+$0x10] =	vst v3;
	v8 =	vmul.f32 v8, v0;
	v7 =	vld [tilespmem:s29+$0x90]  }
0xa3: {  	s26 =	sadd.s32 $0x3, s22;
	v3 =	vmov s22;
	[tilespmem:s29+$0x20] =	vst v6;
	v12 =	vmul.f32 v5, v0;
	v6 =	vld [tilespmem:s29+$0xA0]  }
0xa4: {  	s28 =	sadd.s32 $0x1, s22;
	v11 =	vand.u32 $0xFFFFFFFC, v3;
	v3 =	vmov s26;
	[tilespmem:s29+$0x30] =	vst v8;
	v9 =	vmul.f32 v4, v0;
	v5 =	vld [tilespmem:s29+$0xB0]  }
0xa5: {  	s26 =	sadd.s32 $0x2, s22;
	s22 =	sadd.s32 $0x4, s22;
	v4 =	vbroadcast v11, $0x0;
	v11 =	vmov s28;
	[tilespmem:s29+$0x40] =	vst v12;
	v10 =	vmul.f32 v10, v0;
	v8 =	vld [tilespmem:s29+$0xC0]  }
0xa6: {  	v12 =	vld [tilespmem:s29+$0xD0]  }
0xa7: {  	v13 =	vld [tilespmem:s29+$0xE0]  }
0xa8: {  	v14 =	vmov s26;
	v15 =	vld [tilespmem:s29+$0xF0];
	v7 =	vmul.f32 v7, v1  }
0xa9: {  	v61 =	vld [tilespmem:s29+$0x100];
	[tilespmem:s29+$0x50] =	vst v9;
	v14 =	vand.u32 $0xFFFFFFFE, v14  }
0xaa: {  	v11 =	vand.u32 $0xFFFFFFFD, v11;
	v3 =	vld.idx.msk [tilespmem:v3+s0+$0x0], $0xffff;
	v0 =	vmul.f32 v2, v0;
	[tilespmem:s29+$0x90] =	vst v7;
	v7 =	vbroadcast v14, $0x0  }
0xab: {  	s22 =	sadd.s32 $0x240, s29;
	v11 =	vbroadcast v11, $0x0;
	v2 =	vld.idx.msk [tilespmem:v4+s0+$0x0], $0xffff;
	[tilespmem:s29+$0x60] =	vst v10;
	v6 =	vmul.f32 v6, v1  }
0xac: {  	v9 =	vld [tilespmem:s22+$0xFFFFFEE0];
	[tilespmem:s29+$0x70] =	vst v0;
	v4 =	vmul.f32 v5, v1  }
0xad: {  	[tilespmem:s29+$0xA0] =	vst v6;
	v6 =	vld [tilespmem:s29+$0x110];
	v0 =	vmul.f32 v8, v1  }
0xae: {  	v10 =	vld [tilespmem:s22+$0xFFFFFEF0];
	[tilespmem:s29+$0xB0] =	vst v4;
	v4 =	vmul.f32 v12, v1  }
0xaf: {  	v8 =	vld [tilespmem:s22+$0x80];
	[tilespmem:s29+$0xC0] =	vst v0;
	v0 =	vmul.f32 v13, v1  }
0xb0: {  	[tilespmem:s29+$0xD0] =	vst v4;
	v4 =	vmul.f32 v15, v1;
	v7 =	vld.idx.msk [tilespmem:v7+s0+$0x0], $0xffff  }
0xb1: {  	v5 =	vld.idx.msk [tilespmem:v11+s0+$0x0], $0xffff;
	[tilespmem:s10+$0xE0] =	vst v0;
	v0 =	vmul.f32 v61, v1  }
0xb2: {  	v11 =	vld [tilespmem:s22+$0xFFFFFF00];
	[tilespmem:s10+$0xF0] =	vst v4;
	v1 =	vmul.f32 v6, v1  }
0xb3: {  	v4 =	vld [tilespmem:s22+$0xFFFFFF10];
	[tilespmem:s10+$0x100] =	vst v0  }
0xb4: {  	v0 =	vld [tilespmem:s22+$0xFFFFFF20];
	[tilespmem:s10+$0x110] =	vst v1;
	v1 =	vmul.f32 v9, v2  }
0xb5: {  	v6 =	vmul.f32 v8, v7;
	v8 =	vld [tilespmem:s22+$0xFFFFFF30]  }
0xb6: {  	v9 =	vmul.f32 v10, v2;
	v10 =	vld [tilespmem:s22+$0xFFFFFF40];
	[tilespmem:s22+$0xFFFFFEE0] =	vst v1  }
0xb7: {  	v1 =	vmul.f32 v11, v2;
	[tilespmem:s22+$0x80] =	vst v6;
	v6 =	vld [tilespmem:s22+$0xFFFFFF50]  }
0xb8: {  	[tilespmem:s22+$0xFFFFFEF0] =	vst v9;
	v9 =	vld [tilespmem:s22+$0xFFFFFF60];
	v4 =	vmul.f32 v4, v2  }
0xb9: {  	[tilespmem:s22+$0xFFFFFF00] =	vst v1;
	v0 =	vmul.f32 v0, v2;
	v1 =	vld [tilespmem:s22+$0xFFFFFF70]  }
0xba: {  	[tilespmem:s22+$0xFFFFFF10] =	vst v4;
	v4 =	vmul.f32 v8, v2;
	v8 =	vld [tilespmem:s22+$0xFFFFFF80]  }
0xbb: {  	[tilespmem:s22+$0xFFFFFF20] =	vst v0;
	v0 =	vmul.f32 v10, v2;
	v10 =	vld [tilespmem:s22+$0xFFFFFF90]  }
0xbc: {  	[tilespmem:s22+$0xFFFFFF30] =	vst v4;
	v4 =	vmul.f32 v6, v2;
	v6 =	vld [tilespmem:s22+$0xFFFFFFA0]  }
0xbd: {  	[tilespmem:s22+$0xFFFFFF40] =	vst v0;
	v0 =	vmul.f32 v9, v2;
	v2 =	vld [tilespmem:s22+$0xFFFFFFB0]  }
0xbe: {  	v1 =	vmul.f32 v1, v5;
	[tilespmem:s22+$0xFFFFFF50] =	vst v4;
	v4 =	vld [tilespmem:s22+$0xFFFFFFC0]  }
0xbf: {  	[tilespmem:s22+$0xFFFFFF60] =	vst v0;
	v0 =	vmul.f32 v8, v5;
	v8 =	vld [tilespmem:s22+$0xFFFFFFD0]  }
0xc0: {  	v9 =	vld [tilespmem:s22+$0xFFFFFFE0];
	[tilespmem:s22+$0xFFFFFF70] =	vst v1;
	v1 =	vmul.f32 v10, v5  }
0xc1: {  	[tilespmem:s22+$0xFFFFFF80] =	vst v0;
	v0 =	vmul.f32 v6, v5;
	v6 =	vld [tilespmem:s22+$0xFFFFFFF0]  }
0xc2: {  	[tilespmem:s22+$0xFFFFFF90] =	vst v1;
	v1 =	vmul.f32 v2, v5;
	v2 =	vld [tilespmem:s22+$0x0]  }
0xc3: {  	[tilespmem:s22+$0xFFFFFFA0] =	vst v0;
	v0 =	vmul.f32 v4, v5;
	v4 =	vld [tilespmem:s22+$0x10]  }
0xc4: {  	[tilespmem:s22+$0xFFFFFFB0] =	vst v1;
	v1 =	vmul.f32 v8, v5;
	v8 =	vld [tilespmem:s22+$0x20]  }
0xc5: {  	[tilespmem:s22+$0xFFFFFFC0] =	vst v0;
	v0 =	vmul.f32 v9, v5;
	v9 =	vld [tilespmem:s22+$0x30]  }
0xc6: {  	[tilespmem:s22+$0xFFFFFFD0] =	vst v1;
	v1 =	vmul.f32 v6, v5;
	v5 =	vld [tilespmem:s22+$0x40]  }
0xc7: {  	[tilespmem:s22+$0xFFFFFFE0] =	vst v0;
	v0 =	vmul.f32 v2, v7;
	v2 =	vld [tilespmem:s22+$0x50]  }
0xc8: {  	[tilespmem:s22+$0xFFFFFFF0] =	vst v1;
	v1 =	vmul.f32 v4, v7;
	v4 =	vld [tilespmem:s22+$0x60]  }
0xc9: {  	v6 =	vld [tilespmem:s22+$0x70];
	[tilespmem:s22+$0x0] =	vst v0;
	v0 =	vmul.f32 v8, v7  }
0xca: {  	v8 =	vld [tilespmem:s22+$0x90];
	[tilespmem:s22+$0x10] =	vst v1;
	v1 =	vmul.f32 v9, v7  }
0xcb: {  	[tilespmem:s22+$0x20] =	vst v0;
	v0 =	vmul.f32 v5, v7;
	v5 =	vld [tilespmem:s22+$0xA0]  }
0xcc: {  	[tilespmem:s22+$0x30] =	vst v1;
	v1 =	vmul.f32 v2, v7;
	v2 =	vld [tilespmem:s22+$0xB0]  }
0xcd: {  	[tilespmem:s22+$0x40] =	vst v0;
	v0 =	vmul.f32 v4, v7;
	v4 =	vld [tilespmem:s22+$0xC0]  }
0xce: {  	[tilespmem:s22+$0x50] =	vst v1;
	v1 =	vmul.f32 v6, v7;
	v6 =	vld [tilespmem:s22+$0xD0]  }
0xcf: {  	v7 =	vld [tilespmem:s22+$0xE0];
	[tilespmem:s22+$0x60] =	vst v0;
	v0 =	vmul.f32 v8, v3  }
0xd0: {  	[tilespmem:s22+$0x70] =	vst v1;
	v1 =	vmul.f32 v5, v3;
	v5 =	vld [tilespmem:s22+$0xF0]  }
0xd1: {  	[tilespmem:s22+$0x90] =	vst v0;
	v0 =	vmul.f32 v2, v3;
	v2 =	vld [tilespmem:s22+$0x100]  }
0xd2: {  	[tilespmem:s22+$0xA0] =	vst v1;
	v1 =	vmul.f32 v4, v3;
	v4 =	vld [tilespmem:s22+$0x110]  }
0xd3: {  	[tilespmem:s22+$0xB0] =	vst v0;
	v0 =	vmul.f32 v6, v3  }
0xd4: {  	[tilespmem:s22+$0xC0] =	vst v1;
	v1 =	vmul.f32 v7, v3  }
0xd5: {  	[tilespmem:s22+$0xD0] =	vst v0;
	v0 =	vmul.f32 v5, v3  }
0xd6: {  	[tilespmem:s22+$0xE0] =	vst v1;
	v1 =	vmul.f32 v2, v3  }
0xd7: {  	[tilespmem:s22+$0xF0] =	vst v0;
	v0 =	vmul.f32 v4, v3  }
0xd8: {  	[tilespmem:s22+$0x100] =	vst v1  }
0xd9: {  	s29 =	smul.u32 $0x140, s13;
	s10 =	simm.s32 $0x0;
	[tilespmem:s22+$0x110] =	vst v0  }
0xda: {  	[spmem:s3] =	stream.indirect.scatter.add.f32 [tilespmem:s10], [sflag:$0x3], $0x90, s31, s1, $0xb8;
	[tilespmem:$0x1BD50] =	vst v63  }
0xdb: {  	s15 =	rddreg [dreg:$0x11]  }
0xdc: {  	s15 =	sadd.s32 s29, s15  }
0xdd: {  	s22 =	sshrl.u32 s15, $0x3  }
0xde: {  	s15 =	simm.s32 $0x5AA0;
	s26 =	sadd.s32 s6, s22  }
0xdf: {  	[tilespmem:s15], [sflag:$0x5] =	stream.linear.gather [hbm4b:s26+s10], $0x50, $0x38;
	[tilespmem:$0x1BD50] =	vst v63  }
0xe0: {  	s28 =	simm.s32 $0x5BE0;
	s26 =	sadd.s32 s2, s22  }
0xe1: {  	[tilespmem:s28], [sflag:$0x5] =	stream.linear.gather [hbm4b:s26+s10], $0x50, $0x38;
	[tilespmem:$0x1BD50] =	vst v63  }
0xe2: {  	s22 =	sadd.s32 s7, s22  }
0xe3: {  	[tilespmem:s17], [sflag:$0x5] =	stream.linear.gather [hbm4b:s22+s10], $0x50, $0x38;
	[tilespmem:$0x1BD50] =	vst v63  }
0xe4: {  	_ =	swait.ge [sflag:s9], $0x50  }
0xe5: {  	[sflag:s9] =	ssyncset.done $0x0  }
0xe6: {  	[sflag:s9] =	ssyncadd.s32 $0xFFFFFFB0  }
0xe7: {  	_ =	swait.ge [sflag:s9], $0x50  }
0xe8: {  	[sflag:s9] =	ssyncset.done $0x0  }
0xe9: {  	[sflag:s9] =	ssyncadd.s32 $0xFFFFFFB0  }
0xea: {  	_ =	swait.ge [sflag:s9], $0x50  }
0xeb: {  	[sflag:s9] =	ssyncset.done $0x0  }
0xec: {  	v0 =	vmov s10;
	s26 =	simm.s32 $0x2;
	[sflag:s9] =	ssyncadd.s32 $0xFFFFFFB0  }
0xed: {  	v0 =	vand.u32 $0xFFFFFFFC, v0;
	v1 =	vmov s26;
	_ =	swait.ge [sflag:s18], $0x2D00  }
0xee: {  	v0 =	vbroadcast v0, $0x0;
	v1 =	vand.u32 $0xFFFFFFFE, v1;
	[sflag:s18] =	ssyncset.done $0x0  }
0xef: {  	v1 =	vbroadcast v1, $0x0;
	[sflag:s18] =	ssyncadd.s32 $0xFFFFD300  }
0xf0: {  	[tilespmem:s10], [sflag:$0x1] =	stream.indirect.gather [hbm4b:s5+s1], $0x90, s15, s1, $0xb8;
	[tilespmem:$0x1BD50] =	vst v63  }
0xf1: {  	_ =	swait.ge [sflag:s19], $0x2D00  }
0xf2: {  	[sflag:s19] =	ssyncset.done $0x0  }
0xf3: {  	[sflag:s19] =	ssyncadd.s32 $0xFFFFD300  }
0xf4: {  	v2 =	vld.idx.msk [tilespmem:v0+s8+$0x0], $0xffff  }
0xf5: {  	s10 =	simm.s32 $0x2F30;
	v0 =	vld.idx.msk [tilespmem:v1+s8+$0x0], $0xffff  }
0xf6: {  	v1 =	vld [tilespmem:s10+$0xFFFFFF70]  }
0xf7: {  	s15 =	simm.s32 $0x1;
	v3 =	vld [tilespmem:s10+$0xFFFFFDD0]  }
0xf8: {  	v4 =	vmov s15;
	v5 =	vld [tilespmem:s10+$0xFFFFFDE0]  }
0xf9: {  	v4 =	vand.u32 $0xFFFFFFFD, v4;
	v6 =	vld [tilespmem:s10+$0xFFFFFDF0]  }
0xfa: {  	v4 =	vbroadcast v4, $0x0;
	v7 =	vld [tilespmem:s10+$0xFFFFFE00]  }
0xfb: {  	v8 =	vld [tilespmem:s10+$0xFFFFFE10]  }
0xfc: {  	v10 =	vld [tilespmem:s10+$0xFFFFFE30]  }
0xfd: {  	v9 =	vld [tilespmem:s10+$0xFFFFFE20];
	v3 =	vmul.f32 v3, v2  }
0xfe: {  	v11 =	vld [tilespmem:s10+$0xFFFFFE60];
	v5 =	vmul.f32 v5, v2  }
0xff: {  	v62 =	vld [tilespmem:s10+$0xFFFFFE70];
	v1 =	vmul.f32 v1, v0;
	[tilespmem:s10+$0xFFFFFDD0] =	vst v3  }
0x100: {  	v4 =	vld.idx.msk [tilespmem:v4+s8+$0x0], $0xffff;
	v6 =	vmul.f32 v6, v2;
	[tilespmem:s10+$0xFFFFFDE0] =	vst v5  }
0x101: {  	v63 =	vld [tilespmem:s10+$0xFFFFFF50];
	v10 =	vmul.f32 v10, v2;
	[tilespmem:s10+$0xFFFFFF70] =	vst v1  }
0x102: {  	v3 =	vld [tilespmem:s10+$0xFFFFFE40];
	v1 =	vmul.f32 v7, v2;
	[tilespmem:s10+$0xFFFFFDF0] =	vst v6  }
0x103: {  	v5 =	vld [tilespmem:s10+$0xFFFFFE50];
	v6 =	vmul.f32 v8, v2;
	[tilespmem:s10+$0xFFFFFE30] =	vst v10  }
0x104: {  	v7 =	vld [tilespmem:s10+$0xFFFFFE80];
	[tilespmem:s10+$0xFFFFFE00] =	vst v1;
	v1 =	vmul.f32 v9, v2  }
0x105: {  	v8 =	vld [tilespmem:s10+$0xFFFFFE90];
	[tilespmem:s10+$0xFFFFFE10] =	vst v6;
	v6 =	vmul.f32 v11, v4  }
0x106: {  	v9 =	vld [tilespmem:s10+$0xFFFFFEA0];
	v12 =	vmul.f32 v62, v4;
	[tilespmem:s10+$0xFFFFFE20] =	vst v1  }
0x107: {  	v11 =	vld [tilespmem:s10+$0xFFFFFEB0];
	[tilespmem:s10+$0xFFFFFE60] =	vst v6;
	v3 =	vmul.f32 v3, v2  }
0x108: {  	v1 =	vld [tilespmem:s10+$0xFFFFFEC0];
	v2 =	vmul.f32 v5, v2;
	[tilespmem:s10+$0xFFFFFE70] =	vst v12  }
0x109: {  	v6 =	vld [tilespmem:s10+$0xFFFFFED0];
	[tilespmem:s10+$0xFFFFFE40] =	vst v3;
	v3 =	vmul.f32 v7, v4  }
0x10a: {  	v5 =	vld [tilespmem:s10+$0xFFFFFEE0];
	[tilespmem:s10+$0xFFFFFE50] =	vst v2;
	v2 =	vmul.f32 v8, v4  }
0x10b: {  	v7 =	vld [tilespmem:s10+$0xFFFFFEF0];
	[tilespmem:s10+$0xFFFFFE80] =	vst v3;
	v3 =	vmul.f32 v9, v4  }
0x10c: {  	s26 =	simm.s32 $0x3;
	v8 =	vld [tilespmem:s10+$0xFFFFFF00];
	[tilespmem:s10+$0xFFFFFE90] =	vst v2;
	v2 =	vmul.f32 v11, v4  }
0x10d: {  	v10 =	vld [tilespmem:s10+$0xFFFFFF10];
	v9 =	vmov s26;
	v1 =	vmul.f32 v1, v4;
	[tilespmem:s10+$0xFFFFFEA0] =	vst v3  }
0x10e: {  	v3 =	vld [tilespmem:s10+$0xFFFFFF20];
	[tilespmem:s10+$0xFFFFFEB0] =	vst v2;
	v2 =	vmul.f32 v6, v4  }
0x10f: {  	v6 =	vld [tilespmem:s10+$0xFFFFFF30];
	[tilespmem:s10+$0xFFFFFEC0] =	vst v1;
	v4 =	vmul.f32 v5, v4  }
0x110: {  	v11 =	vld [tilespmem:s10+$0xFFFFFF40];
	v7 =	vmul.f32 v7, v0;
	[tilespmem:s10+$0xFFFFFED0] =	vst v2  }
0x111: {  	v5 =	vmul.f32 v8, v0;
	[tilespmem:s10+$0xFFFFFEE0] =	vst v4;
	v2 =	vld [tilespmem:s10+$0xFFFFFF60]  }
0x112: {  	v4 =	vmul.f32 v10, v0;
	v1 =	vld.idx.msk [tilespmem:v9+s8+$0x0], $0xffff;
	[tilespmem:s10+$0xFFFFFEF0] =	vst v7  }
0x113: {  	s15 =	simm.s32 $0x4;
	[tilespmem:s10+$0xFFFFFF00] =	vst v5;
	v7 =	vld [tilespmem:s10+$0xFFFFFF80];
	v5 =	vmul.f32 v3, v0  }
0x114: {  	[tilespmem:s10+$0xFFFFFF10] =	vst v4;
	v3 =	vmov s15;
	v8 =	vmul.f32 v6, v0;
	v6 =	vld [tilespmem:s10+$0xFFFFFF90]  }
0x115: {  	s26 =	simm.s32 $0x7;
	v10 =	vmul.f32 v63, v0;
	v9 =	vmul.f32 v11, v0;
	s15 =	simm.s32 $0x5;
	v4 =	vand.u32 $0xFFFFFFFC, v3;
	[tilespmem:s10+$0xFFFFFF20] =	vst v5;
	v5 =	vld [tilespmem:s10+$0xFFFFFFA0]  }
0x116: {  	s28 =	simm.s32 $0x6;
	s22 =	simm.s32 $0x2F30;
	v3 =	vmov s26;
	v11 =	vmov s15;
	s26 =	simm.s32 $0x8;
	v4 =	vbroadcast v4, $0x0;
	[tilespmem:s10+$0xFFFFFF30] =	vst v8;
	v8 =	vld [tilespmem:s10+$0xFFFFFFB0]  }
.LBB2_5:
0x117: {  	p3 =	slt.u32 s26, $0x4C;
	v11 =	vand.u32 $0xFFFFFFFD, v11;
	v12 =	vmov s28;
	[tilespmem:s10+$0xFFFFFF40] =	vst v9;
	v0 =	vmul.f32 v2, v0;
	v2 =	vld [tilespmem:s10+$0xFFFFFFC0]  }
0x118: {  	v9 =	vbroadcast v11, $0x0;
	v11 =	vand.u32 $0xFFFFFFFE, v12;
	[tilespmem:s10+$0xFFFFFF50] =	vst v10;
	v7 =	vmul.f32 v7, v1;
	v10 =	vld [tilespmem:s10+$0xFFFFFFD0]  }
0x119: {  	v11 =	vbroadcast v11, $0x0;
	[tilespmem:s10+$0xFFFFFF60] =	vst v0;
	v0 =	vmul.f32 v6, v1;
	v6 =	vld [tilespmem:s10+$0xFFFFFFE0]  }
0x11a: {  	[tilespmem:s10+$0xFFFFFF80] =	vst v7;
	v5 =	vmul.f32 v5, v1;
	v7 =	vld [tilespmem:s10+$0xFFFFFFF0]  }
0x11b: {  	[tilespmem:s10+$0xFFFFFF90] =	vst v0;
	v0 =	vmul.f32 v8, v1;
	v8 =	vld [tilespmem:s10+$0x0]  }
0x11c: {  	v3 =	vld.idx.msk [tilespmem:v3+s8+$0x0], $0xffff;
	[tilespmem:s10+$0xFFFFFFA0] =	vst v5;
	v2 =	vmul.f32 v2, v1  }
0x11d: {  	v4 =	vld.idx.msk [tilespmem:v4+s8+$0x0], $0xffff;
	[tilespmem:s10+$0xFFFFFFB0] =	vst v0;
	v5 =	vmul.f32 v10, v1  }
0x11e: {  	v9 =	vld.idx.msk [tilespmem:v9+s8+$0x0], $0xffff;
	[tilespmem:s10+$0xFFFFFFC0] =	vst v2;
	v2 =	vmul.f32 v6, v1  }
0x11f: {  	s10 =	sadd.s32 $0x240, s10;
	v0 =	vld.idx.msk [tilespmem:v11+s8+$0x0], $0xffff;
	[tilespmem:s22+$0xFFFFFFD0] =	vst v5;
	v5 =	vmul.f32 v7, v1  }
0x120: {  	v6 =	vld [tilespmem:s10+$0xFFFFFF70];
	[tilespmem:s22+$0xFFFFFFE0] =	vst v2;
	v7 =	vmul.f32 v8, v1  }
0x121: {  	v2 =	vld [tilespmem:s10+$0xFFFFFDD0];
	[tilespmem:s22+$0xFFFFFFF0] =	vst v5  }
0x122: {  	v1 =	vmov v3;
	v5 =	vld [tilespmem:s10+$0xFFFFFDE0];
	[tilespmem:s22+$0x0] =	vst v7;
	s22 =	smov.u32 s10  }
0x123: {  	v3 =	vld [tilespmem:s10+$0xFFFFFDF0]  }
0x124: {  	v7 =	vld [tilespmem:s10+$0xFFFFFE00]  }
0x125: {  	v8 =	vld [tilespmem:s10+$0xFFFFFE10];
	v6 =	vmul.f32 v6, v0  }
0x126: {  	v2 =	vmul.f32 v2, v4;
	v10 =	vld [tilespmem:s10+$0xFFFFFE20]  }
0x127: {  	v5 =	vmul.f32 v5, v4;
	v11 =	vld [tilespmem:s10+$0xFFFFFE30];
	[tilespmem:s10+$0xFFFFFF70] =	vst v6  }
0x128: {  	[tilespmem:s10+$0xFFFFFDD0] =	vst v2;
	v2 =	vmul.f32 v3, v4;
	v3 =	vld [tilespmem:s10+$0xFFFFFE40]  }
0x129: {  	[tilespmem:s10+$0xFFFFFDE0] =	vst v5;
	v5 =	vmul.f32 v7, v4;
	v6 =	vld [tilespmem:s10+$0xFFFFFE50]  }
0x12a: {  	[tilespmem:s10+$0xFFFFFDF0] =	vst v2;
	v2 =	vmul.f32 v8, v4;
	v7 =	vld [tilespmem:s10+$0xFFFFFE60]  }
0x12b: {  	[tilespmem:s10+$0xFFFFFE00] =	vst v5;
	v5 =	vmul.f32 v10, v4;
	v8 =	vld [tilespmem:s10+$0xFFFFFE70]  }
0x12c: {  	[tilespmem:s10+$0xFFFFFE10] =	vst v2;
	v2 =	vmul.f32 v11, v4;
	v10 =	vld [tilespmem:s10+$0xFFFFFE80]  }
0x12d: {  	[tilespmem:s10+$0xFFFFFE20] =	vst v5;
	v3 =	vmul.f32 v3, v4;
	v5 =	vld [tilespmem:s10+$0xFFFFFE90]  }
0x12e: {  	[tilespmem:s10+$0xFFFFFE30] =	vst v2;
	v2 =	vmul.f32 v6, v4;
	v4 =	vld [tilespmem:s10+$0xFFFFFEA0]  }
0x12f: {  	[tilespmem:s10+$0xFFFFFE40] =	vst v3;
	v3 =	vmul.f32 v7, v9;
	v6 =	vld [tilespmem:s10+$0xFFFFFEB0]  }
0x130: {  	[tilespmem:s10+$0xFFFFFE50] =	vst v2;
	v2 =	vmul.f32 v8, v9;
	v7 =	vld [tilespmem:s10+$0xFFFFFEC0]  }
0x131: {  	[tilespmem:s10+$0xFFFFFE60] =	vst v3;
	v3 =	vmul.f32 v10, v9;
	v8 =	vld [tilespmem:s10+$0xFFFFFED0]  }
0x132: {  	[tilespmem:s10+$0xFFFFFE70] =	vst v2;
	v2 =	vmul.f32 v5, v9;
	v5 =	vld [tilespmem:s10+$0xFFFFFEE0]  }
0x133: {  	[tilespmem:s10+$0xFFFFFE80] =	vst v3;
	v3 =	vmul.f32 v4, v9;
	v4 =	vld [tilespmem:s10+$0xFFFFFEF0]  }
0x134: {  	[tilespmem:s10+$0xFFFFFE90] =	vst v2;
	v2 =	vmul.f32 v6, v9;
	v6 =	vld [tilespmem:s10+$0xFFFFFF00]  }
0x135: {  	[tilespmem:s10+$0xFFFFFEA0] =	vst v3;
	v3 =	vmul.f32 v7, v9;
	v7 =	vld [tilespmem:s10+$0xFFFFFF10]  }
0x136: {  	[tilespmem:s10+$0xFFFFFEB0] =	vst v2;
	v2 =	vmul.f32 v8, v9;
	v8 =	vld [tilespmem:s10+$0xFFFFFF20]  }
0x137: {  	[tilespmem:s10+$0xFFFFFEC0] =	vst v3;
	v3 =	vmul.f32 v5, v9;
	v5 =	vld [tilespmem:s10+$0xFFFFFF30]  }
0x138: {  	[tilespmem:s10+$0xFFFFFED0] =	vst v2;
	v2 =	vmul.f32 v4, v0;
	v4 =	vld [tilespmem:s10+$0xFFFFFF40]  }
0x139: {  	[tilespmem:s10+$0xFFFFFEE0] =	vst v3;
	v3 =	vmul.f32 v6, v0;
	v10 =	vld [tilespmem:s10+$0xFFFFFF50]  }
.Ltmp3:
0x13a: {  	[tilespmem:s10+$0xFFFFFEF0] =	vst v2;
	v6 =	vmul.f32 v7, v0;
	v2 =	vld [tilespmem:s10+$0xFFFFFF60];
	(pc) =	sbr.rel @p3 .LBB2_5-.Ltmp3, $4  }
0x13b: {  	[tilespmem:s10+$0xFFFFFF00] =	vst v3;
	v8 =	vmul.f32 v8, v0;
	v7 =	vld [tilespmem:s10+$0xFFFFFF80]  }
0x13c: {  	s28 =	sadd.s32 $0x3, s26;
	v3 =	vmov s26;
	[tilespmem:s10+$0xFFFFFF10] =	vst v6;
	v12 =	vmul.f32 v5, v0;
	v6 =	vld [tilespmem:s10+$0xFFFFFF90]  }
0x13d: {  	s15 =	sadd.s32 $0x1, s26;
	v11 =	vand.u32 $0xFFFFFFFC, v3;
	v3 =	vmov s28;
	[tilespmem:s10+$0xFFFFFF20] =	vst v8;
	v9 =	vmul.f32 v4, v0;
	v5 =	vld [tilespmem:s10+$0xFFFFFFA0]  }
0x13e: {  	s28 =	sadd.s32 $0x2, s26;
	s26 =	sadd.s32 $0x4, s26;
	v4 =	vbroadcast v11, $0x0;
	v11 =	vmov s15;
	[tilespmem:s10+$0xFFFFFF30] =	vst v12;
	v10 =	vmul.f32 v10, v0;
	v8 =	vld [tilespmem:s10+$0xFFFFFFB0]  }
0x13f: {  	v12 =	vld [tilespmem:s10+$0xFFFFFFC0]  }
0x140: {  	v13 =	vld [tilespmem:s10+$0xFFFFFFD0]  }
0x141: {  	v14 =	vmov s28;
	v15 =	vld [tilespmem:s10+$0xFFFFFFE0];
	v7 =	vmul.f32 v7, v1  }
0x142: {  	v61 =	vld [tilespmem:s10+$0xFFFFFFF0];
	[tilespmem:s10+$0xFFFFFF40] =	vst v9;
	v14 =	vand.u32 $0xFFFFFFFE, v14  }
0x143: {  	v11 =	vand.u32 $0xFFFFFFFD, v11;
	v3 =	vld.idx.msk [tilespmem:v3+s8+$0x0], $0xffff;
	v0 =	vmul.f32 v2, v0;
	[tilespmem:s10+$0xFFFFFF80] =	vst v7;
	v7 =	vbroadcast v14, $0x0  }
0x144: {  	s26 =	sadd.s32 $0x240, s10;
	v11 =	vbroadcast v11, $0x0;
	v2 =	vld.idx.msk [tilespmem:v4+s8+$0x0], $0xffff;
	[tilespmem:s10+$0xFFFFFF50] =	vst v10;
	v6 =	vmul.f32 v6, v1  }
0x145: {  	v9 =	vld [tilespmem:s26+$0xFFFFFDD0];
	[tilespmem:s10+$0xFFFFFF60] =	vst v0;
	v4 =	vmul.f32 v5, v1  }
0x146: {  	[tilespmem:s10+$0xFFFFFF90] =	vst v6;
	v6 =	vld [tilespmem:s10+$0x0];
	v0 =	vmul.f32 v8, v1  }
0x147: {  	v10 =	vld [tilespmem:s26+$0xFFFFFDE0];
	[tilespmem:s10+$0xFFFFFFA0] =	vst v4;
	v4 =	vmul.f32 v12, v1  }
0x148: {  	v8 =	vld [tilespmem:s26+$0xFFFFFF70];
	[tilespmem:s10+$0xFFFFFFB0] =	vst v0;
	v0 =	vmul.f32 v13, v1  }
0x149: {  	[tilespmem:s10+$0xFFFFFFC0] =	vst v4;
	v4 =	vmul.f32 v15, v1;
	v7 =	vld.idx.msk [tilespmem:v7+s8+$0x0], $0xffff  }
0x14a: {  	v5 =	vld.idx.msk [tilespmem:v11+s8+$0x0], $0xffff;
	[tilespmem:s22+$0xFFFFFFD0] =	vst v0;
	v0 =	vmul.f32 v61, v1  }
0x14b: {  	v11 =	vld [tilespmem:s26+$0xFFFFFDF0];
	[tilespmem:s22+$0xFFFFFFE0] =	vst v4;
	v1 =	vmul.f32 v6, v1  }
0x14c: {  	v4 =	vld [tilespmem:s26+$0xFFFFFE00];
	[tilespmem:s22+$0xFFFFFFF0] =	vst v0  }
0x14d: {  	v0 =	vld [tilespmem:s26+$0xFFFFFE10];
	[tilespmem:s22+$0x0] =	vst v1;
	v1 =	vmul.f32 v9, v2  }
0x14e: {  	v6 =	vmul.f32 v8, v7;
	v8 =	vld [tilespmem:s26+$0xFFFFFE20]  }
0x14f: {  	v9 =	vmul.f32 v10, v2;
	v10 =	vld [tilespmem:s26+$0xFFFFFE30];
	[tilespmem:s26+$0xFFFFFDD0] =	vst v1  }
0x150: {  	v1 =	vmul.f32 v11, v2;
	[tilespmem:s26+$0xFFFFFF70] =	vst v6;
	v6 =	vld [tilespmem:s26+$0xFFFFFE40]  }
0x151: {  	[tilespmem:s26+$0xFFFFFDE0] =	vst v9;
	v9 =	vld [tilespmem:s26+$0xFFFFFE50];
	v4 =	vmul.f32 v4, v2  }
0x152: {  	[tilespmem:s26+$0xFFFFFDF0] =	vst v1;
	v0 =	vmul.f32 v0, v2;
	v1 =	vld [tilespmem:s26+$0xFFFFFE60]  }
0x153: {  	[tilespmem:s26+$0xFFFFFE00] =	vst v4;
	v4 =	vmul.f32 v8, v2;
	v8 =	vld [tilespmem:s26+$0xFFFFFE70]  }
0x154: {  	[tilespmem:s26+$0xFFFFFE10] =	vst v0;
	v0 =	vmul.f32 v10, v2;
	v10 =	vld [tilespmem:s26+$0xFFFFFE80]  }
0x155: {  	[tilespmem:s26+$0xFFFFFE20] =	vst v4;
	v4 =	vmul.f32 v6, v2;
	v6 =	vld [tilespmem:s26+$0xFFFFFE90]  }
0x156: {  	[tilespmem:s26+$0xFFFFFE30] =	vst v0;
	v0 =	vmul.f32 v9, v2;
	v2 =	vld [tilespmem:s26+$0xFFFFFEA0]  }
0x157: {  	v1 =	vmul.f32 v1, v5;
	[tilespmem:s26+$0xFFFFFE40] =	vst v4;
	v4 =	vld [tilespmem:s26+$0xFFFFFEB0]  }
0x158: {  	[tilespmem:s26+$0xFFFFFE50] =	vst v0;
	v0 =	vmul.f32 v8, v5;
	v8 =	vld [tilespmem:s26+$0xFFFFFEC0]  }
0x159: {  	v9 =	vld [tilespmem:s26+$0xFFFFFED0];
	[tilespmem:s26+$0xFFFFFE60] =	vst v1;
	v1 =	vmul.f32 v10, v5  }
0x15a: {  	[tilespmem:s26+$0xFFFFFE70] =	vst v0;
	v0 =	vmul.f32 v6, v5;
	v6 =	vld [tilespmem:s26+$0xFFFFFEE0]  }
0x15b: {  	[tilespmem:s26+$0xFFFFFE80] =	vst v1;
	v1 =	vmul.f32 v2, v5;
	v2 =	vld [tilespmem:s26+$0xFFFFFEF0]  }
0x15c: {  	[tilespmem:s26+$0xFFFFFE90] =	vst v0;
	v0 =	vmul.f32 v4, v5;
	v4 =	vld [tilespmem:s26+$0xFFFFFF00]  }
0x15d: {  	[tilespmem:s26+$0xFFFFFEA0] =	vst v1;
	v1 =	vmul.f32 v8, v5;
	v8 =	vld [tilespmem:s26+$0xFFFFFF10]  }
0x15e: {  	[tilespmem:s26+$0xFFFFFEB0] =	vst v0;
	v0 =	vmul.f32 v9, v5;
	v9 =	vld [tilespmem:s26+$0xFFFFFF20]  }
0x15f: {  	[tilespmem:s26+$0xFFFFFEC0] =	vst v1;
	v1 =	vmul.f32 v6, v5;
	v5 =	vld [tilespmem:s26+$0xFFFFFF30]  }
0x160: {  	[tilespmem:s26+$0xFFFFFED0] =	vst v0;
	v0 =	vmul.f32 v2, v7;
	v2 =	vld [tilespmem:s26+$0xFFFFFF40]  }
0x161: {  	[tilespmem:s26+$0xFFFFFEE0] =	vst v1;
	v1 =	vmul.f32 v4, v7;
	v4 =	vld [tilespmem:s26+$0xFFFFFF50]  }
0x162: {  	v6 =	vld [tilespmem:s26+$0xFFFFFF60];
	[tilespmem:s26+$0xFFFFFEF0] =	vst v0;
	v0 =	vmul.f32 v8, v7  }
0x163: {  	v8 =	vld [tilespmem:s26+$0xFFFFFF80];
	[tilespmem:s26+$0xFFFFFF00] =	vst v1;
	v1 =	vmul.f32 v9, v7  }
0x164: {  	[tilespmem:s26+$0xFFFFFF10] =	vst v0;
	v0 =	vmul.f32 v5, v7;
	v5 =	vld [tilespmem:s26+$0xFFFFFF90]  }
0x165: {  	[tilespmem:s26+$0xFFFFFF20] =	vst v1;
	v1 =	vmul.f32 v2, v7;
	v2 =	vld [tilespmem:s26+$0xFFFFFFA0]  }
0x166: {  	[tilespmem:s26+$0xFFFFFF30] =	vst v0;
	v0 =	vmul.f32 v4, v7;
	v4 =	vld [tilespmem:s26+$0xFFFFFFB0]  }
0x167: {  	[tilespmem:s26+$0xFFFFFF40] =	vst v1;
	v1 =	vmul.f32 v6, v7;
	v6 =	vld [tilespmem:s26+$0xFFFFFFC0]  }
0x168: {  	v7 =	vld [tilespmem:s26+$0xFFFFFFD0];
	[tilespmem:s26+$0xFFFFFF50] =	vst v0;
	v0 =	vmul.f32 v8, v3  }
0x169: {  	[tilespmem:s26+$0xFFFFFF60] =	vst v1;
	v1 =	vmul.f32 v5, v3;
	v5 =	vld [tilespmem:s26+$0xFFFFFFE0]  }
0x16a: {  	[tilespmem:s26+$0xFFFFFF80] =	vst v0;
	v0 =	vmul.f32 v2, v3;
	v2 =	vld [tilespmem:s26+$0xFFFFFFF0]  }
0x16b: {  	[tilespmem:s26+$0xFFFFFF90] =	vst v1;
	v1 =	vmul.f32 v4, v3;
	v4 =	vld [tilespmem:s26+$0x0]  }
0x16c: {  	[tilespmem:s26+$0xFFFFFFA0] =	vst v0;
	v0 =	vmul.f32 v6, v3  }
0x16d: {  	[tilespmem:s26+$0xFFFFFFB0] =	vst v1;
	v1 =	vmul.f32 v7, v3  }
0x16e: {  	[tilespmem:s26+$0xFFFFFFC0] =	vst v0;
	v0 =	vmul.f32 v5, v3  }
0x16f: {  	[tilespmem:s26+$0xFFFFFFD0] =	vst v1;
	v1 =	vmul.f32 v2, v3  }
0x170: {  	[tilespmem:s26+$0xFFFFFFE0] =	vst v0;
	v0 =	vmul.f32 v4, v3  }
0x171: {  	[tilespmem:s26+$0xFFFFFFF0] =	vst v1  }
0x172: {  	[tilespmem:s26+$0x0] =	vst v0  }
0x173: {  	[spmem:s3] =	stream.indirect.scatter.add.f32 [tilespmem:s11], [sflag:$0x4], $0x90, s24, s1, $0xb8;
	[tilespmem:$0x1BD50] =	vst v63  }
0x174: {  	s10 =	rddreg [dreg:$0x16]  }
0x175: {  	s10 =	sadd.s32 s10, s29  }
0x176: {  	s10 =	sshrl.u32 s10, $0x3  }
0x177: {  	s22 =	simm.s32 $0x0;
	s15 =	sadd.s32 s6, s10  }
0x178: {  	[tilespmem:s20], [sflag:$0x5] =	stream.linear.gather [hbm4b:s15+s22], $0x50, $0x38;
	[tilespmem:$0x1BD50] =	vst v63  }
0x179: {  	s26 =	sadd.s32 s2, s10  }
0x17a: {  	[tilespmem:s21], [sflag:$0x5] =	stream.linear.gather [hbm4b:s26+s22], $0x50, $0x38;
	[tilespmem:$0x1BD50] =	vst v63  }
0x17b: {  	s10 =	sadd.s32 s7, s10  }
0x17c: {  	[tilespmem:s25], [sflag:$0x5] =	stream.linear.gather [hbm4b:s10+s22], $0x50, $0x38;
	[tilespmem:$0x1BD50] =	vst v63  }
0x17d: {  	_ =	swait.ge [sflag:s9], $0x50  }
0x17e: {  	[sflag:s9] =	ssyncset.done $0x0  }
0x17f: {  	[sflag:s9] =	ssyncadd.s32 $0xFFFFFFB0  }
0x180: {  	_ =	swait.ge [sflag:s9], $0x50  }
0x181: {  	[sflag:s9] =	ssyncset.done $0x0  }
0x182: {  	[sflag:s9] =	ssyncadd.s32 $0xFFFFFFB0  }
0x183: {  	_ =	swait.ge [sflag:s9], $0x50  }
0x184: {  	[sflag:s9] =	ssyncset.done $0x0  }
0x185: {  	v0 =	vmov s22;
	s22 =	simm.s32 $0x2;
	[sflag:s9] =	ssyncadd.s32 $0xFFFFFFB0  }
0x186: {  	v0 =	vand.u32 $0xFFFFFFFC, v0;
	v1 =	vmov s22;
	_ =	swait.ge [sflag:s14], $0x2D00  }
0x187: {  	v0 =	vbroadcast v0, $0x0;
	v1 =	vand.u32 $0xFFFFFFFE, v1;
	[sflag:s14] =	ssyncset.done $0x0  }
0x188: {  	v1 =	vbroadcast v1, $0x0;
	[sflag:s14] =	ssyncadd.s32 $0xFFFFD300  }
0x189: {  	[tilespmem:s11], [sflag:$0x2] =	stream.indirect.gather [hbm4b:s5+s1], $0x90, s20, s1, $0xb8;
	[tilespmem:$0x1BD50] =	vst v63  }
0x18a: {  	_ =	swait.ge [sflag:s12], $0x2D00  }
0x18b: {  	[sflag:s12] =	ssyncset.done $0x0  }
0x18c: {  	s26 =	simm.s32 $0x1;
	[sflag:s12] =	ssyncadd.s32 $0xFFFFD300  }
0x18d: {  	v4 =	vmov s26;
	v2 =	vld.idx.msk [tilespmem:v0+s17+$0x0], $0xffff  }
0x18e: {  	s10 =	simm.s32 $0x120;
	v4 =	vand.u32 $0xFFFFFFFD, v4;
	v0 =	vld.idx.msk [tilespmem:v1+s17+$0x0], $0xffff  }
0x18f: {  	v4 =	vbroadcast v4, $0x0;
	v1 =	vld [tilespmem:s10+$0x80]  }
0x190: {  	v3 =	vld [tilespmem:s10+$0xFFFFFEE0]  }
0x191: {  	v5 =	vld [tilespmem:s10+$0xFFFFFEF0]  }
0x192: {  	v6 =	vld [tilespmem:s10+$0xFFFFFF00]  }
0x193: {  	v7 =	vld [tilespmem:s10+$0xFFFFFF10]  }
0x194: {  	v10 =	vld [tilespmem:s10+$0xFFFFFF40]  }
0x195: {  	v4 =	vld.idx.msk [tilespmem:v4+s17+$0x0], $0xffff  }
0x196: {  	v62 =	vld [tilespmem:s10+$0xFFFFFF80];
	v3 =	vmul.f32 v3, v2  }
0x197: {  	v8 =	vld [tilespmem:s10+$0xFFFFFF20];
	v5 =	vmul.f32 v5, v2  }
0x198: {  	v9 =	vld [tilespmem:s10+$0xFFFFFF30];
	v1 =	vmul.f32 v1, v0;
	[tilespmem:s10+$0xFFFFFEE0] =	vst v3  }
0x199: {  	v11 =	vld [tilespmem:s10+$0xFFFFFF70];
	v6 =	vmul.f32 v6, v2;
	[tilespmem:s10+$0xFFFFFEF0] =	vst v5  }
0x19a: {  	v63 =	vld [tilespmem:s10+$0x60];
	v10 =	vmul.f32 v10, v2;
	[tilespmem:s10+$0x80] =	vst v1  }
0x19b: {  	v12 =	vmul.f32 v62, v4;
	v3 =	vld [tilespmem:s10+$0xFFFFFF50];
	[tilespmem:s10+$0xFFFFFF00] =	vst v6  }
0x19c: {  	v5 =	vld [tilespmem:s10+$0xFFFFFF60];
	v1 =	vmul.f32 v7, v2;
	[tilespmem:s10+$0xFFFFFF40] =	vst v10  }
0x19d: {  	v7 =	vld [tilespmem:s10+$0xFFFFFF90];
	v6 =	vmul.f32 v8, v2;
	[tilespmem:s10+$0xFFFFFF80] =	vst v12  }
0x19e: {  	v8 =	vld [tilespmem:s10+$0xFFFFFFA0];
	[tilespmem:s10+$0xFFFFFF10] =	vst v1;
	v1 =	vmul.f32 v9, v2  }
0x19f: {  	v9 =	vld [tilespmem:s10+$0xFFFFFFB0];
	[tilespmem:s10+$0xFFFFFF20] =	vst v6;
	v6 =	vmul.f32 v11, v4  }
0x1a0: {  	v11 =	vld [tilespmem:s10+$0xFFFFFFC0];
	[tilespmem:s10+$0xFFFFFF30] =	vst v1;
	v3 =	vmul.f32 v3, v2  }
0x1a1: {  	v1 =	vld [tilespmem:s10+$0xFFFFFFD0];
	[tilespmem:s10+$0xFFFFFF70] =	vst v6;
	v2 =	vmul.f32 v5, v2  }
0x1a2: {  	v6 =	vld [tilespmem:s10+$0xFFFFFFE0];
	[tilespmem:s10+$0xFFFFFF50] =	vst v3;
	v3 =	vmul.f32 v7, v4  }
0x1a3: {  	v5 =	vld [tilespmem:s10+$0xFFFFFFF0];
	[tilespmem:s10+$0xFFFFFF60] =	vst v2;
	v2 =	vmul.f32 v8, v4  }
0x1a4: {  	v7 =	vld [tilespmem:s10+$0x0];
	[tilespmem:s10+$0xFFFFFF90] =	vst v3;
	v3 =	vmul.f32 v9, v4  }
0x1a5: {  	s22 =	simm.s32 $0x3;
	v8 =	vld [tilespmem:s10+$0x10];
	[tilespmem:s10+$0xFFFFFFA0] =	vst v2;
	v2 =	vmul.f32 v11, v4  }
0x1a6: {  	v10 =	vld [tilespmem:s10+$0x20];
	v9 =	vmov s22;
	v1 =	vmul.f32 v1, v4;
	[tilespmem:s10+$0xFFFFFFB0] =	vst v3  }
0x1a7: {  	v3 =	vld [tilespmem:s10+$0x30];
	[tilespmem:s10+$0xFFFFFFC0] =	vst v2;
	v2 =	vmul.f32 v6, v4  }
0x1a8: {  	v6 =	vld [tilespmem:s10+$0x40];
	[tilespmem:s10+$0xFFFFFFD0] =	vst v1;
	v4 =	vmul.f32 v5, v4  }
0x1a9: {  	v11 =	vld [tilespmem:s10+$0x50];
	v7 =	vmul.f32 v7, v0;
	[tilespmem:s10+$0xFFFFFFE0] =	vst v2  }
0x1aa: {  	v5 =	vmul.f32 v8, v0;
	[tilespmem:s10+$0xFFFFFFF0] =	vst v4;
	v2 =	vld [tilespmem:s10+$0x70]  }
0x1ab: {  	v4 =	vmul.f32 v10, v0;
	v1 =	vld.idx.msk [tilespmem:v9+s17+$0x0], $0xffff;
	[tilespmem:s10+$0x0] =	vst v7  }
0x1ac: {  	s26 =	simm.s32 $0x4;
	[tilespmem:s10+$0x10] =	vst v5;
	v7 =	vld [tilespmem:s10+$0x90];
	v5 =	vmul.f32 v3, v0  }
0x1ad: {  	[tilespmem:s10+$0x20] =	vst v4;
	v3 =	vmov s26;
	v8 =	vmul.f32 v6, v0;
	v6 =	vld [tilespmem:s10+$0xA0]  }
0x1ae: {  	s22 =	simm.s32 $0x7;
	v10 =	vmul.f32 v63, v0;
	v9 =	vmul.f32 v11, v0;
	s26 =	simm.s32 $0x5;
	v4 =	vand.u32 $0xFFFFFFFC, v3;
	[tilespmem:s10+$0x30] =	vst v5;
	v5 =	vld [tilespmem:s10+$0xB0]  }
0x1af: {  	s28 =	simm.s32 $0x6;
	v3 =	vmov s22;
	v11 =	vmov s26;
	s26 =	simm.s32 $0x8;
	s22 =	simm.s32 $0x120;
	v4 =	vbroadcast v4, $0x0;
	[tilespmem:s10+$0x40] =	vst v8;
	v8 =	vld [tilespmem:s10+$0xC0]  }
.LBB2_7:
0x1b0: {  	p3 =	slt.u32 s26, $0x4C;
	v11 =	vand.u32 $0xFFFFFFFD, v11;
	v12 =	vmov s28;
	[tilespmem:s10+$0x50] =	vst v9;
	v0 =	vmul.f32 v2, v0;
	v2 =	vld [tilespmem:s10+$0xD0]  }
0x1b1: {  	v9 =	vbroadcast v11, $0x0;
	v11 =	vand.u32 $0xFFFFFFFE, v12;
	[tilespmem:s10+$0x60] =	vst v10;
	v7 =	vmul.f32 v7, v1;
	v10 =	vld [tilespmem:s10+$0xE0]  }
0x1b2: {  	v11 =	vbroadcast v11, $0x0;
	[tilespmem:s10+$0x70] =	vst v0;
	v0 =	vmul.f32 v6, v1;
	v6 =	vld [tilespmem:s10+$0xF0]  }
0x1b3: {  	[tilespmem:s10+$0x90] =	vst v7;
	v5 =	vmul.f32 v5, v1;
	v7 =	vld [tilespmem:s10+$0x100]  }
0x1b4: {  	[tilespmem:s10+$0xA0] =	vst v0;
	v0 =	vmul.f32 v8, v1;
	v8 =	vld [tilespmem:s10+$0x110]  }
0x1b5: {  	v3 =	vld.idx.msk [tilespmem:v3+s17+$0x0], $0xffff;
	[tilespmem:s10+$0xB0] =	vst v5;
	v2 =	vmul.f32 v2, v1  }
0x1b6: {  	v4 =	vld.idx.msk [tilespmem:v4+s17+$0x0], $0xffff;
	[tilespmem:s10+$0xC0] =	vst v0;
	v5 =	vmul.f32 v10, v1  }
0x1b7: {  	v9 =	vld.idx.msk [tilespmem:v9+s17+$0x0], $0xffff;
	[tilespmem:s10+$0xD0] =	vst v2;
	v2 =	vmul.f32 v6, v1  }
0x1b8: {  	s10 =	sadd.s32 $0x240, s10;
	v0 =	vld.idx.msk [tilespmem:v11+s17+$0x0], $0xffff;
	[tilespmem:s22+$0xE0] =	vst v5;
	v5 =	vmul.f32 v7, v1  }
0x1b9: {  	v6 =	vld [tilespmem:s10+$0x80];
	[tilespmem:s22+$0xF0] =	vst v2;
	v7 =	vmul.f32 v8, v1  }
0x1ba: {  	v2 =	vld [tilespmem:s10+$0xFFFFFEE0];
	[tilespmem:s22+$0x100] =	vst v5  }
0x1bb: {  	v1 =	vmov v3;
	v5 =	vld [tilespmem:s10+$0xFFFFFEF0];
	[tilespmem:s22+$0x110] =	vst v7;
	s22 =	smov.u32 s10  }
0x1bc: {  	v3 =	vld [tilespmem:s10+$0xFFFFFF00]  }
0x1bd: {  	v7 =	vld [tilespmem:s10+$0xFFFFFF10]  }
0x1be: {  	v8 =	vld [tilespmem:s10+$0xFFFFFF20];
	v6 =	vmul.f32 v6, v0  }
0x1bf: {  	v2 =	vmul.f32 v2, v4;
	v10 =	vld [tilespmem:s10+$0xFFFFFF30]  }
0x1c0: {  	v5 =	vmul.f32 v5, v4;
	v11 =	vld [tilespmem:s10+$0xFFFFFF40];
	[tilespmem:s10+$0x80] =	vst v6  }
0x1c1: {  	[tilespmem:s10+$0xFFFFFEE0] =	vst v2;
	v2 =	vmul.f32 v3, v4;
	v3 =	vld [tilespmem:s10+$0xFFFFFF50]  }
0x1c2: {  	[tilespmem:s10+$0xFFFFFEF0] =	vst v5;
	v5 =	vmul.f32 v7, v4;
	v6 =	vld [tilespmem:s10+$0xFFFFFF60]  }
0x1c3: {  	[tilespmem:s10+$0xFFFFFF00] =	vst v2;
	v2 =	vmul.f32 v8, v4;
	v7 =	vld [tilespmem:s10+$0xFFFFFF70]  }
0x1c4: {  	[tilespmem:s10+$0xFFFFFF10] =	vst v5;
	v5 =	vmul.f32 v10, v4;
	v8 =	vld [tilespmem:s10+$0xFFFFFF80]  }
0x1c5: {  	[tilespmem:s10+$0xFFFFFF20] =	vst v2;
	v2 =	vmul.f32 v11, v4;
	v10 =	vld [tilespmem:s10+$0xFFFFFF90]  }
0x1c6: {  	[tilespmem:s10+$0xFFFFFF30] =	vst v5;
	v3 =	vmul.f32 v3, v4;
	v5 =	vld [tilespmem:s10+$0xFFFFFFA0]  }
0x1c7: {  	[tilespmem:s10+$0xFFFFFF40] =	vst v2;
	v2 =	vmul.f32 v6, v4;
	v4 =	vld [tilespmem:s10+$0xFFFFFFB0]  }
0x1c8: {  	[tilespmem:s10+$0xFFFFFF50] =	vst v3;
	v3 =	vmul.f32 v7, v9;
	v6 =	vld [tilespmem:s10+$0xFFFFFFC0]  }
0x1c9: {  	[tilespmem:s10+$0xFFFFFF60] =	vst v2;
	v2 =	vmul.f32 v8, v9;
	v7 =	vld [tilespmem:s10+$0xFFFFFFD0]  }
0x1ca: {  	[tilespmem:s10+$0xFFFFFF70] =	vst v3;
	v3 =	vmul.f32 v10, v9;
	v8 =	vld [tilespmem:s10+$0xFFFFFFE0]  }
0x1cb: {  	[tilespmem:s10+$0xFFFFFF80] =	vst v2;
	v2 =	vmul.f32 v5, v9;
	v5 =	vld [tilespmem:s10+$0xFFFFFFF0]  }
0x1cc: {  	[tilespmem:s10+$0xFFFFFF90] =	vst v3;
	v3 =	vmul.f32 v4, v9;
	v4 =	vld [tilespmem:s10+$0x0]  }
0x1cd: {  	[tilespmem:s10+$0xFFFFFFA0] =	vst v2;
	v2 =	vmul.f32 v6, v9;
	v6 =	vld [tilespmem:s10+$0x10]  }
0x1ce: {  	[tilespmem:s10+$0xFFFFFFB0] =	vst v3;
	v3 =	vmul.f32 v7, v9;
	v7 =	vld [tilespmem:s10+$0x20]  }
0x1cf: {  	[tilespmem:s10+$0xFFFFFFC0] =	vst v2;
	v2 =	vmul.f32 v8, v9;
	v8 =	vld [tilespmem:s10+$0x30]  }
0x1d0: {  	[tilespmem:s10+$0xFFFFFFD0] =	vst v3;
	v3 =	vmul.f32 v5, v9;
	v5 =	vld [tilespmem:s10+$0x40]  }
0x1d1: {  	[tilespmem:s10+$0xFFFFFFE0] =	vst v2;
	v2 =	vmul.f32 v4, v0;
	v4 =	vld [tilespmem:s10+$0x50]  }
0x1d2: {  	[tilespmem:s10+$0xFFFFFFF0] =	vst v3;
	v3 =	vmul.f32 v6, v0;
	v10 =	vld [tilespmem:s10+$0x60]  }
.Ltmp4:
0x1d3: {  	[tilespmem:s10+$0x0] =	vst v2;
	v6 =	vmul.f32 v7, v0;
	v2 =	vld [tilespmem:s10+$0x70];
	(pc) =	sbr.rel @p3 .LBB2_7-.Ltmp4, $4  }
0x1d4: {  	[tilespmem:s10+$0x10] =	vst v3;
	v8 =	vmul.f32 v8, v0;
	v7 =	vld [tilespmem:s10+$0x90]  }
0x1d5: {  	s15 =	sadd.s32 $0x3, s26;
	v3 =	vmov s26;
	[tilespmem:s10+$0x20] =	vst v6;
	v12 =	vmul.f32 v5, v0;
	v6 =	vld [tilespmem:s10+$0xA0]  }
0x1d6: {  	s28 =	sadd.s32 $0x1, s26;
	v11 =	vand.u32 $0xFFFFFFFC, v3;
	v3 =	vmov s15;
	[tilespmem:s10+$0x30] =	vst v8;
	v9 =	vmul.f32 v4, v0;
	v5 =	vld [tilespmem:s10+$0xB0]  }
0x1d7: {  	v4 =	vbroadcast v11, $0x0;
	v11 =	vmov s28;
	s28 =	sadd.s32 $0x2, s26;
	s26 =	sadd.s32 $0x4, s26;
	[tilespmem:s10+$0x40] =	vst v12;
	v10 =	vmul.f32 v10, v0;
	v8 =	vld [tilespmem:s10+$0xC0]  }
0x1d8: {  	v12 =	vld [tilespmem:s10+$0xD0]  }
0x1d9: {  	v13 =	vld [tilespmem:s10+$0xE0]  }
0x1da: {  	v14 =	vmov s28;
	v15 =	vld [tilespmem:s10+$0xF0];
	v7 =	vmul.f32 v7, v1  }
0x1db: {  	v61 =	vld [tilespmem:s10+$0x100];
	[tilespmem:s10+$0x50] =	vst v9;
	v14 =	vand.u32 $0xFFFFFFFE, v14  }
0x1dc: {  	v11 =	vand.u32 $0xFFFFFFFD, v11;
	v3 =	vld.idx.msk [tilespmem:v3+s17+$0x0], $0xffff;
	v0 =	vmul.f32 v2, v0;
	[tilespmem:s10+$0x90] =	vst v7;
	v7 =	vbroadcast v14, $0x0  }
0x1dd: {  	s26 =	sadd.s32 $0x240, s10;
	v11 =	vbroadcast v11, $0x0;
	v2 =	vld.idx.msk [tilespmem:v4+s17+$0x0], $0xffff;
	[tilespmem:s10+$0x60] =	vst v10;
	v6 =	vmul.f32 v6, v1  }
0x1de: {  	v9 =	vld [tilespmem:s26+$0xFFFFFEE0];
	[tilespmem:s10+$0x70] =	vst v0;
	v4 =	vmul.f32 v5, v1  }
0x1df: {  	[tilespmem:s10+$0xA0] =	vst v6;
	v6 =	vld [tilespmem:s10+$0x110];
	v0 =	vmul.f32 v8, v1  }
0x1e0: {  	v10 =	vld [tilespmem:s26+$0xFFFFFEF0];
	[tilespmem:s10+$0xB0] =	vst v4;
	v4 =	vmul.f32 v12, v1  }
0x1e1: {  	v8 =	vld [tilespmem:s26+$0x80];
	[tilespmem:s10+$0xC0] =	vst v0;
	v0 =	vmul.f32 v13, v1  }
0x1e2: {  	[tilespmem:s10+$0xD0] =	vst v4;
	v4 =	vmul.f32 v15, v1;
	v7 =	vld.idx.msk [tilespmem:v7+s17+$0x0], $0xffff  }
0x1e3: {  	v5 =	vld.idx.msk [tilespmem:v11+s17+$0x0], $0xffff;
	[tilespmem:s22+$0xE0] =	vst v0;
	v0 =	vmul.f32 v61, v1  }
0x1e4: {  	v11 =	vld [tilespmem:s26+$0xFFFFFF00];
	[tilespmem:s22+$0xF0] =	vst v4;
	v1 =	vmul.f32 v6, v1  }
0x1e5: {  	v4 =	vld [tilespmem:s26+$0xFFFFFF10];
	[tilespmem:s22+$0x100] =	vst v0  }
0x1e6: {  	v0 =	vld [tilespmem:s26+$0xFFFFFF20];
	[tilespmem:s22+$0x110] =	vst v1;
	v1 =	vmul.f32 v9, v2  }
0x1e7: {  	v6 =	vmul.f32 v8, v7;
	v8 =	vld [tilespmem:s26+$0xFFFFFF30]  }
0x1e8: {  	v9 =	vmul.f32 v10, v2;
	v10 =	vld [tilespmem:s26+$0xFFFFFF40];
	[tilespmem:s26+$0xFFFFFEE0] =	vst v1  }
0x1e9: {  	v1 =	vmul.f32 v11, v2;
	[tilespmem:s26+$0x80] =	vst v6;
	v6 =	vld [tilespmem:s26+$0xFFFFFF50]  }
0x1ea: {  	[tilespmem:s26+$0xFFFFFEF0] =	vst v9;
	v9 =	vld [tilespmem:s26+$0xFFFFFF60];
	v4 =	vmul.f32 v4, v2  }
0x1eb: {  	[tilespmem:s26+$0xFFFFFF00] =	vst v1;
	v0 =	vmul.f32 v0, v2;
	v1 =	vld [tilespmem:s26+$0xFFFFFF70]  }
0x1ec: {  	[tilespmem:s26+$0xFFFFFF10] =	vst v4;
	v4 =	vmul.f32 v8, v2;
	v8 =	vld [tilespmem:s26+$0xFFFFFF80]  }
0x1ed: {  	[tilespmem:s26+$0xFFFFFF20] =	vst v0;
	v0 =	vmul.f32 v10, v2;
	v10 =	vld [tilespmem:s26+$0xFFFFFF90]  }
0x1ee: {  	[tilespmem:s26+$0xFFFFFF30] =	vst v4;
	v4 =	vmul.f32 v6, v2;
	v6 =	vld [tilespmem:s26+$0xFFFFFFA0]  }
0x1ef: {  	[tilespmem:s26+$0xFFFFFF40] =	vst v0;
	v0 =	vmul.f32 v9, v2;
	v2 =	vld [tilespmem:s26+$0xFFFFFFB0]  }
0x1f0: {  	v1 =	vmul.f32 v1, v5;
	[tilespmem:s26+$0xFFFFFF50] =	vst v4;
	v4 =	vld [tilespmem:s26+$0xFFFFFFC0]  }
0x1f1: {  	[tilespmem:s26+$0xFFFFFF60] =	vst v0;
	v0 =	vmul.f32 v8, v5;
	v8 =	vld [tilespmem:s26+$0xFFFFFFD0]  }
0x1f2: {  	v9 =	vld [tilespmem:s26+$0xFFFFFFE0];
	[tilespmem:s26+$0xFFFFFF70] =	vst v1;
	v1 =	vmul.f32 v10, v5  }
0x1f3: {  	[tilespmem:s26+$0xFFFFFF80] =	vst v0;
	v0 =	vmul.f32 v6, v5;
	v6 =	vld [tilespmem:s26+$0xFFFFFFF0]  }
0x1f4: {  	[tilespmem:s26+$0xFFFFFF90] =	vst v1;
	v1 =	vmul.f32 v2, v5;
	v2 =	vld [tilespmem:s26+$0x0]  }
0x1f5: {  	[tilespmem:s26+$0xFFFFFFA0] =	vst v0;
	v0 =	vmul.f32 v4, v5;
	v4 =	vld [tilespmem:s26+$0x10]  }
0x1f6: {  	[tilespmem:s26+$0xFFFFFFB0] =	vst v1;
	v1 =	vmul.f32 v8, v5;
	v8 =	vld [tilespmem:s26+$0x20]  }
0x1f7: {  	[tilespmem:s26+$0xFFFFFFC0] =	vst v0;
	v0 =	vmul.f32 v9, v5;
	v9 =	vld [tilespmem:s26+$0x30]  }
0x1f8: {  	[tilespmem:s26+$0xFFFFFFD0] =	vst v1;
	v1 =	vmul.f32 v6, v5;
	v5 =	vld [tilespmem:s26+$0x40]  }
0x1f9: {  	[tilespmem:s26+$0xFFFFFFE0] =	vst v0;
	v0 =	vmul.f32 v2, v7;
	v2 =	vld [tilespmem:s26+$0x50]  }
0x1fa: {  	[tilespmem:s26+$0xFFFFFFF0] =	vst v1;
	v1 =	vmul.f32 v4, v7;
	v4 =	vld [tilespmem:s26+$0x60]  }
0x1fb: {  	v6 =	vld [tilespmem:s26+$0x70];
	[tilespmem:s26+$0x0] =	vst v0;
	v0 =	vmul.f32 v8, v7  }
0x1fc: {  	v8 =	vld [tilespmem:s26+$0x90];
	[tilespmem:s26+$0x10] =	vst v1;
	v1 =	vmul.f32 v9, v7  }
0x1fd: {  	[tilespmem:s26+$0x20] =	vst v0;
	v0 =	vmul.f32 v5, v7;
	v5 =	vld [tilespmem:s26+$0xA0]  }
0x1fe: {  	[tilespmem:s26+$0x30] =	vst v1;
	v1 =	vmul.f32 v2, v7;
	v2 =	vld [tilespmem:s26+$0xB0]  }
0x1ff: {  	[tilespmem:s26+$0x40] =	vst v0;
	v0 =	vmul.f32 v4, v7;
	v4 =	vld [tilespmem:s26+$0xC0]  }
0x200: {  	[tilespmem:s26+$0x50] =	vst v1;
	v1 =	vmul.f32 v6, v7;
	v6 =	vld [tilespmem:s26+$0xD0]  }
0x201: {  	v7 =	vld [tilespmem:s26+$0xE0];
	[tilespmem:s26+$0x60] =	vst v0;
	v0 =	vmul.f32 v8, v3  }
0x202: {  	[tilespmem:s26+$0x70] =	vst v1;
	v1 =	vmul.f32 v5, v3;
	v5 =	vld [tilespmem:s26+$0xF0]  }
0x203: {  	[tilespmem:s26+$0x90] =	vst v0;
	v0 =	vmul.f32 v2, v3;
	v2 =	vld [tilespmem:s26+$0x100]  }
0x204: {  	[tilespmem:s26+$0xA0] =	vst v1;
	v1 =	vmul.f32 v4, v3;
	v4 =	vld [tilespmem:s26+$0x110]  }
0x205: {  	[tilespmem:s26+$0xB0] =	vst v0;
	v0 =	vmul.f32 v6, v3  }
0x206: {  	[tilespmem:s26+$0xC0] =	vst v1;
	v1 =	vmul.f32 v7, v3  }
0x207: {  	[tilespmem:s26+$0xD0] =	vst v0;
	v0 =	vmul.f32 v5, v3  }
0x208: {  	[tilespmem:s26+$0xE0] =	vst v1;
	v1 =	vmul.f32 v2, v3  }
0x209: {  	[tilespmem:s26+$0xF0] =	vst v0;
	v0 =	vmul.f32 v4, v3  }
0x20a: {  	[tilespmem:s26+$0x100] =	vst v1  }
0x20b: {  	s15 =	simm.s32 $0x5BE0;
	s10 =	simm.s32 $0x0;
	[tilespmem:s26+$0x110] =	vst v0  }
0x20c: {  	[spmem:s3] =	stream.indirect.scatter.add.f32 [tilespmem:s10], [sflag:$0x3], $0x90, s15, s1, $0xb8;
	[tilespmem:$0x1BD50] =	vst v63  }
0x20d: {  	s22 =	rddreg [dreg:$0x15]  }
0x20e: {  	s15 =	sadd.s32 s29, s22  }
0x20f: {  	s15 =	sshrl.u32 s15, $0x3  }
0x210: {  	s26 =	sadd.s32 s6, s15  }
0x211: {  	[tilespmem:s30], [sflag:$0x5] =	stream.linear.gather [hbm4b:s26+s10], $0x50, $0x38;
	[tilespmem:$0x1BD50] =	vst v63  }
0x212: {  	s26 =	sadd.s32 s2, s15  }
0x213: {  	[tilespmem:s31], [sflag:$0x5] =	stream.linear.gather [hbm4b:s26+s10], $0x50, $0x38;
	[tilespmem:$0x1BD50] =	vst v63  }
0x214: {  	s15 =	sadd.s32 s7, s15  }
0x215: {  	[tilespmem:s0], [sflag:$0x5] =	stream.linear.gather [hbm4b:s15+s10], $0x50, $0x38;
	[tilespmem:$0x1BD50] =	vst v63  }
0x216: {  	_ =	swait.ge [sflag:s9], $0x50  }
0x217: {  	[sflag:s9] =	ssyncset.done $0x0  }
0x218: {  	[sflag:s9] =	ssyncadd.s32 $0xFFFFFFB0  }
0x219: {  	_ =	swait.ge [sflag:s9], $0x50  }
0x21a: {  	[sflag:s9] =	ssyncset.done $0x0  }
0x21b: {  	[sflag:s9] =	ssyncadd.s32 $0xFFFFFFB0  }
0x21c: {  	_ =	swait.ge [sflag:s9], $0x50  }
0x21d: {  	[sflag:s9] =	ssyncset.done $0x0  }
0x21e: {  	v0 =	vmov s10;
	s22 =	simm.s32 $0x2;
	[sflag:s9] =	ssyncadd.s32 $0xFFFFFFB0  }
0x21f: {  	v0 =	vand.u32 $0xFFFFFFFC, v0;
	v1 =	vmov s22;
	_ =	swait.ge [sflag:s18], $0x2D00  }
0x220: {  	v0 =	vbroadcast v0, $0x0;
	v1 =	vand.u32 $0xFFFFFFFE, v1;
	[sflag:s18] =	ssyncset.done $0x0  }
0x221: {  	v1 =	vbroadcast v1, $0x0;
	[sflag:s18] =	ssyncadd.s32 $0xFFFFD300  }
0x222: {  	[tilespmem:s10], [sflag:$0x1] =	stream.indirect.gather [hbm4b:s5+s1], $0x90, s30, s1, $0xb8;
	[tilespmem:$0x1BD50] =	vst v63  }
0x223: {  	_ =	swait.ge [sflag:s19], $0x2D00  }
0x224: {  	[sflag:s19] =	ssyncset.done $0x0  }
0x225: {  	s26 =	simm.s32 $0x1;
	[sflag:s19] =	ssyncadd.s32 $0xFFFFD300  }
0x226: {  	v4 =	vmov s26;
	v2 =	vld.idx.msk [tilespmem:v0+s25+$0x0], $0xffff  }
0x227: {  	v4 =	vand.u32 $0xFFFFFFFD, v4;
	s10 =	simm.s32 $0x2F30;
	v0 =	vld.idx.msk [tilespmem:v1+s25+$0x0], $0xffff  }
0x228: {  	v4 =	vbroadcast v4, $0x0;
	v1 =	vld [tilespmem:s10+$0xFFFFFF70]  }
0x229: {  	v3 =	vld [tilespmem:s10+$0xFFFFFDD0]  }
0x22a: {  	v5 =	vld [tilespmem:s10+$0xFFFFFDE0]  }
0x22b: {  	v6 =	vld [tilespmem:s10+$0xFFFFFDF0]  }
0x22c: {  	v7 =	vld [tilespmem:s10+$0xFFFFFE00]  }
0x22d: {  	v10 =	vld [tilespmem:s10+$0xFFFFFE30]  }
0x22e: {  	v4 =	vld.idx.msk [tilespmem:v4+s25+$0x0], $0xffff  }
0x22f: {  	v62 =	vld [tilespmem:s10+$0xFFFFFE70];
	v3 =	vmul.f32 v3, v2  }
0x230: {  	v8 =	vld [tilespmem:s10+$0xFFFFFE10];
	v5 =	vmul.f32 v5, v2  }
0x231: {  	v9 =	vld [tilespmem:s10+$0xFFFFFE20];
	v1 =	vmul.f32 v1, v0;
	[tilespmem:s10+$0xFFFFFDD0] =	vst v3  }
0x232: {  	v11 =	vld [tilespmem:s10+$0xFFFFFE60];
	v6 =	vmul.f32 v6, v2;
	[tilespmem:s10+$0xFFFFFDE0] =	vst v5  }
0x233: {  	v63 =	vld [tilespmem:s10+$0xFFFFFF50];
	v10 =	vmul.f32 v10, v2;
	[tilespmem:s10+$0xFFFFFF70] =	vst v1  }
0x234: {  	v12 =	vmul.f32 v62, v4;
	v3 =	vld [tilespmem:s10+$0xFFFFFE40];
	[tilespmem:s10+$0xFFFFFDF0] =	vst v6  }
0x235: {  	v5 =	vld [tilespmem:s10+$0xFFFFFE50];
	v1 =	vmul.f32 v7, v2;
	[tilespmem:s10+$0xFFFFFE30] =	vst v10  }
0x236: {  	v7 =	vld [tilespmem:s10+$0xFFFFFE80];
	v6 =	vmul.f32 v8, v2;
	[tilespmem:s10+$0xFFFFFE70] =	vst v12  }
0x237: {  	v8 =	vld [tilespmem:s10+$0xFFFFFE90];
	[tilespmem:s10+$0xFFFFFE00] =	vst v1;
	v1 =	vmul.f32 v9, v2  }
0x238: {  	v9 =	vld [tilespmem:s10+$0xFFFFFEA0];
	[tilespmem:s10+$0xFFFFFE10] =	vst v6;
	v6 =	vmul.f32 v11, v4  }
0x239: {  	v11 =	vld [tilespmem:s10+$0xFFFFFEB0];
	[tilespmem:s10+$0xFFFFFE20] =	vst v1;
	v3 =	vmul.f32 v3, v2  }
0x23a: {  	v1 =	vld [tilespmem:s10+$0xFFFFFEC0];
	[tilespmem:s10+$0xFFFFFE60] =	vst v6;
	v2 =	vmul.f32 v5, v2  }
0x23b: {  	v6 =	vld [tilespmem:s10+$0xFFFFFED0];
	[tilespmem:s10+$0xFFFFFE40] =	vst v3;
	v3 =	vmul.f32 v7, v4  }
0x23c: {  	v5 =	vld [tilespmem:s10+$0xFFFFFEE0];
	[tilespmem:s10+$0xFFFFFE50] =	vst v2;
	v2 =	vmul.f32 v8, v4  }
0x23d: {  	v7 =	vld [tilespmem:s10+$0xFFFFFEF0];
	[tilespmem:s10+$0xFFFFFE80] =	vst v3;
	v3 =	vmul.f32 v9, v4  }
0x23e: {  	s22 =	simm.s32 $0x3;
	v8 =	vld [tilespmem:s10+$0xFFFFFF00];
	[tilespmem:s10+$0xFFFFFE90] =	vst v2;
	v2 =	vmul.f32 v11, v4  }
0x23f: {  	v10 =	vld [tilespmem:s10+$0xFFFFFF10];
	v9 =	vmov s22;
	v1 =	vmul.f32 v1, v4;
	[tilespmem:s10+$0xFFFFFEA0] =	vst v3  }
0x240: {  	v3 =	vld [tilespmem:s10+$0xFFFFFF20];
	[tilespmem:s10+$0xFFFFFEB0] =	vst v2;
	v2 =	vmul.f32 v6, v4  }
0x241: {  	v6 =	vld [tilespmem:s10+$0xFFFFFF30];
	[tilespmem:s10+$0xFFFFFEC0] =	vst v1;
	v4 =	vmul.f32 v5, v4  }
0x242: {  	v11 =	vld [tilespmem:s10+$0xFFFFFF40];
	v7 =	vmul.f32 v7, v0;
	[tilespmem:s10+$0xFFFFFED0] =	vst v2  }
0x243: {  	v5 =	vmul.f32 v8, v0;
	[tilespmem:s10+$0xFFFFFEE0] =	vst v4;
	v2 =	vld [tilespmem:s10+$0xFFFFFF60]  }
0x244: {  	v4 =	vmul.f32 v10, v0;
	v1 =	vld.idx.msk [tilespmem:v9+s25+$0x0], $0xffff;
	[tilespmem:s10+$0xFFFFFEF0] =	vst v7  }
0x245: {  	s26 =	simm.s32 $0x4;
	[tilespmem:s10+$0xFFFFFF00] =	vst v5;
	v7 =	vld [tilespmem:s10+$0xFFFFFF80];
	v5 =	vmul.f32 v3, v0  }
0x246: {  	[tilespmem:s10+$0xFFFFFF10] =	vst v4;
	v3 =	vmov s26;
	v8 =	vmul.f32 v6, v0;
	v6 =	vld [tilespmem:s10+$0xFFFFFF90]  }
0x247: {  	s22 =	simm.s32 $0x7;
	v10 =	vmul.f32 v63, v0;
	v9 =	vmul.f32 v11, v0;
	s26 =	simm.s32 $0x5;
	v4 =	vand.u32 $0xFFFFFFFC, v3;
	[tilespmem:s10+$0xFFFFFF20] =	vst v5;
	v5 =	vld [tilespmem:s10+$0xFFFFFFA0]  }
0x248: {  	s28 =	simm.s32 $0x6;
	v3 =	vmov s22;
	v11 =	vmov s26;
	s26 =	simm.s32 $0x8;
	s22 =	simm.s32 $0x2F30;
	v4 =	vbroadcast v4, $0x0;
	[tilespmem:s10+$0xFFFFFF30] =	vst v8;
	v8 =	vld [tilespmem:s10+$0xFFFFFFB0]  }
.LBB2_9:
0x249: {  	p3 =	slt.u32 s26, $0x4C;
	v11 =	vand.u32 $0xFFFFFFFD, v11;
	v12 =	vmov s28;
	[tilespmem:s10+$0xFFFFFF40] =	vst v9;
	v0 =	vmul.f32 v2, v0;
	v2 =	vld [tilespmem:s10+$0xFFFFFFC0]  }
0x24a: {  	v9 =	vbroadcast v11, $0x0;
	v11 =	vand.u32 $0xFFFFFFFE, v12;
	[tilespmem:s10+$0xFFFFFF50] =	vst v10;
	v7 =	vmul.f32 v7, v1;
	v10 =	vld [tilespmem:s10+$0xFFFFFFD0]  }
0x24b: {  	v11 =	vbroadcast v11, $0x0;
	[tilespmem:s10+$0xFFFFFF60] =	vst v0;
	v0 =	vmul.f32 v6, v1;
	v6 =	vld [tilespmem:s10+$0xFFFFFFE0]  }
0x24c: {  	[tilespmem:s10+$0xFFFFFF80] =	vst v7;
	v5 =	vmul.f32 v5, v1;
	v7 =	vld [tilespmem:s10+$0xFFFFFFF0]  }
0x24d: {  	[tilespmem:s10+$0xFFFFFF90] =	vst v0;
	v0 =	vmul.f32 v8, v1;
	v8 =	vld [tilespmem:s10+$0x0]  }
0x24e: {  	v3 =	vld.idx.msk [tilespmem:v3+s25+$0x0], $0xffff;
	[tilespmem:s10+$0xFFFFFFA0] =	vst v5;
	v2 =	vmul.f32 v2, v1  }
0x24f: {  	v4 =	vld.idx.msk [tilespmem:v4+s25+$0x0], $0xffff;
	[tilespmem:s10+$0xFFFFFFB0] =	vst v0;
	v5 =	vmul.f32 v10, v1  }
0x250: {  	v9 =	vld.idx.msk [tilespmem:v9+s25+$0x0], $0xffff;
	[tilespmem:s10+$0xFFFFFFC0] =	vst v2;
	v2 =	vmul.f32 v6, v1  }
0x251: {  	s10 =	sadd.s32 $0x240, s10;
	v0 =	vld.idx.msk [tilespmem:v11+s25+$0x0], $0xffff;
	[tilespmem:s22+$0xFFFFFFD0] =	vst v5;
	v5 =	vmul.f32 v7, v1  }
0x252: {  	v6 =	vld [tilespmem:s10+$0xFFFFFF70];
	[tilespmem:s22+$0xFFFFFFE0] =	vst v2;
	v7 =	vmul.f32 v8, v1  }
0x253: {  	v2 =	vld [tilespmem:s10+$0xFFFFFDD0];
	[tilespmem:s22+$0xFFFFFFF0] =	vst v5  }
0x254: {  	v1 =	vmov v3;
	v5 =	vld [tilespmem:s10+$0xFFFFFDE0];
	[tilespmem:s22+$0x0] =	vst v7;
	s22 =	smov.u32 s10  }
0x255: {  	v3 =	vld [tilespmem:s10+$0xFFFFFDF0]  }
0x256: {  	v7 =	vld [tilespmem:s10+$0xFFFFFE00]  }
0x257: {  	v8 =	vld [tilespmem:s10+$0xFFFFFE10];
	v6 =	vmul.f32 v6, v0  }
0x258: {  	v2 =	vmul.f32 v2, v4;
	v10 =	vld [tilespmem:s10+$0xFFFFFE20]  }
0x259: {  	v5 =	vmul.f32 v5, v4;
	v11 =	vld [tilespmem:s10+$0xFFFFFE30];
	[tilespmem:s10+$0xFFFFFF70] =	vst v6  }
0x25a: {  	[tilespmem:s10+$0xFFFFFDD0] =	vst v2;
	v2 =	vmul.f32 v3, v4;
	v3 =	vld [tilespmem:s10+$0xFFFFFE40]  }
0x25b: {  	[tilespmem:s10+$0xFFFFFDE0] =	vst v5;
	v5 =	vmul.f32 v7, v4;
	v6 =	vld [tilespmem:s10+$0xFFFFFE50]  }
0x25c: {  	[tilespmem:s10+$0xFFFFFDF0] =	vst v2;
	v2 =	vmul.f32 v8, v4;
	v7 =	vld [tilespmem:s10+$0xFFFFFE60]  }
0x25d: {  	[tilespmem:s10+$0xFFFFFE00] =	vst v5;
	v5 =	vmul.f32 v10, v4;
	v8 =	vld [tilespmem:s10+$0xFFFFFE70]  }
0x25e: {  	[tilespmem:s10+$0xFFFFFE10] =	vst v2;
	v2 =	vmul.f32 v11, v4;
	v10 =	vld [tilespmem:s10+$0xFFFFFE80]  }
0x25f: {  	[tilespmem:s10+$0xFFFFFE20] =	vst v5;
	v3 =	vmul.f32 v3, v4;
	v5 =	vld [tilespmem:s10+$0xFFFFFE90]  }
0x260: {  	[tilespmem:s10+$0xFFFFFE30] =	vst v2;
	v2 =	vmul.f32 v6, v4;
	v4 =	vld [tilespmem:s10+$0xFFFFFEA0]  }
0x261: {  	[tilespmem:s10+$0xFFFFFE40] =	vst v3;
	v3 =	vmul.f32 v7, v9;
	v6 =	vld [tilespmem:s10+$0xFFFFFEB0]  }
0x262: {  	[tilespmem:s10+$0xFFFFFE50] =	vst v2;
	v2 =	vmul.f32 v8, v9;
	v7 =	vld [tilespmem:s10+$0xFFFFFEC0]  }
0x263: {  	[tilespmem:s10+$0xFFFFFE60] =	vst v3;
	v3 =	vmul.f32 v10, v9;
	v8 =	vld [tilespmem:s10+$0xFFFFFED0]  }
0x264: {  	[tilespmem:s10+$0xFFFFFE70] =	vst v2;
	v2 =	vmul.f32 v5, v9;
	v5 =	vld [tilespmem:s10+$0xFFFFFEE0]  }
0x265: {  	[tilespmem:s10+$0xFFFFFE80] =	vst v3;
	v3 =	vmul.f32 v4, v9;
	v4 =	vld [tilespmem:s10+$0xFFFFFEF0]  }
0x266: {  	[tilespmem:s10+$0xFFFFFE90] =	vst v2;
	v2 =	vmul.f32 v6, v9;
	v6 =	vld [tilespmem:s10+$0xFFFFFF00]  }
0x267: {  	[tilespmem:s10+$0xFFFFFEA0] =	vst v3;
	v3 =	vmul.f32 v7, v9;
	v7 =	vld [tilespmem:s10+$0xFFFFFF10]  }
0x268: {  	[tilespmem:s10+$0xFFFFFEB0] =	vst v2;
	v2 =	vmul.f32 v8, v9;
	v8 =	vld [tilespmem:s10+$0xFFFFFF20]  }
0x269: {  	[tilespmem:s10+$0xFFFFFEC0] =	vst v3;
	v3 =	vmul.f32 v5, v9;
	v5 =	vld [tilespmem:s10+$0xFFFFFF30]  }
0x26a: {  	[tilespmem:s10+$0xFFFFFED0] =	vst v2;
	v2 =	vmul.f32 v4, v0;
	v4 =	vld [tilespmem:s10+$0xFFFFFF40]  }
0x26b: {  	[tilespmem:s10+$0xFFFFFEE0] =	vst v3;
	v3 =	vmul.f32 v6, v0;
	v10 =	vld [tilespmem:s10+$0xFFFFFF50]  }
.Ltmp5:
0x26c: {  	[tilespmem:s10+$0xFFFFFEF0] =	vst v2;
	v6 =	vmul.f32 v7, v0;
	v2 =	vld [tilespmem:s10+$0xFFFFFF60];
	(pc) =	sbr.rel @p3 .LBB2_9-.Ltmp5, $4  }
0x26d: {  	[tilespmem:s10+$0xFFFFFF00] =	vst v3;
	v8 =	vmul.f32 v8, v0;
	v7 =	vld [tilespmem:s10+$0xFFFFFF80]  }
0x26e: {  	s15 =	sadd.s32 $0x3, s26;
	v3 =	vmov s26;
	[tilespmem:s10+$0xFFFFFF10] =	vst v6;
	v12 =	vmul.f32 v5, v0;
	v6 =	vld [tilespmem:s10+$0xFFFFFF90]  }
0x26f: {  	s28 =	sadd.s32 $0x1, s26;
	v11 =	vand.u32 $0xFFFFFFFC, v3;
	v3 =	vmov s15;
	[tilespmem:s10+$0xFFFFFF20] =	vst v8;
	v9 =	vmul.f32 v4, v0;
	v5 =	vld [tilespmem:s10+$0xFFFFFFA0]  }
0x270: {  	v4 =	vbroadcast v11, $0x0;
	v11 =	vmov s28;
	s28 =	sadd.s32 $0x2, s26;
	s26 =	sadd.s32 $0x4, s26;
	[tilespmem:s10+$0xFFFFFF30] =	vst v12;
	v10 =	vmul.f32 v10, v0;
	v8 =	vld [tilespmem:s10+$0xFFFFFFB0]  }
0x271: {  	v12 =	vld [tilespmem:s10+$0xFFFFFFC0]  }
0x272: {  	v13 =	vld [tilespmem:s10+$0xFFFFFFD0]  }
0x273: {  	v15 =	vld [tilespmem:s10+$0xFFFFFFE0]  }
0x274: {  	v36 =	vld [tilespmem:s10+$0xFFFFFFF0]  }
0x275: {  	v37 =	vld [tilespmem:s10+$0x0];
	[tilespmem:s10+$0xFFFFFF40] =	vst v9;
	v0 =	vmul.f32 v2, v0  }
0x276: {  	v3 =	vld.idx.msk [tilespmem:v3+s25+$0x0], $0xffff;
	v7 =	vmul.f32 v7, v1;
	[tilespmem:s10+$0xFFFFFF50] =	vst v10  }
0x277: {  	s26 =	sadd.s32 $0x240, s10;
	v38 =	vld.idx.msk [tilespmem:v4+s25+$0x0], $0xffff;
	v6 =	vmul.f32 v6, v1;
	[tilespmem:s10+$0xFFFFFF60] =	vst v0  }
0x278: {  	v43 =	vld [tilespmem:s26+$0xFFFFFF70];
	[tilespmem:s10+$0xFFFFFF80] =	vst v7;
	v39 =	vmul.f32 v5, v1  }
0x279: {  	v45 =	vld [tilespmem:s26+$0xFFFFFDD0];
	[tilespmem:s10+$0xFFFFFF90] =	vst v6;
	v41 =	vmul.f32 v8, v1  }
0x27a: {  	v47 =	vld [tilespmem:s26+$0xFFFFFDE0];
	[tilespmem:s10+$0xFFFFFFA0] =	vst v39;
	v42 =	vmul.f32 v12, v1  }
0x27b: {  	v49 =	vld [tilespmem:s26+$0xFFFFFDF0];
	v44 =	vmul.f32 v13, v1;
	[tilespmem:s10+$0xFFFFFFB0] =	vst v41  }
0x27c: {  	v51 =	vld [tilespmem:s26+$0xFFFFFE00];
	v46 =	vmul.f32 v15, v1;
	[tilespmem:s10+$0xFFFFFFC0] =	vst v42  }
0x27d: {  	v11 =	vand.u32 $0xFFFFFFFD, v11;
	v52 =	vld [tilespmem:s26+$0xFFFFFE10];
	v48 =	vmul.f32 v36, v1;
	[tilespmem:s22+$0xFFFFFFD0] =	vst v44  }
0x27e: {  	v11 =	vbroadcast v11, $0x0;
	v55 =	vld [tilespmem:s26+$0xFFFFFE20];
	v50 =	vmul.f32 v37, v1;
	[tilespmem:s22+$0xFFFFFFE0] =	vst v46  }
0x27f: {  	v57 =	vld [tilespmem:s26+$0xFFFFFE30];
	v54 =	vmul.f32 v45, v38;
	[tilespmem:s22+$0xFFFFFFF0] =	vst v48  }
0x280: {  	v59 =	vld [tilespmem:s26+$0xFFFFFE40];
	v56 =	vmul.f32 v47, v38;
	[tilespmem:s22+$0x0] =	vst v50  }
0x281: {  	v60 =	vld [tilespmem:s26+$0xFFFFFE50];
	v58 =	vmul.f32 v49, v38;
	[tilespmem:s26+$0xFFFFFDD0] =	vst v54  }
0x282: {  	v61 =	vld [tilespmem:s26+$0xFFFFFE60];
	v4 =	vmul.f32 v51, v38;
	[tilespmem:s26+$0xFFFFFDE0] =	vst v56  }
0x283: {  	v0 =	vmul.f32 v52, v38;
	v52 =	vld [tilespmem:s26+$0xFFFFFFD0];
	[tilespmem:s26+$0xFFFFFDF0] =	vst v58  }
0x284: {  	v14 =	vmov s28;
	v62 =	vmul.f32 v55, v38;
	v40 =	vld.idx.msk [tilespmem:v11+s25+$0x0], $0xffff;
	[tilespmem:s26+$0xFFFFFE00] =	vst v4  }
0x285: {  	v14 =	vand.u32 $0xFFFFFFFE, v14;
	v63 =	vld [tilespmem:s26+$0xFFFFFE70];
	v12 =	vmul.f32 v57, v38;
	[tilespmem:s26+$0xFFFFFE10] =	vst v0  }
0x286: {  	v35 =	vbroadcast v14, $0x0;
	v13 =	vld [tilespmem:s26+$0xFFFFFE80];
	v14 =	vmul.f32 v59, v38;
	[tilespmem:s26+$0xFFFFFE20] =	vst v62  }
0x287: {  	v15 =	vld [tilespmem:s26+$0xFFFFFE90];
	v16 =	vmul.f32 v60, v38;
	[tilespmem:s26+$0xFFFFFE30] =	vst v12  }
0x288: {  	v17 =	vld [tilespmem:s26+$0xFFFFFEA0];
	[tilespmem:s26+$0xFFFFFE40] =	vst v14;
	v60 =	vmul.f32 v52, v3  }
0x289: {  	v18 =	vld [tilespmem:s26+$0xFFFFFEB0];
	[tilespmem:s26+$0xFFFFFE50] =	vst v16;
	v1 =	vmul.f32 v61, v40  }
0x28a: {  	v20 =	vld [tilespmem:s26+$0xFFFFFEC0];
	v19 =	vmul.f32 v63, v40;
	[tilespmem:s26+$0xFFFFFFD0] =	vst v60  }
0x28b: {  	v22 =	vld [tilespmem:s26+$0xFFFFFED0];
	v21 =	vmul.f32 v13, v40;
	[tilespmem:s26+$0xFFFFFE60] =	vst v1  }
0x28c: {  	v24 =	vld [tilespmem:s26+$0xFFFFFEE0];
	v23 =	vmul.f32 v15, v40;
	[tilespmem:s26+$0xFFFFFE70] =	vst v19  }
0x28d: {  	v42 =	vld [tilespmem:s26+$0xFFFFFF80];
	v25 =	vmul.f32 v17, v40;
	[tilespmem:s26+$0xFFFFFE80] =	vst v21  }
0x28e: {  	v7 =	vld.idx.msk [tilespmem:v35+s25+$0x0], $0xffff;
	v27 =	vmul.f32 v18, v40;
	[tilespmem:s26+$0xFFFFFE90] =	vst v23  }
0x28f: {  	v26 =	vld [tilespmem:s26+$0xFFFFFEF0];
	v29 =	vmul.f32 v20, v40;
	[tilespmem:s26+$0xFFFFFEA0] =	vst v25  }
0x290: {  	v28 =	vld [tilespmem:s26+$0xFFFFFF00];
	v31 =	vmul.f32 v22, v40;
	[tilespmem:s26+$0xFFFFFEB0] =	vst v27  }
0x291: {  	v30 =	vld [tilespmem:s26+$0xFFFFFF10];
	v33 =	vmul.f32 v24, v40;
	[tilespmem:s26+$0xFFFFFEC0] =	vst v29  }
0x292: {  	v32 =	vld [tilespmem:s26+$0xFFFFFF20];
	v51 =	vmul.f32 v42, v3;
	[tilespmem:s26+$0xFFFFFED0] =	vst v31  }
0x293: {  	v34 =	vld [tilespmem:s26+$0xFFFFFF30];
	v53 =	vmul.f32 v43, v7;
	[tilespmem:s26+$0xFFFFFEE0] =	vst v33  }
0x294: {  	v36 =	vld [tilespmem:s26+$0xFFFFFF40];
	v35 =	vmul.f32 v26, v7;
	[tilespmem:s26+$0xFFFFFF80] =	vst v51  }
0x295: {  	v38 =	vld [tilespmem:s26+$0xFFFFFF50];
	v37 =	vmul.f32 v28, v7;
	[tilespmem:s26+$0xFFFFFF70] =	vst v53  }
0x296: {  	v46 =	vld [tilespmem:s26+$0xFFFFFFA0];
	v39 =	vmul.f32 v30, v7;
	[tilespmem:s26+$0xFFFFFEF0] =	vst v35  }
0x297: {  	v48 =	vld [tilespmem:s26+$0xFFFFFFB0];
	v41 =	vmul.f32 v32, v7;
	[tilespmem:s26+$0xFFFFFF00] =	vst v37  }
0x298: {  	v50 =	vld [tilespmem:s26+$0xFFFFFFC0];
	v43 =	vmul.f32 v34, v7;
	[tilespmem:s26+$0xFFFFFF10] =	vst v39  }
0x299: {  	v54 =	vld [tilespmem:s26+$0xFFFFFFE0];
	v45 =	vmul.f32 v36, v7;
	[tilespmem:s26+$0xFFFFFF20] =	vst v41  }
0x29a: {  	v56 =	vld [tilespmem:s26+$0xFFFFFFF0];
	v47 =	vmul.f32 v38, v7;
	[tilespmem:s26+$0xFFFFFF30] =	vst v43  }
0x29b: {  	v58 =	vld [tilespmem:s26+$0x0];
	v55 =	vmul.f32 v46, v3;
	[tilespmem:s26+$0xFFFFFF40] =	vst v45  }
0x29c: {  	v44 =	vld [tilespmem:s26+$0xFFFFFF90];
	v57 =	vmul.f32 v48, v3;
	[tilespmem:s26+$0xFFFFFF50] =	vst v47  }
0x29d: {  	v40 =	vld [tilespmem:s26+$0xFFFFFF60];
	v59 =	vmul.f32 v50, v3;
	[tilespmem:s26+$0xFFFFFFA0] =	vst v55  }
0x29e: {  	v61 =	vmul.f32 v54, v3;
	[tilespmem:s26+$0xFFFFFFB0] =	vst v57  }
0x29f: {  	v62 =	vmul.f32 v56, v3;
	[tilespmem:s26+$0xFFFFFFC0] =	vst v59  }
0x2a0: {  	v63 =	vmul.f32 v58, v3;
	[tilespmem:s26+$0xFFFFFFE0] =	vst v61  }
0x2a1: {  	p3 =	seq.s32 s13, $0x1E;
	s10 =	sadd.s32 $0x190, s29;
	v53 =	vmul.f32 v44, v3;
	[tilespmem:s26+$0xFFFFFFF0] =	vst v62  }
0x2a2: {  	s10 =	simm.s32 @p3 $0x0;
	[tilespmem:s26+$0x0] =	vst v63;
	v49 =	vmul.f32 v40, v7  }
0x2a3: {  	s10 =	sadd.s32 s16, s10;
	[tilespmem:s26+$0xFFFFFF90] =	vst v53  }
0x2a4: {  	s13 =	sadd.s32 $0x1, s13;
	s10 =	sshrl.u32 s10, $0x3;
	[tilespmem:s26+$0xFFFFFF60] =	vst v49  }
0x2a5: {  	[spmem:s3] =	stream.indirect.scatter.add.f32 [tilespmem:s11], [sflag:$0x4], $0x90, s21, s1, $0xb8;
	[tilespmem:$0x1BD50] =	vst v63  }
0x2a6: {  	p3 =	sne.s32 s13, $0x1F;
	s15 =	sadd.s32 s6, s10  }
0x2a7: {  	[tilespmem:s23], [sflag:$0x5] =	stream.linear.gather [hbm4b:s15+s4], $0x50, $0x38;
	[tilespmem:$0x1BD50] =	vst v63  }
.Ltmp6:
0x2a8: {  	_ = 	snop;
	(pc) =	sbr.rel @p3 .LBB2_2-.Ltmp6, $4  }
0x2a9: {  	s29 =	sadd.s32 s2, s10  }
0x2aa: {  	[tilespmem:s24], [sflag:$0x5] =	stream.linear.gather [hbm4b:s29+s4], $0x50, $0x38;
	[tilespmem:$0x1BD50] =	vst v63  }
0x2ab: {  	s10 =	sadd.s32 s7, s10  }
0x2ac: {  	[tilespmem:s8], [sflag:$0x5] =	stream.linear.gather [hbm4b:s10+s4], $0x50, $0x38;
	[tilespmem:$0x1BD50] =	vst v63  }
0x2ad: {  	s10 =	simm.s32 $0x0  }
0x2ae: {  	s22 =	simm.s32 $0x2;
	v0 =	vmov s10  }
0x2af: {  	_ =	swait.ge [sflag:s12], $0x2D00;
	v1 =	vmov s22;
	v0 =	vand.u32 $0xFFFFFFFC, v0  }
0x2b0: {  	[sflag:s12] =	ssyncset.done $0x0;
	v1 =	vand.u32 $0xFFFFFFFE, v1;
	v0 =	vbroadcast v0, $0x0  }
0x2b1: {  	s10 =	simm.s32 $0x120;
	[sflag:s12] =	ssyncadd.s32 $0xFFFFD300;
	v1 =	vbroadcast v1, $0x0  }
0x2b2: {  	v3 =	vld [tilespmem:s10+$0xFFFFFEE0]  }
0x2b3: {  	v5 =	vld [tilespmem:s10+$0xFFFFFEF0]  }
0x2b4: {  	s13 =	simm.s32 $0x1;
	v6 =	vld [tilespmem:s10+$0xFFFFFF00]  }
0x2b5: {  	v4 =	vmov s13;
	v7 =	vld [tilespmem:s10+$0xFFFFFF10]  }
0x2b6: {  	v4 =	vand.u32 $0xFFFFFFFD, v4;
	v2 =	vld.idx.msk [tilespmem:v0+s0+$0x0], $0xffff  }
0x2b7: {  	v4 =	vbroadcast v4, $0x0;
	v0 =	vld.idx.msk [tilespmem:v1+s0+$0x0], $0xffff  }
0x2b8: {  	v1 =	vld [tilespmem:s10+$0x80]  }
0x2b9: {  	v8 =	vld [tilespmem:s10+$0xFFFFFF20]  }
0x2ba: {  	v10 =	vld [tilespmem:s10+$0xFFFFFF40]  }
0x2bb: {  	v9 =	vld [tilespmem:s10+$0xFFFFFF30];
	v3 =	vmul.f32 v3, v2  }
0x2bc: {  	v11 =	vld [tilespmem:s10+$0xFFFFFF70];
	v5 =	vmul.f32 v5, v2  }
0x2bd: {  	v4 =	vld.idx.msk [tilespmem:v4+s0+$0x0], $0xffff;
	v1 =	vmul.f32 v1, v0;
	[tilespmem:s10+$0xFFFFFEE0] =	vst v3  }
0x2be: {  	v12 =	vld [tilespmem:s10+$0xFFFFFF80];
	v6 =	vmul.f32 v6, v2;
	[tilespmem:s10+$0xFFFFFEF0] =	vst v5  }
0x2bf: {  	v63 =	vld [tilespmem:s10+$0x60];
	v10 =	vmul.f32 v10, v2;
	[tilespmem:s10+$0x80] =	vst v1  }
0x2c0: {  	v3 =	vld [tilespmem:s10+$0xFFFFFF50];
	[tilespmem:s10+$0xFFFFFF00] =	vst v6;
	v6 =	vmul.f32 v8, v2  }
0x2c1: {  	v5 =	vld [tilespmem:s10+$0xFFFFFF60];
	v1 =	vmul.f32 v7, v2;
	[tilespmem:s10+$0xFFFFFF40] =	vst v10  }
0x2c2: {  	v7 =	vld [tilespmem:s10+$0xFFFFFF90];
	[tilespmem:s10+$0xFFFFFF20] =	vst v6;
	v6 =	vmul.f32 v11, v4  }
0x2c3: {  	v8 =	vld [tilespmem:s10+$0xFFFFFFA0];
	[tilespmem:s10+$0xFFFFFF10] =	vst v1;
	v1 =	vmul.f32 v9, v2  }
0x2c4: {  	v9 =	vld [tilespmem:s10+$0xFFFFFFB0];
	[tilespmem:s10+$0xFFFFFF70] =	vst v6;
	v6 =	vmul.f32 v12, v4  }
0x2c5: {  	v11 =	vld [tilespmem:s10+$0xFFFFFFC0];
	[tilespmem:s10+$0xFFFFFF30] =	vst v1;
	v3 =	vmul.f32 v3, v2  }
0x2c6: {  	v1 =	vld [tilespmem:s10+$0xFFFFFFD0];
	v2 =	vmul.f32 v5, v2;
	[tilespmem:s10+$0xFFFFFF80] =	vst v6  }
0x2c7: {  	v10 =	vld [tilespmem:s10+$0xFFFFFFE0];
	[tilespmem:s10+$0xFFFFFF50] =	vst v3;
	v3 =	vmul.f32 v7, v4  }
0x2c8: {  	v6 =	vld [tilespmem:s10+$0x0];
	[tilespmem:s10+$0xFFFFFF60] =	vst v2;
	v2 =	vmul.f32 v8, v4  }
0x2c9: {  	s26 =	simm.s32 $0x3;
	v5 =	vld [tilespmem:s10+$0xFFFFFFF0];
	[tilespmem:s10+$0xFFFFFF90] =	vst v3;
	v3 =	vmul.f32 v9, v4  }
0x2ca: {  	v7 =	vld [tilespmem:s10+$0x10];
	v8 =	vmov s26;
	[tilespmem:s10+$0xFFFFFFA0] =	vst v2;
	v2 =	vmul.f32 v11, v4  }
0x2cb: {  	v9 =	vld [tilespmem:s10+$0x20];
	v1 =	vmul.f32 v1, v4;
	[tilespmem:s10+$0xFFFFFFB0] =	vst v3  }
0x2cc: {  	v3 =	vld [tilespmem:s10+$0x30];
	[tilespmem:s10+$0xFFFFFFC0] =	vst v2;
	v2 =	vmul.f32 v10, v4  }
0x2cd: {  	v10 =	vld [tilespmem:s10+$0x40];
	[tilespmem:s10+$0xFFFFFFD0] =	vst v1;
	v6 =	vmul.f32 v6, v0  }
0x2ce: {  	v11 =	vld [tilespmem:s10+$0x50];
	v4 =	vmul.f32 v5, v4;
	[tilespmem:s10+$0xFFFFFFE0] =	vst v2  }
0x2cf: {  	v1 =	vld.idx.msk [tilespmem:v8+s0+$0x0], $0xffff;
	v5 =	vmul.f32 v7, v0;
	[tilespmem:s10+$0x0] =	vst v6  }
0x2d0: {  	[tilespmem:s10+$0xFFFFFFF0] =	vst v4;
	v2 =	vld [tilespmem:s10+$0x70];
	v4 =	vmul.f32 v9, v0  }
0x2d1: {  	s28 =	simm.s32 $0x4;
	v7 =	vld [tilespmem:s10+$0x90];
	[tilespmem:s10+$0x10] =	vst v5;
	v5 =	vmul.f32 v3, v0  }
0x2d2: {  	s15 =	simm.s32 $0x5;
	v6 =	vld [tilespmem:s10+$0xA0];
	v3 =	vmov s28;
	[tilespmem:s10+$0x20] =	vst v4;
	v8 =	vmul.f32 v10, v0  }
0x2d3: {  	s29 =	simm.s32 $0x7;
	v9 =	vmul.f32 v11, v0;
	v11 =	vmov s15;
	v4 =	vand.u32 $0xFFFFFFFC, v3;
	[tilespmem:s10+$0x30] =	vst v5;
	v5 =	vld [tilespmem:s10+$0xB0]  }
0x2d4: {  	s22 =	simm.s32 $0x8;
	s13 =	simm.s32 $0x120;
	s26 =	simm.s32 $0x6;
	v10 =	vmul.f32 v63, v0;
	v3 =	vmov s29;
	v4 =	vbroadcast v4, $0x0;
	[tilespmem:s10+$0x40] =	vst v8;
	v8 =	vld [tilespmem:s10+$0xC0]  }
.LBB2_12:
0x2d5: {  	p3 =	slt.u32 s22, $0x4C;
	v11 =	vand.u32 $0xFFFFFFFD, v11;
	v12 =	vmov s26;
	[tilespmem:s10+$0x50] =	vst v9;
	v0 =	vmul.f32 v2, v0;
	v2 =	vld [tilespmem:s10+$0xD0]  }
0x2d6: {  	v9 =	vbroadcast v11, $0x0;
	v11 =	vand.u32 $0xFFFFFFFE, v12;
	[tilespmem:s10+$0x60] =	vst v10;
	v7 =	vmul.f32 v7, v1;
	v10 =	vld [tilespmem:s10+$0xE0]  }
0x2d7: {  	v11 =	vbroadcast v11, $0x0;
	[tilespmem:s10+$0x70] =	vst v0;
	v0 =	vmul.f32 v6, v1;
	v6 =	vld [tilespmem:s10+$0xF0]  }
0x2d8: {  	[tilespmem:s10+$0x90] =	vst v7;
	v5 =	vmul.f32 v5, v1;
	v7 =	vld [tilespmem:s10+$0x100]  }
0x2d9: {  	[tilespmem:s10+$0xA0] =	vst v0;
	v0 =	vmul.f32 v8, v1;
	v8 =	vld [tilespmem:s10+$0x110]  }
0x2da: {  	v3 =	vld.idx.msk [tilespmem:v3+s0+$0x0], $0xffff;
	[tilespmem:s10+$0xB0] =	vst v5;
	v2 =	vmul.f32 v2, v1  }
0x2db: {  	v4 =	vld.idx.msk [tilespmem:v4+s0+$0x0], $0xffff;
	[tilespmem:s10+$0xC0] =	vst v0;
	v5 =	vmul.f32 v10, v1  }
0x2dc: {  	v9 =	vld.idx.msk [tilespmem:v9+s0+$0x0], $0xffff;
	[tilespmem:s10+$0xD0] =	vst v2;
	v2 =	vmul.f32 v6, v1  }
0x2dd: {  	s10 =	sadd.s32 $0x240, s10;
	v0 =	vld.idx.msk [tilespmem:v11+s0+$0x0], $0xffff;
	[tilespmem:s13+$0xE0] =	vst v5;
	v5 =	vmul.f32 v7, v1  }
0x2de: {  	v6 =	vld [tilespmem:s10+$0x80];
	[tilespmem:s13+$0xF0] =	vst v2;
	v7 =	vmul.f32 v8, v1  }
0x2df: {  	v2 =	vld [tilespmem:s10+$0xFFFFFEE0];
	[tilespmem:s13+$0x100] =	vst v5  }
0x2e0: {  	v1 =	vmov v3;
	v5 =	vld [tilespmem:s10+$0xFFFFFEF0];
	[tilespmem:s13+$0x110] =	vst v7;
	s13 =	smov.u32 s10  }
0x2e1: {  	v3 =	vld [tilespmem:s10+$0xFFFFFF00]  }
0x2e2: {  	v7 =	vld [tilespmem:s10+$0xFFFFFF10]  }
0x2e3: {  	v8 =	vld [tilespmem:s10+$0xFFFFFF20];
	v6 =	vmul.f32 v6, v0  }
0x2e4: {  	v2 =	vmul.f32 v2, v4;
	v10 =	vld [tilespmem:s10+$0xFFFFFF30]  }
0x2e5: {  	v5 =	vmul.f32 v5, v4;
	v11 =	vld [tilespmem:s10+$0xFFFFFF40];
	[tilespmem:s10+$0x80] =	vst v6  }
0x2e6: {  	[tilespmem:s10+$0xFFFFFEE0] =	vst v2;
	v2 =	vmul.f32 v3, v4;
	v3 =	vld [tilespmem:s10+$0xFFFFFF50]  }
0x2e7: {  	[tilespmem:s10+$0xFFFFFEF0] =	vst v5;
	v5 =	vmul.f32 v7, v4;
	v6 =	vld [tilespmem:s10+$0xFFFFFF60]  }
0x2e8: {  	[tilespmem:s10+$0xFFFFFF00] =	vst v2;
	v2 =	vmul.f32 v8, v4;
	v7 =	vld [tilespmem:s10+$0xFFFFFF70]  }
0x2e9: {  	[tilespmem:s10+$0xFFFFFF10] =	vst v5;
	v5 =	vmul.f32 v10, v4;
	v8 =	vld [tilespmem:s10+$0xFFFFFF80]  }
0x2ea: {  	[tilespmem:s10+$0xFFFFFF20] =	vst v2;
	v2 =	vmul.f32 v11, v4;
	v10 =	vld [tilespmem:s10+$0xFFFFFF90]  }
0x2eb: {  	[tilespmem:s10+$0xFFFFFF30] =	vst v5;
	v3 =	vmul.f32 v3, v4;
	v5 =	vld [tilespmem:s10+$0xFFFFFFA0]  }
0x2ec: {  	[tilespmem:s10+$0xFFFFFF40] =	vst v2;
	v2 =	vmul.f32 v6, v4;
	v4 =	vld [tilespmem:s10+$0xFFFFFFB0]  }
0x2ed: {  	[tilespmem:s10+$0xFFFFFF50] =	vst v3;
	v3 =	vmul.f32 v7, v9;
	v6 =	vld [tilespmem:s10+$0xFFFFFFC0]  }
0x2ee: {  	[tilespmem:s10+$0xFFFFFF60] =	vst v2;
	v2 =	vmul.f32 v8, v9;
	v7 =	vld [tilespmem:s10+$0xFFFFFFD0]  }
0x2ef: {  	[tilespmem:s10+$0xFFFFFF70] =	vst v3;
	v3 =	vmul.f32 v10, v9;
	v8 =	vld [tilespmem:s10+$0xFFFFFFE0]  }
0x2f0: {  	[tilespmem:s10+$0xFFFFFF80] =	vst v2;
	v2 =	vmul.f32 v5, v9;
	v5 =	vld [tilespmem:s10+$0xFFFFFFF0]  }
0x2f1: {  	[tilespmem:s10+$0xFFFFFF90] =	vst v3;
	v3 =	vmul.f32 v4, v9;
	v4 =	vld [tilespmem:s10+$0x0]  }
0x2f2: {  	[tilespmem:s10+$0xFFFFFFA0] =	vst v2;
	v2 =	vmul.f32 v6, v9;
	v6 =	vld [tilespmem:s10+$0x10]  }
0x2f3: {  	[tilespmem:s10+$0xFFFFFFB0] =	vst v3;
	v3 =	vmul.f32 v7, v9;
	v7 =	vld [tilespmem:s10+$0x20]  }
0x2f4: {  	[tilespmem:s10+$0xFFFFFFC0] =	vst v2;
	v2 =	vmul.f32 v8, v9;
	v8 =	vld [tilespmem:s10+$0x30]  }
0x2f5: {  	[tilespmem:s10+$0xFFFFFFD0] =	vst v3;
	v3 =	vmul.f32 v5, v9;
	v5 =	vld [tilespmem:s10+$0x40]  }
0x2f6: {  	[tilespmem:s10+$0xFFFFFFE0] =	vst v2;
	v2 =	vmul.f32 v4, v0;
	v4 =	vld [tilespmem:s10+$0x50]  }
0x2f7: {  	[tilespmem:s10+$0xFFFFFFF0] =	vst v3;
	v3 =	vmul.f32 v6, v0;
	v10 =	vld [tilespmem:s10+$0x60]  }
.Ltmp7:
0x2f8: {  	[tilespmem:s10+$0x0] =	vst v2;
	v6 =	vmul.f32 v7, v0;
	v2 =	vld [tilespmem:s10+$0x70];
	(pc) =	sbr.rel @p3 .LBB2_12-.Ltmp7, $4  }
0x2f9: {  	[tilespmem:s10+$0x10] =	vst v3;
	v8 =	vmul.f32 v8, v0;
	v7 =	vld [tilespmem:s10+$0x90]  }
0x2fa: {  	s15 =	sadd.s32 $0x3, s22;
	v3 =	vmov s22;
	[tilespmem:s10+$0x20] =	vst v6;
	v12 =	vmul.f32 v5, v0;
	v6 =	vld [tilespmem:s10+$0xA0]  }
0x2fb: {  	s26 =	sadd.s32 $0x1, s22;
	v11 =	vand.u32 $0xFFFFFFFC, v3;
	v3 =	vmov s15;
	[tilespmem:s10+$0x30] =	vst v8;
	v9 =	vmul.f32 v4, v0;
	v5 =	vld [tilespmem:s10+$0xB0]  }
0x2fc: {  	v4 =	vbroadcast v11, $0x0;
	v11 =	vmov s26;
	s26 =	sadd.s32 $0x2, s22;
	s22 =	sadd.s32 $0x4, s22;
	[tilespmem:s10+$0x40] =	vst v12;
	v10 =	vmul.f32 v10, v0;
	v8 =	vld [tilespmem:s10+$0xC0]  }
0x2fd: {  	v12 =	vld [tilespmem:s10+$0xD0]  }
0x2fe: {  	v13 =	vld [tilespmem:s10+$0xE0]  }
0x2ff: {  	v15 =	vld [tilespmem:s10+$0xF0]  }
0x300: {  	v36 =	vld [tilespmem:s10+$0x100]  }
0x301: {  	v37 =	vld [tilespmem:s10+$0x110];
	[tilespmem:s10+$0x50] =	vst v9;
	v0 =	vmul.f32 v2, v0  }
0x302: {  	v3 =	vld.idx.msk [tilespmem:v3+s0+$0x0], $0xffff;
	v7 =	vmul.f32 v7, v1;
	[tilespmem:s10+$0x60] =	vst v10  }
0x303: {  	s22 =	sadd.s32 $0x240, s10;
	v38 =	vld.idx.msk [tilespmem:v4+s0+$0x0], $0xffff;
	v6 =	vmul.f32 v6, v1;
	[tilespmem:s10+$0x70] =	vst v0  }
0x304: {  	v43 =	vld [tilespmem:s22+$0x80];
	[tilespmem:s10+$0x90] =	vst v7;
	v39 =	vmul.f32 v5, v1  }
0x305: {  	v45 =	vld [tilespmem:s22+$0xFFFFFEE0];
	[tilespmem:s10+$0xA0] =	vst v6;
	v41 =	vmul.f32 v8, v1  }
0x306: {  	v47 =	vld [tilespmem:s22+$0xFFFFFEF0];
	[tilespmem:s10+$0xB0] =	vst v39;
	v42 =	vmul.f32 v12, v1  }
0x307: {  	v49 =	vld [tilespmem:s22+$0xFFFFFF00];
	v44 =	vmul.f32 v13, v1;
	[tilespmem:s10+$0xC0] =	vst v41  }
0x308: {  	v51 =	vld [tilespmem:s22+$0xFFFFFF10];
	v46 =	vmul.f32 v15, v1;
	[tilespmem:s10+$0xD0] =	vst v42  }
0x309: {  	v11 =	vand.u32 $0xFFFFFFFD, v11;
	v52 =	vld [tilespmem:s22+$0xFFFFFF20];
	v48 =	vmul.f32 v36, v1;
	[tilespmem:s13+$0xE0] =	vst v44  }
0x30a: {  	v11 =	vbroadcast v11, $0x0;
	v55 =	vld [tilespmem:s22+$0xFFFFFF30];
	v50 =	vmul.f32 v37, v1;
	[tilespmem:s13+$0xF0] =	vst v46  }
0x30b: {  	v57 =	vld [tilespmem:s22+$0xFFFFFF40];
	v54 =	vmul.f32 v45, v38;
	[tilespmem:s13+$0x100] =	vst v48  }
0x30c: {  	v59 =	vld [tilespmem:s22+$0xFFFFFF50];
	v56 =	vmul.f32 v47, v38;
	[tilespmem:s13+$0x110] =	vst v50  }
0x30d: {  	v60 =	vld [tilespmem:s22+$0xFFFFFF60];
	v58 =	vmul.f32 v49, v38;
	[tilespmem:s22+$0xFFFFFEE0] =	vst v54  }
0x30e: {  	v61 =	vld [tilespmem:s22+$0xFFFFFF70];
	v4 =	vmul.f32 v51, v38;
	[tilespmem:s22+$0xFFFFFEF0] =	vst v56  }
0x30f: {  	v0 =	vmul.f32 v52, v38;
	v52 =	vld [tilespmem:s22+$0xE0];
	[tilespmem:s22+$0xFFFFFF00] =	vst v58  }
0x310: {  	v14 =	vmov s26;
	v62 =	vmul.f32 v55, v38;
	v40 =	vld.idx.msk [tilespmem:v11+s0+$0x0], $0xffff;
	[tilespmem:s22+$0xFFFFFF10] =	vst v4  }
0x311: {  	v14 =	vand.u32 $0xFFFFFFFE, v14;
	v63 =	vld [tilespmem:s22+$0xFFFFFF80];
	v12 =	vmul.f32 v57, v38;
	[tilespmem:s22+$0xFFFFFF20] =	vst v0  }
0x312: {  	v35 =	vbroadcast v14, $0x0;
	v13 =	vld [tilespmem:s22+$0xFFFFFF90];
	v14 =	vmul.f32 v59, v38;
	[tilespmem:s22+$0xFFFFFF30] =	vst v62  }
0x313: {  	v15 =	vld [tilespmem:s22+$0xFFFFFFA0];
	v16 =	vmul.f32 v60, v38;
	[tilespmem:s22+$0xFFFFFF40] =	vst v12  }
0x314: {  	v17 =	vld [tilespmem:s22+$0xFFFFFFB0];
	[tilespmem:s22+$0xFFFFFF50] =	vst v14;
	v60 =	vmul.f32 v52, v3  }
0x315: {  	v18 =	vld [tilespmem:s22+$0xFFFFFFC0];
	[tilespmem:s22+$0xFFFFFF60] =	vst v16;
	v1 =	vmul.f32 v61, v40  }
0x316: {  	v20 =	vld [tilespmem:s22+$0xFFFFFFD0];
	v19 =	vmul.f32 v63, v40;
	[tilespmem:s22+$0xE0] =	vst v60  }
0x317: {  	v22 =	vld [tilespmem:s22+$0xFFFFFFE0];
	v21 =	vmul.f32 v13, v40;
	[tilespmem:s22+$0xFFFFFF70] =	vst v1  }
0x318: {  	v24 =	vld [tilespmem:s22+$0xFFFFFFF0];
	v23 =	vmul.f32 v15, v40;
	[tilespmem:s22+$0xFFFFFF80] =	vst v19  }
0x319: {  	v42 =	vld [tilespmem:s22+$0x90];
	v25 =	vmul.f32 v17, v40;
	[tilespmem:s22+$0xFFFFFF90] =	vst v21  }
0x31a: {  	v7 =	vld.idx.msk [tilespmem:v35+s0+$0x0], $0xffff;
	v27 =	vmul.f32 v18, v40;
	[tilespmem:s22+$0xFFFFFFA0] =	vst v23  }
0x31b: {  	v26 =	vld [tilespmem:s22+$0x0];
	v29 =	vmul.f32 v20, v40;
	[tilespmem:s22+$0xFFFFFFB0] =	vst v25  }
0x31c: {  	v28 =	vld [tilespmem:s22+$0x10];
	v31 =	vmul.f32 v22, v40;
	[tilespmem:s22+$0xFFFFFFC0] =	vst v27  }
0x31d: {  	v30 =	vld [tilespmem:s22+$0x20];
	v33 =	vmul.f32 v24, v40;
	[tilespmem:s22+$0xFFFFFFD0] =	vst v29  }
0x31e: {  	v32 =	vld [tilespmem:s22+$0x30];
	v51 =	vmul.f32 v42, v3;
	[tilespmem:s22+$0xFFFFFFE0] =	vst v31  }
0x31f: {  	v34 =	vld [tilespmem:s22+$0x40];
	v53 =	vmul.f32 v43, v7;
	[tilespmem:s22+$0xFFFFFFF0] =	vst v33  }
0x320: {  	v36 =	vld [tilespmem:s22+$0x50];
	v35 =	vmul.f32 v26, v7;
	[tilespmem:s22+$0x90] =	vst v51  }
0x321: {  	v38 =	vld [tilespmem:s22+$0x60];
	v37 =	vmul.f32 v28, v7;
	[tilespmem:s22+$0x80] =	vst v53  }
0x322: {  	v46 =	vld [tilespmem:s22+$0xB0];
	v39 =	vmul.f32 v30, v7;
	[tilespmem:s22+$0x0] =	vst v35  }
0x323: {  	v48 =	vld [tilespmem:s22+$0xC0];
	v41 =	vmul.f32 v32, v7;
	[tilespmem:s22+$0x10] =	vst v37  }
0x324: {  	v50 =	vld [tilespmem:s22+$0xD0];
	v43 =	vmul.f32 v34, v7;
	[tilespmem:s22+$0x20] =	vst v39  }
0x325: {  	v54 =	vld [tilespmem:s22+$0xF0];
	v45 =	vmul.f32 v36, v7;
	[tilespmem:s22+$0x30] =	vst v41  }
0x326: {  	v56 =	vld [tilespmem:s22+$0x100];
	v47 =	vmul.f32 v38, v7;
	[tilespmem:s22+$0x40] =	vst v43  }
0x327: {  	v58 =	vld [tilespmem:s22+$0x110];
	v55 =	vmul.f32 v46, v3;
	[tilespmem:s22+$0x50] =	vst v45  }
0x328: {  	v44 =	vld [tilespmem:s22+$0xA0];
	v57 =	vmul.f32 v48, v3;
	[tilespmem:s22+$0x60] =	vst v47  }
0x329: {  	v40 =	vld [tilespmem:s22+$0x70];
	v59 =	vmul.f32 v50, v3;
	[tilespmem:s22+$0xB0] =	vst v55  }
0x32a: {  	v61 =	vmul.f32 v54, v3;
	[tilespmem:s22+$0xC0] =	vst v57  }
0x32b: {  	v62 =	vmul.f32 v56, v3;
	[tilespmem:s22+$0xD0] =	vst v59  }
0x32c: {  	v63 =	vmul.f32 v58, v3;
	[tilespmem:s22+$0xF0] =	vst v61  }
0x32d: {  	v53 =	vmul.f32 v44, v3;
	[tilespmem:s22+$0x100] =	vst v62  }
0x32e: {  	[tilespmem:s22+$0x110] =	vst v63;
	v49 =	vmul.f32 v40, v7  }
0x32f: {  	[tilespmem:s22+$0xA0] =	vst v53  }
0x330: {  	s15 =	simm.s32 $0x6;
	[tilespmem:s22+$0x70] =	vst v49  }
0x331: {  	[spmem:s3] =	stream.indirect.scatter.add.f32 [tilespmem:s4], [sflag:$0x6], $0x90, s31, s1, $0xb8;
	[tilespmem:$0x1BD50] =	vst v63  }
0x332: {  	_ =	swait.ge [sflag:s15], $0x2D00  }
0x333: {  	[sflag:s15] =	ssyncset.done $0x0  }
0x334: {  	[sflag:s15] =	ssyncadd.s32 $0xFFFFD300  }
0x335: {  	_ =	swait.ge [sflag:s14], $0x2D00  }
0x336: {  	[sflag:s14] =	ssyncset.done $0x0  }
0x337: {  	[sflag:s14] =	ssyncadd.s32 $0xFFFFD300  }
0x338: {  	_ =	swait.ge [sflag:s9], $0x50  }
0x339: {  	[sflag:s9] =	ssyncset.done $0x0  }
0x33a: {  	[sflag:s9] =	ssyncadd.s32 $0xFFFFFFB0  }
0x33b: {  	_ =	swait.ge [sflag:s9], $0x50  }
0x33c: {  	[sflag:s9] =	ssyncset.done $0x0  }
0x33d: {  	[sflag:s9] =	ssyncadd.s32 $0xFFFFFFB0  }
.Ltmp8:
0x33e: {  	_ =	swait.ge [sflag:s9], $0x50;
	(pc) =	sbr.rel @!p0 .LBB2_14-.Ltmp8, $3  }
0x33f: {  	[sflag:s9] =	ssyncset.done $0x0  }
0x340: {  	[sflag:s9] =	ssyncadd.s32 $0xFFFFFFB0  }
0x341: {  	[bflag:$0x0] =	sbarrier.arrive $0xFFFF;
	_ =	sdelay $0x1  }
0x342: {  	s22 =	rddreg [dreg:$0x8]  }
0x343: {  	s10 =	rddreg [dreg:$0x13]  }
0x344: {  	s13 =	rddreg [dreg:$0x18]  }
0x345: {  	[hbm:s10], [sflag:s22] =	dma.local [spmem:s13], $0x2BE0  }
.Ltmp9:
0x346: {  	_ = 	snop;
	(pc) =	sbr.rel @p1 .LBB2_17-.Ltmp9, $4  }
.Ltmp10:
0x347: {  	_ = 	snop;
	(pc) =	sbr.rel @!p1 .LBB2_16-.Ltmp10, $4  }
0x348: {  	_ =	swait.ge [sflag:s15], $0x2BE0  }
0x349: {  	[sflag:s15] =	ssyncset.done $0x0;
	s10 =	rddreg [dreg:$0x5]  }
0x34a: {  	s26 =	rddreg [dreg:$0x17];
	[sflag:s15] =	ssyncadd.s32 $0xFFFFD420  }
0x34b: {  	_ = 	snop  }
.LBB2_14:
0x34c: {  	s22 =	rddreg [dreg:$0x8]  }
0x34d: {  	s10 =	rddreg [dreg:$0x12]  }
0x34e: {  	s13 =	rddreg [dreg:$0x18]  }
0x34f: {  	[hbm:s10], [sflag:s22] =	dma.local [spmem:s13], $0x2BE0  }
.Ltmp11:
0x350: {  	_ = 	snop;
	(pc) =	sbr.rel @p2 .LBB2_16-.Ltmp11, $4  }
.Ltmp12:
0x351: {  	_ = 	snop;
	(pc) =	sbr.rel @!p2 .LBB2_17-.Ltmp12, $4  }
0x352: {  	_ =	swait.ge [sflag:s15], $0x2BE0  }
0x353: {  	[sflag:s15] =	ssyncset.done $0x0;
	s10 =	rddreg [dreg:$0x4]  }
0x354: {  	s26 =	rddreg [dreg:$0x17];
	[sflag:s15] =	ssyncadd.s32 $0xFFFFD420  }
0x355: {  	_ = 	snop  }
.LBB2_18:
0x356: {  	_ =	sfence.sel $0x180000  }
0x357: {  	[bflag:$0x0] =	sbarrier.arrive $0xFFFF  }
0x358: {  	_ =	strace $0x9000004A  }
0x359: {  	s0 =	stileid.u32;
	[bflag:$0x2] =	sbarrier.arrive $0xFFFF  }
0x35a: {  	p0 =	sne.s32 s0, $0x0;
	s0 =	rddreg [dreg:$0x3]  }
0x35b: {  	s0 =	sadd.s32 @!p0 $0x100000, s0  }
0x35c: {  	[sflag:s0] =	ssyncadd.tile.s32 @!p0 $0x1;
	_ =	shalt  }
.Lfunc_end2:
_tile_overlayer_lowered:
.L_overlay_start_2:
0x35d: {  	(tag) =	ssettag $0x2  }
0x35e: {  	s0 =	rddreg [dreg:$0x0];
	s2 =	stileid.u32  }
0x35f: {  	s1 =	rddreg [dreg:$0x1];
	p0 =	sne.s32 s2, $0x0  }
0x360: {  	s3 =	rddreg [dreg:$0x2];
	[bflag:$0x3] =	sbarrier.arrive $0xFFFF;
	s2 =	simm.s32 @!p0 $0x1C06  }
0x361: {  	[timem:s3], [sflag:s2] =	dma.local @!p0 [hbm:s0], s1  }
0x362: {  	s0 =	simm.s32 @!p0 $0x6  }
0x363: {  	_ =	swait.ge @!p0 [sflag:s0], s1  }
0x364: {  	s1 =	ssub.s32 @!p0 $0x0, s1;
	[sflag:s0] =	ssyncset.done @!p0 $0x0  }
0x365: {  	[sflag:s0] =	ssyncadd.s32 @!p0 s1  }
0x366: {  	[bflag:$0x3] =	sbarrier.arrive $0xFFFF  }
0x367: {  	_ =	shalt  }

</sc_bundles>
